<compile_context>
chip_gen: v7x
topology: tpu7x:2x2x1
jax: 0.10.2.dev20260603
libtpu: 0.0.44.dev20260713+nightly
codegen_flags: <defaults>
</compile_context>

<pallas_src>
import functools

import jax
import jax.numpy as jnp
from jax import lax
from jax.experimental import pallas as pl
from jax.experimental.pallas import tpu as pltpu
from jax.experimental.pallas import tpu_sc as plsc

N = 10000
E = 320000
B = 64
S = 256
D = 128
NC = 2
NS = 16
NPAD = 10240
CH = 125
NCHUNK = E // CH
W_CHUNKS = NCHUNK // (NC * NS)
HALF = W_CHUNKS // 2
T_NODES = NPAD // NS

_mesh = plsc.VectorSubcoreMesh(core_axis_name="c", subcore_axis_name="s")


def _prep_body(table, dst3d, bid3d, loc3d, bid6, zconst, onesc,
               x_out, degp_out, cnt_out,
               dbuf, bbuf, lbuf, fbuf, rowbuf, onesv, cbuf6, acc, acc2,
               asem, gsem, wsem):
    c = lax.axis_index("c")
    s = lax.axis_index("s")
    wid = s * NC + c

    pltpu.sync_copy(zconst, acc.at[pl.ds(s * T_NODES, T_NODES)])
    pltpu.sync_copy(onesc, onesv)

    @pl.when(c == 0)
    def _cnt_zero():
        pltpu.sync_copy(zconst.at[pl.ds(0, 8)], acc2.at[pl.ds(s * 8, 8)])
        pltpu.sync_copy(bid6.at[s], cbuf6)

    @pl.when(c == 1)
    def _flatidx():
        pltpu.sync_copy(bid3d.at[s], bbuf)
        pltpu.sync_copy(loc3d.at[s], lbuf)

        def _flat(i, _):
            r = i // 8
            cs = (i % 8) * 16
            bv = bbuf[r, pl.ds(cs, 16)]
            lv = lbuf[r, pl.ds(cs, 16)]
            fbuf[r, pl.ds(cs, 16)] = jnp.minimum(bv * S + lv, B * S - 1)
            return _
        lax.fori_loop(0, T_NODES // 16, _flat, None)

    plsc.subcore_barrier()

    @pl.when(c == 0)
    def _cnt():
        for k in range(6):
            pltpu.sync_copy(onesv, acc2.at[cbuf6.at[k]], add=True)

    for k in range(5):
        @pl.when(c == 1)
        def _g_start():
            if k > 0:
                pltpu.make_async_copy(
                    rowbuf, x_out.at[pl.ds(s * T_NODES + (k - 1) * 128, 128)],
                    wsem).wait()
            pltpu.async_copy(table.at[fbuf.at[k]], rowbuf, gsem)

        pltpu.sync_copy(dst3d.at[wid].at[pl.ds(k * 16, 16)], dbuf)

        def _grp(g, _):
            for b in range(4):
                pltpu.async_copy(onesv, acc.at[dbuf.at[g * 4 + b]], asem,
                                 add=True)
            for b in range(4):
                pltpu.make_async_copy(onesv, acc.at[dbuf.at[g * 4 + b]],
                                      asem).wait()
            return _
        lax.fori_loop(0, 4, _grp, None)

        @pl.when(c == 1)
        def _g_drain():
            pltpu.make_async_copy(table.at[fbuf.at[k]], rowbuf, gsem).wait()
            pltpu.async_copy(rowbuf,
                             x_out.at[pl.ds(s * T_NODES + k * 128, 128)], wsem)

    @pl.when(c == 1)
    def _w_last():
        pltpu.make_async_copy(
            rowbuf, x_out.at[pl.ds(s * T_NODES + 4 * 128, 128)], wsem).wait()
    plsc.subcore_barrier()
    pltpu.sync_copy(acc.at[pl.ds(s * T_NODES, T_NODES)],
                    degp_out.at[c].at[pl.ds(s * T_NODES, T_NODES)])

    @pl.when((c == 0) & (s < 8))
    def _cnt_out():
        pltpu.sync_copy(acc2.at[pl.ds(s * 8, 8)], cnt_out.at[pl.ds(s * 8, 8)])


_sc_prep = functools.partial(
    pl.kernel,
    out_type=[
        jax.ShapeDtypeStruct((NPAD, D), jnp.float32),
        jax.ShapeDtypeStruct((NC, NPAD, D), jnp.float32),
        jax.ShapeDtypeStruct((B, D), jnp.float32),
    ],
    mesh=_mesh,
    scratch_types=[
        pltpu.VMEM((16, CH), jnp.int32),
        pltpu.VMEM((5, 128), jnp.int32),
        pltpu.VMEM((5, 128), jnp.int32),
        pltpu.VMEM((5, 128), jnp.int32),
        pltpu.VMEM((128, D), jnp.float32),
        pltpu.VMEM((CH, D), jnp.float32),
        pltpu.VMEM((6, CH), jnp.int32),
        pltpu.VMEM_SHARED((NPAD, D), jnp.float32),
        pltpu.VMEM_SHARED((128, 128), jnp.float32),
        pltpu.SemaphoreType.DMA,
        pltpu.SemaphoreType.DMA,
        pltpu.SemaphoreType.DMA,
    ],
)(_prep_body)


def _agg_body(hp, src3d, dst3d, zconst, agg_out,
              sbuf, dbuf, rbuf, acc, *sems):
    c = lax.axis_index("c")
    s = lax.axis_index("s")
    gsem = sems[:2]
    ssem = sems[2:]
    wid = s * NC + c

    pltpu.sync_copy(zconst, acc.at[pl.ds(s * T_NODES, T_NODES)])
    plsc.subcore_barrier()

    for half in range(2):
        pltpu.sync_copy(src3d.at[wid].at[pl.ds(half * HALF, HALF)], sbuf)
        pltpu.sync_copy(dst3d.at[wid].at[pl.ds(half * HALF, HALF)], dbuf)

        def _g_start(j, b):
            pltpu.async_copy(hp.at[sbuf.at[j].at[pl.ds(0, 64)]],
                             rbuf.at[pl.ds(b * CH, 64)], gsem[b])
            pltpu.async_copy(hp.at[sbuf.at[j].at[pl.ds(64, CH - 64)]],
                             rbuf.at[pl.ds(b * CH + 64, CH - 64)], gsem[b])

        def _g_wait(j, b):
            pltpu.make_async_copy(hp.at[sbuf.at[j].at[pl.ds(0, 64)]],
                                  rbuf.at[pl.ds(b * CH, 64)], gsem[b]).wait()
            pltpu.make_async_copy(hp.at[sbuf.at[j].at[pl.ds(64, CH - 64)]],
                                  rbuf.at[pl.ds(b * CH + 64, CH - 64)],
                                  gsem[b]).wait()

        for b in range(2):
            _g_start(b, b)

        def _step(jo, _):
            for b in range(2):
                j = jo * 2 + b
                slot = rbuf.at[pl.ds(b * CH, CH)]
                _g_wait(j, b)
                pltpu.async_copy(slot, acc.at[dbuf.at[j]], ssem[b], add=True)
                pltpu.make_async_copy(slot, acc.at[dbuf.at[j]], ssem[b]).wait()

                @pl.when(j + 2 < HALF)
                def _():
                    _g_start(j + 2, b)
            return _
        lax.fori_loop(0, HALF // 2, _step, None)
    plsc.subcore_barrier()
    pltpu.sync_copy(acc.at[pl.ds(s * T_NODES, T_NODES)],
                    agg_out.at[c].at[pl.ds(s * T_NODES, T_NODES)])


_sc_agg = functools.partial(
    pl.kernel,
    out_type=jax.ShapeDtypeStruct((NC, NPAD, D), jnp.float32),
    mesh=_mesh,
    scratch_types=[
        pltpu.VMEM((HALF, CH), jnp.int32),
        pltpu.VMEM((HALF, CH), jnp.int32),
        pltpu.VMEM((2 * CH, D), jnp.float32),
        pltpu.VMEM_SHARED((NPAD, D), jnp.float32),
        pltpu.SemaphoreType.DMA,
        pltpu.SemaphoreType.DMA,
        pltpu.SemaphoreType.DMA,
        pltpu.SemaphoreType.DMA,
    ],
)(_agg_body)


def _pool_body(tmp, bid3d, cnt, zconst, gout,
               qbuf, vbuf, obuf, cbuf, acc):
    c = lax.axis_index("c")
    s = lax.axis_index("s")

    @pl.when(c == 0)
    def _():
        pltpu.sync_copy(bid3d.at[s], qbuf)
        pltpu.sync_copy(zconst.at[pl.ds(0, 8)], acc.at[pl.ds(s * 8, 8)])
        plsc.subcore_barrier()
        for k in range(5):
            pltpu.sync_copy(tmp.at[pl.ds(s * T_NODES + k * 128, 128)], vbuf)
            pltpu.sync_copy(vbuf, acc.at[qbuf.at[k]], add=True)
        plsc.subcore_barrier()

        @pl.when(s < 8)
        def _out():
            pltpu.sync_copy(acc.at[pl.ds(s * 8, 8)], obuf)
            pltpu.sync_copy(cnt.at[pl.ds(s * 8, 8)], cbuf)
            for r in range(8):
                cv = cbuf[r, pl.ds(0, 16)]
                inv = 1.0 / jnp.maximum(cv, 1.0)
                for k in range(8):
                    obuf[r, pl.ds(k * 16, 16)] = obuf[r, pl.ds(k * 16, 16)] * inv
            pltpu.sync_copy(obuf, gout.at[pl.ds(s * 8, 8)])


_sc_pool = functools.partial(
    pl.kernel,
    out_type=jax.ShapeDtypeStruct((B, D), jnp.float32),
    mesh=_mesh,
    scratch_types=[
        pltpu.VMEM((5, 128), jnp.int32),
        pltpu.VMEM((128, D), jnp.float32),
        pltpu.VMEM((8, D), jnp.float32),
        pltpu.VMEM((8, D), jnp.float32),
        pltpu.VMEM_SHARED((128, 128), jnp.float32),
    ],
)(_pool_body)


_R = 2048


def _b1_body(x, w, d0, d1, o, dv):
    dinv = lax.rsqrt(d0[:, :1] + d1[:, :1] + 1.0)
    dv[...] = dinv
    o[...] = jnp.dot(x[...], w[...], preferred_element_type=jnp.float32) * dinv


def _tc_mm1(x, w, d0, d1):
    return pl.pallas_call(
        _b1_body,
        grid=(NPAD // _R,),
        in_specs=[
            pl.BlockSpec((_R, D), lambda i: (i, 0)),
            pl.BlockSpec((D, D), lambda i: (0, 0)),
            pl.BlockSpec((_R, D), lambda i: (i, 0)),
            pl.BlockSpec((_R, D), lambda i: (i, 0)),
        ],
        out_specs=[
            pl.BlockSpec((_R, D), lambda i: (i, 0)),
            pl.BlockSpec((_R, 1), lambda i: (i, 0)),
        ],
        out_shape=[
            jax.ShapeDtypeStruct((NPAD, D), jnp.float32),
            jax.ShapeDtypeStruct((NPAD, 1), jnp.float32),
        ],
    )(x, w, d0, d1)


def _b2_body(a0, a1, hp, dv, b1r, w, o):
    dinv = dv[...]
    x1 = jnp.maximum(dinv * (a0[...] + a1[...] + hp[...]) + b1r[...], 0.0)
    o[...] = jnp.dot(x1, w[...], preferred_element_type=jnp.float32) * dinv


def _tc_mm2(a0, a1, hp, dv, b1r, w):
    return pl.pallas_call(
        _b2_body,
        grid=(NPAD // _R,),
        in_specs=[
            pl.BlockSpec((_R, D), lambda i: (i, 0)),
            pl.BlockSpec((_R, D), lambda i: (i, 0)),
            pl.BlockSpec((_R, D), lambda i: (i, 0)),
            pl.BlockSpec((_R, 1), lambda i: (i, 0)),
            pl.BlockSpec((1, D), lambda i: (0, 0)),
            pl.BlockSpec((D, D), lambda i: (0, 0)),
        ],
        out_specs=pl.BlockSpec((_R, D), lambda i: (i, 0)),
        out_shape=jax.ShapeDtypeStruct((NPAD, D), jnp.float32),
    )(a0, a1, hp, dv, b1r, w)


def _b3_body(a0, a1, hp, dv, b2r, o):
    o[...] = dv[...] * (a0[...] + a1[...] + hp[...]) + b2r[...]


def _tc_fin(a0, a1, hp, dv, b2r):
    return pl.pallas_call(
        _b3_body,
        grid=(NPAD // _R,),
        in_specs=[
            pl.BlockSpec((_R, D), lambda i: (i, 0)),
            pl.BlockSpec((_R, D), lambda i: (i, 0)),
            pl.BlockSpec((_R, D), lambda i: (i, 0)),
            pl.BlockSpec((_R, 1), lambda i: (i, 0)),
            pl.BlockSpec((1, D), lambda i: (0, 0)),
        ],
        out_specs=pl.BlockSpec((_R, D), lambda i: (i, 0)),
        out_shape=jax.ShapeDtypeStruct((NPAD, D), jnp.float32),
    )(a0, a1, hp, dv, b2r)


def kernel(drug_graph_embedding, edge_index, batch_ids, local_indices,
           W1, b1, W2, b2):
    table = drug_graph_embedding.reshape(B * S, D)
    src3d = edge_index[0].reshape(NC * NS, W_CHUNKS, CH)
    dst3d = edge_index[1].reshape(NC * NS, W_CHUNKS, CH)
    pad = NPAD - N
    bid3d = jnp.concatenate(
        [batch_ids, jnp.full((pad,), B, jnp.int32)]).reshape(NS, 5, 128)
    loc3d = jnp.concatenate(
        [local_indices, jnp.zeros((pad,), jnp.int32)]).reshape(NS, 5, 128)
    bid6 = jnp.concatenate(
        [batch_ids, jnp.full((2000,), B, jnp.int32)])[:NS * 6 * CH]
    bid6 = bid6.reshape(NS, 6, CH)
    zconst = jnp.zeros((T_NODES, 128), jnp.float32)
    onesc = jnp.ones((CH, D), jnp.float32)

    x_pad, degp, cnt = _sc_prep(table, dst3d, bid3d, loc3d, bid6, zconst, onesc)
    d0 = degp[0]
    d1 = degp[1]

    hp1, dinvcol = _tc_mm1(x_pad, W1, d0, d1)
    agg1 = _sc_agg(hp1, src3d, dst3d, zconst)
    hp2 = _tc_mm2(agg1[0], agg1[1], hp1, dinvcol, b1.reshape(1, D), W2)
    agg2 = _sc_agg(hp2, src3d, dst3d, zconst)
    tmp = _tc_fin(agg2[0], agg2[1], hp2, dinvcol, b2.reshape(1, D))
    return _sc_pool(tmp, bid3d, cnt, zconst)

# --- scband reference (transcript-rebuilt; emitter-appended) ---
"""Pipeline reference for scband-drug-graph-embedding-11184094839170 (READ-ONLY COPY).

The authoritative reference and input builder live on the scoring server;
editing this copy changes nothing except your own understanding.
"""

import jax, jax.numpy as jnp
import numpy as np

N = 10000
E = 320000
B = 64
S = 256
D_IN = 128
D_HID = 128


def gcn_conv(x, edge_index, W, b):
    n = x.shape[0]
    src = edge_index[0]
    dst = edge_index[1]
    loop = jnp.arange(n, dtype=src.dtype)
    src = jnp.concatenate([src, loop])
    dst = jnp.concatenate([dst, loop])
    h = x @ W
    ones = jnp.ones(src.shape[0], dtype=x.dtype)
    deg = jax.ops.segment_sum(ones, dst, num_segments=n)
    dinv = jnp.where(deg > 0, jax.lax.rsqrt(jnp.maximum(deg, 1e-12)), 0.0)
    norm = dinv[src] * dinv[dst]
    msg = h[src] * norm[:, None]
    out = jax.ops.segment_sum(msg, dst, num_segments=n)
    return out + b


def setup_inputs(seed: int = 0) -> dict:
    key = jax.random.key(seed)
    ks = jax.random.split(key, 8)
    drug_graph_embedding = jax.random.normal(ks[0], (B, S, D_IN), dtype=jnp.float32)
    edge_index = jax.random.randint(ks[1], (2, E), 0, N, dtype=jnp.int32)
    batch_ids = jnp.sort(jax.random.randint(ks[2], (N,), 0, B, dtype=jnp.int32))
    local_indices = jax.random.randint(ks[3], (N,), 0, S, dtype=jnp.int32)
    W1 = jax.random.normal(ks[4], (D_IN, D_HID), dtype=jnp.float32) * (1.0 / np.sqrt(D_IN))
    b1 = jnp.zeros((D_HID,), dtype=jnp.float32)
    W2 = jax.random.normal(ks[5], (D_HID, D_HID), dtype=jnp.float32) * (1.0 / np.sqrt(D_HID))
    b2 = jnp.zeros((D_HID,), dtype=jnp.float32)
    return {
        "drug_graph_embedding": drug_graph_embedding,
        "edge_index": edge_index,
        "batch_ids": batch_ids,
        "local_indices": local_indices,
        "W1": W1,
        "b1": b1,
        "W2": W2,
        "b2": b2,
    }


def reference(drug_graph_embedding, edge_index, batch_ids, local_indices, W1, b1, W2, b2):
    # Vectorized equivalent of the per-batch python loop: gather each node's
    # substructure embedding from its graph's row of drug_graph_embedding.
    x = drug_graph_embedding[batch_ids, local_indices]  # [N, D_IN]
    x = gcn_conv(x, edge_index, W1, b1)
    x = jax.nn.relu(x)
    x = gcn_conv(x, edge_index, W2, b2)
    # global_mean_pool over batch assignment
    sums = jax.ops.segment_sum(x, batch_ids, num_segments=B)
    counts = jax.ops.segment_sum(jnp.ones((x.shape[0],), dtype=x.dtype), batch_ids, num_segments=B)
    graph_embedding = sums / jnp.clip(counts, 1.0, None)[:, None]
    return graph_embedding

if __name__ == "__main__":
    import jax
    _d = setup_inputs()
    print(jax.jit(kernel)(*tuple(_d.values())))

</pallas_src>

<mosaic_0001>
#map = affine_map<(d0, d1) -> (0, 0)>
#map1 = affine_map<(d0, d1) -> (0, 0, 0)>
module attributes {stable_mosaic.version = 14 : i64} {
  func.func @_agg_body(%arg0: i32, %arg1: i32, %arg2: memref<10240x128xf32, #tpu.memory_space<hbm>>, %arg3: memref<32x80x125xi32, #tpu.memory_space<hbm>>, %arg4: memref<32x80x125xi32, #tpu.memory_space<hbm>>, %arg5: memref<640x128xf32, #tpu.memory_space<hbm>>, %arg6: memref<2x10240x128xf32, #tpu.memory_space<hbm>>, %arg7: memref<40x125xi32, #tpu.memory_space<vmem>>, %arg8: memref<40x125xi32, #tpu.memory_space<vmem>>, %arg9: memref<250x128xf32, #tpu.memory_space<vmem>>, %arg10: memref<10240x128xf32, #tpu.memory_space<vmem_shared>>, %arg11: memref<!tpu.dma_semaphore, #tpu.memory_space<semaphore_mem>>, %arg12: memref<!tpu.dma_semaphore, #tpu.memory_space<semaphore_mem>>, %arg13: memref<!tpu.dma_semaphore, #tpu.memory_space<semaphore_mem>>, %arg14: memref<!tpu.dma_semaphore, #tpu.memory_space<semaphore_mem>>) attributes {dimension_semantics = [#tpu.dimension_semantics<core_parallel>, #tpu.dimension_semantics<subcore_parallel>], iteration_bounds = array<i64: 2, 16>, scalar_prefetch = 0 : i64, scratch_operands = 8 : i64, tpu.core_type = #tpu.core_type<sc_vector_subcore>, window_params = [{transform_indices = #map}, {transform_indices = #map1}, {transform_indices = #map1}, {transform_indices = #map}, {transform_indices = #map1}]} {
    %mul3A = arith.constant 2 : i32
    %mul3A_0 = arith.muli %arg1, %mul3A : i32
    %add3A = arith.addi %mul3A_0, %arg0 : i32
    %mul3A_1 = arith.constant 640 : i32
    %mul3A_2 = arith.muli %arg1, %mul3A_1 : i32
    "tpu.region"() ({
      %run_scoped3A = tpu.sem_alloc : memref<!tpu.dma_semaphore, #tpu.memory_space<semaphore_mem>>
      %dma_start3A_112 = arith.constant 0 : i32
      %dma_start3A_113 = tpu.memref_slice %arg10[%mul3A_2, %dma_start3A_112] : memref<10240x128xf32, #tpu.memory_space<vmem_shared>> -> memref<640x128xf32, #tpu.memory_space<vmem_shared>>
      tpu.enqueue_dma source(%arg5 : memref<640x128xf32, #tpu.memory_space<hbm>>) target(%dma_start3A_113 : memref<640x128xf32, #tpu.memory_space<vmem_shared>>) target_semaphore(%run_scoped3A : memref<!tpu.dma_semaphore, #tpu.memory_space<semaphore_mem>>)
      %dma_wait3A = arith.constant 0 : i32
      %dma_wait3A_114 = tpu.memref_slice %arg10[%mul3A_2, %dma_wait3A] : memref<10240x128xf32, #tpu.memory_space<vmem_shared>> -> memref<640x128xf32, #tpu.memory_space<vmem_shared>>
      tpu.wait_dma2 semaphore(%run_scoped3A : memref<!tpu.dma_semaphore, #tpu.memory_space<semaphore_mem>>) src(%arg5 : memref<640x128xf32, #tpu.memory_space<hbm>>) dst(%dma_wait3A_114 : memref<640x128xf32, #tpu.memory_space<vmem_shared>>)
      tpu.yield
    }) : () -> ()
    %barrier3A = arith.constant 0 : index
    tpu.barrier barrier_id(%barrier3A)
    "tpu.region"() ({
      %run_scoped3A = tpu.sem_alloc : memref<!tpu.dma_semaphore, #tpu.memory_space<semaphore_mem>>
      %dma_start3A_112 = arith.constant 0 : i32
      %dma_start3A_113 = arith.constant 0 : i32
      %dma_start3A_114 = tpu.memref_slice %arg3[%add3A, %dma_start3A_112, %dma_start3A_113] : memref<32x80x125xi32, #tpu.memory_space<hbm>> -> memref<1x80x125xi32, #tpu.memory_space<hbm>>
      %dma_start3A_115 = tpu.memref_squeeze %dma_start3A_114 : memref<1x80x125xi32, #tpu.memory_space<hbm>> -> memref<80x125xi32, #tpu.memory_space<hbm>>
      %dma_start3A_116 = arith.constant 0 : i32
      %dma_start3A_117 = arith.constant 0 : i32
      %dma_start3A_118 = tpu.memref_slice %dma_start3A_115[%dma_start3A_116, %dma_start3A_117] : memref<80x125xi32, #tpu.memory_space<hbm>> -> memref<40x125xi32, #tpu.memory_space<hbm>>
      %dma_start3A_119 = arith.constant 0 : i32
      %dma_start3A_120 = arith.constant 0 : i32
      %dma_start3A_121 = tpu.memref_slice %arg3[%add3A, %dma_start3A_119, %dma_start3A_120] : memref<32x80x125xi32, #tpu.memory_space<hbm>> -> memref<1x80x125xi32, #tpu.memory_space<hbm>>
      %dma_start3A_122 = tpu.memref_squeeze %dma_start3A_121 : memref<1x80x125xi32, #tpu.memory_space<hbm>> -> memref<80x125xi32, #tpu.memory_space<hbm>>
      %dma_start3A_123 = arith.constant 0 : i32
      %dma_start3A_124 = arith.constant 0 : i32
      %dma_start3A_125 = tpu.memref_slice %dma_start3A_122[%dma_start3A_123, %dma_start3A_124] : memref<80x125xi32, #tpu.memory_space<hbm>> -> memref<40x125xi32, #tpu.memory_space<hbm>>
      tpu.enqueue_dma source(%dma_start3A_125 : memref<40x125xi32, #tpu.memory_space<hbm>>) target(%arg7 : memref<40x125xi32, #tpu.memory_space<vmem>>) target_semaphore(%run_scoped3A : memref<!tpu.dma_semaphore, #tpu.memory_space<semaphore_mem>>)
      %dma_wait3A = arith.constant 0 : i32
      %dma_wait3A_126 = arith.constant 0 : i32
      %dma_wait3A_127 = tpu.memref_slice %arg3[%add3A, %dma_wait3A, %dma_wait3A_126] : memref<32x80x125xi32, #tpu.memory_space<hbm>> -> memref<1x80x125xi32, #tpu.memory_space<hbm>>
      %dma_wait3A_128 = tpu.memref_squeeze %dma_wait3A_127 : memref<1x80x125xi32, #tpu.memory_space<hbm>> -> memref<80x125xi32, #tpu.memory_space<hbm>>
      %dma_wait3A_129 = arith.constant 0 : i32
      %dma_wait3A_130 = arith.constant 0 : i32
      %dma_wait3A_131 = tpu.memref_slice %dma_wait3A_128[%dma_wait3A_129, %dma_wait3A_130] : memref<80x125xi32, #tpu.memory_space<hbm>> -> memref<40x125xi32, #tpu.memory_space<hbm>>
      %dma_wait3A_132 = arith.constant 0 : i32
      %dma_wait3A_133 = arith.constant 0 : i32
      %dma_wait3A_134 = tpu.memref_slice %arg3[%add3A, %dma_wait3A_132, %dma_wait3A_133] : memref<32x80x125xi32, #tpu.memory_space<hbm>> -> memref<1x80x125xi32, #tpu.memory_space<hbm>>
      %dma_wait3A_135 = tpu.memref_squeeze %dma_wait3A_134 : memref<1x80x125xi32, #tpu.memory_space<hbm>> -> memref<80x125xi32, #tpu.memory_space<hbm>>
      %dma_wait3A_136 = arith.constant 0 : i32
      %dma_wait3A_137 = arith.constant 0 : i32
      %dma_wait3A_138 = tpu.memref_slice %dma_wait3A_135[%dma_wait3A_136, %dma_wait3A_137] : memref<80x125xi32, #tpu.memory_space<hbm>> -> memref<40x125xi32, #tpu.memory_space<hbm>>
      tpu.wait_dma2 semaphore(%run_scoped3A : memref<!tpu.dma_semaphore, #tpu.memory_space<semaphore_mem>>) src(%dma_wait3A_138 : memref<40x125xi32, #tpu.memory_space<hbm>>) dst(%arg7 : memref<40x125xi32, #tpu.memory_space<vmem>>)
      tpu.yield
    }) : () -> ()
    "tpu.region"() ({
      %run_scoped3A = tpu.sem_alloc : memref<!tpu.dma_semaphore, #tpu.memory_space<semaphore_mem>>
      %dma_start3A_112 = arith.constant 0 : i32
      %dma_start3A_113 = arith.constant 0 : i32
      %dma_start3A_114 = tpu.memref_slice %arg4[%add3A, %dma_start3A_112, %dma_start3A_113] : memref<32x80x125xi32, #tpu.memory_space<hbm>> -> memref<1x80x125xi32, #tpu.memory_space<hbm>>
      %dma_start3A_115 = tpu.memref_squeeze %dma_start3A_114 : memref<1x80x125xi32, #tpu.memory_space<hbm>> -> memref<80x125xi32, #tpu.memory_space<hbm>>
      %dma_start3A_116 = arith.constant 0 : i32
      %dma_start3A_117 = arith.constant 0 : i32
      %dma_start3A_118 = tpu.memref_slice %dma_start3A_115[%dma_start3A_116, %dma_start3A_117] : memref<80x125xi32, #tpu.memory_space<hbm>> -> memref<40x125xi32, #tpu.memory_space<hbm>>
      %dma_start3A_119 = arith.constant 0 : i32
      %dma_start3A_120 = arith.constant 0 : i32
      %dma_start3A_121 = tpu.memref_slice %arg4[%add3A, %dma_start3A_119, %dma_start3A_120] : memref<32x80x125xi32, #tpu.memory_space<hbm>> -> memref<1x80x125xi32, #tpu.memory_space<hbm>>
      %dma_start3A_122 = tpu.memref_squeeze %dma_start3A_121 : memref<1x80x125xi32, #tpu.memory_space<hbm>> -> memref<80x125xi32, #tpu.memory_space<hbm>>
      %dma_start3A_123 = arith.constant 0 : i32
      %dma_start3A_124 = arith.constant 0 : i32
      %dma_start3A_125 = tpu.memref_slice %dma_start3A_122[%dma_start3A_123, %dma_start3A_124] : memref<80x125xi32, #tpu.memory_space<hbm>> -> memref<40x125xi32, #tpu.memory_space<hbm>>
      tpu.enqueue_dma source(%dma_start3A_125 : memref<40x125xi32, #tpu.memory_space<hbm>>) target(%arg8 : memref<40x125xi32, #tpu.memory_space<vmem>>) target_semaphore(%run_scoped3A : memref<!tpu.dma_semaphore, #tpu.memory_space<semaphore_mem>>)
      %dma_wait3A = arith.constant 0 : i32
      %dma_wait3A_126 = arith.constant 0 : i32
      %dma_wait3A_127 = tpu.memref_slice %arg4[%add3A, %dma_wait3A, %dma_wait3A_126] : memref<32x80x125xi32, #tpu.memory_space<hbm>> -> memref<1x80x125xi32, #tpu.memory_space<hbm>>
      %dma_wait3A_128 = tpu.memref_squeeze %dma_wait3A_127 : memref<1x80x125xi32, #tpu.memory_space<hbm>> -> memref<80x125xi32, #tpu.memory_space<hbm>>
      %dma_wait3A_129 = arith.constant 0 : i32
      %dma_wait3A_130 = arith.constant 0 : i32
      %dma_wait3A_131 = tpu.memref_slice %dma_wait3A_128[%dma_wait3A_129, %dma_wait3A_130] : memref<80x125xi32, #tpu.memory_space<hbm>> -> memref<40x125xi32, #tpu.memory_space<hbm>>
      %dma_wait3A_132 = arith.constant 0 : i32
      %dma_wait3A_133 = arith.constant 0 : i32
      %dma_wait3A_134 = tpu.memref_slice %arg4[%add3A, %dma_wait3A_132, %dma_wait3A_133] : memref<32x80x125xi32, #tpu.memory_space<hbm>> -> memref<1x80x125xi32, #tpu.memory_space<hbm>>
      %dma_wait3A_135 = tpu.memref_squeeze %dma_wait3A_134 : memref<1x80x125xi32, #tpu.memory_space<hbm>> -> memref<80x125xi32, #tpu.memory_space<hbm>>
      %dma_wait3A_136 = arith.constant 0 : i32
      %dma_wait3A_137 = arith.constant 0 : i32
      %dma_wait3A_138 = tpu.memref_slice %dma_wait3A_135[%dma_wait3A_136, %dma_wait3A_137] : memref<80x125xi32, #tpu.memory_space<hbm>> -> memref<40x125xi32, #tpu.memory_space<hbm>>
      tpu.wait_dma2 semaphore(%run_scoped3A : memref<!tpu.dma_semaphore, #tpu.memory_space<semaphore_mem>>) src(%dma_wait3A_138 : memref<40x125xi32, #tpu.memory_space<hbm>>) dst(%arg8 : memref<40x125xi32, #tpu.memory_space<vmem>>)
      tpu.yield
    }) : () -> ()
    %dma_start3A = arith.constant 0 : i32
    %dma_start3A_3 = arith.constant 0 : i32
    %dma_start3A_4 = arith.constant 0 : i32
    %dma_start3A_5 = tpu.memref_slice %arg9[%dma_start3A_3, %dma_start3A_4] : memref<250x128xf32, #tpu.memory_space<vmem>> -> memref<64x128xf32, #tpu.memory_space<vmem>>
    %dma_start3A_6 = arith.constant 0 : i32
    %dma_start3A_7 = tpu.memref_slice %arg7[%dma_start3A, %dma_start3A_6] : memref<40x125xi32, #tpu.memory_space<vmem>> -> memref<1x125xi32, #tpu.memory_space<vmem>>
    %dma_start3A_8 = tpu.memref_squeeze %dma_start3A_7 : memref<1x125xi32, #tpu.memory_space<vmem>> -> memref<125xi32, #tpu.memory_space<vmem>>
    %dma_start3A_9 = arith.constant 0 : i32
    %dma_start3A_10 = tpu.memref_slice %dma_start3A_8[%dma_start3A_9] : memref<125xi32, #tpu.memory_space<vmem>> -> memref<64xi32, #tpu.memory_space<vmem>>
    %dma_start3A_11 = arith.constant 0 : i32
    %dma_start3A_12 = arith.constant 0 : i32
    %dma_start3A_13 = tpu.memref_slice %arg2[%dma_start3A_11, %dma_start3A_12] : memref<10240x128xf32, #tpu.memory_space<hbm>> -> memref<10240x128xf32, #tpu.memory_space<hbm>>
    tpu.enqueue_indirect_dma source(%dma_start3A_13 : memref<10240x128xf32, #tpu.memory_space<hbm>>) target(%dma_start3A_5 : memref<64x128xf32, #tpu.memory_space<vmem>>) offsets(%dma_start3A_10 : memref<64xi32, #tpu.memory_space<vmem>>) semaphore(%arg11 : memref<!tpu.dma_semaphore, #tpu.memory_space<semaphore_mem>>)
    %dma_start3A_14 = arith.constant 0 : i32
    %dma_start3A_15 = arith.constant 64 : i32
    %dma_start3A_16 = arith.constant 0 : i32
    %dma_start3A_17 = tpu.memref_slice %arg9[%dma_start3A_15, %dma_start3A_16] : memref<250x128xf32, #tpu.memory_space<vmem>> -> memref<61x128xf32, #tpu.memory_space<vmem>>
    %dma_start3A_18 = arith.constant 0 : i32
    %dma_start3A_19 = tpu.memref_slice %arg7[%dma_start3A_14, %dma_start3A_18] : memref<40x125xi32, #tpu.memory_space<vmem>> -> memref<1x125xi32, #tpu.memory_space<vmem>>
    %dma_start3A_20 = tpu.memref_squeeze %dma_start3A_19 : memref<1x125xi32, #tpu.memory_space<vmem>> -> memref<125xi32, #tpu.memory_space<vmem>>
    %dma_start3A_21 = arith.constant 64 : i32
    %dma_start3A_22 = tpu.memref_slice %dma_start3A_20[%dma_start3A_21] : memref<125xi32, #tpu.memory_space<vmem>> -> memref<61xi32, #tpu.memory_space<vmem>>
    %dma_start3A_23 = arith.constant 0 : i32
    %dma_start3A_24 = arith.constant 0 : i32
    %dma_start3A_25 = tpu.memref_slice %arg2[%dma_start3A_23, %dma_start3A_24] : memref<10240x128xf32, #tpu.memory_space<hbm>> -> memref<10240x128xf32, #tpu.memory_space<hbm>>
    tpu.enqueue_indirect_dma source(%dma_start3A_25 : memref<10240x128xf32, #tpu.memory_space<hbm>>) target(%dma_start3A_17 : memref<61x128xf32, #tpu.memory_space<vmem>>) offsets(%dma_start3A_22 : memref<61xi32, #tpu.memory_space<vmem>>) semaphore(%arg11 : memref<!tpu.dma_semaphore, #tpu.memory_space<semaphore_mem>>)
    %dma_start3A_26 = arith.constant 1 : i32
    %dma_start3A_27 = arith.constant 125 : i32
    %dma_start3A_28 = arith.constant 0 : i32
    %dma_start3A_29 = tpu.memref_slice %arg9[%dma_start3A_27, %dma_start3A_28] : memref<250x128xf32, #tpu.memory_space<vmem>> -> memref<64x128xf32, #tpu.memory_space<vmem>>
    %dma_start3A_30 = arith.constant 0 : i32
    %dma_start3A_31 = tpu.memref_slice %arg7[%dma_start3A_26, %dma_start3A_30] : memref<40x125xi32, #tpu.memory_space<vmem>> -> memref<1x125xi32, #tpu.memory_space<vmem>>
    %dma_start3A_32 = tpu.memref_squeeze %dma_start3A_31 : memref<1x125xi32, #tpu.memory_space<vmem>> -> memref<125xi32, #tpu.memory_space<vmem>>
    %dma_start3A_33 = arith.constant 0 : i32
    %dma_start3A_34 = tpu.memref_slice %dma_start3A_32[%dma_start3A_33] : memref<125xi32, #tpu.memory_space<vmem>> -> memref<64xi32, #tpu.memory_space<vmem>>
    %dma_start3A_35 = arith.constant 0 : i32
    %dma_start3A_36 = arith.constant 0 : i32
    %dma_start3A_37 = tpu.memref_slice %arg2[%dma_start3A_35, %dma_start3A_36] : memref<10240x128xf32, #tpu.memory_space<hbm>> -> memref<10240x128xf32, #tpu.memory_space<hbm>>
    tpu.enqueue_indirect_dma source(%dma_start3A_37 : memref<10240x128xf32, #tpu.memory_space<hbm>>) target(%dma_start3A_29 : memref<64x128xf32, #tpu.memory_space<vmem>>) offsets(%dma_start3A_34 : memref<64xi32, #tpu.memory_space<vmem>>) semaphore(%arg12 : memref<!tpu.dma_semaphore, #tpu.memory_space<semaphore_mem>>)
    %dma_start3A_38 = arith.constant 1 : i32
    %dma_start3A_39 = arith.constant 189 : i32
    %dma_start3A_40 = arith.constant 0 : i32
    %dma_start3A_41 = tpu.memref_slice %arg9[%dma_start3A_39, %dma_start3A_40] : memref<250x128xf32, #tpu.memory_space<vmem>> -> memref<61x128xf32, #tpu.memory_space<vmem>>
    %dma_start3A_42 = arith.constant 0 : i32
    %dma_start3A_43 = tpu.memref_slice %arg7[%dma_start3A_38, %dma_start3A_42] : memref<40x125xi32, #tpu.memory_space<vmem>> -> memref<1x125xi32, #tpu.memory_space<vmem>>
    %dma_start3A_44 = tpu.memref_squeeze %dma_start3A_43 : memref<1x125xi32, #tpu.memory_space<vmem>> -> memref<125xi32, #tpu.memory_space<vmem>>
    %dma_start3A_45 = arith.constant 64 : i32
    %dma_start3A_46 = tpu.memref_slice %dma_start3A_44[%dma_start3A_45] : memref<125xi32, #tpu.memory_space<vmem>> -> memref<61xi32, #tpu.memory_space<vmem>>
    %dma_start3A_47 = arith.constant 0 : i32
    %dma_start3A_48 = arith.constant 0 : i32
    %dma_start3A_49 = tpu.memref_slice %arg2[%dma_start3A_47, %dma_start3A_48] : memref<10240x128xf32, #tpu.memory_space<hbm>> -> memref<10240x128xf32, #tpu.memory_space<hbm>>
    tpu.enqueue_indirect_dma source(%dma_start3A_49 : memref<10240x128xf32, #tpu.memory_space<hbm>>) target(%dma_start3A_41 : memref<61x128xf32, #tpu.memory_space<vmem>>) offsets(%dma_start3A_46 : memref<61xi32, #tpu.memory_space<vmem>>) semaphore(%arg12 : memref<!tpu.dma_semaphore, #tpu.memory_space<semaphore_mem>>)
    %scan3A = arith.constant 0 : i32
    %scan3A_50 = arith.constant 20 : i32
    %scan3A_51 = arith.addi %scan3A, %scan3A_50 : i32
    %scan3A_52 = arith.constant 1 : i32
    scf.for %scan3A_112 = %scan3A to %scan3A_51 step %scan3A_52  : i32 {
      %mul3A_113 = arith.constant 2 : i32
      %mul3A_114 = arith.muli %scan3A_112, %mul3A_113 : i32
      %add3A_115 = arith.constant 0 : i32
      %add3A_116 = arith.addi %mul3A_114, %add3A_115 : i32
      %dma_wait3A = arith.constant 0 : i32
      %dma_wait3A_117 = arith.constant 0 : i32
      %dma_wait3A_118 = tpu.memref_slice %arg9[%dma_wait3A, %dma_wait3A_117] : memref<250x128xf32, #tpu.memory_space<vmem>> -> memref<64x128xf32, #tpu.memory_space<vmem>>
      %dma_wait3A_119 = arith.constant 0 : i32
      %dma_wait3A_120 = tpu.memref_slice %arg7[%add3A_116, %dma_wait3A_119] : memref<40x125xi32, #tpu.memory_space<vmem>> -> memref<1x125xi32, #tpu.memory_space<vmem>>
      %dma_wait3A_121 = tpu.memref_squeeze %dma_wait3A_120 : memref<1x125xi32, #tpu.memory_space<vmem>> -> memref<125xi32, #tpu.memory_space<vmem>>
      %dma_wait3A_122 = arith.constant 0 : i32
      %dma_wait3A_123 = tpu.memref_slice %dma_wait3A_121[%dma_wait3A_122] : memref<125xi32, #tpu.memory_space<vmem>> -> memref<64xi32, #tpu.memory_space<vmem>>
      %dma_wait3A_124 = arith.constant 0 : i32
      %dma_wait3A_125 = arith.constant 0 : i32
      %dma_wait3A_126 = tpu.memref_slice %arg2[%dma_wait3A_124, %dma_wait3A_125] : memref<10240x128xf32, #tpu.memory_space<hbm>> -> memref<10240x128xf32, #tpu.memory_space<hbm>>
      tpu.wait_indirect_dma semaphore(%arg11 : memref<!tpu.dma_semaphore, #tpu.memory_space<semaphore_mem>>) src(%dma_wait3A_126 : memref<10240x128xf32, #tpu.memory_space<hbm>>) dst(%dma_wait3A_118 : memref<64x128xf32, #tpu.memory_space<vmem>>)
      %dma_wait3A_127 = arith.constant 64 : i32
      %dma_wait3A_128 = arith.constant 0 : i32
      %dma_wait3A_129 = tpu.memref_slice %arg9[%dma_wait3A_127, %dma_wait3A_128] : memref<250x128xf32, #tpu.memory_space<vmem>> -> memref<61x128xf32, #tpu.memory_space<vmem>>
      %dma_wait3A_130 = arith.constant 0 : i32
      %dma_wait3A_131 = tpu.memref_slice %arg7[%add3A_116, %dma_wait3A_130] : memref<40x125xi32, #tpu.memory_space<vmem>> -> memref<1x125xi32, #tpu.memory_space<vmem>>
      %dma_wait3A_132 = tpu.memref_squeeze %dma_wait3A_131 : memref<1x125xi32, #tpu.memory_space<vmem>> -> memref<125xi32, #tpu.memory_space<vmem>>
      %dma_wait3A_133 = arith.constant 64 : i32
      %dma_wait3A_134 = tpu.memref_slice %dma_wait3A_132[%dma_wait3A_133] : memref<125xi32, #tpu.memory_space<vmem>> -> memref<61xi32, #tpu.memory_space<vmem>>
      %dma_wait3A_135 = arith.constant 0 : i32
      %dma_wait3A_136 = arith.constant 0 : i32
      %dma_wait3A_137 = tpu.memref_slice %arg2[%dma_wait3A_135, %dma_wait3A_136] : memref<10240x128xf32, #tpu.memory_space<hbm>> -> memref<10240x128xf32, #tpu.memory_space<hbm>>
      tpu.wait_indirect_dma semaphore(%arg11 : memref<!tpu.dma_semaphore, #tpu.memory_space<semaphore_mem>>) src(%dma_wait3A_137 : memref<10240x128xf32, #tpu.memory_space<hbm>>) dst(%dma_wait3A_129 : memref<61x128xf32, #tpu.memory_space<vmem>>)
      %dma_start3A_138 = arith.constant 0 : i32
      %dma_start3A_139 = arith.constant 0 : i32
      %dma_start3A_140 = tpu.memref_slice %arg9[%dma_start3A_138, %dma_start3A_139] : memref<250x128xf32, #tpu.memory_space<vmem>> -> memref<125x128xf32, #tpu.memory_space<vmem>>
      %dma_start3A_141 = arith.constant 0 : i32
      %dma_start3A_142 = tpu.memref_slice %arg8[%add3A_116, %dma_start3A_141] : memref<40x125xi32, #tpu.memory_space<vmem>> -> memref<1x125xi32, #tpu.memory_space<vmem>>
      %dma_start3A_143 = tpu.memref_squeeze %dma_start3A_142 : memref<1x125xi32, #tpu.memory_space<vmem>> -> memref<125xi32, #tpu.memory_space<vmem>>
      %dma_start3A_144 = arith.constant 0 : i32
      %dma_start3A_145 = arith.constant 0 : i32
      %dma_start3A_146 = tpu.memref_slice %arg10[%dma_start3A_144, %dma_start3A_145] : memref<10240x128xf32, #tpu.memory_space<vmem_shared>> -> memref<10240x128xf32, #tpu.memory_space<vmem_shared>>
      tpu.enqueue_indirect_dma source(%dma_start3A_140 : memref<125x128xf32, #tpu.memory_space<vmem>>) target(%dma_start3A_146 : memref<10240x128xf32, #tpu.memory_space<vmem_shared>>) offsets(%dma_start3A_143 : memref<125xi32, #tpu.memory_space<vmem>>) semaphore(%arg13 : memref<!tpu.dma_semaphore, #tpu.memory_space<semaphore_mem>>) {add = true}
      %dma_wait3A_147 = arith.constant 0 : i32
      %dma_wait3A_148 = arith.constant 0 : i32
      %dma_wait3A_149 = tpu.memref_slice %arg9[%dma_wait3A_147, %dma_wait3A_148] : memref<250x128xf32, #tpu.memory_space<vmem>> -> memref<125x128xf32, #tpu.memory_space<vmem>>
      %dma_wait3A_150 = arith.constant 0 : i32
      %dma_wait3A_151 = tpu.memref_slice %arg8[%add3A_116, %dma_wait3A_150] : memref<40x125xi32, #tpu.memory_space<vmem>> -> memref<1x125xi32, #tpu.memory_space<vmem>>
      %dma_wait3A_152 = tpu.memref_squeeze %dma_wait3A_151 : memref<1x125xi32, #tpu.memory_space<vmem>> -> memref<125xi32, #tpu.memory_space<vmem>>
      %dma_wait3A_153 = arith.constant 0 : i32
      %dma_wait3A_154 = arith.constant 0 : i32
      %dma_wait3A_155 = tpu.memref_slice %arg10[%dma_wait3A_153, %dma_wait3A_154] : memref<10240x128xf32, #tpu.memory_space<vmem_shared>> -> memref<10240x128xf32, #tpu.memory_space<vmem_shared>>
      tpu.wait_indirect_dma semaphore(%arg13 : memref<!tpu.dma_semaphore, #tpu.memory_space<semaphore_mem>>) src(%dma_wait3A_149 : memref<125x128xf32, #tpu.memory_space<vmem>>) dst(%dma_wait3A_155 : memref<10240x128xf32, #tpu.memory_space<vmem_shared>>)
      %add3A_156 = arith.constant 2 : i32
      %add3A_157 = arith.addi %add3A_116, %add3A_156 : i32
      %lt3A = arith.constant 40 : i32
      %lt3A_158 = arith.cmpi slt, %add3A_157, %lt3A : i32
      %convert_element_type3A = arith.extui %lt3A_158 : i1 to i32
      %cond3A = arith.constant 0 : i32
      %cond3A_159 = arith.cmpi ne, %convert_element_type3A, %cond3A : i32
      scf.if %cond3A_159 {
        %add3A_211 = arith.constant 2 : i32
        %add3A_212 = arith.addi %add3A_116, %add3A_211 : i32
        %dma_start3A_213 = arith.constant 0 : i32
        %dma_start3A_214 = arith.constant 0 : i32
        %dma_start3A_215 = tpu.memref_slice %arg9[%dma_start3A_213, %dma_start3A_214] : memref<250x128xf32, #tpu.memory_space<vmem>> -> memref<64x128xf32, #tpu.memory_space<vmem>>
        %dma_start3A_216 = arith.constant 0 : i32
        %dma_start3A_217 = tpu.memref_slice %arg7[%add3A_212, %dma_start3A_216] : memref<40x125xi32, #tpu.memory_space<vmem>> -> memref<1x125xi32, #tpu.memory_space<vmem>>
        %dma_start3A_218 = tpu.memref_squeeze %dma_start3A_217 : memref<1x125xi32, #tpu.memory_space<vmem>> -> memref<125xi32, #tpu.memory_space<vmem>>
        %dma_start3A_219 = arith.constant 0 : i32
        %dma_start3A_220 = tpu.memref_slice %dma_start3A_218[%dma_start3A_219] : memref<125xi32, #tpu.memory_space<vmem>> -> memref<64xi32, #tpu.memory_space<vmem>>
        %dma_start3A_221 = arith.constant 0 : i32
        %dma_start3A_222 = arith.constant 0 : i32
        %dma_start3A_223 = tpu.memref_slice %arg2[%dma_start3A_221, %dma_start3A_222] : memref<10240x128xf32, #tpu.memory_space<hbm>> -> memref<10240x128xf32, #tpu.memory_space<hbm>>
        tpu.enqueue_indirect_dma source(%dma_start3A_223 : memref<10240x128xf32, #tpu.memory_space<hbm>>) target(%dma_start3A_215 : memref<64x128xf32, #tpu.memory_space<vmem>>) offsets(%dma_start3A_220 : memref<64xi32, #tpu.memory_space<vmem>>) semaphore(%arg11 : memref<!tpu.dma_semaphore, #tpu.memory_space<semaphore_mem>>)
        %dma_start3A_224 = arith.constant 64 : i32
        %dma_start3A_225 = arith.constant 0 : i32
        %dma_start3A_226 = tpu.memref_slice %arg9[%dma_start3A_224, %dma_start3A_225] : memref<250x128xf32, #tpu.memory_space<vmem>> -> memref<61x128xf32, #tpu.memory_space<vmem>>
        %dma_start3A_227 = arith.constant 0 : i32
        %dma_start3A_228 = tpu.memref_slice %arg7[%add3A_212, %dma_start3A_227] : memref<40x125xi32, #tpu.memory_space<vmem>> -> memref<1x125xi32, #tpu.memory_space<vmem>>
        %dma_start3A_229 = tpu.memref_squeeze %dma_start3A_228 : memref<1x125xi32, #tpu.memory_space<vmem>> -> memref<125xi32, #tpu.memory_space<vmem>>
        %dma_start3A_230 = arith.constant 64 : i32
        %dma_start3A_231 = tpu.memref_slice %dma_start3A_229[%dma_start3A_230] : memref<125xi32, #tpu.memory_space<vmem>> -> memref<61xi32, #tpu.memory_space<vmem>>
        %dma_start3A_232 = arith.constant 0 : i32
        %dma_start3A_233 = arith.constant 0 : i32
        %dma_start3A_234 = tpu.memref_slice %arg2[%dma_start3A_232, %dma_start3A_233] : memref<10240x128xf32, #tpu.memory_space<hbm>> -> memref<10240x128xf32, #tpu.memory_space<hbm>>
        tpu.enqueue_indirect_dma source(%dma_start3A_234 : memref<10240x128xf32, #tpu.memory_space<hbm>>) target(%dma_start3A_226 : memref<61x128xf32, #tpu.memory_space<vmem>>) offsets(%dma_start3A_231 : memref<61xi32, #tpu.memory_space<vmem>>) semaphore(%arg11 : memref<!tpu.dma_semaphore, #tpu.memory_space<semaphore_mem>>)
      } else {
      }
      %mul3A_160 = arith.constant 2 : i32
      %mul3A_161 = arith.muli %scan3A_112, %mul3A_160 : i32
      %add3A_162 = arith.constant 1 : i32
      %add3A_163 = arith.addi %mul3A_161, %add3A_162 : i32
      %dma_wait3A_164 = arith.constant 125 : i32
      %dma_wait3A_165 = arith.constant 0 : i32
      %dma_wait3A_166 = tpu.memref_slice %arg9[%dma_wait3A_164, %dma_wait3A_165] : memref<250x128xf32, #tpu.memory_space<vmem>> -> memref<64x128xf32, #tpu.memory_space<vmem>>
      %dma_wait3A_167 = arith.constant 0 : i32
      %dma_wait3A_168 = tpu.memref_slice %arg7[%add3A_163, %dma_wait3A_167] : memref<40x125xi32, #tpu.memory_space<vmem>> -> memref<1x125xi32, #tpu.memory_space<vmem>>
      %dma_wait3A_169 = tpu.memref_squeeze %dma_wait3A_168 : memref<1x125xi32, #tpu.memory_space<vmem>> -> memref<125xi32, #tpu.memory_space<vmem>>
      %dma_wait3A_170 = arith.constant 0 : i32
      %dma_wait3A_171 = tpu.memref_slice %dma_wait3A_169[%dma_wait3A_170] : memref<125xi32, #tpu.memory_space<vmem>> -> memref<64xi32, #tpu.memory_space<vmem>>
      %dma_wait3A_172 = arith.constant 0 : i32
      %dma_wait3A_173 = arith.constant 0 : i32
      %dma_wait3A_174 = tpu.memref_slice %arg2[%dma_wait3A_172, %dma_wait3A_173] : memref<10240x128xf32, #tpu.memory_space<hbm>> -> memref<10240x128xf32, #tpu.memory_space<hbm>>
      tpu.wait_indirect_dma semaphore(%arg12 : memref<!tpu.dma_semaphore, #tpu.memory_space<semaphore_mem>>) src(%dma_wait3A_174 : memref<10240x128xf32, #tpu.memory_space<hbm>>) dst(%dma_wait3A_166 : memref<64x128xf32, #tpu.memory_space<vmem>>)
      %dma_wait3A_175 = arith.constant 189 : i32
      %dma_wait3A_176 = arith.constant 0 : i32
      %dma_wait3A_177 = tpu.memref_slice %arg9[%dma_wait3A_175, %dma_wait3A_176] : memref<250x128xf32, #tpu.memory_space<vmem>> -> memref<61x128xf32, #tpu.memory_space<vmem>>
      %dma_wait3A_178 = arith.constant 0 : i32
      %dma_wait3A_179 = tpu.memref_slice %arg7[%add3A_163, %dma_wait3A_178] : memref<40x125xi32, #tpu.memory_space<vmem>> -> memref<1x125xi32, #tpu.memory_space<vmem>>
      %dma_wait3A_180 = tpu.memref_squeeze %dma_wait3A_179 : memref<1x125xi32, #tpu.memory_space<vmem>> -> memref<125xi32, #tpu.memory_space<vmem>>
      %dma_wait3A_181 = arith.constant 64 : i32
      %dma_wait3A_182 = tpu.memref_slice %dma_wait3A_180[%dma_wait3A_181] : memref<125xi32, #tpu.memory_space<vmem>> -> memref<61xi32, #tpu.memory_space<vmem>>
      %dma_wait3A_183 = arith.constant 0 : i32
      %dma_wait3A_184 = arith.constant 0 : i32
      %dma_wait3A_185 = tpu.memref_slice %arg2[%dma_wait3A_183, %dma_wait3A_184] : memref<10240x128xf32, #tpu.memory_space<hbm>> -> memref<10240x128xf32, #tpu.memory_space<hbm>>
      tpu.wait_indirect_dma semaphore(%arg12 : memref<!tpu.dma_semaphore, #tpu.memory_space<semaphore_mem>>) src(%dma_wait3A_185 : memref<10240x128xf32, #tpu.memory_space<hbm>>) dst(%dma_wait3A_177 : memref<61x128xf32, #tpu.memory_space<vmem>>)
      %dma_start3A_186 = arith.constant 125 : i32
      %dma_start3A_187 = arith.constant 0 : i32
      %dma_start3A_188 = tpu.memref_slice %arg9[%dma_start3A_186, %dma_start3A_187] : memref<250x128xf32, #tpu.memory_space<vmem>> -> memref<125x128xf32, #tpu.memory_space<vmem>>
      %dma_start3A_189 = arith.constant 0 : i32
      %dma_start3A_190 = tpu.memref_slice %arg8[%add3A_163, %dma_start3A_189] : memref<40x125xi32, #tpu.memory_space<vmem>> -> memref<1x125xi32, #tpu.memory_space<vmem>>
      %dma_start3A_191 = tpu.memref_squeeze %dma_start3A_190 : memref<1x125xi32, #tpu.memory_space<vmem>> -> memref<125xi32, #tpu.memory_space<vmem>>
      %dma_start3A_192 = arith.constant 0 : i32
      %dma_start3A_193 = arith.constant 0 : i32
      %dma_start3A_194 = tpu.memref_slice %arg10[%dma_start3A_192, %dma_start3A_193] : memref<10240x128xf32, #tpu.memory_space<vmem_shared>> -> memref<10240x128xf32, #tpu.memory_space<vmem_shared>>
      tpu.enqueue_indirect_dma source(%dma_start3A_188 : memref<125x128xf32, #tpu.memory_space<vmem>>) target(%dma_start3A_194 : memref<10240x128xf32, #tpu.memory_space<vmem_shared>>) offsets(%dma_start3A_191 : memref<125xi32, #tpu.memory_space<vmem>>) semaphore(%arg14 : memref<!tpu.dma_semaphore, #tpu.memory_space<semaphore_mem>>) {add = true}
      %dma_wait3A_195 = arith.constant 125 : i32
      %dma_wait3A_196 = arith.constant 0 : i32
      %dma_wait3A_197 = tpu.memref_slice %arg9[%dma_wait3A_195, %dma_wait3A_196] : memref<250x128xf32, #tpu.memory_space<vmem>> -> memref<125x128xf32, #tpu.memory_space<vmem>>
      %dma_wait3A_198 = arith.constant 0 : i32
      %dma_wait3A_199 = tpu.memref_slice %arg8[%add3A_163, %dma_wait3A_198] : memref<40x125xi32, #tpu.memory_space<vmem>> -> memref<1x125xi32, #tpu.memory_space<vmem>>
      %dma_wait3A_200 = tpu.memref_squeeze %dma_wait3A_199 : memref<1x125xi32, #tpu.memory_space<vmem>> -> memref<125xi32, #tpu.memory_space<vmem>>
      %dma_wait3A_201 = arith.constant 0 : i32
      %dma_wait3A_202 = arith.constant 0 : i32
      %dma_wait3A_203 = tpu.memref_slice %arg10[%dma_wait3A_201, %dma_wait3A_202] : memref<10240x128xf32, #tpu.memory_space<vmem_shared>> -> memref<10240x128xf32, #tpu.memory_space<vmem_shared>>
      tpu.wait_indirect_dma semaphore(%arg14 : memref<!tpu.dma_semaphore, #tpu.memory_space<semaphore_mem>>) src(%dma_wait3A_197 : memref<125x128xf32, #tpu.memory_space<vmem>>) dst(%dma_wait3A_203 : memref<10240x128xf32, #tpu.memory_space<vmem_shared>>)
      %add3A_204 = arith.constant 2 : i32
      %add3A_205 = arith.addi %add3A_163, %add3A_204 : i32
      %lt3A_206 = arith.constant 40 : i32
      %lt3A_207 = arith.cmpi slt, %add3A_205, %lt3A_206 : i32
      %convert_element_type3A_208 = arith.extui %lt3A_207 : i1 to i32
      %cond3A_209 = arith.constant 0 : i32
      %cond3A_210 = arith.cmpi ne, %convert_element_type3A_208, %cond3A_209 : i32
      scf.if %cond3A_210 {
        %add3A_211 = arith.constant 2 : i32
        %add3A_212 = arith.addi %add3A_163, %add3A_211 : i32
        %dma_start3A_213 = arith.constant 125 : i32
        %dma_start3A_214 = arith.constant 0 : i32
        %dma_start3A_215 = tpu.memref_slice %arg9[%dma_start3A_213, %dma_start3A_214] : memref<250x128xf32, #tpu.memory_space<vmem>> -> memref<64x128xf32, #tpu.memory_space<vmem>>
        %dma_start3A_216 = arith.constant 0 : i32
        %dma_start3A_217 = tpu.memref_slice %arg7[%add3A_212, %dma_start3A_216] : memref<40x125xi32, #tpu.memory_space<vmem>> -> memref<1x125xi32, #tpu.memory_space<vmem>>
        %dma_start3A_218 = tpu.memref_squeeze %dma_start3A_217 : memref<1x125xi32, #tpu.memory_space<vmem>> -> memref<125xi32, #tpu.memory_space<vmem>>
        %dma_start3A_219 = arith.constant 0 : i32
        %dma_start3A_220 = tpu.memref_slice %dma_start3A_218[%dma_start3A_219] : memref<125xi32, #tpu.memory_space<vmem>> -> memref<64xi32, #tpu.memory_space<vmem>>
        %dma_start3A_221 = arith.constant 0 : i32
        %dma_start3A_222 = arith.constant 0 : i32
        %dma_start3A_223 = tpu.memref_slice %arg2[%dma_start3A_221, %dma_start3A_222] : memref<10240x128xf32, #tpu.memory_space<hbm>> -> memref<10240x128xf32, #tpu.memory_space<hbm>>
        tpu.enqueue_indirect_dma source(%dma_start3A_223 : memref<10240x128xf32, #tpu.memory_space<hbm>>) target(%dma_start3A_215 : memref<64x128xf32, #tpu.memory_space<vmem>>) offsets(%dma_start3A_220 : memref<64xi32, #tpu.memory_space<vmem>>) semaphore(%arg12 : memref<!tpu.dma_semaphore, #tpu.memory_space<semaphore_mem>>)
        %dma_start3A_224 = arith.constant 189 : i32
        %dma_start3A_225 = arith.constant 0 : i32
        %dma_start3A_226 = tpu.memref_slice %arg9[%dma_start3A_224, %dma_start3A_225] : memref<250x128xf32, #tpu.memory_space<vmem>> -> memref<61x128xf32, #tpu.memory_space<vmem>>
        %dma_start3A_227 = arith.constant 0 : i32
        %dma_start3A_228 = tpu.memref_slice %arg7[%add3A_212, %dma_start3A_227] : memref<40x125xi32, #tpu.memory_space<vmem>> -> memref<1x125xi32, #tpu.memory_space<vmem>>
        %dma_start3A_229 = tpu.memref_squeeze %dma_start3A_228 : memref<1x125xi32, #tpu.memory_space<vmem>> -> memref<125xi32, #tpu.memory_space<vmem>>
        %dma_start3A_230 = arith.constant 64 : i32
        %dma_start3A_231 = tpu.memref_slice %dma_start3A_229[%dma_start3A_230] : memref<125xi32, #tpu.memory_space<vmem>> -> memref<61xi32, #tpu.memory_space<vmem>>
        %dma_start3A_232 = arith.constant 0 : i32
        %dma_start3A_233 = arith.constant 0 : i32
        %dma_start3A_234 = tpu.memref_slice %arg2[%dma_start3A_232, %dma_start3A_233] : memref<10240x128xf32, #tpu.memory_space<hbm>> -> memref<10240x128xf32, #tpu.memory_space<hbm>>
        tpu.enqueue_indirect_dma source(%dma_start3A_234 : memref<10240x128xf32, #tpu.memory_space<hbm>>) target(%dma_start3A_226 : memref<61x128xf32, #tpu.memory_space<vmem>>) offsets(%dma_start3A_231 : memref<61xi32, #tpu.memory_space<vmem>>) semaphore(%arg12 : memref<!tpu.dma_semaphore, #tpu.memory_space<semaphore_mem>>)
      } else {
      }
    }
    %scan3A_53 = arith.constant 20 : i32
    "tpu.region"() ({
      %run_scoped3A = tpu.sem_alloc : memref<!tpu.dma_semaphore, #tpu.memory_space<semaphore_mem>>
      %dma_start3A_112 = arith.constant 0 : i32
      %dma_start3A_113 = arith.constant 0 : i32
      %dma_start3A_114 = tpu.memref_slice %arg3[%add3A, %dma_start3A_112, %dma_start3A_113] : memref<32x80x125xi32, #tpu.memory_space<hbm>> -> memref<1x80x125xi32, #tpu.memory_space<hbm>>
      %dma_start3A_115 = tpu.memref_squeeze %dma_start3A_114 : memref<1x80x125xi32, #tpu.memory_space<hbm>> -> memref<80x125xi32, #tpu.memory_space<hbm>>
      %dma_start3A_116 = arith.constant 40 : i32
      %dma_start3A_117 = arith.constant 0 : i32
      %dma_start3A_118 = tpu.memref_slice %dma_start3A_115[%dma_start3A_116, %dma_start3A_117] : memref<80x125xi32, #tpu.memory_space<hbm>> -> memref<40x125xi32, #tpu.memory_space<hbm>>
      %dma_start3A_119 = arith.constant 0 : i32
      %dma_start3A_120 = arith.constant 0 : i32
      %dma_start3A_121 = tpu.memref_slice %arg3[%add3A, %dma_start3A_119, %dma_start3A_120] : memref<32x80x125xi32, #tpu.memory_space<hbm>> -> memref<1x80x125xi32, #tpu.memory_space<hbm>>
      %dma_start3A_122 = tpu.memref_squeeze %dma_start3A_121 : memref<1x80x125xi32, #tpu.memory_space<hbm>> -> memref<80x125xi32, #tpu.memory_space<hbm>>
      %dma_start3A_123 = arith.constant 40 : i32
      %dma_start3A_124 = arith.constant 0 : i32
      %dma_start3A_125 = tpu.memref_slice %dma_start3A_122[%dma_start3A_123, %dma_start3A_124] : memref<80x125xi32, #tpu.memory_space<hbm>> -> memref<40x125xi32, #tpu.memory_space<hbm>>
      tpu.enqueue_dma source(%dma_start3A_125 : memref<40x125xi32, #tpu.memory_space<hbm>>) target(%arg7 : memref<40x125xi32, #tpu.memory_space<vmem>>) target_semaphore(%run_scoped3A : memref<!tpu.dma_semaphore, #tpu.memory_space<semaphore_mem>>)
      %dma_wait3A = arith.constant 0 : i32
      %dma_wait3A_126 = arith.constant 0 : i32
      %dma_wait3A_127 = tpu.memref_slice %arg3[%add3A, %dma_wait3A, %dma_wait3A_126] : memref<32x80x125xi32, #tpu.memory_space<hbm>> -> memref<1x80x125xi32, #tpu.memory_space<hbm>>
      %dma_wait3A_128 = tpu.memref_squeeze %dma_wait3A_127 : memref<1x80x125xi32, #tpu.memory_space<hbm>> -> memref<80x125xi32, #tpu.memory_space<hbm>>
      %dma_wait3A_129 = arith.constant 40 : i32
      %dma_wait3A_130 = arith.constant 0 : i32
      %dma_wait3A_131 = tpu.memref_slice %dma_wait3A_128[%dma_wait3A_129, %dma_wait3A_130] : memref<80x125xi32, #tpu.memory_space<hbm>> -> memref<40x125xi32, #tpu.memory_space<hbm>>
      %dma_wait3A_132 = arith.constant 0 : i32
      %dma_wait3A_133 = arith.constant 0 : i32
      %dma_wait3A_134 = tpu.memref_slice %arg3[%add3A, %dma_wait3A_132, %dma_wait3A_133] : memref<32x80x125xi32, #tpu.memory_space<hbm>> -> memref<1x80x125xi32, #tpu.memory_space<hbm>>
      %dma_wait3A_135 = tpu.memref_squeeze %dma_wait3A_134 : memref<1x80x125xi32, #tpu.memory_space<hbm>> -> memref<80x125xi32, #tpu.memory_space<hbm>>
      %dma_wait3A_136 = arith.constant 40 : i32
      %dma_wait3A_137 = arith.constant 0 : i32
      %dma_wait3A_138 = tpu.memref_slice %dma_wait3A_135[%dma_wait3A_136, %dma_wait3A_137] : memref<80x125xi32, #tpu.memory_space<hbm>> -> memref<40x125xi32, #tpu.memory_space<hbm>>
      tpu.wait_dma2 semaphore(%run_scoped3A : memref<!tpu.dma_semaphore, #tpu.memory_space<semaphore_mem>>) src(%dma_wait3A_138 : memref<40x125xi32, #tpu.memory_space<hbm>>) dst(%arg7 : memref<40x125xi32, #tpu.memory_space<vmem>>)
      tpu.yield
    }) : () -> ()
    "tpu.region"() ({
      %run_scoped3A = tpu.sem_alloc : memref<!tpu.dma_semaphore, #tpu.memory_space<semaphore_mem>>
      %dma_start3A_112 = arith.constant 0 : i32
      %dma_start3A_113 = arith.constant 0 : i32
      %dma_start3A_114 = tpu.memref_slice %arg4[%add3A, %dma_start3A_112, %dma_start3A_113] : memref<32x80x125xi32, #tpu.memory_space<hbm>> -> memref<1x80x125xi32, #tpu.memory_space<hbm>>
      %dma_start3A_115 = tpu.memref_squeeze %dma_start3A_114 : memref<1x80x125xi32, #tpu.memory_space<hbm>> -> memref<80x125xi32, #tpu.memory_space<hbm>>
      %dma_start3A_116 = arith.constant 40 : i32
      %dma_start3A_117 = arith.constant 0 : i32
      %dma_start3A_118 = tpu.memref_slice %dma_start3A_115[%dma_start3A_116, %dma_start3A_117] : memref<80x125xi32, #tpu.memory_space<hbm>> -> memref<40x125xi32, #tpu.memory_space<hbm>>
      %dma_start3A_119 = arith.constant 0 : i32
      %dma_start3A_120 = arith.constant 0 : i32
      %dma_start3A_121 = tpu.memref_slice %arg4[%add3A, %dma_start3A_119, %dma_start3A_120] : memref<32x80x125xi32, #tpu.memory_space<hbm>> -> memref<1x80x125xi32, #tpu.memory_space<hbm>>
      %dma_start3A_122 = tpu.memref_squeeze %dma_start3A_121 : memref<1x80x125xi32, #tpu.memory_space<hbm>> -> memref<80x125xi32, #tpu.memory_space<hbm>>
      %dma_start3A_123 = arith.constant 40 : i32
      %dma_start3A_124 = arith.constant 0 : i32
      %dma_start3A_125 = tpu.memref_slice %dma_start3A_122[%dma_start3A_123, %dma_start3A_124] : memref<80x125xi32, #tpu.memory_space<hbm>> -> memref<40x125xi32, #tpu.memory_space<hbm>>
      tpu.enqueue_dma source(%dma_start3A_125 : memref<40x125xi32, #tpu.memory_space<hbm>>) target(%arg8 : memref<40x125xi32, #tpu.memory_space<vmem>>) target_semaphore(%run_scoped3A : memref<!tpu.dma_semaphore, #tpu.memory_space<semaphore_mem>>)
      %dma_wait3A = arith.constant 0 : i32
      %dma_wait3A_126 = arith.constant 0 : i32
      %dma_wait3A_127 = tpu.memref_slice %arg4[%add3A, %dma_wait3A, %dma_wait3A_126] : memref<32x80x125xi32, #tpu.memory_space<hbm>> -> memref<1x80x125xi32, #tpu.memory_space<hbm>>
      %dma_wait3A_128 = tpu.memref_squeeze %dma_wait3A_127 : memref<1x80x125xi32, #tpu.memory_space<hbm>> -> memref<80x125xi32, #tpu.memory_space<hbm>>
      %dma_wait3A_129 = arith.constant 40 : i32
      %dma_wait3A_130 = arith.constant 0 : i32
      %dma_wait3A_131 = tpu.memref_slice %dma_wait3A_128[%dma_wait3A_129, %dma_wait3A_130] : memref<80x125xi32, #tpu.memory_space<hbm>> -> memref<40x125xi32, #tpu.memory_space<hbm>>
      %dma_wait3A_132 = arith.constant 0 : i32
      %dma_wait3A_133 = arith.constant 0 : i32
      %dma_wait3A_134 = tpu.memref_slice %arg4[%add3A, %dma_wait3A_132, %dma_wait3A_133] : memref<32x80x125xi32, #tpu.memory_space<hbm>> -> memref<1x80x125xi32, #tpu.memory_space<hbm>>
      %dma_wait3A_135 = tpu.memref_squeeze %dma_wait3A_134 : memref<1x80x125xi32, #tpu.memory_space<hbm>> -> memref<80x125xi32, #tpu.memory_space<hbm>>
      %dma_wait3A_136 = arith.constant 40 : i32
      %dma_wait3A_137 = arith.constant 0 : i32
      %dma_wait3A_138 = tpu.memref_slice %dma_wait3A_135[%dma_wait3A_136, %dma_wait3A_137] : memref<80x125xi32, #tpu.memory_space<hbm>> -> memref<40x125xi32, #tpu.memory_space<hbm>>
      tpu.wait_dma2 semaphore(%run_scoped3A : memref<!tpu.dma_semaphore, #tpu.memory_space<semaphore_mem>>) src(%dma_wait3A_138 : memref<40x125xi32, #tpu.memory_space<hbm>>) dst(%arg8 : memref<40x125xi32, #tpu.memory_space<vmem>>)
      tpu.yield
    }) : () -> ()
    %dma_start3A_54 = arith.constant 0 : i32
    %dma_start3A_55 = arith.constant 0 : i32
    %dma_start3A_56 = arith.constant 0 : i32
    %dma_start3A_57 = tpu.memref_slice %arg9[%dma_start3A_55, %dma_start3A_56] : memref<250x128xf32, #tpu.memory_space<vmem>> -> memref<64x128xf32, #tpu.memory_space<vmem>>
    %dma_start3A_58 = arith.constant 0 : i32
    %dma_start3A_59 = tpu.memref_slice %arg7[%dma_start3A_54, %dma_start3A_58] : memref<40x125xi32, #tpu.memory_space<vmem>> -> memref<1x125xi32, #tpu.memory_space<vmem>>
    %dma_start3A_60 = tpu.memref_squeeze %dma_start3A_59 : memref<1x125xi32, #tpu.memory_space<vmem>> -> memref<125xi32, #tpu.memory_space<vmem>>
    %dma_start3A_61 = arith.constant 0 : i32
    %dma_start3A_62 = tpu.memref_slice %dma_start3A_60[%dma_start3A_61] : memref<125xi32, #tpu.memory_space<vmem>> -> memref<64xi32, #tpu.memory_space<vmem>>
    %dma_start3A_63 = arith.constant 0 : i32
    %dma_start3A_64 = arith.constant 0 : i32
    %dma_start3A_65 = tpu.memref_slice %arg2[%dma_start3A_63, %dma_start3A_64] : memref<10240x128xf32, #tpu.memory_space<hbm>> -> memref<10240x128xf32, #tpu.memory_space<hbm>>
    tpu.enqueue_indirect_dma source(%dma_start3A_65 : memref<10240x128xf32, #tpu.memory_space<hbm>>) target(%dma_start3A_57 : memref<64x128xf32, #tpu.memory_space<vmem>>) offsets(%dma_start3A_62 : memref<64xi32, #tpu.memory_space<vmem>>) semaphore(%arg11 : memref<!tpu.dma_semaphore, #tpu.memory_space<semaphore_mem>>)
    %dma_start3A_66 = arith.constant 0 : i32
    %dma_start3A_67 = arith.constant 64 : i32
    %dma_start3A_68 = arith.constant 0 : i32
    %dma_start3A_69 = tpu.memref_slice %arg9[%dma_start3A_67, %dma_start3A_68] : memref<250x128xf32, #tpu.memory_space<vmem>> -> memref<61x128xf32, #tpu.memory_space<vmem>>
    %dma_start3A_70 = arith.constant 0 : i32
    %dma_start3A_71 = tpu.memref_slice %arg7[%dma_start3A_66, %dma_start3A_70] : memref<40x125xi32, #tpu.memory_space<vmem>> -> memref<1x125xi32, #tpu.memory_space<vmem>>
    %dma_start3A_72 = tpu.memref_squeeze %dma_start3A_71 : memref<1x125xi32, #tpu.memory_space<vmem>> -> memref<125xi32, #tpu.memory_space<vmem>>
    %dma_start3A_73 = arith.constant 64 : i32
    %dma_start3A_74 = tpu.memref_slice %dma_start3A_72[%dma_start3A_73] : memref<125xi32, #tpu.memory_space<vmem>> -> memref<61xi32, #tpu.memory_space<vmem>>
    %dma_start3A_75 = arith.constant 0 : i32
    %dma_start3A_76 = arith.constant 0 : i32
    %dma_start3A_77 = tpu.memref_slice %arg2[%dma_start3A_75, %dma_start3A_76] : memref<10240x128xf32, #tpu.memory_space<hbm>> -> memref<10240x128xf32, #tpu.memory_space<hbm>>
    tpu.enqueue_indirect_dma source(%dma_start3A_77 : memref<10240x128xf32, #tpu.memory_space<hbm>>) target(%dma_start3A_69 : memref<61x128xf32, #tpu.memory_space<vmem>>) offsets(%dma_start3A_74 : memref<61xi32, #tpu.memory_space<vmem>>) semaphore(%arg11 : memref<!tpu.dma_semaphore, #tpu.memory_space<semaphore_mem>>)
    %dma_start3A_78 = arith.constant 1 : i32
    %dma_start3A_79 = arith.constant 125 : i32
    %dma_start3A_80 = arith.constant 0 : i32
    %dma_start3A_81 = tpu.memref_slice %arg9[%dma_start3A_79, %dma_start3A_80] : memref<250x128xf32, #tpu.memory_space<vmem>> -> memref<64x128xf32, #tpu.memory_space<vmem>>
    %dma_start3A_82 = arith.constant 0 : i32
    %dma_start3A_83 = tpu.memref_slice %arg7[%dma_start3A_78, %dma_start3A_82] : memref<40x125xi32, #tpu.memory_space<vmem>> -> memref<1x125xi32, #tpu.memory_space<vmem>>
    %dma_start3A_84 = tpu.memref_squeeze %dma_start3A_83 : memref<1x125xi32, #tpu.memory_space<vmem>> -> memref<125xi32, #tpu.memory_space<vmem>>
    %dma_start3A_85 = arith.constant 0 : i32
    %dma_start3A_86 = tpu.memref_slice %dma_start3A_84[%dma_start3A_85] : memref<125xi32, #tpu.memory_space<vmem>> -> memref<64xi32, #tpu.memory_space<vmem>>
    %dma_start3A_87 = arith.constant 0 : i32
    %dma_start3A_88 = arith.constant 0 : i32
    %dma_start3A_89 = tpu.memref_slice %arg2[%dma_start3A_87, %dma_start3A_88] : memref<10240x128xf32, #tpu.memory_space<hbm>> -> memref<10240x128xf32, #tpu.memory_space<hbm>>
    tpu.enqueue_indirect_dma source(%dma_start3A_89 : memref<10240x128xf32, #tpu.memory_space<hbm>>) target(%dma_start3A_81 : memref<64x128xf32, #tpu.memory_space<vmem>>) offsets(%dma_start3A_86 : memref<64xi32, #tpu.memory_space<vmem>>) semaphore(%arg12 : memref<!tpu.dma_semaphore, #tpu.memory_space<semaphore_mem>>)
    %dma_start3A_90 = arith.constant 1 : i32
    %dma_start3A_91 = arith.constant 189 : i32
    %dma_start3A_92 = arith.constant 0 : i32
    %dma_start3A_93 = tpu.memref_slice %arg9[%dma_start3A_91, %dma_start3A_92] : memref<250x128xf32, #tpu.memory_space<vmem>> -> memref<61x128xf32, #tpu.memory_space<vmem>>
    %dma_start3A_94 = arith.constant 0 : i32
    %dma_start3A_95 = tpu.memref_slice %arg7[%dma_start3A_90, %dma_start3A_94] : memref<40x125xi32, #tpu.memory_space<vmem>> -> memref<1x125xi32, #tpu.memory_space<vmem>>
    %dma_start3A_96 = tpu.memref_squeeze %dma_start3A_95 : memref<1x125xi32, #tpu.memory_space<vmem>> -> memref<125xi32, #tpu.memory_space<vmem>>
    %dma_start3A_97 = arith.constant 64 : i32
    %dma_start3A_98 = tpu.memref_slice %dma_start3A_96[%dma_start3A_97] : memref<125xi32, #tpu.memory_space<vmem>> -> memref<61xi32, #tpu.memory_space<vmem>>
    %dma_start3A_99 = arith.constant 0 : i32
    %dma_start3A_100 = arith.constant 0 : i32
    %dma_start3A_101 = tpu.memref_slice %arg2[%dma_start3A_99, %dma_start3A_100] : memref<10240x128xf32, #tpu.memory_space<hbm>> -> memref<10240x128xf32, #tpu.memory_space<hbm>>
    tpu.enqueue_indirect_dma source(%dma_start3A_101 : memref<10240x128xf32, #tpu.memory_space<hbm>>) target(%dma_start3A_93 : memref<61x128xf32, #tpu.memory_space<vmem>>) offsets(%dma_start3A_98 : memref<61xi32, #tpu.memory_space<vmem>>) semaphore(%arg12 : memref<!tpu.dma_semaphore, #tpu.memory_space<semaphore_mem>>)
    %scan3A_102 = arith.constant 0 : i32
    %scan3A_103 = arith.constant 20 : i32
    %scan3A_104 = arith.addi %scan3A_102, %scan3A_103 : i32
    %scan3A_105 = arith.constant 1 : i32
    scf.for %scan3A_112 = %scan3A_102 to %scan3A_104 step %scan3A_105  : i32 {
      %mul3A_113 = arith.constant 2 : i32
      %mul3A_114 = arith.muli %scan3A_112, %mul3A_113 : i32
      %add3A_115 = arith.constant 0 : i32
      %add3A_116 = arith.addi %mul3A_114, %add3A_115 : i32
      %dma_wait3A = arith.constant 0 : i32
      %dma_wait3A_117 = arith.constant 0 : i32
      %dma_wait3A_118 = tpu.memref_slice %arg9[%dma_wait3A, %dma_wait3A_117] : memref<250x128xf32, #tpu.memory_space<vmem>> -> memref<64x128xf32, #tpu.memory_space<vmem>>
      %dma_wait3A_119 = arith.constant 0 : i32
      %dma_wait3A_120 = tpu.memref_slice %arg7[%add3A_116, %dma_wait3A_119] : memref<40x125xi32, #tpu.memory_space<vmem>> -> memref<1x125xi32, #tpu.memory_space<vmem>>
      %dma_wait3A_121 = tpu.memref_squeeze %dma_wait3A_120 : memref<1x125xi32, #tpu.memory_space<vmem>> -> memref<125xi32, #tpu.memory_space<vmem>>
      %dma_wait3A_122 = arith.constant 0 : i32
      %dma_wait3A_123 = tpu.memref_slice %dma_wait3A_121[%dma_wait3A_122] : memref<125xi32, #tpu.memory_space<vmem>> -> memref<64xi32, #tpu.memory_space<vmem>>
      %dma_wait3A_124 = arith.constant 0 : i32
      %dma_wait3A_125 = arith.constant 0 : i32
      %dma_wait3A_126 = tpu.memref_slice %arg2[%dma_wait3A_124, %dma_wait3A_125] : memref<10240x128xf32, #tpu.memory_space<hbm>> -> memref<10240x128xf32, #tpu.memory_space<hbm>>
      tpu.wait_indirect_dma semaphore(%arg11 : memref<!tpu.dma_semaphore, #tpu.memory_space<semaphore_mem>>) src(%dma_wait3A_126 : memref<10240x128xf32, #tpu.memory_space<hbm>>) dst(%dma_wait3A_118 : memref<64x128xf32, #tpu.memory_space<vmem>>)
      %dma_wait3A_127 = arith.constant 64 : i32
      %dma_wait3A_128 = arith.constant 0 : i32
      %dma_wait3A_129 = tpu.memref_slice %arg9[%dma_wait3A_127, %dma_wait3A_128] : memref<250x128xf32, #tpu.memory_space<vmem>> -> memref<61x128xf32, #tpu.memory_space<vmem>>
      %dma_wait3A_130 = arith.constant 0 : i32
      %dma_wait3A_131 = tpu.memref_slice %arg7[%add3A_116, %dma_wait3A_130] : memref<40x125xi32, #tpu.memory_space<vmem>> -> memref<1x125xi32, #tpu.memory_space<vmem>>
      %dma_wait3A_132 = tpu.memref_squeeze %dma_wait3A_131 : memref<1x125xi32, #tpu.memory_space<vmem>> -> memref<125xi32, #tpu.memory_space<vmem>>
      %dma_wait3A_133 = arith.constant 64 : i32
      %dma_wait3A_134 = tpu.memref_slice %dma_wait3A_132[%dma_wait3A_133] : memref<125xi32, #tpu.memory_space<vmem>> -> memref<61xi32, #tpu.memory_space<vmem>>
      %dma_wait3A_135 = arith.constant 0 : i32
      %dma_wait3A_136 = arith.constant 0 : i32
      %dma_wait3A_137 = tpu.memref_slice %arg2[%dma_wait3A_135, %dma_wait3A_136] : memref<10240x128xf32, #tpu.memory_space<hbm>> -> memref<10240x128xf32, #tpu.memory_space<hbm>>
      tpu.wait_indirect_dma semaphore(%arg11 : memref<!tpu.dma_semaphore, #tpu.memory_space<semaphore_mem>>) src(%dma_wait3A_137 : memref<10240x128xf32, #tpu.memory_space<hbm>>) dst(%dma_wait3A_129 : memref<61x128xf32, #tpu.memory_space<vmem>>)
      %dma_start3A_138 = arith.constant 0 : i32
      %dma_start3A_139 = arith.constant 0 : i32
      %dma_start3A_140 = tpu.memref_slice %arg9[%dma_start3A_138, %dma_start3A_139] : memref<250x128xf32, #tpu.memory_space<vmem>> -> memref<125x128xf32, #tpu.memory_space<vmem>>
      %dma_start3A_141 = arith.constant 0 : i32
      %dma_start3A_142 = tpu.memref_slice %arg8[%add3A_116, %dma_start3A_141] : memref<40x125xi32, #tpu.memory_space<vmem>> -> memref<1x125xi32, #tpu.memory_space<vmem>>
      %dma_start3A_143 = tpu.memref_squeeze %dma_start3A_142 : memref<1x125xi32, #tpu.memory_space<vmem>> -> memref<125xi32, #tpu.memory_space<vmem>>
      %dma_start3A_144 = arith.constant 0 : i32
      %dma_start3A_145 = arith.constant 0 : i32
      %dma_start3A_146 = tpu.memref_slice %arg10[%dma_start3A_144, %dma_start3A_145] : memref<10240x128xf32, #tpu.memory_space<vmem_shared>> -> memref<10240x128xf32, #tpu.memory_space<vmem_shared>>
      tpu.enqueue_indirect_dma source(%dma_start3A_140 : memref<125x128xf32, #tpu.memory_space<vmem>>) target(%dma_start3A_146 : memref<10240x128xf32, #tpu.memory_space<vmem_shared>>) offsets(%dma_start3A_143 : memref<125xi32, #tpu.memory_space<vmem>>) semaphore(%arg13 : memref<!tpu.dma_semaphore, #tpu.memory_space<semaphore_mem>>) {add = true}
      %dma_wait3A_147 = arith.constant 0 : i32
      %dma_wait3A_148 = arith.constant 0 : i32
      %dma_wait3A_149 = tpu.memref_slice %arg9[%dma_wait3A_147, %dma_wait3A_148] : memref<250x128xf32, #tpu.memory_space<vmem>> -> memref<125x128xf32, #tpu.memory_space<vmem>>
      %dma_wait3A_150 = arith.constant 0 : i32
      %dma_wait3A_151 = tpu.memref_slice %arg8[%add3A_116, %dma_wait3A_150] : memref<40x125xi32, #tpu.memory_space<vmem>> -> memref<1x125xi32, #tpu.memory_space<vmem>>
      %dma_wait3A_152 = tpu.memref_squeeze %dma_wait3A_151 : memref<1x125xi32, #tpu.memory_space<vmem>> -> memref<125xi32, #tpu.memory_space<vmem>>
      %dma_wait3A_153 = arith.constant 0 : i32
      %dma_wait3A_154 = arith.constant 0 : i32
      %dma_wait3A_155 = tpu.memref_slice %arg10[%dma_wait3A_153, %dma_wait3A_154] : memref<10240x128xf32, #tpu.memory_space<vmem_shared>> -> memref<10240x128xf32, #tpu.memory_space<vmem_shared>>
      tpu.wait_indirect_dma semaphore(%arg13 : memref<!tpu.dma_semaphore, #tpu.memory_space<semaphore_mem>>) src(%dma_wait3A_149 : memref<125x128xf32, #tpu.memory_space<vmem>>) dst(%dma_wait3A_155 : memref<10240x128xf32, #tpu.memory_space<vmem_shared>>)
      %add3A_156 = arith.constant 2 : i32
      %add3A_157 = arith.addi %add3A_116, %add3A_156 : i32
      %lt3A = arith.constant 40 : i32
      %lt3A_158 = arith.cmpi slt, %add3A_157, %lt3A : i32
      %convert_element_type3A = arith.extui %lt3A_158 : i1 to i32
      %cond3A = arith.constant 0 : i32
      %cond3A_159 = arith.cmpi ne, %convert_element_type3A, %cond3A : i32
      scf.if %cond3A_159 {
        %add3A_211 = arith.constant 2 : i32
        %add3A_212 = arith.addi %add3A_116, %add3A_211 : i32
        %dma_start3A_213 = arith.constant 0 : i32
        %dma_start3A_214 = arith.constant 0 : i32
        %dma_start3A_215 = tpu.memref_slice %arg9[%dma_start3A_213, %dma_start3A_214] : memref<250x128xf32, #tpu.memory_space<vmem>> -> memref<64x128xf32, #tpu.memory_space<vmem>>
        %dma_start3A_216 = arith.constant 0 : i32
        %dma_start3A_217 = tpu.memref_slice %arg7[%add3A_212, %dma_start3A_216] : memref<40x125xi32, #tpu.memory_space<vmem>> -> memref<1x125xi32, #tpu.memory_space<vmem>>
        %dma_start3A_218 = tpu.memref_squeeze %dma_start3A_217 : memref<1x125xi32, #tpu.memory_space<vmem>> -> memref<125xi32, #tpu.memory_space<vmem>>
        %dma_start3A_219 = arith.constant 0 : i32
        %dma_start3A_220 = tpu.memref_slice %dma_start3A_218[%dma_start3A_219] : memref<125xi32, #tpu.memory_space<vmem>> -> memref<64xi32, #tpu.memory_space<vmem>>
        %dma_start3A_221 = arith.constant 0 : i32
        %dma_start3A_222 = arith.constant 0 : i32
        %dma_start3A_223 = tpu.memref_slice %arg2[%dma_start3A_221, %dma_start3A_222] : memref<10240x128xf32, #tpu.memory_space<hbm>> -> memref<10240x128xf32, #tpu.memory_space<hbm>>
        tpu.enqueue_indirect_dma source(%dma_start3A_223 : memref<10240x128xf32, #tpu.memory_space<hbm>>) target(%dma_start3A_215 : memref<64x128xf32, #tpu.memory_space<vmem>>) offsets(%dma_start3A_220 : memref<64xi32, #tpu.memory_space<vmem>>) semaphore(%arg11 : memref<!tpu.dma_semaphore, #tpu.memory_space<semaphore_mem>>)
        %dma_start3A_224 = arith.constant 64 : i32
        %dma_start3A_225 = arith.constant 0 : i32
        %dma_start3A_226 = tpu.memref_slice %arg9[%dma_start3A_224, %dma_start3A_225] : memref<250x128xf32, #tpu.memory_space<vmem>> -> memref<61x128xf32, #tpu.memory_space<vmem>>
        %dma_start3A_227 = arith.constant 0 : i32
        %dma_start3A_228 = tpu.memref_slice %arg7[%add3A_212, %dma_start3A_227] : memref<40x125xi32, #tpu.memory_space<vmem>> -> memref<1x125xi32, #tpu.memory_space<vmem>>
        %dma_start3A_229 = tpu.memref_squeeze %dma_start3A_228 : memref<1x125xi32, #tpu.memory_space<vmem>> -> memref<125xi32, #tpu.memory_space<vmem>>
        %dma_start3A_230 = arith.constant 64 : i32
        %dma_start3A_231 = tpu.memref_slice %dma_start3A_229[%dma_start3A_230] : memref<125xi32, #tpu.memory_space<vmem>> -> memref<61xi32, #tpu.memory_space<vmem>>
        %dma_start3A_232 = arith.constant 0 : i32
        %dma_start3A_233 = arith.constant 0 : i32
        %dma_start3A_234 = tpu.memref_slice %arg2[%dma_start3A_232, %dma_start3A_233] : memref<10240x128xf32, #tpu.memory_space<hbm>> -> memref<10240x128xf32, #tpu.memory_space<hbm>>
        tpu.enqueue_indirect_dma source(%dma_start3A_234 : memref<10240x128xf32, #tpu.memory_space<hbm>>) target(%dma_start3A_226 : memref<61x128xf32, #tpu.memory_space<vmem>>) offsets(%dma_start3A_231 : memref<61xi32, #tpu.memory_space<vmem>>) semaphore(%arg11 : memref<!tpu.dma_semaphore, #tpu.memory_space<semaphore_mem>>)
      } else {
      }
      %mul3A_160 = arith.constant 2 : i32
      %mul3A_161 = arith.muli %scan3A_112, %mul3A_160 : i32
      %add3A_162 = arith.constant 1 : i32
      %add3A_163 = arith.addi %mul3A_161, %add3A_162 : i32
      %dma_wait3A_164 = arith.constant 125 : i32
      %dma_wait3A_165 = arith.constant 0 : i32
      %dma_wait3A_166 = tpu.memref_slice %arg9[%dma_wait3A_164, %dma_wait3A_165] : memref<250x128xf32, #tpu.memory_space<vmem>> -> memref<64x128xf32, #tpu.memory_space<vmem>>
      %dma_wait3A_167 = arith.constant 0 : i32
      %dma_wait3A_168 = tpu.memref_slice %arg7[%add3A_163, %dma_wait3A_167] : memref<40x125xi32, #tpu.memory_space<vmem>> -> memref<1x125xi32, #tpu.memory_space<vmem>>
      %dma_wait3A_169 = tpu.memref_squeeze %dma_wait3A_168 : memref<1x125xi32, #tpu.memory_space<vmem>> -> memref<125xi32, #tpu.memory_space<vmem>>
      %dma_wait3A_170 = arith.constant 0 : i32
      %dma_wait3A_171 = tpu.memref_slice %dma_wait3A_169[%dma_wait3A_170] : memref<125xi32, #tpu.memory_space<vmem>> -> memref<64xi32, #tpu.memory_space<vmem>>
      %dma_wait3A_172 = arith.constant 0 : i32
      %dma_wait3A_173 = arith.constant 0 : i32
      %dma_wait3A_174 = tpu.memref_slice %arg2[%dma_wait3A_172, %dma_wait3A_173] : memref<10240x128xf32, #tpu.memory_space<hbm>> -> memref<10240x128xf32, #tpu.memory_space<hbm>>
      tpu.wait_indirect_dma semaphore(%arg12 : memref<!tpu.dma_semaphore, #tpu.memory_space<semaphore_mem>>) src(%dma_wait3A_174 : memref<10240x128xf32, #tpu.memory_space<hbm>>) dst(%dma_wait3A_166 : memref<64x128xf32, #tpu.memory_space<vmem>>)
      %dma_wait3A_175 = arith.constant 189 : i32
      %dma_wait3A_176 = arith.constant 0 : i32
      %dma_wait3A_177 = tpu.memref_slice %arg9[%dma_wait3A_175, %dma_wait3A_176] : memref<250x128xf32, #tpu.memory_space<vmem>> -> memref<61x128xf32, #tpu.memory_space<vmem>>
      %dma_wait3A_178 = arith.constant 0 : i32
      %dma_wait3A_179 = tpu.memref_slice %arg7[%add3A_163, %dma_wait3A_178] : memref<40x125xi32, #tpu.memory_space<vmem>> -> memref<1x125xi32, #tpu.memory_space<vmem>>
      %dma_wait3A_180 = tpu.memref_squeeze %dma_wait3A_179 : memref<1x125xi32, #tpu.memory_space<vmem>> -> memref<125xi32, #tpu.memory_space<vmem>>
      %dma_wait3A_181 = arith.constant 64 : i32
      %dma_wait3A_182 = tpu.memref_slice %dma_wait3A_180[%dma_wait3A_181] : memref<125xi32, #tpu.memory_space<vmem>> -> memref<61xi32, #tpu.memory_space<vmem>>
      %dma_wait3A_183 = arith.constant 0 : i32
      %dma_wait3A_184 = arith.constant 0 : i32
      %dma_wait3A_185 = tpu.memref_slice %arg2[%dma_wait3A_183, %dma_wait3A_184] : memref<10240x128xf32, #tpu.memory_space<hbm>> -> memref<10240x128xf32, #tpu.memory_space<hbm>>
      tpu.wait_indirect_dma semaphore(%arg12 : memref<!tpu.dma_semaphore, #tpu.memory_space<semaphore_mem>>) src(%dma_wait3A_185 : memref<10240x128xf32, #tpu.memory_space<hbm>>) dst(%dma_wait3A_177 : memref<61x128xf32, #tpu.memory_space<vmem>>)
      %dma_start3A_186 = arith.constant 125 : i32
      %dma_start3A_187 = arith.constant 0 : i32
      %dma_start3A_188 = tpu.memref_slice %arg9[%dma_start3A_186, %dma_start3A_187] : memref<250x128xf32, #tpu.memory_space<vmem>> -> memref<125x128xf32, #tpu.memory_space<vmem>>
      %dma_start3A_189 = arith.constant 0 : i32
      %dma_start3A_190 = tpu.memref_slice %arg8[%add3A_163, %dma_start3A_189] : memref<40x125xi32, #tpu.memory_space<vmem>> -> memref<1x125xi32, #tpu.memory_space<vmem>>
      %dma_start3A_191 = tpu.memref_squeeze %dma_start3A_190 : memref<1x125xi32, #tpu.memory_space<vmem>> -> memref<125xi32, #tpu.memory_space<vmem>>
      %dma_start3A_192 = arith.constant 0 : i32
      %dma_start3A_193 = arith.constant 0 : i32
      %dma_start3A_194 = tpu.memref_slice %arg10[%dma_start3A_192, %dma_start3A_193] : memref<10240x128xf32, #tpu.memory_space<vmem_shared>> -> memref<10240x128xf32, #tpu.memory_space<vmem_shared>>
      tpu.enqueue_indirect_dma source(%dma_start3A_188 : memref<125x128xf32, #tpu.memory_space<vmem>>) target(%dma_start3A_194 : memref<10240x128xf32, #tpu.memory_space<vmem_shared>>) offsets(%dma_start3A_191 : memref<125xi32, #tpu.memory_space<vmem>>) semaphore(%arg14 : memref<!tpu.dma_semaphore, #tpu.memory_space<semaphore_mem>>) {add = true}
      %dma_wait3A_195 = arith.constant 125 : i32
      %dma_wait3A_196 = arith.constant 0 : i32
      %dma_wait3A_197 = tpu.memref_slice %arg9[%dma_wait3A_195, %dma_wait3A_196] : memref<250x128xf32, #tpu.memory_space<vmem>> -> memref<125x128xf32, #tpu.memory_space<vmem>>
      %dma_wait3A_198 = arith.constant 0 : i32
      %dma_wait3A_199 = tpu.memref_slice %arg8[%add3A_163, %dma_wait3A_198] : memref<40x125xi32, #tpu.memory_space<vmem>> -> memref<1x125xi32, #tpu.memory_space<vmem>>
      %dma_wait3A_200 = tpu.memref_squeeze %dma_wait3A_199 : memref<1x125xi32, #tpu.memory_space<vmem>> -> memref<125xi32, #tpu.memory_space<vmem>>
      %dma_wait3A_201 = arith.constant 0 : i32
      %dma_wait3A_202 = arith.constant 0 : i32
      %dma_wait3A_203 = tpu.memref_slice %arg10[%dma_wait3A_201, %dma_wait3A_202] : memref<10240x128xf32, #tpu.memory_space<vmem_shared>> -> memref<10240x128xf32, #tpu.memory_space<vmem_shared>>
      tpu.wait_indirect_dma semaphore(%arg14 : memref<!tpu.dma_semaphore, #tpu.memory_space<semaphore_mem>>) src(%dma_wait3A_197 : memref<125x128xf32, #tpu.memory_space<vmem>>) dst(%dma_wait3A_203 : memref<10240x128xf32, #tpu.memory_space<vmem_shared>>)
      %add3A_204 = arith.constant 2 : i32
      %add3A_205 = arith.addi %add3A_163, %add3A_204 : i32
      %lt3A_206 = arith.constant 40 : i32
      %lt3A_207 = arith.cmpi slt, %add3A_205, %lt3A_206 : i32
      %convert_element_type3A_208 = arith.extui %lt3A_207 : i1 to i32
      %cond3A_209 = arith.constant 0 : i32
      %cond3A_210 = arith.cmpi ne, %convert_element_type3A_208, %cond3A_209 : i32
      scf.if %cond3A_210 {
        %add3A_211 = arith.constant 2 : i32
        %add3A_212 = arith.addi %add3A_163, %add3A_211 : i32
        %dma_start3A_213 = arith.constant 125 : i32
        %dma_start3A_214 = arith.constant 0 : i32
        %dma_start3A_215 = tpu.memref_slice %arg9[%dma_start3A_213, %dma_start3A_214] : memref<250x128xf32, #tpu.memory_space<vmem>> -> memref<64x128xf32, #tpu.memory_space<vmem>>
        %dma_start3A_216 = arith.constant 0 : i32
        %dma_start3A_217 = tpu.memref_slice %arg7[%add3A_212, %dma_start3A_216] : memref<40x125xi32, #tpu.memory_space<vmem>> -> memref<1x125xi32, #tpu.memory_space<vmem>>
        %dma_start3A_218 = tpu.memref_squeeze %dma_start3A_217 : memref<1x125xi32, #tpu.memory_space<vmem>> -> memref<125xi32, #tpu.memory_space<vmem>>
        %dma_start3A_219 = arith.constant 0 : i32
        %dma_start3A_220 = tpu.memref_slice %dma_start3A_218[%dma_start3A_219] : memref<125xi32, #tpu.memory_space<vmem>> -> memref<64xi32, #tpu.memory_space<vmem>>
        %dma_start3A_221 = arith.constant 0 : i32
        %dma_start3A_222 = arith.constant 0 : i32
        %dma_start3A_223 = tpu.memref_slice %arg2[%dma_start3A_221, %dma_start3A_222] : memref<10240x128xf32, #tpu.memory_space<hbm>> -> memref<10240x128xf32, #tpu.memory_space<hbm>>
        tpu.enqueue_indirect_dma source(%dma_start3A_223 : memref<10240x128xf32, #tpu.memory_space<hbm>>) target(%dma_start3A_215 : memref<64x128xf32, #tpu.memory_space<vmem>>) offsets(%dma_start3A_220 : memref<64xi32, #tpu.memory_space<vmem>>) semaphore(%arg12 : memref<!tpu.dma_semaphore, #tpu.memory_space<semaphore_mem>>)
        %dma_start3A_224 = arith.constant 189 : i32
        %dma_start3A_225 = arith.constant 0 : i32
        %dma_start3A_226 = tpu.memref_slice %arg9[%dma_start3A_224, %dma_start3A_225] : memref<250x128xf32, #tpu.memory_space<vmem>> -> memref<61x128xf32, #tpu.memory_space<vmem>>
        %dma_start3A_227 = arith.constant 0 : i32
        %dma_start3A_228 = tpu.memref_slice %arg7[%add3A_212, %dma_start3A_227] : memref<40x125xi32, #tpu.memory_space<vmem>> -> memref<1x125xi32, #tpu.memory_space<vmem>>
        %dma_start3A_229 = tpu.memref_squeeze %dma_start3A_228 : memref<1x125xi32, #tpu.memory_space<vmem>> -> memref<125xi32, #tpu.memory_space<vmem>>
        %dma_start3A_230 = arith.constant 64 : i32
        %dma_start3A_231 = tpu.memref_slice %dma_start3A_229[%dma_start3A_230] : memref<125xi32, #tpu.memory_space<vmem>> -> memref<61xi32, #tpu.memory_space<vmem>>
        %dma_start3A_232 = arith.constant 0 : i32
        %dma_start3A_233 = arith.constant 0 : i32
        %dma_start3A_234 = tpu.memref_slice %arg2[%dma_start3A_232, %dma_start3A_233] : memref<10240x128xf32, #tpu.memory_space<hbm>> -> memref<10240x128xf32, #tpu.memory_space<hbm>>
        tpu.enqueue_indirect_dma source(%dma_start3A_234 : memref<10240x128xf32, #tpu.memory_space<hbm>>) target(%dma_start3A_226 : memref<61x128xf32, #tpu.memory_space<vmem>>) offsets(%dma_start3A_231 : memref<61xi32, #tpu.memory_space<vmem>>) semaphore(%arg12 : memref<!tpu.dma_semaphore, #tpu.memory_space<semaphore_mem>>)
      } else {
      }
    }
    %scan3A_106 = arith.constant 20 : i32
    %barrier3A_107 = arith.constant 0 : index
    tpu.barrier barrier_id(%barrier3A_107)
    %mul3A_108 = arith.constant 640 : i32
    %mul3A_109 = arith.muli %arg1, %mul3A_108 : i32
    %mul3A_110 = arith.constant 640 : i32
    %mul3A_111 = arith.muli %arg1, %mul3A_110 : i32
    "tpu.region"() ({
      %run_scoped3A = tpu.sem_alloc : memref<!tpu.dma_semaphore, #tpu.memory_space<semaphore_mem>>
      %dma_start3A_112 = arith.constant 0 : i32
      %dma_start3A_113 = arith.constant 0 : i32
      %dma_start3A_114 = tpu.memref_slice %arg6[%arg0, %dma_start3A_112, %dma_start3A_113] : memref<2x10240x128xf32, #tpu.memory_space<hbm>> -> memref<1x10240x128xf32, #tpu.memory_space<hbm>>
      %dma_start3A_115 = tpu.memref_squeeze %dma_start3A_114 : memref<1x10240x128xf32, #tpu.memory_space<hbm>> -> memref<10240x128xf32, #tpu.memory_space<hbm>>
      %dma_start3A_116 = arith.constant 0 : i32
      %dma_start3A_117 = tpu.memref_slice %dma_start3A_115[%mul3A_111, %dma_start3A_116] : memref<10240x128xf32, #tpu.memory_space<hbm>> -> memref<640x128xf32, #tpu.memory_space<hbm>>
      %dma_start3A_118 = arith.constant 0 : i32
      %dma_start3A_119 = tpu.memref_slice %arg10[%mul3A_109, %dma_start3A_118] : memref<10240x128xf32, #tpu.memory_space<vmem_shared>> -> memref<640x128xf32, #tpu.memory_space<vmem_shared>>
      tpu.enqueue_dma source(%dma_start3A_119 : memref<640x128xf32, #tpu.memory_space<vmem_shared>>) target(%dma_start3A_117 : memref<640x128xf32, #tpu.memory_space<hbm>>) target_semaphore(%run_scoped3A : memref<!tpu.dma_semaphore, #tpu.memory_space<semaphore_mem>>)
      %dma_wait3A = arith.constant 0 : i32
      %dma_wait3A_120 = arith.constant 0 : i32
      %dma_wait3A_121 = tpu.memref_slice %arg6[%arg0, %dma_wait3A, %dma_wait3A_120] : memref<2x10240x128xf32, #tpu.memory_space<hbm>> -> memref<1x10240x128xf32, #tpu.memory_space<hbm>>
      %dma_wait3A_122 = tpu.memref_squeeze %dma_wait3A_121 : memref<1x10240x128xf32, #tpu.memory_space<hbm>> -> memref<10240x128xf32, #tpu.memory_space<hbm>>
      %dma_wait3A_123 = arith.constant 0 : i32
      %dma_wait3A_124 = tpu.memref_slice %dma_wait3A_122[%mul3A_111, %dma_wait3A_123] : memref<10240x128xf32, #tpu.memory_space<hbm>> -> memref<640x128xf32, #tpu.memory_space<hbm>>
      %dma_wait3A_125 = arith.constant 0 : i32
      %dma_wait3A_126 = tpu.memref_slice %arg10[%mul3A_109, %dma_wait3A_125] : memref<10240x128xf32, #tpu.memory_space<vmem_shared>> -> memref<640x128xf32, #tpu.memory_space<vmem_shared>>
      tpu.wait_dma2 semaphore(%run_scoped3A : memref<!tpu.dma_semaphore, #tpu.memory_space<semaphore_mem>>) src(%dma_wait3A_126 : memref<640x128xf32, #tpu.memory_space<vmem_shared>>) dst(%dma_wait3A_124 : memref<640x128xf32, #tpu.memory_space<hbm>>)
      tpu.yield
    }) : () -> ()
    return
  }
}

#map = affine_map<(d0, d1) -> (0, 0)>
#map1 = affine_map<(d0, d1) -> (0, 0, 0)>
module attributes {stable_mosaic.version = 14 : i64} {
  func.func @_pool_body(%arg0: i32, %arg1: i32, %arg2: memref<10240x128xf32, #tpu.memory_space<hbm>>, %arg3: memref<16x5x128xi32, #tpu.memory_space<hbm>>, %arg4: memref<64x128xf32, #tpu.memory_space<hbm>>, %arg5: memref<640x128xf32, #tpu.memory_space<hbm>>, %arg6: memref<64x128xf32, #tpu.memory_space<hbm>>, %arg7: memref<5x128xi32, #tpu.memory_space<vmem>>, %arg8: memref<128x128xf32, #tpu.memory_space<vmem>>, %arg9: memref<8x128xf32, #tpu.memory_space<vmem>>, %arg10: memref<8x128xf32, #tpu.memory_space<vmem>>, %arg11: memref<128x128xf32, #tpu.memory_space<vmem_shared>>) attributes {dimension_semantics = [#tpu.dimension_semantics<core_parallel>, #tpu.dimension_semantics<subcore_parallel>], iteration_bounds = array<i64: 2, 16>, scalar_prefetch = 0 : i64, scratch_operands = 5 : i64, tpu.core_type = #tpu.core_type<sc_vector_subcore>, window_params = [{transform_indices = #map}, {transform_indices = #map1}, {transform_indices = #map}, {transform_indices = #map}, {transform_indices = #map}]} {
    %eq3A = arith.constant 0 : i32
    %eq3A_0 = arith.cmpi eq, %arg0, %eq3A : i32
    %convert_element_type3A = arith.extui %eq3A_0 : i1 to i32
    %cond3A = arith.constant 0 : i32
    %cond3A_1 = arith.cmpi ne, %convert_element_type3A, %cond3A : i32
    scf.if %cond3A_1 {
      "tpu.region"() ({
        %run_scoped3A_31 = tpu.sem_alloc : memref<!tpu.dma_semaphore, #tpu.memory_space<semaphore_mem>>
        %dma_start3A = arith.constant 0 : i32
        %dma_start3A_32 = arith.constant 0 : i32
        %dma_start3A_33 = tpu.memref_slice %arg3[%arg1, %dma_start3A, %dma_start3A_32] : memref<16x5x128xi32, #tpu.memory_space<hbm>> -> memref<1x5x128xi32, #tpu.memory_space<hbm>>
        %dma_start3A_34 = tpu.memref_squeeze %dma_start3A_33 : memref<1x5x128xi32, #tpu.memory_space<hbm>> -> memref<5x128xi32, #tpu.memory_space<hbm>>
        %dma_start3A_35 = arith.constant 0 : i32
        %dma_start3A_36 = arith.constant 0 : i32
        %dma_start3A_37 = tpu.memref_slice %arg3[%arg1, %dma_start3A_35, %dma_start3A_36] : memref<16x5x128xi32, #tpu.memory_space<hbm>> -> memref<1x5x128xi32, #tpu.memory_space<hbm>>
        %dma_start3A_38 = tpu.memref_squeeze %dma_start3A_37 : memref<1x5x128xi32, #tpu.memory_space<hbm>> -> memref<5x128xi32, #tpu.memory_space<hbm>>
        tpu.enqueue_dma source(%dma_start3A_38 : memref<5x128xi32, #tpu.memory_space<hbm>>) target(%arg7 : memref<5x128xi32, #tpu.memory_space<vmem>>) target_semaphore(%run_scoped3A_31 : memref<!tpu.dma_semaphore, #tpu.memory_space<semaphore_mem>>)
        %dma_wait3A = arith.constant 0 : i32
        %dma_wait3A_39 = arith.constant 0 : i32
        %dma_wait3A_40 = tpu.memref_slice %arg3[%arg1, %dma_wait3A, %dma_wait3A_39] : memref<16x5x128xi32, #tpu.memory_space<hbm>> -> memref<1x5x128xi32, #tpu.memory_space<hbm>>
        %dma_wait3A_41 = tpu.memref_squeeze %dma_wait3A_40 : memref<1x5x128xi32, #tpu.memory_space<hbm>> -> memref<5x128xi32, #tpu.memory_space<hbm>>
        %dma_wait3A_42 = arith.constant 0 : i32
        %dma_wait3A_43 = arith.constant 0 : i32
        %dma_wait3A_44 = tpu.memref_slice %arg3[%arg1, %dma_wait3A_42, %dma_wait3A_43] : memref<16x5x128xi32, #tpu.memory_space<hbm>> -> memref<1x5x128xi32, #tpu.memory_space<hbm>>
        %dma_wait3A_45 = tpu.memref_squeeze %dma_wait3A_44 : memref<1x5x128xi32, #tpu.memory_space<hbm>> -> memref<5x128xi32, #tpu.memory_space<hbm>>
        tpu.wait_dma2 semaphore(%run_scoped3A_31 : memref<!tpu.dma_semaphore, #tpu.memory_space<semaphore_mem>>) src(%dma_wait3A_45 : memref<5x128xi32, #tpu.memory_space<hbm>>) dst(%arg7 : memref<5x128xi32, #tpu.memory_space<vmem>>)
        tpu.yield
      }) : () -> ()
      %mul3A = arith.constant 8 : i32
      %mul3A_2 = arith.muli %arg1, %mul3A : i32
      "tpu.region"() ({
        %run_scoped3A_31 = tpu.sem_alloc : memref<!tpu.dma_semaphore, #tpu.memory_space<semaphore_mem>>
        %dma_start3A = arith.constant 0 : i32
        %dma_start3A_32 = tpu.memref_slice %arg11[%mul3A_2, %dma_start3A] : memref<128x128xf32, #tpu.memory_space<vmem_shared>> -> memref<8x128xf32, #tpu.memory_space<vmem_shared>>
        %dma_start3A_33 = arith.constant 0 : i32
        %dma_start3A_34 = arith.constant 0 : i32
        %dma_start3A_35 = tpu.memref_slice %arg5[%dma_start3A_33, %dma_start3A_34] : memref<640x128xf32, #tpu.memory_space<hbm>> -> memref<8x128xf32, #tpu.memory_space<hbm>>
        tpu.enqueue_dma source(%dma_start3A_35 : memref<8x128xf32, #tpu.memory_space<hbm>>) target(%dma_start3A_32 : memref<8x128xf32, #tpu.memory_space<vmem_shared>>) target_semaphore(%run_scoped3A_31 : memref<!tpu.dma_semaphore, #tpu.memory_space<semaphore_mem>>)
        %dma_wait3A = arith.constant 0 : i32
        %dma_wait3A_36 = tpu.memref_slice %arg11[%mul3A_2, %dma_wait3A] : memref<128x128xf32, #tpu.memory_space<vmem_shared>> -> memref<8x128xf32, #tpu.memory_space<vmem_shared>>
        %dma_wait3A_37 = arith.constant 0 : i32
        %dma_wait3A_38 = arith.constant 0 : i32
        %dma_wait3A_39 = tpu.memref_slice %arg5[%dma_wait3A_37, %dma_wait3A_38] : memref<640x128xf32, #tpu.memory_space<hbm>> -> memref<8x128xf32, #tpu.memory_space<hbm>>
        tpu.wait_dma2 semaphore(%run_scoped3A_31 : memref<!tpu.dma_semaphore, #tpu.memory_space<semaphore_mem>>) src(%dma_wait3A_39 : memref<8x128xf32, #tpu.memory_space<hbm>>) dst(%dma_wait3A_36 : memref<8x128xf32, #tpu.memory_space<vmem_shared>>)
        tpu.yield
      }) : () -> ()
      %barrier3A = arith.constant 0 : index
      tpu.barrier barrier_id(%barrier3A)
      %mul3A_3 = arith.constant 640 : i32
      %mul3A_4 = arith.muli %arg1, %mul3A_3 : i32
      %add3A = arith.constant 0 : i32
      %add3A_5 = arith.addi %mul3A_4, %add3A : i32
      "tpu.region"() ({
        %run_scoped3A_31 = tpu.sem_alloc : memref<!tpu.dma_semaphore, #tpu.memory_space<semaphore_mem>>
        %dma_start3A = arith.constant 0 : i32
        %dma_start3A_32 = tpu.memref_slice %arg2[%add3A_5, %dma_start3A] : memref<10240x128xf32, #tpu.memory_space<hbm>> -> memref<128x128xf32, #tpu.memory_space<hbm>>
        %dma_start3A_33 = arith.constant 0 : i32
        %dma_start3A_34 = tpu.memref_slice %arg2[%add3A_5, %dma_start3A_33] : memref<10240x128xf32, #tpu.memory_space<hbm>> -> memref<128x128xf32, #tpu.memory_space<hbm>>
        tpu.enqueue_dma source(%dma_start3A_34 : memref<128x128xf32, #tpu.memory_space<hbm>>) target(%arg8 : memref<128x128xf32, #tpu.memory_space<vmem>>) target_semaphore(%run_scoped3A_31 : memref<!tpu.dma_semaphore, #tpu.memory_space<semaphore_mem>>)
        %dma_wait3A = arith.constant 0 : i32
        %dma_wait3A_35 = tpu.memref_slice %arg2[%add3A_5, %dma_wait3A] : memref<10240x128xf32, #tpu.memory_space<hbm>> -> memref<128x128xf32, #tpu.memory_space<hbm>>
        %dma_wait3A_36 = arith.constant 0 : i32
        %dma_wait3A_37 = tpu.memref_slice %arg2[%add3A_5, %dma_wait3A_36] : memref<10240x128xf32, #tpu.memory_space<hbm>> -> memref<128x128xf32, #tpu.memory_space<hbm>>
        tpu.wait_dma2 semaphore(%run_scoped3A_31 : memref<!tpu.dma_semaphore, #tpu.memory_space<semaphore_mem>>) src(%dma_wait3A_37 : memref<128x128xf32, #tpu.memory_space<hbm>>) dst(%arg8 : memref<128x128xf32, #tpu.memory_space<vmem>>)
        tpu.yield
      }) : () -> ()
      %run_scoped3A = arith.constant 0 : i32
      "tpu.region"() ({
        %run_scoped3A_31 = tpu.sem_alloc : memref<!tpu.dma_semaphore, #tpu.memory_space<semaphore_mem>>
        %dma_start3A = arith.constant 0 : i32
        %dma_start3A_32 = tpu.memref_slice %arg7[%run_scoped3A, %dma_start3A] : memref<5x128xi32, #tpu.memory_space<vmem>> -> memref<1x128xi32, #tpu.memory_space<vmem>>
        %dma_start3A_33 = tpu.memref_squeeze %dma_start3A_32 : memref<1x128xi32, #tpu.memory_space<vmem>> -> memref<128xi32, #tpu.memory_space<vmem>>
        %dma_start3A_34 = arith.constant 0 : i32
        %dma_start3A_35 = arith.constant 0 : i32
        %dma_start3A_36 = tpu.memref_slice %arg11[%dma_start3A_34, %dma_start3A_35] : memref<128x128xf32, #tpu.memory_space<vmem_shared>> -> memref<128x128xf32, #tpu.memory_space<vmem_shared>>
        tpu.enqueue_indirect_dma source(%arg8 : memref<128x128xf32, #tpu.memory_space<vmem>>) target(%dma_start3A_36 : memref<128x128xf32, #tpu.memory_space<vmem_shared>>) offsets(%dma_start3A_33 : memref<128xi32, #tpu.memory_space<vmem>>) semaphore(%run_scoped3A_31 : memref<!tpu.dma_semaphore, #tpu.memory_space<semaphore_mem>>) {add = true}
        %dma_wait3A = arith.constant 0 : i32
        %dma_wait3A_37 = tpu.memref_slice %arg7[%run_scoped3A, %dma_wait3A] : memref<5x128xi32, #tpu.memory_space<vmem>> -> memref<1x128xi32, #tpu.memory_space<vmem>>
        %dma_wait3A_38 = tpu.memref_squeeze %dma_wait3A_37 : memref<1x128xi32, #tpu.memory_space<vmem>> -> memref<128xi32, #tpu.memory_space<vmem>>
        %dma_wait3A_39 = arith.constant 0 : i32
        %dma_wait3A_40 = arith.constant 0 : i32
        %dma_wait3A_41 = tpu.memref_slice %arg11[%dma_wait3A_39, %dma_wait3A_40] : memref<128x128xf32, #tpu.memory_space<vmem_shared>> -> memref<128x128xf32, #tpu.memory_space<vmem_shared>>
        tpu.wait_indirect_dma semaphore(%run_scoped3A_31 : memref<!tpu.dma_semaphore, #tpu.memory_space<semaphore_mem>>) src(%arg8 : memref<128x128xf32, #tpu.memory_space<vmem>>) dst(%dma_wait3A_41 : memref<128x128xf32, #tpu.memory_space<vmem_shared>>)
        tpu.yield
      }) : () -> ()
      %mul3A_6 = arith.constant 640 : i32
      %mul3A_7 = arith.muli %arg1, %mul3A_6 : i32
      %add3A_8 = arith.constant 128 : i32
      %add3A_9 = arith.addi %mul3A_7, %add3A_8 : i32
      "tpu.region"() ({
        %run_scoped3A_31 = tpu.sem_alloc : memref<!tpu.dma_semaphore, #tpu.memory_space<semaphore_mem>>
        %dma_start3A = arith.constant 0 : i32
        %dma_start3A_32 = tpu.memref_slice %arg2[%add3A_9, %dma_start3A] : memref<10240x128xf32, #tpu.memory_space<hbm>> -> memref<128x128xf32, #tpu.memory_space<hbm>>
        %dma_start3A_33 = arith.constant 0 : i32
        %dma_start3A_34 = tpu.memref_slice %arg2[%add3A_9, %dma_start3A_33] : memref<10240x128xf32, #tpu.memory_space<hbm>> -> memref<128x128xf32, #tpu.memory_space<hbm>>
        tpu.enqueue_dma source(%dma_start3A_34 : memref<128x128xf32, #tpu.memory_space<hbm>>) target(%arg8 : memref<128x128xf32, #tpu.memory_space<vmem>>) target_semaphore(%run_scoped3A_31 : memref<!tpu.dma_semaphore, #tpu.memory_space<semaphore_mem>>)
        %dma_wait3A = arith.constant 0 : i32
        %dma_wait3A_35 = tpu.memref_slice %arg2[%add3A_9, %dma_wait3A] : memref<10240x128xf32, #tpu.memory_space<hbm>> -> memref<128x128xf32, #tpu.memory_space<hbm>>
        %dma_wait3A_36 = arith.constant 0 : i32
        %dma_wait3A_37 = tpu.memref_slice %arg2[%add3A_9, %dma_wait3A_36] : memref<10240x128xf32, #tpu.memory_space<hbm>> -> memref<128x128xf32, #tpu.memory_space<hbm>>
        tpu.wait_dma2 semaphore(%run_scoped3A_31 : memref<!tpu.dma_semaphore, #tpu.memory_space<semaphore_mem>>) src(%dma_wait3A_37 : memref<128x128xf32, #tpu.memory_space<hbm>>) dst(%arg8 : memref<128x128xf32, #tpu.memory_space<vmem>>)
        tpu.yield
      }) : () -> ()
      %run_scoped3A_10 = arith.constant 1 : i32
      "tpu.region"() ({
        %run_scoped3A_31 = tpu.sem_alloc : memref<!tpu.dma_semaphore, #tpu.memory_space<semaphore_mem>>
        %dma_start3A = arith.constant 0 : i32
        %dma_start3A_32 = tpu.memref_slice %arg7[%run_scoped3A_10, %dma_start3A] : memref<5x128xi32, #tpu.memory_space<vmem>> -> memref<1x128xi32, #tpu.memory_space<vmem>>
        %dma_start3A_33 = tpu.memref_squeeze %dma_start3A_32 : memref<1x128xi32, #tpu.memory_space<vmem>> -> memref<128xi32, #tpu.memory_space<vmem>>
        %dma_start3A_34 = arith.constant 0 : i32
        %dma_start3A_35 = arith.constant 0 : i32
        %dma_start3A_36 = tpu.memref_slice %arg11[%dma_start3A_34, %dma_start3A_35] : memref<128x128xf32, #tpu.memory_space<vmem_shared>> -> memref<128x128xf32, #tpu.memory_space<vmem_shared>>
        tpu.enqueue_indirect_dma source(%arg8 : memref<128x128xf32, #tpu.memory_space<vmem>>) target(%dma_start3A_36 : memref<128x128xf32, #tpu.memory_space<vmem_shared>>) offsets(%dma_start3A_33 : memref<128xi32, #tpu.memory_space<vmem>>) semaphore(%run_scoped3A_31 : memref<!tpu.dma_semaphore, #tpu.memory_space<semaphore_mem>>) {add = true}
        %dma_wait3A = arith.constant 0 : i32
        %dma_wait3A_37 = tpu.memref_slice %arg7[%run_scoped3A_10, %dma_wait3A] : memref<5x128xi32, #tpu.memory_space<vmem>> -> memref<1x128xi32, #tpu.memory_space<vmem>>
        %dma_wait3A_38 = tpu.memref_squeeze %dma_wait3A_37 : memref<1x128xi32, #tpu.memory_space<vmem>> -> memref<128xi32, #tpu.memory_space<vmem>>
        %dma_wait3A_39 = arith.constant 0 : i32
        %dma_wait3A_40 = arith.constant 0 : i32
        %dma_wait3A_41 = tpu.memref_slice %arg11[%dma_wait3A_39, %dma_wait3A_40] : memref<128x128xf32, #tpu.memory_space<vmem_shared>> -> memref<128x128xf32, #tpu.memory_space<vmem_shared>>
        tpu.wait_indirect_dma semaphore(%run_scoped3A_31 : memref<!tpu.dma_semaphore, #tpu.memory_space<semaphore_mem>>) src(%arg8 : memref<128x128xf32, #tpu.memory_space<vmem>>) dst(%dma_wait3A_41 : memref<128x128xf32, #tpu.memory_space<vmem_shared>>)
        tpu.yield
      }) : () -> ()
      %mul3A_11 = arith.constant 640 : i32
      %mul3A_12 = arith.muli %arg1, %mul3A_11 : i32
      %add3A_13 = arith.constant 256 : i32
      %add3A_14 = arith.addi %mul3A_12, %add3A_13 : i32
      "tpu.region"() ({
        %run_scoped3A_31 = tpu.sem_alloc : memref<!tpu.dma_semaphore, #tpu.memory_space<semaphore_mem>>
        %dma_start3A = arith.constant 0 : i32
        %dma_start3A_32 = tpu.memref_slice %arg2[%add3A_14, %dma_start3A] : memref<10240x128xf32, #tpu.memory_space<hbm>> -> memref<128x128xf32, #tpu.memory_space<hbm>>
        %dma_start3A_33 = arith.constant 0 : i32
        %dma_start3A_34 = tpu.memref_slice %arg2[%add3A_14, %dma_start3A_33] : memref<10240x128xf32, #tpu.memory_space<hbm>> -> memref<128x128xf32, #tpu.memory_space<hbm>>
        tpu.enqueue_dma source(%dma_start3A_34 : memref<128x128xf32, #tpu.memory_space<hbm>>) target(%arg8 : memref<128x128xf32, #tpu.memory_space<vmem>>) target_semaphore(%run_scoped3A_31 : memref<!tpu.dma_semaphore, #tpu.memory_space<semaphore_mem>>)
        %dma_wait3A = arith.constant 0 : i32
        %dma_wait3A_35 = tpu.memref_slice %arg2[%add3A_14, %dma_wait3A] : memref<10240x128xf32, #tpu.memory_space<hbm>> -> memref<128x128xf32, #tpu.memory_space<hbm>>
        %dma_wait3A_36 = arith.constant 0 : i32
        %dma_wait3A_37 = tpu.memref_slice %arg2[%add3A_14, %dma_wait3A_36] : memref<10240x128xf32, #tpu.memory_space<hbm>> -> memref<128x128xf32, #tpu.memory_space<hbm>>
        tpu.wait_dma2 semaphore(%run_scoped3A_31 : memref<!tpu.dma_semaphore, #tpu.memory_space<semaphore_mem>>) src(%dma_wait3A_37 : memref<128x128xf32, #tpu.memory_space<hbm>>) dst(%arg8 : memref<128x128xf32, #tpu.memory_space<vmem>>)
        tpu.yield
      }) : () -> ()
      %run_scoped3A_15 = arith.constant 2 : i32
      "tpu.region"() ({
        %run_scoped3A_31 = tpu.sem_alloc : memref<!tpu.dma_semaphore, #tpu.memory_space<semaphore_mem>>
        %dma_start3A = arith.constant 0 : i32
        %dma_start3A_32 = tpu.memref_slice %arg7[%run_scoped3A_15, %dma_start3A] : memref<5x128xi32, #tpu.memory_space<vmem>> -> memref<1x128xi32, #tpu.memory_space<vmem>>
        %dma_start3A_33 = tpu.memref_squeeze %dma_start3A_32 : memref<1x128xi32, #tpu.memory_space<vmem>> -> memref<128xi32, #tpu.memory_space<vmem>>
        %dma_start3A_34 = arith.constant 0 : i32
        %dma_start3A_35 = arith.constant 0 : i32
        %dma_start3A_36 = tpu.memref_slice %arg11[%dma_start3A_34, %dma_start3A_35] : memref<128x128xf32, #tpu.memory_space<vmem_shared>> -> memref<128x128xf32, #tpu.memory_space<vmem_shared>>
        tpu.enqueue_indirect_dma source(%arg8 : memref<128x128xf32, #tpu.memory_space<vmem>>) target(%dma_start3A_36 : memref<128x128xf32, #tpu.memory_space<vmem_shared>>) offsets(%dma_start3A_33 : memref<128xi32, #tpu.memory_space<vmem>>) semaphore(%run_scoped3A_31 : memref<!tpu.dma_semaphore, #tpu.memory_space<semaphore_mem>>) {add = true}
        %dma_wait3A = arith.constant 0 : i32
        %dma_wait3A_37 = tpu.memref_slice %arg7[%run_scoped3A_15, %dma_wait3A] : memref<5x128xi32, #tpu.memory_space<vmem>> -> memref<1x128xi32, #tpu.memory_space<vmem>>
        %dma_wait3A_38 = tpu.memref_squeeze %dma_wait3A_37 : memref<1x128xi32, #tpu.memory_space<vmem>> -> memref<128xi32, #tpu.memory_space<vmem>>
        %dma_wait3A_39 = arith.constant 0 : i32
        %dma_wait3A_40 = arith.constant 0 : i32
        %dma_wait3A_41 = tpu.memref_slice %arg11[%dma_wait3A_39, %dma_wait3A_40] : memref<128x128xf32, #tpu.memory_space<vmem_shared>> -> memref<128x128xf32, #tpu.memory_space<vmem_shared>>
        tpu.wait_indirect_dma semaphore(%run_scoped3A_31 : memref<!tpu.dma_semaphore, #tpu.memory_space<semaphore_mem>>) src(%arg8 : memref<128x128xf32, #tpu.memory_space<vmem>>) dst(%dma_wait3A_41 : memref<128x128xf32, #tpu.memory_space<vmem_shared>>)
        tpu.yield
      }) : () -> ()
      %mul3A_16 = arith.constant 640 : i32
      %mul3A_17 = arith.muli %arg1, %mul3A_16 : i32
      %add3A_18 = arith.constant 384 : i32
      %add3A_19 = arith.addi %mul3A_17, %add3A_18 : i32
      "tpu.region"() ({
        %run_scoped3A_31 = tpu.sem_alloc : memref<!tpu.dma_semaphore, #tpu.memory_space<semaphore_mem>>
        %dma_start3A = arith.constant 0 : i32
        %dma_start3A_32 = tpu.memref_slice %arg2[%add3A_19, %dma_start3A] : memref<10240x128xf32, #tpu.memory_space<hbm>> -> memref<128x128xf32, #tpu.memory_space<hbm>>
        %dma_start3A_33 = arith.constant 0 : i32
        %dma_start3A_34 = tpu.memref_slice %arg2[%add3A_19, %dma_start3A_33] : memref<10240x128xf32, #tpu.memory_space<hbm>> -> memref<128x128xf32, #tpu.memory_space<hbm>>
        tpu.enqueue_dma source(%dma_start3A_34 : memref<128x128xf32, #tpu.memory_space<hbm>>) target(%arg8 : memref<128x128xf32, #tpu.memory_space<vmem>>) target_semaphore(%run_scoped3A_31 : memref<!tpu.dma_semaphore, #tpu.memory_space<semaphore_mem>>)
        %dma_wait3A = arith.constant 0 : i32
        %dma_wait3A_35 = tpu.memref_slice %arg2[%add3A_19, %dma_wait3A] : memref<10240x128xf32, #tpu.memory_space<hbm>> -> memref<128x128xf32, #tpu.memory_space<hbm>>
        %dma_wait3A_36 = arith.constant 0 : i32
        %dma_wait3A_37 = tpu.memref_slice %arg2[%add3A_19, %dma_wait3A_36] : memref<10240x128xf32, #tpu.memory_space<hbm>> -> memref<128x128xf32, #tpu.memory_space<hbm>>
        tpu.wait_dma2 semaphore(%run_scoped3A_31 : memref<!tpu.dma_semaphore, #tpu.memory_space<semaphore_mem>>) src(%dma_wait3A_37 : memref<128x128xf32, #tpu.memory_space<hbm>>) dst(%arg8 : memref<128x128xf32, #tpu.memory_space<vmem>>)
        tpu.yield
      }) : () -> ()
      %run_scoped3A_20 = arith.constant 3 : i32
      "tpu.region"() ({
        %run_scoped3A_31 = tpu.sem_alloc : memref<!tpu.dma_semaphore, #tpu.memory_space<semaphore_mem>>
        %dma_start3A = arith.constant 0 : i32
        %dma_start3A_32 = tpu.memref_slice %arg7[%run_scoped3A_20, %dma_start3A] : memref<5x128xi32, #tpu.memory_space<vmem>> -> memref<1x128xi32, #tpu.memory_space<vmem>>
        %dma_start3A_33 = tpu.memref_squeeze %dma_start3A_32 : memref<1x128xi32, #tpu.memory_space<vmem>> -> memref<128xi32, #tpu.memory_space<vmem>>
        %dma_start3A_34 = arith.constant 0 : i32
        %dma_start3A_35 = arith.constant 0 : i32
        %dma_start3A_36 = tpu.memref_slice %arg11[%dma_start3A_34, %dma_start3A_35] : memref<128x128xf32, #tpu.memory_space<vmem_shared>> -> memref<128x128xf32, #tpu.memory_space<vmem_shared>>
        tpu.enqueue_indirect_dma source(%arg8 : memref<128x128xf32, #tpu.memory_space<vmem>>) target(%dma_start3A_36 : memref<128x128xf32, #tpu.memory_space<vmem_shared>>) offsets(%dma_start3A_33 : memref<128xi32, #tpu.memory_space<vmem>>) semaphore(%run_scoped3A_31 : memref<!tpu.dma_semaphore, #tpu.memory_space<semaphore_mem>>) {add = true}
        %dma_wait3A = arith.constant 0 : i32
        %dma_wait3A_37 = tpu.memref_slice %arg7[%run_scoped3A_20, %dma_wait3A] : memref<5x128xi32, #tpu.memory_space<vmem>> -> memref<1x128xi32, #tpu.memory_space<vmem>>
        %dma_wait3A_38 = tpu.memref_squeeze %dma_wait3A_37 : memref<1x128xi32, #tpu.memory_space<vmem>> -> memref<128xi32, #tpu.memory_space<vmem>>
        %dma_wait3A_39 = arith.constant 0 : i32
        %dma_wait3A_40 = arith.constant 0 : i32
        %dma_wait3A_41 = tpu.memref_slice %arg11[%dma_wait3A_39, %dma_wait3A_40] : memref<128x128xf32, #tpu.memory_space<vmem_shared>> -> memref<128x128xf32, #tpu.memory_space<vmem_shared>>
        tpu.wait_indirect_dma semaphore(%run_scoped3A_31 : memref<!tpu.dma_semaphore, #tpu.memory_space<semaphore_mem>>) src(%arg8 : memref<128x128xf32, #tpu.memory_space<vmem>>) dst(%dma_wait3A_41 : memref<128x128xf32, #tpu.memory_space<vmem_shared>>)
        tpu.yield
      }) : () -> ()
      %mul3A_21 = arith.constant 640 : i32
      %mul3A_22 = arith.muli %arg1, %mul3A_21 : i32
      %add3A_23 = arith.constant 512 : i32
      %add3A_24 = arith.addi %mul3A_22, %add3A_23 : i32
      "tpu.region"() ({
        %run_scoped3A_31 = tpu.sem_alloc : memref<!tpu.dma_semaphore, #tpu.memory_space<semaphore_mem>>
        %dma_start3A = arith.constant 0 : i32
        %dma_start3A_32 = tpu.memref_slice %arg2[%add3A_24, %dma_start3A] : memref<10240x128xf32, #tpu.memory_space<hbm>> -> memref<128x128xf32, #tpu.memory_space<hbm>>
        %dma_start3A_33 = arith.constant 0 : i32
        %dma_start3A_34 = tpu.memref_slice %arg2[%add3A_24, %dma_start3A_33] : memref<10240x128xf32, #tpu.memory_space<hbm>> -> memref<128x128xf32, #tpu.memory_space<hbm>>
        tpu.enqueue_dma source(%dma_start3A_34 : memref<128x128xf32, #tpu.memory_space<hbm>>) target(%arg8 : memref<128x128xf32, #tpu.memory_space<vmem>>) target_semaphore(%run_scoped3A_31 : memref<!tpu.dma_semaphore, #tpu.memory_space<semaphore_mem>>)
        %dma_wait3A = arith.constant 0 : i32
        %dma_wait3A_35 = tpu.memref_slice %arg2[%add3A_24, %dma_wait3A] : memref<10240x128xf32, #tpu.memory_space<hbm>> -> memref<128x128xf32, #tpu.memory_space<hbm>>
        %dma_wait3A_36 = arith.constant 0 : i32
        %dma_wait3A_37 = tpu.memref_slice %arg2[%add3A_24, %dma_wait3A_36] : memref<10240x128xf32, #tpu.memory_space<hbm>> -> memref<128x128xf32, #tpu.memory_space<hbm>>
        tpu.wait_dma2 semaphore(%run_scoped3A_31 : memref<!tpu.dma_semaphore, #tpu.memory_space<semaphore_mem>>) src(%dma_wait3A_37 : memref<128x128xf32, #tpu.memory_space<hbm>>) dst(%arg8 : memref<128x128xf32, #tpu.memory_space<vmem>>)
        tpu.yield
      }) : () -> ()
      %run_scoped3A_25 = arith.constant 4 : i32
      "tpu.region"() ({
        %run_scoped3A_31 = tpu.sem_alloc : memref<!tpu.dma_semaphore, #tpu.memory_space<semaphore_mem>>
        %dma_start3A = arith.constant 0 : i32
        %dma_start3A_32 = tpu.memref_slice %arg7[%run_scoped3A_25, %dma_start3A] : memref<5x128xi32, #tpu.memory_space<vmem>> -> memref<1x128xi32, #tpu.memory_space<vmem>>
        %dma_start3A_33 = tpu.memref_squeeze %dma_start3A_32 : memref<1x128xi32, #tpu.memory_space<vmem>> -> memref<128xi32, #tpu.memory_space<vmem>>
        %dma_start3A_34 = arith.constant 0 : i32
        %dma_start3A_35 = arith.constant 0 : i32
        %dma_start3A_36 = tpu.memref_slice %arg11[%dma_start3A_34, %dma_start3A_35] : memref<128x128xf32, #tpu.memory_space<vmem_shared>> -> memref<128x128xf32, #tpu.memory_space<vmem_shared>>
        tpu.enqueue_indirect_dma source(%arg8 : memref<128x128xf32, #tpu.memory_space<vmem>>) target(%dma_start3A_36 : memref<128x128xf32, #tpu.memory_space<vmem_shared>>) offsets(%dma_start3A_33 : memref<128xi32, #tpu.memory_space<vmem>>) semaphore(%run_scoped3A_31 : memref<!tpu.dma_semaphore, #tpu.memory_space<semaphore_mem>>) {add = true}
        %dma_wait3A = arith.constant 0 : i32
        %dma_wait3A_37 = tpu.memref_slice %arg7[%run_scoped3A_25, %dma_wait3A] : memref<5x128xi32, #tpu.memory_space<vmem>> -> memref<1x128xi32, #tpu.memory_space<vmem>>
        %dma_wait3A_38 = tpu.memref_squeeze %dma_wait3A_37 : memref<1x128xi32, #tpu.memory_space<vmem>> -> memref<128xi32, #tpu.memory_space<vmem>>
        %dma_wait3A_39 = arith.constant 0 : i32
        %dma_wait3A_40 = arith.constant 0 : i32
        %dma_wait3A_41 = tpu.memref_slice %arg11[%dma_wait3A_39, %dma_wait3A_40] : memref<128x128xf32, #tpu.memory_space<vmem_shared>> -> memref<128x128xf32, #tpu.memory_space<vmem_shared>>
        tpu.wait_indirect_dma semaphore(%run_scoped3A_31 : memref<!tpu.dma_semaphore, #tpu.memory_space<semaphore_mem>>) src(%arg8 : memref<128x128xf32, #tpu.memory_space<vmem>>) dst(%dma_wait3A_41 : memref<128x128xf32, #tpu.memory_space<vmem_shared>>)
        tpu.yield
      }) : () -> ()
      %barrier3A_26 = arith.constant 0 : index
      tpu.barrier barrier_id(%barrier3A_26)
      %lt3A = arith.constant 8 : i32
      %lt3A_27 = arith.cmpi slt, %arg1, %lt3A : i32
      %convert_element_type3A_28 = arith.extui %lt3A_27 : i1 to i32
      %cond3A_29 = arith.constant 0 : i32
      %cond3A_30 = arith.cmpi ne, %convert_element_type3A_28, %cond3A_29 : i32
      scf.if %cond3A_30 {
        %mul3A_31 = arith.constant 8 : i32
        %mul3A_32 = arith.muli %arg1, %mul3A_31 : i32
        "tpu.region"() ({
          %run_scoped3A_889 = tpu.sem_alloc : memref<!tpu.dma_semaphore, #tpu.memory_space<semaphore_mem>>
          %dma_start3A = arith.constant 0 : i32
          %dma_start3A_890 = tpu.memref_slice %arg11[%mul3A_32, %dma_start3A] : memref<128x128xf32, #tpu.memory_space<vmem_shared>> -> memref<8x128xf32, #tpu.memory_space<vmem_shared>>
          %dma_start3A_891 = arith.constant 0 : i32
          %dma_start3A_892 = tpu.memref_slice %arg11[%mul3A_32, %dma_start3A_891] : memref<128x128xf32, #tpu.memory_space<vmem_shared>> -> memref<8x128xf32, #tpu.memory_space<vmem_shared>>
          tpu.enqueue_dma source(%dma_start3A_892 : memref<8x128xf32, #tpu.memory_space<vmem_shared>>) target(%arg9 : memref<8x128xf32, #tpu.memory_space<vmem>>) target_semaphore(%run_scoped3A_889 : memref<!tpu.dma_semaphore, #tpu.memory_space<semaphore_mem>>)
          %dma_wait3A = arith.constant 0 : i32
          %dma_wait3A_893 = tpu.memref_slice %arg11[%mul3A_32, %dma_wait3A] : memref<128x128xf32, #tpu.memory_space<vmem_shared>> -> memref<8x128xf32, #tpu.memory_space<vmem_shared>>
          %dma_wait3A_894 = arith.constant 0 : i32
          %dma_wait3A_895 = tpu.memref_slice %arg11[%mul3A_32, %dma_wait3A_894] : memref<128x128xf32, #tpu.memory_space<vmem_shared>> -> memref<8x128xf32, #tpu.memory_space<vmem_shared>>
          tpu.wait_dma2 semaphore(%run_scoped3A_889 : memref<!tpu.dma_semaphore, #tpu.memory_space<semaphore_mem>>) src(%dma_wait3A_895 : memref<8x128xf32, #tpu.memory_space<vmem_shared>>) dst(%arg9 : memref<8x128xf32, #tpu.memory_space<vmem>>)
          tpu.yield
        }) : () -> ()
        %mul3A_33 = arith.constant 8 : i32
        %mul3A_34 = arith.muli %arg1, %mul3A_33 : i32
        "tpu.region"() ({
          %run_scoped3A_889 = tpu.sem_alloc : memref<!tpu.dma_semaphore, #tpu.memory_space<semaphore_mem>>
          %dma_start3A = arith.constant 0 : i32
          %dma_start3A_890 = tpu.memref_slice %arg4[%mul3A_34, %dma_start3A] : memref<64x128xf32, #tpu.memory_space<hbm>> -> memref<8x128xf32, #tpu.memory_space<hbm>>
          %dma_start3A_891 = arith.constant 0 : i32
          %dma_start3A_892 = tpu.memref_slice %arg4[%mul3A_34, %dma_start3A_891] : memref<64x128xf32, #tpu.memory_space<hbm>> -> memref<8x128xf32, #tpu.memory_space<hbm>>
          tpu.enqueue_dma source(%dma_start3A_892 : memref<8x128xf32, #tpu.memory_space<hbm>>) target(%arg10 : memref<8x128xf32, #tpu.memory_space<vmem>>) target_semaphore(%run_scoped3A_889 : memref<!tpu.dma_semaphore, #tpu.memory_space<semaphore_mem>>)
          %dma_wait3A = arith.constant 0 : i32
          %dma_wait3A_893 = tpu.memref_slice %arg4[%mul3A_34, %dma_wait3A] : memref<64x128xf32, #tpu.memory_space<hbm>> -> memref<8x128xf32, #tpu.memory_space<hbm>>
          %dma_wait3A_894 = arith.constant 0 : i32
          %dma_wait3A_895 = tpu.memref_slice %arg4[%mul3A_34, %dma_wait3A_894] : memref<64x128xf32, #tpu.memory_space<hbm>> -> memref<8x128xf32, #tpu.memory_space<hbm>>
          tpu.wait_dma2 semaphore(%run_scoped3A_889 : memref<!tpu.dma_semaphore, #tpu.memory_space<semaphore_mem>>) src(%dma_wait3A_895 : memref<8x128xf32, #tpu.memory_space<hbm>>) dst(%arg10 : memref<8x128xf32, #tpu.memory_space<vmem>>)
          tpu.yield
        }) : () -> ()
        %get3A = arith.constant 0 : i32
        %get3A_35 = arith.index_cast %get3A : i32 to index
        %get3A_36 = arith.constant 0 : index
        %get3A_37 = tpu.vector_load %arg10[%get3A_35, %get3A_36] {strides = array<i32>} : memref<8x128xf32, #tpu.memory_space<vmem>>, vector<1x16xf32>,
        %get3A_38 = vector.shape_cast %get3A_37 : vector<1x16xf32> to vector<16xf32>
        %max3A = arith.constant 1.000000e+00 : f32
        %max3A_39 = vector.broadcast %max3A : f32 to vector<16xf32>
        %max3A_40 = arith.maximumf %get3A_38, %max3A_39 : vector<16xf32>
        %div3A = arith.constant 1.000000e+00 : f32
        %div3A_41 = vector.broadcast %div3A : f32 to vector<16xf32>
        %div3A_42 = arith.divf %div3A_41, %max3A_40 : vector<16xf32>
        %get3A_43 = arith.constant 0 : i32
        %get3A_44 = arith.index_cast %get3A_43 : i32 to index
        %get3A_45 = arith.constant 0 : index
        %get3A_46 = tpu.vector_load %arg9[%get3A_44, %get3A_45] {strides = array<i32>} : memref<8x128xf32, #tpu.memory_space<vmem>>, vector<1x16xf32>,
        %get3A_47 = vector.shape_cast %get3A_46 : vector<1x16xf32> to vector<16xf32>
        %mul3A_48 = arith.mulf %get3A_47, %div3A_42 : vector<16xf32>
        %swap3A = arith.constant 0 : i32
        %swap3A_49 = arith.index_cast %swap3A : i32 to index
        %swap3A_50 = arith.constant 0 : index
        %swap3A_51 = tpu.vector_load %arg9[%swap3A_49, %swap3A_50] {strides = array<i32>} : memref<8x128xf32, #tpu.memory_space<vmem>>, vector<1x16xf32>,
        %swap3A_52 = vector.shape_cast %swap3A_51 : vector<1x16xf32> to vector<16xf32>
        %swap3A_53 = vector.shape_cast %mul3A_48 : vector<16xf32> to vector<1x16xf32>
        tpu.vector_store %arg9[%swap3A_49, %swap3A_50], %swap3A_53 {strides = array<i32>} : memref<8x128xf32, #tpu.memory_space<vmem>>, vector<1x16xf32>,
        %get3A_54 = arith.constant 0 : i32
        %get3A_55 = arith.index_cast %get3A_54 : i32 to index
        %get3A_56 = arith.constant 16 : index
        %get3A_57 = tpu.vector_load %arg9[%get3A_55, %get3A_56] {strides = array<i32>} : memref<8x128xf32, #tpu.memory_space<vmem>>, vector<1x16xf32>,
        %get3A_58 = vector.shape_cast %get3A_57 : vector<1x16xf32> to vector<16xf32>
        %mul3A_59 = arith.mulf %get3A_58, %div3A_42 : vector<16xf32>
        %swap3A_60 = arith.constant 0 : i32
        %swap3A_61 = arith.index_cast %swap3A_60 : i32 to index
        %swap3A_62 = arith.constant 16 : index
        %swap3A_63 = tpu.vector_load %arg9[%swap3A_61, %swap3A_62] {strides = array<i32>} : memref<8x128xf32, #tpu.memory_space<vmem>>, vector<1x16xf32>,
        %swap3A_64 = vector.shape_cast %swap3A_63 : vector<1x16xf32> to vector<16xf32>
        %swap3A_65 = vector.shape_cast %mul3A_59 : vector<16xf32> to vector<1x16xf32>
        tpu.vector_store %arg9[%swap3A_61, %swap3A_62], %swap3A_65 {strides = array<i32>} : memref<8x128xf32, #tpu.memory_space<vmem>>, vector<1x16xf32>,
        %get3A_66 = arith.constant 0 : i32
        %get3A_67 = arith.index_cast %get3A_66 : i32 to index
        %get3A_68 = arith.constant 32 : index
        %get3A_69 = tpu.vector_load %arg9[%get3A_67, %get3A_68] {strides = array<i32>} : memref<8x128xf32, #tpu.memory_space<vmem>>, vector<1x16xf32>,
        %get3A_70 = vector.shape_cast %get3A_69 : vector<1x16xf32> to vector<16xf32>
        %mul3A_71 = arith.mulf %get3A_70, %div3A_42 : vector<16xf32>
        %swap3A_72 = arith.constant 0 : i32
        %swap3A_73 = arith.index_cast %swap3A_72 : i32 to index
        %swap3A_74 = arith.constant 32 : index
        %swap3A_75 = tpu.vector_load %arg9[%swap3A_73, %swap3A_74] {strides = array<i32>} : memref<8x128xf32, #tpu.memory_space<vmem>>, vector<1x16xf32>,
        %swap3A_76 = vector.shape_cast %swap3A_75 : vector<1x16xf32> to vector<16xf32>
        %swap3A_77 = vector.shape_cast %mul3A_71 : vector<16xf32> to vector<1x16xf32>
        tpu.vector_store %arg9[%swap3A_73, %swap3A_74], %swap3A_77 {strides = array<i32>} : memref<8x128xf32, #tpu.memory_space<vmem>>, vector<1x16xf32>,
        %get3A_78 = arith.constant 0 : i32
        %get3A_79 = arith.index_cast %get3A_78 : i32 to index
        %get3A_80 = arith.constant 48 : index
        %get3A_81 = tpu.vector_load %arg9[%get3A_79, %get3A_80] {strides = array<i32>} : memref<8x128xf32, #tpu.memory_space<vmem>>, vector<1x16xf32>,
        %get3A_82 = vector.shape_cast %get3A_81 : vector<1x16xf32> to vector<16xf32>
        %mul3A_83 = arith.mulf %get3A_82, %div3A_42 : vector<16xf32>
        %swap3A_84 = arith.constant 0 : i32
        %swap3A_85 = arith.index_cast %swap3A_84 : i32 to index
        %swap3A_86 = arith.constant 48 : index
        %swap3A_87 = tpu.vector_load %arg9[%swap3A_85, %swap3A_86] {strides = array<i32>} : memref<8x128xf32, #tpu.memory_space<vmem>>, vector<1x16xf32>,
        %swap3A_88 = vector.shape_cast %swap3A_87 : vector<1x16xf32> to vector<16xf32>
        %swap3A_89 = vector.shape_cast %mul3A_83 : vector<16xf32> to vector<1x16xf32>
        tpu.vector_store %arg9[%swap3A_85, %swap3A_86], %swap3A_89 {strides = array<i32>} : memref<8x128xf32, #tpu.memory_space<vmem>>, vector<1x16xf32>,
        %get3A_90 = arith.constant 0 : i32
        %get3A_91 = arith.index_cast %get3A_90 : i32 to index
        %get3A_92 = arith.constant 64 : index
        %get3A_93 = tpu.vector_load %arg9[%get3A_91, %get3A_92] {strides = array<i32>} : memref<8x128xf32, #tpu.memory_space<vmem>>, vector<1x16xf32>,
        %get3A_94 = vector.shape_cast %get3A_93 : vector<1x16xf32> to vector<16xf32>
        %mul3A_95 = arith.mulf %get3A_94, %div3A_42 : vector<16xf32>
        %swap3A_96 = arith.constant 0 : i32
        %swap3A_97 = arith.index_cast %swap3A_96 : i32 to index
        %swap3A_98 = arith.constant 64 : index
        %swap3A_99 = tpu.vector_load %arg9[%swap3A_97, %swap3A_98] {strides = array<i32>} : memref<8x128xf32, #tpu.memory_space<vmem>>, vector<1x16xf32>,
        %swap3A_100 = vector.shape_cast %swap3A_99 : vector<1x16xf32> to vector<16xf32>
        %swap3A_101 = vector.shape_cast %mul3A_95 : vector<16xf32> to vector<1x16xf32>
        tpu.vector_store %arg9[%swap3A_97, %swap3A_98], %swap3A_101 {strides = array<i32>} : memref<8x128xf32, #tpu.memory_space<vmem>>, vector<1x16xf32>,
        %get3A_102 = arith.constant 0 : i32
        %get3A_103 = arith.index_cast %get3A_102 : i32 to index
        %get3A_104 = arith.constant 80 : index
        %get3A_105 = tpu.vector_load %arg9[%get3A_103, %get3A_104] {strides = array<i32>} : memref<8x128xf32, #tpu.memory_space<vmem>>, vector<1x16xf32>,
        %get3A_106 = vector.shape_cast %get3A_105 : vector<1x16xf32> to vector<16xf32>
        %mul3A_107 = arith.mulf %get3A_106, %div3A_42 : vector<16xf32>
        %swap3A_108 = arith.constant 0 : i32
        %swap3A_109 = arith.index_cast %swap3A_108 : i32 to index
        %swap3A_110 = arith.constant 80 : index
        %swap3A_111 = tpu.vector_load %arg9[%swap3A_109, %swap3A_110] {strides = array<i32>} : memref<8x128xf32, #tpu.memory_space<vmem>>, vector<1x16xf32>,
        %swap3A_112 = vector.shape_cast %swap3A_111 : vector<1x16xf32> to vector<16xf32>
        %swap3A_113 = vector.shape_cast %mul3A_107 : vector<16xf32> to vector<1x16xf32>
        tpu.vector_store %arg9[%swap3A_109, %swap3A_110], %swap3A_113 {strides = array<i32>} : memref<8x128xf32, #tpu.memory_space<vmem>>, vector<1x16xf32>,
        %get3A_114 = arith.constant 0 : i32
        %get3A_115 = arith.index_cast %get3A_114 : i32 to index
        %get3A_116 = arith.constant 96 : index
        %get3A_117 = tpu.vector_load %arg9[%get3A_115, %get3A_116] {strides = array<i32>} : memref<8x128xf32, #tpu.memory_space<vmem>>, vector<1x16xf32>,
        %get3A_118 = vector.shape_cast %get3A_117 : vector<1x16xf32> to vector<16xf32>
        %mul3A_119 = arith.mulf %get3A_118, %div3A_42 : vector<16xf32>
        %swap3A_120 = arith.constant 0 : i32
        %swap3A_121 = arith.index_cast %swap3A_120 : i32 to index
        %swap3A_122 = arith.constant 96 : index
        %swap3A_123 = tpu.vector_load %arg9[%swap3A_121, %swap3A_122] {strides = array<i32>} : memref<8x128xf32, #tpu.memory_space<vmem>>, vector<1x16xf32>,
        %swap3A_124 = vector.shape_cast %swap3A_123 : vector<1x16xf32> to vector<16xf32>
        %swap3A_125 = vector.shape_cast %mul3A_119 : vector<16xf32> to vector<1x16xf32>
        tpu.vector_store %arg9[%swap3A_121, %swap3A_122], %swap3A_125 {strides = array<i32>} : memref<8x128xf32, #tpu.memory_space<vmem>>, vector<1x16xf32>,
        %get3A_126 = arith.constant 0 : i32
        %get3A_127 = arith.index_cast %get3A_126 : i32 to index
        %get3A_128 = arith.constant 112 : index
        %get3A_129 = tpu.vector_load %arg9[%get3A_127, %get3A_128] {strides = array<i32>} : memref<8x128xf32, #tpu.memory_space<vmem>>, vector<1x16xf32>,
        %get3A_130 = vector.shape_cast %get3A_129 : vector<1x16xf32> to vector<16xf32>
        %mul3A_131 = arith.mulf %get3A_130, %div3A_42 : vector<16xf32>
        %swap3A_132 = arith.constant 0 : i32
        %swap3A_133 = arith.index_cast %swap3A_132 : i32 to index
        %swap3A_134 = arith.constant 112 : index
        %swap3A_135 = tpu.vector_load %arg9[%swap3A_133, %swap3A_134] {strides = array<i32>} : memref<8x128xf32, #tpu.memory_space<vmem>>, vector<1x16xf32>,
        %swap3A_136 = vector.shape_cast %swap3A_135 : vector<1x16xf32> to vector<16xf32>
        %swap3A_137 = vector.shape_cast %mul3A_131 : vector<16xf32> to vector<1x16xf32>
        tpu.vector_store %arg9[%swap3A_133, %swap3A_134], %swap3A_137 {strides = array<i32>} : memref<8x128xf32, #tpu.memory_space<vmem>>, vector<1x16xf32>,
        %get3A_138 = arith.constant 1 : i32
        %get3A_139 = arith.index_cast %get3A_138 : i32 to index
        %get3A_140 = arith.constant 0 : index
        %get3A_141 = tpu.vector_load %arg10[%get3A_139, %get3A_140] {strides = array<i32>} : memref<8x128xf32, #tpu.memory_space<vmem>>, vector<1x16xf32>,
        %get3A_142 = vector.shape_cast %get3A_141 : vector<1x16xf32> to vector<16xf32>
        %max3A_143 = arith.constant 1.000000e+00 : f32
        %max3A_144 = vector.broadcast %max3A_143 : f32 to vector<16xf32>
        %max3A_145 = arith.maximumf %get3A_142, %max3A_144 : vector<16xf32>
        %div3A_146 = arith.constant 1.000000e+00 : f32
        %div3A_147 = vector.broadcast %div3A_146 : f32 to vector<16xf32>
        %div3A_148 = arith.divf %div3A_147, %max3A_145 : vector<16xf32>
        %get3A_149 = arith.constant 1 : i32
        %get3A_150 = arith.index_cast %get3A_149 : i32 to index
        %get3A_151 = arith.constant 0 : index
        %get3A_152 = tpu.vector_load %arg9[%get3A_150, %get3A_151] {strides = array<i32>} : memref<8x128xf32, #tpu.memory_space<vmem>>, vector<1x16xf32>,
        %get3A_153 = vector.shape_cast %get3A_152 : vector<1x16xf32> to vector<16xf32>
        %mul3A_154 = arith.mulf %get3A_153, %div3A_148 : vector<16xf32>
        %swap3A_155 = arith.constant 1 : i32
        %swap3A_156 = arith.index_cast %swap3A_155 : i32 to index
        %swap3A_157 = arith.constant 0 : index
        %swap3A_158 = tpu.vector_load %arg9[%swap3A_156, %swap3A_157] {strides = array<i32>} : memref<8x128xf32, #tpu.memory_space<vmem>>, vector<1x16xf32>,
        %swap3A_159 = vector.shape_cast %swap3A_158 : vector<1x16xf32> to vector<16xf32>
        %swap3A_160 = vector.shape_cast %mul3A_154 : vector<16xf32> to vector<1x16xf32>
        tpu.vector_store %arg9[%swap3A_156, %swap3A_157], %swap3A_160 {strides = array<i32>} : memref<8x128xf32, #tpu.memory_space<vmem>>, vector<1x16xf32>,
        %get3A_161 = arith.constant 1 : i32
        %get3A_162 = arith.index_cast %get3A_161 : i32 to index
        %get3A_163 = arith.constant 16 : index
        %get3A_164 = tpu.vector_load %arg9[%get3A_162, %get3A_163] {strides = array<i32>} : memref<8x128xf32, #tpu.memory_space<vmem>>, vector<1x16xf32>,
        %get3A_165 = vector.shape_cast %get3A_164 : vector<1x16xf32> to vector<16xf32>
        %mul3A_166 = arith.mulf %get3A_165, %div3A_148 : vector<16xf32>
        %swap3A_167 = arith.constant 1 : i32
        %swap3A_168 = arith.index_cast %swap3A_167 : i32 to index
        %swap3A_169 = arith.constant 16 : index
        %swap3A_170 = tpu.vector_load %arg9[%swap3A_168, %swap3A_169] {strides = array<i32>} : memref<8x128xf32, #tpu.memory_space<vmem>>, vector<1x16xf32>,
        %swap3A_171 = vector.shape_cast %swap3A_170 : vector<1x16xf32> to vector<16xf32>
        %swap3A_172 = vector.shape_cast %mul3A_166 : vector<16xf32> to vector<1x16xf32>
        tpu.vector_store %arg9[%swap3A_168, %swap3A_169], %swap3A_172 {strides = array<i32>} : memref<8x128xf32, #tpu.memory_space<vmem>>, vector<1x16xf32>,
        %get3A_173 = arith.constant 1 : i32
        %get3A_174 = arith.index_cast %get3A_173 : i32 to index
        %get3A_175 = arith.constant 32 : index
        %get3A_176 = tpu.vector_load %arg9[%get3A_174, %get3A_175] {strides = array<i32>} : memref<8x128xf32, #tpu.memory_space<vmem>>, vector<1x16xf32>,
        %get3A_177 = vector.shape_cast %get3A_176 : vector<1x16xf32> to vector<16xf32>
        %mul3A_178 = arith.mulf %get3A_177, %div3A_148 : vector<16xf32>
        %swap3A_179 = arith.constant 1 : i32
        %swap3A_180 = arith.index_cast %swap3A_179 : i32 to index
        %swap3A_181 = arith.constant 32 : index
        %swap3A_182 = tpu.vector_load %arg9[%swap3A_180, %swap3A_181] {strides = array<i32>} : memref<8x128xf32, #tpu.memory_space<vmem>>, vector<1x16xf32>,
        %swap3A_183 = vector.shape_cast %swap3A_182 : vector<1x16xf32> to vector<16xf32>
        %swap3A_184 = vector.shape_cast %mul3A_178 : vector<16xf32> to vector<1x16xf32>
        tpu.vector_store %arg9[%swap3A_180, %swap3A_181], %swap3A_184 {strides = array<i32>} : memref<8x128xf32, #tpu.memory_space<vmem>>, vector<1x16xf32>,
        %get3A_185 = arith.constant 1 : i32
        %get3A_186 = arith.index_cast %get3A_185 : i32 to index
        %get3A_187 = arith.constant 48 : index
        %get3A_188 = tpu.vector_load %arg9[%get3A_186, %get3A_187] {strides = array<i32>} : memref<8x128xf32, #tpu.memory_space<vmem>>, vector<1x16xf32>,
        %get3A_189 = vector.shape_cast %get3A_188 : vector<1x16xf32> to vector<16xf32>
        %mul3A_190 = arith.mulf %get3A_189, %div3A_148 : vector<16xf32>
        %swap3A_191 = arith.constant 1 : i32
        %swap3A_192 = arith.index_cast %swap3A_191 : i32 to index
        %swap3A_193 = arith.constant 48 : index
        %swap3A_194 = tpu.vector_load %arg9[%swap3A_192, %swap3A_193] {strides = array<i32>} : memref<8x128xf32, #tpu.memory_space<vmem>>, vector<1x16xf32>,
        %swap3A_195 = vector.shape_cast %swap3A_194 : vector<1x16xf32> to vector<16xf32>
        %swap3A_196 = vector.shape_cast %mul3A_190 : vector<16xf32> to vector<1x16xf32>
        tpu.vector_store %arg9[%swap3A_192, %swap3A_193], %swap3A_196 {strides = array<i32>} : memref<8x128xf32, #tpu.memory_space<vmem>>, vector<1x16xf32>,
        %get3A_197 = arith.constant 1 : i32
        %get3A_198 = arith.index_cast %get3A_197 : i32 to index
        %get3A_199 = arith.constant 64 : index
        %get3A_200 = tpu.vector_load %arg9[%get3A_198, %get3A_199] {strides = array<i32>} : memref<8x128xf32, #tpu.memory_space<vmem>>, vector<1x16xf32>,
        %get3A_201 = vector.shape_cast %get3A_200 : vector<1x16xf32> to vector<16xf32>
        %mul3A_202 = arith.mulf %get3A_201, %div3A_148 : vector<16xf32>
        %swap3A_203 = arith.constant 1 : i32
        %swap3A_204 = arith.index_cast %swap3A_203 : i32 to index
        %swap3A_205 = arith.constant 64 : index
        %swap3A_206 = tpu.vector_load %arg9[%swap3A_204, %swap3A_205] {strides = array<i32>} : memref<8x128xf32, #tpu.memory_space<vmem>>, vector<1x16xf32>,
        %swap3A_207 = vector.shape_cast %swap3A_206 : vector<1x16xf32> to vector<16xf32>
        %swap3A_208 = vector.shape_cast %mul3A_202 : vector<16xf32> to vector<1x16xf32>
        tpu.vector_store %arg9[%swap3A_204, %swap3A_205], %swap3A_208 {strides = array<i32>} : memref<8x128xf32, #tpu.memory_space<vmem>>, vector<1x16xf32>,
        %get3A_209 = arith.constant 1 : i32
        %get3A_210 = arith.index_cast %get3A_209 : i32 to index
        %get3A_211 = arith.constant 80 : index
        %get3A_212 = tpu.vector_load %arg9[%get3A_210, %get3A_211] {strides = array<i32>} : memref<8x128xf32, #tpu.memory_space<vmem>>, vector<1x16xf32>,
        %get3A_213 = vector.shape_cast %get3A_212 : vector<1x16xf32> to vector<16xf32>
        %mul3A_214 = arith.mulf %get3A_213, %div3A_148 : vector<16xf32>
        %swap3A_215 = arith.constant 1 : i32
        %swap3A_216 = arith.index_cast %swap3A_215 : i32 to index
        %swap3A_217 = arith.constant 80 : index
        %swap3A_218 = tpu.vector_load %arg9[%swap3A_216, %swap3A_217] {strides = array<i32>} : memref<8x128xf32, #tpu.memory_space<vmem>>, vector<1x16xf32>,
        %swap3A_219 = vector.shape_cast %swap3A_218 : vector<1x16xf32> to vector<16xf32>
        %swap3A_220 = vector.shape_cast %mul3A_214 : vector<16xf32> to vector<1x16xf32>
        tpu.vector_store %arg9[%swap3A_216, %swap3A_217], %swap3A_220 {strides = array<i32>} : memref<8x128xf32, #tpu.memory_space<vmem>>, vector<1x16xf32>,
        %get3A_221 = arith.constant 1 : i32
        %get3A_222 = arith.index_cast %get3A_221 : i32 to index
        %get3A_223 = arith.constant 96 : index
        %get3A_224 = tpu.vector_load %arg9[%get3A_222, %get3A_223] {strides = array<i32>} : memref<8x128xf32, #tpu.memory_space<vmem>>, vector<1x16xf32>,
        %get3A_225 = vector.shape_cast %get3A_224 : vector<1x16xf32> to vector<16xf32>
        %mul3A_226 = arith.mulf %get3A_225, %div3A_148 : vector<16xf32>
        %swap3A_227 = arith.constant 1 : i32
        %swap3A_228 = arith.index_cast %swap3A_227 : i32 to index
        %swap3A_229 = arith.constant 96 : index
        %swap3A_230 = tpu.vector_load %arg9[%swap3A_228, %swap3A_229] {strides = array<i32>} : memref<8x128xf32, #tpu.memory_space<vmem>>, vector<1x16xf32>,
        %swap3A_231 = vector.shape_cast %swap3A_230 : vector<1x16xf32> to vector<16xf32>
        %swap3A_232 = vector.shape_cast %mul3A_226 : vector<16xf32> to vector<1x16xf32>
        tpu.vector_store %arg9[%swap3A_228, %swap3A_229], %swap3A_232 {strides = array<i32>} : memref<8x128xf32, #tpu.memory_space<vmem>>, vector<1x16xf32>,
        %get3A_233 = arith.constant 1 : i32
        %get3A_234 = arith.index_cast %get3A_233 : i32 to index
        %get3A_235 = arith.constant 112 : index
        %get3A_236 = tpu.vector_load %arg9[%get3A_234, %get3A_235] {strides = array<i32>} : memref<8x128xf32, #tpu.memory_space<vmem>>, vector<1x16xf32>,
        %get3A_237 = vector.shape_cast %get3A_236 : vector<1x16xf32> to vector<16xf32>
        %mul3A_238 = arith.mulf %get3A_237, %div3A_148 : vector<16xf32>
        %swap3A_239 = arith.constant 1 : i32
        %swap3A_240 = arith.index_cast %swap3A_239 : i32 to index
        %swap3A_241 = arith.constant 112 : index
        %swap3A_242 = tpu.vector_load %arg9[%swap3A_240, %swap3A_241] {strides = array<i32>} : memref<8x128xf32, #tpu.memory_space<vmem>>, vector<1x16xf32>,
        %swap3A_243 = vector.shape_cast %swap3A_242 : vector<1x16xf32> to vector<16xf32>
        %swap3A_244 = vector.shape_cast %mul3A_238 : vector<16xf32> to vector<1x16xf32>
        tpu.vector_store %arg9[%swap3A_240, %swap3A_241], %swap3A_244 {strides = array<i32>} : memref<8x128xf32, #tpu.memory_space<vmem>>, vector<1x16xf32>,
        %get3A_245 = arith.constant 2 : i32
        %get3A_246 = arith.index_cast %get3A_245 : i32 to index
        %get3A_247 = arith.constant 0 : index
        %get3A_248 = tpu.vector_load %arg10[%get3A_246, %get3A_247] {strides = array<i32>} : memref<8x128xf32, #tpu.memory_space<vmem>>, vector<1x16xf32>,
        %get3A_249 = vector.shape_cast %get3A_248 : vector<1x16xf32> to vector<16xf32>
        %max3A_250 = arith.constant 1.000000e+00 : f32
        %max3A_251 = vector.broadcast %max3A_250 : f32 to vector<16xf32>
        %max3A_252 = arith.maximumf %get3A_249, %max3A_251 : vector<16xf32>
        %div3A_253 = arith.constant 1.000000e+00 : f32
        %div3A_254 = vector.broadcast %div3A_253 : f32 to vector<16xf32>
        %div3A_255 = arith.divf %div3A_254, %max3A_252 : vector<16xf32>
        %get3A_256 = arith.constant 2 : i32
        %get3A_257 = arith.index_cast %get3A_256 : i32 to index
        %get3A_258 = arith.constant 0 : index
        %get3A_259 = tpu.vector_load %arg9[%get3A_257, %get3A_258] {strides = array<i32>} : memref<8x128xf32, #tpu.memory_space<vmem>>, vector<1x16xf32>,
        %get3A_260 = vector.shape_cast %get3A_259 : vector<1x16xf32> to vector<16xf32>
        %mul3A_261 = arith.mulf %get3A_260, %div3A_255 : vector<16xf32>
        %swap3A_262 = arith.constant 2 : i32
        %swap3A_263 = arith.index_cast %swap3A_262 : i32 to index
        %swap3A_264 = arith.constant 0 : index
        %swap3A_265 = tpu.vector_load %arg9[%swap3A_263, %swap3A_264] {strides = array<i32>} : memref<8x128xf32, #tpu.memory_space<vmem>>, vector<1x16xf32>,
        %swap3A_266 = vector.shape_cast %swap3A_265 : vector<1x16xf32> to vector<16xf32>
        %swap3A_267 = vector.shape_cast %mul3A_261 : vector<16xf32> to vector<1x16xf32>
        tpu.vector_store %arg9[%swap3A_263, %swap3A_264], %swap3A_267 {strides = array<i32>} : memref<8x128xf32, #tpu.memory_space<vmem>>, vector<1x16xf32>,
        %get3A_268 = arith.constant 2 : i32
        %get3A_269 = arith.index_cast %get3A_268 : i32 to index
        %get3A_270 = arith.constant 16 : index
        %get3A_271 = tpu.vector_load %arg9[%get3A_269, %get3A_270] {strides = array<i32>} : memref<8x128xf32, #tpu.memory_space<vmem>>, vector<1x16xf32>,
        %get3A_272 = vector.shape_cast %get3A_271 : vector<1x16xf32> to vector<16xf32>
        %mul3A_273 = arith.mulf %get3A_272, %div3A_255 : vector<16xf32>
        %swap3A_274 = arith.constant 2 : i32
        %swap3A_275 = arith.index_cast %swap3A_274 : i32 to index
        %swap3A_276 = arith.constant 16 : index
        %swap3A_277 = tpu.vector_load %arg9[%swap3A_275, %swap3A_276] {strides = array<i32>} : memref<8x128xf32, #tpu.memory_space<vmem>>, vector<1x16xf32>,
        %swap3A_278 = vector.shape_cast %swap3A_277 : vector<1x16xf32> to vector<16xf32>
        %swap3A_279 = vector.shape_cast %mul3A_273 : vector<16xf32> to vector<1x16xf32>
        tpu.vector_store %arg9[%swap3A_275, %swap3A_276], %swap3A_279 {strides = array<i32>} : memref<8x128xf32, #tpu.memory_space<vmem>>, vector<1x16xf32>,
        %get3A_280 = arith.constant 2 : i32
        %get3A_281 = arith.index_cast %get3A_280 : i32 to index
        %get3A_282 = arith.constant 32 : index
        %get3A_283 = tpu.vector_load %arg9[%get3A_281, %get3A_282] {strides = array<i32>} : memref<8x128xf32, #tpu.memory_space<vmem>>, vector<1x16xf32>,
        %get3A_284 = vector.shape_cast %get3A_283 : vector<1x16xf32> to vector<16xf32>
        %mul3A_285 = arith.mulf %get3A_284, %div3A_255 : vector<16xf32>
        %swap3A_286 = arith.constant 2 : i32
        %swap3A_287 = arith.index_cast %swap3A_286 : i32 to index
        %swap3A_288 = arith.constant 32 : index
        %swap3A_289 = tpu.vector_load %arg9[%swap3A_287, %swap3A_288] {strides = array<i32>} : memref<8x128xf32, #tpu.memory_space<vmem>>, vector<1x16xf32>,
        %swap3A_290 = vector.shape_cast %swap3A_289 : vector<1x16xf32> to vector<16xf32>
        %swap3A_291 = vector.shape_cast %mul3A_285 : vector<16xf32> to vector<1x16xf32>
        tpu.vector_store %arg9[%swap3A_287, %swap3A_288], %swap3A_291 {strides = array<i32>} : memref<8x128xf32, #tpu.memory_space<vmem>>, vector<1x16xf32>,
        %get3A_292 = arith.constant 2 : i32
        %get3A_293 = arith.index_cast %get3A_292 : i32 to index
        %get3A_294 = arith.constant 48 : index
        %get3A_295 = tpu.vector_load %arg9[%get3A_293, %get3A_294] {strides = array<i32>} : memref<8x128xf32, #tpu.memory_space<vmem>>, vector<1x16xf32>,
        %get3A_296 = vector.shape_cast %get3A_295 : vector<1x16xf32> to vector<16xf32>
        %mul3A_297 = arith.mulf %get3A_296, %div3A_255 : vector<16xf32>
        %swap3A_298 = arith.constant 2 : i32
        %swap3A_299 = arith.index_cast %swap3A_298 : i32 to index
        %swap3A_300 = arith.constant 48 : index
        %swap3A_301 = tpu.vector_load %arg9[%swap3A_299, %swap3A_300] {strides = array<i32>} : memref<8x128xf32, #tpu.memory_space<vmem>>, vector<1x16xf32>,
        %swap3A_302 = vector.shape_cast %swap3A_301 : vector<1x16xf32> to vector<16xf32>
        %swap3A_303 = vector.shape_cast %mul3A_297 : vector<16xf32> to vector<1x16xf32>
        tpu.vector_store %arg9[%swap3A_299, %swap3A_300], %swap3A_303 {strides = array<i32>} : memref<8x128xf32, #tpu.memory_space<vmem>>, vector<1x16xf32>,
        %get3A_304 = arith.constant 2 : i32
        %get3A_305 = arith.index_cast %get3A_304 : i32 to index
        %get3A_306 = arith.constant 64 : index
        %get3A_307 = tpu.vector_load %arg9[%get3A_305, %get3A_306] {strides = array<i32>} : memref<8x128xf32, #tpu.memory_space<vmem>>, vector<1x16xf32>,
        %get3A_308 = vector.shape_cast %get3A_307 : vector<1x16xf32> to vector<16xf32>
        %mul3A_309 = arith.mulf %get3A_308, %div3A_255 : vector<16xf32>
        %swap3A_310 = arith.constant 2 : i32
        %swap3A_311 = arith.index_cast %swap3A_310 : i32 to index
        %swap3A_312 = arith.constant 64 : index
        %swap3A_313 = tpu.vector_load %arg9[%swap3A_311, %swap3A_312] {strides = array<i32>} : memref<8x128xf32, #tpu.memory_space<vmem>>, vector<1x16xf32>,
        %swap3A_314 = vector.shape_cast %swap3A_313 : vector<1x16xf32> to vector<16xf32>
        %swap3A_315 = vector.shape_cast %mul3A_309 : vector<16xf32> to vector<1x16xf32>
        tpu.vector_store %arg9[%swap3A_311, %swap3A_312], %swap3A_315 {strides = array<i32>} : memref<8x128xf32, #tpu.memory_space<vmem>>, vector<1x16xf32>,
        %get3A_316 = arith.constant 2 : i32
        %get3A_317 = arith.index_cast %get3A_316 : i32 to index
        %get3A_318 = arith.constant 80 : index
        %get3A_319 = tpu.vector_load %arg9[%get3A_317, %get3A_318] {strides = array<i32>} : memref<8x128xf32, #tpu.memory_space<vmem>>, vector<1x16xf32>,
        %get3A_320 = vector.shape_cast %get3A_319 : vector<1x16xf32> to vector<16xf32>
        %mul3A_321 = arith.mulf %get3A_320, %div3A_255 : vector<16xf32>
        %swap3A_322 = arith.constant 2 : i32
        %swap3A_323 = arith.index_cast %swap3A_322 : i32 to index
        %swap3A_324 = arith.constant 80 : index
        %swap3A_325 = tpu.vector_load %arg9[%swap3A_323, %swap3A_324] {strides = array<i32>} : memref<8x128xf32, #tpu.memory_space<vmem>>, vector<1x16xf32>,
        %swap3A_326 = vector.shape_cast %swap3A_325 : vector<1x16xf32> to vector<16xf32>
        %swap3A_327 = vector.shape_cast %mul3A_321 : vector<16xf32> to vector<1x16xf32>
        tpu.vector_store %arg9[%swap3A_323, %swap3A_324], %swap3A_327 {strides = array<i32>} : memref<8x128xf32, #tpu.memory_space<vmem>>, vector<1x16xf32>,
        %get3A_328 = arith.constant 2 : i32
        %get3A_329 = arith.index_cast %get3A_328 : i32 to index
        %get3A_330 = arith.constant 96 : index
        %get3A_331 = tpu.vector_load %arg9[%get3A_329, %get3A_330] {strides = array<i32>} : memref<8x128xf32, #tpu.memory_space<vmem>>, vector<1x16xf32>,
        %get3A_332 = vector.shape_cast %get3A_331 : vector<1x16xf32> to vector<16xf32>
        %mul3A_333 = arith.mulf %get3A_332, %div3A_255 : vector<16xf32>
        %swap3A_334 = arith.constant 2 : i32
        %swap3A_335 = arith.index_cast %swap3A_334 : i32 to index
        %swap3A_336 = arith.constant 96 : index
        %swap3A_337 = tpu.vector_load %arg9[%swap3A_335, %swap3A_336] {strides = array<i32>} : memref<8x128xf32, #tpu.memory_space<vmem>>, vector<1x16xf32>,
        %swap3A_338 = vector.shape_cast %swap3A_337 : vector<1x16xf32> to vector<16xf32>
        %swap3A_339 = vector.shape_cast %mul3A_333 : vector<16xf32> to vector<1x16xf32>
        tpu.vector_store %arg9[%swap3A_335, %swap3A_336], %swap3A_339 {strides = array<i32>} : memref<8x128xf32, #tpu.memory_space<vmem>>, vector<1x16xf32>,
        %get3A_340 = arith.constant 2 : i32
        %get3A_341 = arith.index_cast %get3A_340 : i32 to index
        %get3A_342 = arith.constant 112 : index
        %get3A_343 = tpu.vector_load %arg9[%get3A_341, %get3A_342] {strides = array<i32>} : memref<8x128xf32, #tpu.memory_space<vmem>>, vector<1x16xf32>,
        %get3A_344 = vector.shape_cast %get3A_343 : vector<1x16xf32> to vector<16xf32>
        %mul3A_345 = arith.mulf %get3A_344, %div3A_255 : vector<16xf32>
        %swap3A_346 = arith.constant 2 : i32
        %swap3A_347 = arith.index_cast %swap3A_346 : i32 to index
        %swap3A_348 = arith.constant 112 : index
        %swap3A_349 = tpu.vector_load %arg9[%swap3A_347, %swap3A_348] {strides = array<i32>} : memref<8x128xf32, #tpu.memory_space<vmem>>, vector<1x16xf32>,
        %swap3A_350 = vector.shape_cast %swap3A_349 : vector<1x16xf32> to vector<16xf32>
        %swap3A_351 = vector.shape_cast %mul3A_345 : vector<16xf32> to vector<1x16xf32>
        tpu.vector_store %arg9[%swap3A_347, %swap3A_348], %swap3A_351 {strides = array<i32>} : memref<8x128xf32, #tpu.memory_space<vmem>>, vector<1x16xf32>,
        %get3A_352 = arith.constant 3 : i32
        %get3A_353 = arith.index_cast %get3A_352 : i32 to index
        %get3A_354 = arith.constant 0 : index
        %get3A_355 = tpu.vector_load %arg10[%get3A_353, %get3A_354] {strides = array<i32>} : memref<8x128xf32, #tpu.memory_space<vmem>>, vector<1x16xf32>,
        %get3A_356 = vector.shape_cast %get3A_355 : vector<1x16xf32> to vector<16xf32>
        %max3A_357 = arith.constant 1.000000e+00 : f32
        %max3A_358 = vector.broadcast %max3A_357 : f32 to vector<16xf32>
        %max3A_359 = arith.maximumf %get3A_356, %max3A_358 : vector<16xf32>
        %div3A_360 = arith.constant 1.000000e+00 : f32
        %div3A_361 = vector.broadcast %div3A_360 : f32 to vector<16xf32>
        %div3A_362 = arith.divf %div3A_361, %max3A_359 : vector<16xf32>
        %get3A_363 = arith.constant 3 : i32
        %get3A_364 = arith.index_cast %get3A_363 : i32 to index
        %get3A_365 = arith.constant 0 : index
        %get3A_366 = tpu.vector_load %arg9[%get3A_364, %get3A_365] {strides = array<i32>} : memref<8x128xf32, #tpu.memory_space<vmem>>, vector<1x16xf32>,
        %get3A_367 = vector.shape_cast %get3A_366 : vector<1x16xf32> to vector<16xf32>
        %mul3A_368 = arith.mulf %get3A_367, %div3A_362 : vector<16xf32>
        %swap3A_369 = arith.constant 3 : i32
        %swap3A_370 = arith.index_cast %swap3A_369 : i32 to index
        %swap3A_371 = arith.constant 0 : index
        %swap3A_372 = tpu.vector_load %arg9[%swap3A_370, %swap3A_371] {strides = array<i32>} : memref<8x128xf32, #tpu.memory_space<vmem>>, vector<1x16xf32>,
        %swap3A_373 = vector.shape_cast %swap3A_372 : vector<1x16xf32> to vector<16xf32>
        %swap3A_374 = vector.shape_cast %mul3A_368 : vector<16xf32> to vector<1x16xf32>
        tpu.vector_store %arg9[%swap3A_370, %swap3A_371], %swap3A_374 {strides = array<i32>} : memref<8x128xf32, #tpu.memory_space<vmem>>, vector<1x16xf32>,
        %get3A_375 = arith.constant 3 : i32
        %get3A_376 = arith.index_cast %get3A_375 : i32 to index
        %get3A_377 = arith.constant 16 : index
        %get3A_378 = tpu.vector_load %arg9[%get3A_376, %get3A_377] {strides = array<i32>} : memref<8x128xf32, #tpu.memory_space<vmem>>, vector<1x16xf32>,
        %get3A_379 = vector.shape_cast %get3A_378 : vector<1x16xf32> to vector<16xf32>
        %mul3A_380 = arith.mulf %get3A_379, %div3A_362 : vector<16xf32>
        %swap3A_381 = arith.constant 3 : i32
        %swap3A_382 = arith.index_cast %swap3A_381 : i32 to index
        %swap3A_383 = arith.constant 16 : index
        %swap3A_384 = tpu.vector_load %arg9[%swap3A_382, %swap3A_383] {strides = array<i32>} : memref<8x128xf32, #tpu.memory_space<vmem>>, vector<1x16xf32>,
        %swap3A_385 = vector.shape_cast %swap3A_384 : vector<1x16xf32> to vector<16xf32>
        %swap3A_386 = vector.shape_cast %mul3A_380 : vector<16xf32> to vector<1x16xf32>
        tpu.vector_store %arg9[%swap3A_382, %swap3A_383], %swap3A_386 {strides = array<i32>} : memref<8x128xf32, #tpu.memory_space<vmem>>, vector<1x16xf32>,
        %get3A_387 = arith.constant 3 : i32
        %get3A_388 = arith.index_cast %get3A_387 : i32 to index
        %get3A_389 = arith.constant 32 : index
        %get3A_390 = tpu.vector_load %arg9[%get3A_388, %get3A_389] {strides = array<i32>} : memref<8x128xf32, #tpu.memory_space<vmem>>, vector<1x16xf32>,
        %get3A_391 = vector.shape_cast %get3A_390 : vector<1x16xf32> to vector<16xf32>
        %mul3A_392 = arith.mulf %get3A_391, %div3A_362 : vector<16xf32>
        %swap3A_393 = arith.constant 3 : i32
        %swap3A_394 = arith.index_cast %swap3A_393 : i32 to index
        %swap3A_395 = arith.constant 32 : index
        %swap3A_396 = tpu.vector_load %arg9[%swap3A_394, %swap3A_395] {strides = array<i32>} : memref<8x128xf32, #tpu.memory_space<vmem>>, vector<1x16xf32>,
        %swap3A_397 = vector.shape_cast %swap3A_396 : vector<1x16xf32> to vector<16xf32>
        %swap3A_398 = vector.shape_cast %mul3A_392 : vector<16xf32> to vector<1x16xf32>
        tpu.vector_store %arg9[%swap3A_394, %swap3A_395], %swap3A_398 {strides = array<i32>} : memref<8x128xf32, #tpu.memory_space<vmem>>, vector<1x16xf32>,
        %get3A_399 = arith.constant 3 : i32
        %get3A_400 = arith.index_cast %get3A_399 : i32 to index
        %get3A_401 = arith.constant 48 : index
        %get3A_402 = tpu.vector_load %arg9[%get3A_400, %get3A_401] {strides = array<i32>} : memref<8x128xf32, #tpu.memory_space<vmem>>, vector<1x16xf32>,
        %get3A_403 = vector.shape_cast %get3A_402 : vector<1x16xf32> to vector<16xf32>
        %mul3A_404 = arith.mulf %get3A_403, %div3A_362 : vector<16xf32>
        %swap3A_405 = arith.constant 3 : i32
        %swap3A_406 = arith.index_cast %swap3A_405 : i32 to index
        %swap3A_407 = arith.constant 48 : index
        %swap3A_408 = tpu.vector_load %arg9[%swap3A_406, %swap3A_407] {strides = array<i32>} : memref<8x128xf32, #tpu.memory_space<vmem>>, vector<1x16xf32>,
        %swap3A_409 = vector.shape_cast %swap3A_408 : vector<1x16xf32> to vector<16xf32>
        %swap3A_410 = vector.shape_cast %mul3A_404 : vector<16xf32> to vector<1x16xf32>
        tpu.vector_store %arg9[%swap3A_406, %swap3A_407], %swap3A_410 {strides = array<i32>} : memref<8x128xf32, #tpu.memory_space<vmem>>, vector<1x16xf32>,
        %get3A_411 = arith.constant 3 : i32
        %get3A_412 = arith.index_cast %get3A_411 : i32 to index
        %get3A_413 = arith.constant 64 : index
        %get3A_414 = tpu.vector_load %arg9[%get3A_412, %get3A_413] {strides = array<i32>} : memref<8x128xf32, #tpu.memory_space<vmem>>, vector<1x16xf32>,
        %get3A_415 = vector.shape_cast %get3A_414 : vector<1x16xf32> to vector<16xf32>
        %mul3A_416 = arith.mulf %get3A_415, %div3A_362 : vector<16xf32>
        %swap3A_417 = arith.constant 3 : i32
        %swap3A_418 = arith.index_cast %swap3A_417 : i32 to index
        %swap3A_419 = arith.constant 64 : index
        %swap3A_420 = tpu.vector_load %arg9[%swap3A_418, %swap3A_419] {strides = array<i32>} : memref<8x128xf32, #tpu.memory_space<vmem>>, vector<1x16xf32>,
        %swap3A_421 = vector.shape_cast %swap3A_420 : vector<1x16xf32> to vector<16xf32>
        %swap3A_422 = vector.shape_cast %mul3A_416 : vector<16xf32> to vector<1x16xf32>
        tpu.vector_store %arg9[%swap3A_418, %swap3A_419], %swap3A_422 {strides = array<i32>} : memref<8x128xf32, #tpu.memory_space<vmem>>, vector<1x16xf32>,
        %get3A_423 = arith.constant 3 : i32
        %get3A_424 = arith.index_cast %get3A_423 : i32 to index
        %get3A_425 = arith.constant 80 : index
        %get3A_426 = tpu.vector_load %arg9[%get3A_424, %get3A_425] {strides = array<i32>} : memref<8x128xf32, #tpu.memory_space<vmem>>, vector<1x16xf32>,
        %get3A_427 = vector.shape_cast %get3A_426 : vector<1x16xf32> to vector<16xf32>
        %mul3A_428 = arith.mulf %get3A_427, %div3A_362 : vector<16xf32>
        %swap3A_429 = arith.constant 3 : i32
        %swap3A_430 = arith.index_cast %swap3A_429 : i32 to index
        %swap3A_431 = arith.constant 80 : index
        %swap3A_432 = tpu.vector_load %arg9[%swap3A_430, %swap3A_431] {strides = array<i32>} : memref<8x128xf32, #tpu.memory_space<vmem>>, vector<1x16xf32>,
        %swap3A_433 = vector.shape_cast %swap3A_432 : vector<1x16xf32> to vector<16xf32>
        %swap3A_434 = vector.shape_cast %mul3A_428 : vector<16xf32> to vector<1x16xf32>
        tpu.vector_store %arg9[%swap3A_430, %swap3A_431], %swap3A_434 {strides = array<i32>} : memref<8x128xf32, #tpu.memory_space<vmem>>, vector<1x16xf32>,
        %get3A_435 = arith.constant 3 : i32
        %get3A_436 = arith.index_cast %get3A_435 : i32 to index
        %get3A_437 = arith.constant 96 : index
        %get3A_438 = tpu.vector_load %arg9[%get3A_436, %get3A_437] {strides = array<i32>} : memref<8x128xf32, #tpu.memory_space<vmem>>, vector<1x16xf32>,
        %get3A_439 = vector.shape_cast %get3A_438 : vector<1x16xf32> to vector<16xf32>
        %mul3A_440 = arith.mulf %get3A_439, %div3A_362 : vector<16xf32>
        %swap3A_441 = arith.constant 3 : i32
        %swap3A_442 = arith.index_cast %swap3A_441 : i32 to index
        %swap3A_443 = arith.constant 96 : index
        %swap3A_444 = tpu.vector_load %arg9[%swap3A_442, %swap3A_443] {strides = array<i32>} : memref<8x128xf32, #tpu.memory_space<vmem>>, vector<1x16xf32>,
        %swap3A_445 = vector.shape_cast %swap3A_444 : vector<1x16xf32> to vector<16xf32>
        %swap3A_446 = vector.shape_cast %mul3A_440 : vector<16xf32> to vector<1x16xf32>
        tpu.vector_store %arg9[%swap3A_442, %swap3A_443], %swap3A_446 {strides = array<i32>} : memref<8x128xf32, #tpu.memory_space<vmem>>, vector<1x16xf32>,
        %get3A_447 = arith.constant 3 : i32
        %get3A_448 = arith.index_cast %get3A_447 : i32 to index
        %get3A_449 = arith.constant 112 : index
        %get3A_450 = tpu.vector_load %arg9[%get3A_448, %get3A_449] {strides = array<i32>} : memref<8x128xf32, #tpu.memory_space<vmem>>, vector<1x16xf32>,
        %get3A_451 = vector.shape_cast %get3A_450 : vector<1x16xf32> to vector<16xf32>
        %mul3A_452 = arith.mulf %get3A_451, %div3A_362 : vector<16xf32>
        %swap3A_453 = arith.constant 3 : i32
        %swap3A_454 = arith.index_cast %swap3A_453 : i32 to index
        %swap3A_455 = arith.constant 112 : index
        %swap3A_456 = tpu.vector_load %arg9[%swap3A_454, %swap3A_455] {strides = array<i32>} : memref<8x128xf32, #tpu.memory_space<vmem>>, vector<1x16xf32>,
        %swap3A_457 = vector.shape_cast %swap3A_456 : vector<1x16xf32> to vector<16xf32>
        %swap3A_458 = vector.shape_cast %mul3A_452 : vector<16xf32> to vector<1x16xf32>
        tpu.vector_store %arg9[%swap3A_454, %swap3A_455], %swap3A_458 {strides = array<i32>} : memref<8x128xf32, #tpu.memory_space<vmem>>, vector<1x16xf32>,
        %get3A_459 = arith.constant 4 : i32
        %get3A_460 = arith.index_cast %get3A_459 : i32 to index
        %get3A_461 = arith.constant 0 : index
        %get3A_462 = tpu.vector_load %arg10[%get3A_460, %get3A_461] {strides = array<i32>} : memref<8x128xf32, #tpu.memory_space<vmem>>, vector<1x16xf32>,
        %get3A_463 = vector.shape_cast %get3A_462 : vector<1x16xf32> to vector<16xf32>
        %max3A_464 = arith.constant 1.000000e+00 : f32
        %max3A_465 = vector.broadcast %max3A_464 : f32 to vector<16xf32>
        %max3A_466 = arith.maximumf %get3A_463, %max3A_465 : vector<16xf32>
        %div3A_467 = arith.constant 1.000000e+00 : f32
        %div3A_468 = vector.broadcast %div3A_467 : f32 to vector<16xf32>
        %div3A_469 = arith.divf %div3A_468, %max3A_466 : vector<16xf32>
        %get3A_470 = arith.constant 4 : i32
        %get3A_471 = arith.index_cast %get3A_470 : i32 to index
        %get3A_472 = arith.constant 0 : index
        %get3A_473 = tpu.vector_load %arg9[%get3A_471, %get3A_472] {strides = array<i32>} : memref<8x128xf32, #tpu.memory_space<vmem>>, vector<1x16xf32>,
        %get3A_474 = vector.shape_cast %get3A_473 : vector<1x16xf32> to vector<16xf32>
        %mul3A_475 = arith.mulf %get3A_474, %div3A_469 : vector<16xf32>
        %swap3A_476 = arith.constant 4 : i32
        %swap3A_477 = arith.index_cast %swap3A_476 : i32 to index
        %swap3A_478 = arith.constant 0 : index
        %swap3A_479 = tpu.vector_load %arg9[%swap3A_477, %swap3A_478] {strides = array<i32>} : memref<8x128xf32, #tpu.memory_space<vmem>>, vector<1x16xf32>,
        %swap3A_480 = vector.shape_cast %swap3A_479 : vector<1x16xf32> to vector<16xf32>
        %swap3A_481 = vector.shape_cast %mul3A_475 : vector<16xf32> to vector<1x16xf32>
        tpu.vector_store %arg9[%swap3A_477, %swap3A_478], %swap3A_481 {strides = array<i32>} : memref<8x128xf32, #tpu.memory_space<vmem>>, vector<1x16xf32>,
        %get3A_482 = arith.constant 4 : i32
        %get3A_483 = arith.index_cast %get3A_482 : i32 to index
        %get3A_484 = arith.constant 16 : index
        %get3A_485 = tpu.vector_load %arg9[%get3A_483, %get3A_484] {strides = array<i32>} : memref<8x128xf32, #tpu.memory_space<vmem>>, vector<1x16xf32>,
        %get3A_486 = vector.shape_cast %get3A_485 : vector<1x16xf32> to vector<16xf32>
        %mul3A_487 = arith.mulf %get3A_486, %div3A_469 : vector<16xf32>
        %swap3A_488 = arith.constant 4 : i32
        %swap3A_489 = arith.index_cast %swap3A_488 : i32 to index
        %swap3A_490 = arith.constant 16 : index
        %swap3A_491 = tpu.vector_load %arg9[%swap3A_489, %swap3A_490] {strides = array<i32>} : memref<8x128xf32, #tpu.memory_space<vmem>>, vector<1x16xf32>,
        %swap3A_492 = vector.shape_cast %swap3A_491 : vector<1x16xf32> to vector<16xf32>
        %swap3A_493 = vector.shape_cast %mul3A_487 : vector<16xf32> to vector<1x16xf32>
        tpu.vector_store %arg9[%swap3A_489, %swap3A_490], %swap3A_493 {strides = array<i32>} : memref<8x128xf32, #tpu.memory_space<vmem>>, vector<1x16xf32>,
        %get3A_494 = arith.constant 4 : i32
        %get3A_495 = arith.index_cast %get3A_494 : i32 to index
        %get3A_496 = arith.constant 32 : index
        %get3A_497 = tpu.vector_load %arg9[%get3A_495, %get3A_496] {strides = array<i32>} : memref<8x128xf32, #tpu.memory_space<vmem>>, vector<1x16xf32>,
        %get3A_498 = vector.shape_cast %get3A_497 : vector<1x16xf32> to vector<16xf32>
        %mul3A_499 = arith.mulf %get3A_498, %div3A_469 : vector<16xf32>
        %swap3A_500 = arith.constant 4 : i32
        %swap3A_501 = arith.index_cast %swap3A_500 : i32 to index
        %swap3A_502 = arith.constant 32 : index
        %swap3A_503 = tpu.vector_load %arg9[%swap3A_501, %swap3A_502] {strides = array<i32>} : memref<8x128xf32, #tpu.memory_space<vmem>>, vector<1x16xf32>,
        %swap3A_504 = vector.shape_cast %swap3A_503 : vector<1x16xf32> to vector<16xf32>
        %swap3A_505 = vector.shape_cast %mul3A_499 : vector<16xf32> to vector<1x16xf32>
        tpu.vector_store %arg9[%swap3A_501, %swap3A_502], %swap3A_505 {strides = array<i32>} : memref<8x128xf32, #tpu.memory_space<vmem>>, vector<1x16xf32>,
        %get3A_506 = arith.constant 4 : i32
        %get3A_507 = arith.index_cast %get3A_506 : i32 to index
        %get3A_508 = arith.constant 48 : index
        %get3A_509 = tpu.vector_load %arg9[%get3A_507, %get3A_508] {strides = array<i32>} : memref<8x128xf32, #tpu.memory_space<vmem>>, vector<1x16xf32>,
        %get3A_510 = vector.shape_cast %get3A_509 : vector<1x16xf32> to vector<16xf32>
        %mul3A_511 = arith.mulf %get3A_510, %div3A_469 : vector<16xf32>
        %swap3A_512 = arith.constant 4 : i32
        %swap3A_513 = arith.index_cast %swap3A_512 : i32 to index
        %swap3A_514 = arith.constant 48 : index
        %swap3A_515 = tpu.vector_load %arg9[%swap3A_513, %swap3A_514] {strides = array<i32>} : memref<8x128xf32, #tpu.memory_space<vmem>>, vector<1x16xf32>,
        %swap3A_516 = vector.shape_cast %swap3A_515 : vector<1x16xf32> to vector<16xf32>
        %swap3A_517 = vector.shape_cast %mul3A_511 : vector<16xf32> to vector<1x16xf32>
        tpu.vector_store %arg9[%swap3A_513, %swap3A_514], %swap3A_517 {strides = array<i32>} : memref<8x128xf32, #tpu.memory_space<vmem>>, vector<1x16xf32>,
        %get3A_518 = arith.constant 4 : i32
        %get3A_519 = arith.index_cast %get3A_518 : i32 to index
        %get3A_520 = arith.constant 64 : index
        %get3A_521 = tpu.vector_load %arg9[%get3A_519, %get3A_520] {strides = array<i32>} : memref<8x128xf32, #tpu.memory_space<vmem>>, vector<1x16xf32>,
        %get3A_522 = vector.shape_cast %get3A_521 : vector<1x16xf32> to vector<16xf32>
        %mul3A_523 = arith.mulf %get3A_522, %div3A_469 : vector<16xf32>
        %swap3A_524 = arith.constant 4 : i32
        %swap3A_525 = arith.index_cast %swap3A_524 : i32 to index
        %swap3A_526 = arith.constant 64 : index
        %swap3A_527 = tpu.vector_load %arg9[%swap3A_525, %swap3A_526] {strides = array<i32>} : memref<8x128xf32, #tpu.memory_space<vmem>>, vector<1x16xf32>,
        %swap3A_528 = vector.shape_cast %swap3A_527 : vector<1x16xf32> to vector<16xf32>
        %swap3A_529 = vector.shape_cast %mul3A_523 : vector<16xf32> to vector<1x16xf32>
        tpu.vector_store %arg9[%swap3A_525, %swap3A_526], %swap3A_529 {strides = array<i32>} : memref<8x128xf32, #tpu.memory_space<vmem>>, vector<1x16xf32>,
        %get3A_530 = arith.constant 4 : i32
        %get3A_531 = arith.index_cast %get3A_530 : i32 to index
        %get3A_532 = arith.constant 80 : index
        %get3A_533 = tpu.vector_load %arg9[%get3A_531, %get3A_532] {strides = array<i32>} : memref<8x128xf32, #tpu.memory_space<vmem>>, vector<1x16xf32>,
        %get3A_534 = vector.shape_cast %get3A_533 : vector<1x16xf32> to vector<16xf32>
        %mul3A_535 = arith.mulf %get3A_534, %div3A_469 : vector<16xf32>
        %swap3A_536 = arith.constant 4 : i32
        %swap3A_537 = arith.index_cast %swap3A_536 : i32 to index
        %swap3A_538 = arith.constant 80 : index
        %swap3A_539 = tpu.vector_load %arg9[%swap3A_537, %swap3A_538] {strides = array<i32>} : memref<8x128xf32, #tpu.memory_space<vmem>>, vector<1x16xf32>,
        %swap3A_540 = vector.shape_cast %swap3A_539 : vector<1x16xf32> to vector<16xf32>
        %swap3A_541 = vector.shape_cast %mul3A_535 : vector<16xf32> to vector<1x16xf32>
        tpu.vector_store %arg9[%swap3A_537, %swap3A_538], %swap3A_541 {strides = array<i32>} : memref<8x128xf32, #tpu.memory_space<vmem>>, vector<1x16xf32>,
        %get3A_542 = arith.constant 4 : i32
        %get3A_543 = arith.index_cast %get3A_542 : i32 to index
        %get3A_544 = arith.constant 96 : index
        %get3A_545 = tpu.vector_load %arg9[%get3A_543, %get3A_544] {strides = array<i32>} : memref<8x128xf32, #tpu.memory_space<vmem>>, vector<1x16xf32>,
        %get3A_546 = vector.shape_cast %get3A_545 : vector<1x16xf32> to vector<16xf32>
        %mul3A_547 = arith.mulf %get3A_546, %div3A_469 : vector<16xf32>
        %swap3A_548 = arith.constant 4 : i32
        %swap3A_549 = arith.index_cast %swap3A_548 : i32 to index
        %swap3A_550 = arith.constant 96 : index
        %swap3A_551 = tpu.vector_load %arg9[%swap3A_549, %swap3A_550] {strides = array<i32>} : memref<8x128xf32, #tpu.memory_space<vmem>>, vector<1x16xf32>,
        %swap3A_552 = vector.shape_cast %swap3A_551 : vector<1x16xf32> to vector<16xf32>
        %swap3A_553 = vector.shape_cast %mul3A_547 : vector<16xf32> to vector<1x16xf32>
        tpu.vector_store %arg9[%swap3A_549, %swap3A_550], %swap3A_553 {strides = array<i32>} : memref<8x128xf32, #tpu.memory_space<vmem>>, vector<1x16xf32>,
        %get3A_554 = arith.constant 4 : i32
        %get3A_555 = arith.index_cast %get3A_554 : i32 to index
        %get3A_556 = arith.constant 112 : index
        %get3A_557 = tpu.vector_load %arg9[%get3A_555, %get3A_556] {strides = array<i32>} : memref<8x128xf32, #tpu.memory_space<vmem>>, vector<1x16xf32>,
        %get3A_558 = vector.shape_cast %get3A_557 : vector<1x16xf32> to vector<16xf32>
        %mul3A_559 = arith.mulf %get3A_558, %div3A_469 : vector<16xf32>
        %swap3A_560 = arith.constant 4 : i32
        %swap3A_561 = arith.index_cast %swap3A_560 : i32 to index
        %swap3A_562 = arith.constant 112 : index
        %swap3A_563 = tpu.vector_load %arg9[%swap3A_561, %swap3A_562] {strides = array<i32>} : memref<8x128xf32, #tpu.memory_space<vmem>>, vector<1x16xf32>,
        %swap3A_564 = vector.shape_cast %swap3A_563 : vector<1x16xf32> to vector<16xf32>
        %swap3A_565 = vector.shape_cast %mul3A_559 : vector<16xf32> to vector<1x16xf32>
        tpu.vector_store %arg9[%swap3A_561, %swap3A_562], %swap3A_565 {strides = array<i32>} : memref<8x128xf32, #tpu.memory_space<vmem>>, vector<1x16xf32>,
        %get3A_566 = arith.constant 5 : i32
        %get3A_567 = arith.index_cast %get3A_566 : i32 to index
        %get3A_568 = arith.constant 0 : index
        %get3A_569 = tpu.vector_load %arg10[%get3A_567, %get3A_568] {strides = array<i32>} : memref<8x128xf32, #tpu.memory_space<vmem>>, vector<1x16xf32>,
        %get3A_570 = vector.shape_cast %get3A_569 : vector<1x16xf32> to vector<16xf32>
        %max3A_571 = arith.constant 1.000000e+00 : f32
        %max3A_572 = vector.broadcast %max3A_571 : f32 to vector<16xf32>
        %max3A_573 = arith.maximumf %get3A_570, %max3A_572 : vector<16xf32>
        %div3A_574 = arith.constant 1.000000e+00 : f32
        %div3A_575 = vector.broadcast %div3A_574 : f32 to vector<16xf32>
        %div3A_576 = arith.divf %div3A_575, %max3A_573 : vector<16xf32>
        %get3A_577 = arith.constant 5 : i32
        %get3A_578 = arith.index_cast %get3A_577 : i32 to index
        %get3A_579 = arith.constant 0 : index
        %get3A_580 = tpu.vector_load %arg9[%get3A_578, %get3A_579] {strides = array<i32>} : memref<8x128xf32, #tpu.memory_space<vmem>>, vector<1x16xf32>,
        %get3A_581 = vector.shape_cast %get3A_580 : vector<1x16xf32> to vector<16xf32>
        %mul3A_582 = arith.mulf %get3A_581, %div3A_576 : vector<16xf32>
        %swap3A_583 = arith.constant 5 : i32
        %swap3A_584 = arith.index_cast %swap3A_583 : i32 to index
        %swap3A_585 = arith.constant 0 : index
        %swap3A_586 = tpu.vector_load %arg9[%swap3A_584, %swap3A_585] {strides = array<i32>} : memref<8x128xf32, #tpu.memory_space<vmem>>, vector<1x16xf32>,
        %swap3A_587 = vector.shape_cast %swap3A_586 : vector<1x16xf32> to vector<16xf32>
        %swap3A_588 = vector.shape_cast %mul3A_582 : vector<16xf32> to vector<1x16xf32>
        tpu.vector_store %arg9[%swap3A_584, %swap3A_585], %swap3A_588 {strides = array<i32>} : memref<8x128xf32, #tpu.memory_space<vmem>>, vector<1x16xf32>,
        %get3A_589 = arith.constant 5 : i32
        %get3A_590 = arith.index_cast %get3A_589 : i32 to index
        %get3A_591 = arith.constant 16 : index
        %get3A_592 = tpu.vector_load %arg9[%get3A_590, %get3A_591] {strides = array<i32>} : memref<8x128xf32, #tpu.memory_space<vmem>>, vector<1x16xf32>,
        %get3A_593 = vector.shape_cast %get3A_592 : vector<1x16xf32> to vector<16xf32>
        %mul3A_594 = arith.mulf %get3A_593, %div3A_576 : vector<16xf32>
        %swap3A_595 = arith.constant 5 : i32
        %swap3A_596 = arith.index_cast %swap3A_595 : i32 to index
        %swap3A_597 = arith.constant 16 : index
        %swap3A_598 = tpu.vector_load %arg9[%swap3A_596, %swap3A_597] {strides = array<i32>} : memref<8x128xf32, #tpu.memory_space<vmem>>, vector<1x16xf32>,
        %swap3A_599 = vector.shape_cast %swap3A_598 : vector<1x16xf32> to vector<16xf32>
        %swap3A_600 = vector.shape_cast %mul3A_594 : vector<16xf32> to vector<1x16xf32>
        tpu.vector_store %arg9[%swap3A_596, %swap3A_597], %swap3A_600 {strides = array<i32>} : memref<8x128xf32, #tpu.memory_space<vmem>>, vector<1x16xf32>,
        %get3A_601 = arith.constant 5 : i32
        %get3A_602 = arith.index_cast %get3A_601 : i32 to index
        %get3A_603 = arith.constant 32 : index
        %get3A_604 = tpu.vector_load %arg9[%get3A_602, %get3A_603] {strides = array<i32>} : memref<8x128xf32, #tpu.memory_space<vmem>>, vector<1x16xf32>,
        %get3A_605 = vector.shape_cast %get3A_604 : vector<1x16xf32> to vector<16xf32>
        %mul3A_606 = arith.mulf %get3A_605, %div3A_576 : vector<16xf32>
        %swap3A_607 = arith.constant 5 : i32
        %swap3A_608 = arith.index_cast %swap3A_607 : i32 to index
        %swap3A_609 = arith.constant 32 : index
        %swap3A_610 = tpu.vector_load %arg9[%swap3A_608, %swap3A_609] {strides = array<i32>} : memref<8x128xf32, #tpu.memory_space<vmem>>, vector<1x16xf32>,
        %swap3A_611 = vector.shape_cast %swap3A_610 : vector<1x16xf32> to vector<16xf32>
        %swap3A_612 = vector.shape_cast %mul3A_606 : vector<16xf32> to vector<1x16xf32>
        tpu.vector_store %arg9[%swap3A_608, %swap3A_609], %swap3A_612 {strides = array<i32>} : memref<8x128xf32, #tpu.memory_space<vmem>>, vector<1x16xf32>,
        %get3A_613 = arith.constant 5 : i32
        %get3A_614 = arith.index_cast %get3A_613 : i32 to index
        %get3A_615 = arith.constant 48 : index
        %get3A_616 = tpu.vector_load %arg9[%get3A_614, %get3A_615] {strides = array<i32>} : memref<8x128xf32, #tpu.memory_space<vmem>>, vector<1x16xf32>,
        %get3A_617 = vector.shape_cast %get3A_616 : vector<1x16xf32> to vector<16xf32>
        %mul3A_618 = arith.mulf %get3A_617, %div3A_576 : vector<16xf32>
        %swap3A_619 = arith.constant 5 : i32
        %swap3A_620 = arith.index_cast %swap3A_619 : i32 to index
        %swap3A_621 = arith.constant 48 : index
        %swap3A_622 = tpu.vector_load %arg9[%swap3A_620, %swap3A_621] {strides = array<i32>} : memref<8x128xf32, #tpu.memory_space<vmem>>, vector<1x16xf32>,
        %swap3A_623 = vector.shape_cast %swap3A_622 : vector<1x16xf32> to vector<16xf32>
        %swap3A_624 = vector.shape_cast %mul3A_618 : vector<16xf32> to vector<1x16xf32>
        tpu.vector_store %arg9[%swap3A_620, %swap3A_621], %swap3A_624 {strides = array<i32>} : memref<8x128xf32, #tpu.memory_space<vmem>>, vector<1x16xf32>,
        %get3A_625 = arith.constant 5 : i32
        %get3A_626 = arith.index_cast %get3A_625 : i32 to index
        %get3A_627 = arith.constant 64 : index
        %get3A_628 = tpu.vector_load %arg9[%get3A_626, %get3A_627] {strides = array<i32>} : memref<8x128xf32, #tpu.memory_space<vmem>>, vector<1x16xf32>,
        %get3A_629 = vector.shape_cast %get3A_628 : vector<1x16xf32> to vector<16xf32>
        %mul3A_630 = arith.mulf %get3A_629, %div3A_576 : vector<16xf32>
        %swap3A_631 = arith.constant 5 : i32
        %swap3A_632 = arith.index_cast %swap3A_631 : i32 to index
        %swap3A_633 = arith.constant 64 : index
        %swap3A_634 = tpu.vector_load %arg9[%swap3A_632, %swap3A_633] {strides = array<i32>} : memref<8x128xf32, #tpu.memory_space<vmem>>, vector<1x16xf32>,
        %swap3A_635 = vector.shape_cast %swap3A_634 : vector<1x16xf32> to vector<16xf32>
        %swap3A_636 = vector.shape_cast %mul3A_630 : vector<16xf32> to vector<1x16xf32>
        tpu.vector_store %arg9[%swap3A_632, %swap3A_633], %swap3A_636 {strides = array<i32>} : memref<8x128xf32, #tpu.memory_space<vmem>>, vector<1x16xf32>,
        %get3A_637 = arith.constant 5 : i32
        %get3A_638 = arith.index_cast %get3A_637 : i32 to index
        %get3A_639 = arith.constant 80 : index
        %get3A_640 = tpu.vector_load %arg9[%get3A_638, %get3A_639] {strides = array<i32>} : memref<8x128xf32, #tpu.memory_space<vmem>>, vector<1x16xf32>,
        %get3A_641 = vector.shape_cast %get3A_640 : vector<1x16xf32> to vector<16xf32>
        %mul3A_642 = arith.mulf %get3A_641, %div3A_576 : vector<16xf32>
        %swap3A_643 = arith.constant 5 : i32
        %swap3A_644 = arith.index_cast %swap3A_643 : i32 to index
        %swap3A_645 = arith.constant 80 : index
        %swap3A_646 = tpu.vector_load %arg9[%swap3A_644, %swap3A_645] {strides = array<i32>} : memref<8x128xf32, #tpu.memory_space<vmem>>, vector<1x16xf32>,
        %swap3A_647 = vector.shape_cast %swap3A_646 : vector<1x16xf32> to vector<16xf32>
        %swap3A_648 = vector.shape_cast %mul3A_642 : vector<16xf32> to vector<1x16xf32>
        tpu.vector_store %arg9[%swap3A_644, %swap3A_645], %swap3A_648 {strides = array<i32>} : memref<8x128xf32, #tpu.memory_space<vmem>>, vector<1x16xf32>,
        %get3A_649 = arith.constant 5 : i32
        %get3A_650 = arith.index_cast %get3A_649 : i32 to index
        %get3A_651 = arith.constant 96 : index
        %get3A_652 = tpu.vector_load %arg9[%get3A_650, %get3A_651] {strides = array<i32>} : memref<8x128xf32, #tpu.memory_space<vmem>>, vector<1x16xf32>,
        %get3A_653 = vector.shape_cast %get3A_652 : vector<1x16xf32> to vector<16xf32>
        %mul3A_654 = arith.mulf %get3A_653, %div3A_576 : vector<16xf32>
        %swap3A_655 = arith.constant 5 : i32
        %swap3A_656 = arith.index_cast %swap3A_655 : i32 to index
        %swap3A_657 = arith.constant 96 : index
        %swap3A_658 = tpu.vector_load %arg9[%swap3A_656, %swap3A_657] {strides = array<i32>} : memref<8x128xf32, #tpu.memory_space<vmem>>, vector<1x16xf32>,
        %swap3A_659 = vector.shape_cast %swap3A_658 : vector<1x16xf32> to vector<16xf32>
        %swap3A_660 = vector.shape_cast %mul3A_654 : vector<16xf32> to vector<1x16xf32>
        tpu.vector_store %arg9[%swap3A_656, %swap3A_657], %swap3A_660 {strides = array<i32>} : memref<8x128xf32, #tpu.memory_space<vmem>>, vector<1x16xf32>,
        %get3A_661 = arith.constant 5 : i32
        %get3A_662 = arith.index_cast %get3A_661 : i32 to index
        %get3A_663 = arith.constant 112 : index
        %get3A_664 = tpu.vector_load %arg9[%get3A_662, %get3A_663] {strides = array<i32>} : memref<8x128xf32, #tpu.memory_space<vmem>>, vector<1x16xf32>,
        %get3A_665 = vector.shape_cast %get3A_664 : vector<1x16xf32> to vector<16xf32>
        %mul3A_666 = arith.mulf %get3A_665, %div3A_576 : vector<16xf32>
        %swap3A_667 = arith.constant 5 : i32
        %swap3A_668 = arith.index_cast %swap3A_667 : i32 to index
        %swap3A_669 = arith.constant 112 : index
        %swap3A_670 = tpu.vector_load %arg9[%swap3A_668, %swap3A_669] {strides = array<i32>} : memref<8x128xf32, #tpu.memory_space<vmem>>, vector<1x16xf32>,
        %swap3A_671 = vector.shape_cast %swap3A_670 : vector<1x16xf32> to vector<16xf32>
        %swap3A_672 = vector.shape_cast %mul3A_666 : vector<16xf32> to vector<1x16xf32>
        tpu.vector_store %arg9[%swap3A_668, %swap3A_669], %swap3A_672 {strides = array<i32>} : memref<8x128xf32, #tpu.memory_space<vmem>>, vector<1x16xf32>,
        %get3A_673 = arith.constant 6 : i32
        %get3A_674 = arith.index_cast %get3A_673 : i32 to index
        %get3A_675 = arith.constant 0 : index
        %get3A_676 = tpu.vector_load %arg10[%get3A_674, %get3A_675] {strides = array<i32>} : memref<8x128xf32, #tpu.memory_space<vmem>>, vector<1x16xf32>,
        %get3A_677 = vector.shape_cast %get3A_676 : vector<1x16xf32> to vector<16xf32>
        %max3A_678 = arith.constant 1.000000e+00 : f32
        %max3A_679 = vector.broadcast %max3A_678 : f32 to vector<16xf32>
        %max3A_680 = arith.maximumf %get3A_677, %max3A_679 : vector<16xf32>
        %div3A_681 = arith.constant 1.000000e+00 : f32
        %div3A_682 = vector.broadcast %div3A_681 : f32 to vector<16xf32>
        %div3A_683 = arith.divf %div3A_682, %max3A_680 : vector<16xf32>
        %get3A_684 = arith.constant 6 : i32
        %get3A_685 = arith.index_cast %get3A_684 : i32 to index
        %get3A_686 = arith.constant 0 : index
        %get3A_687 = tpu.vector_load %arg9[%get3A_685, %get3A_686] {strides = array<i32>} : memref<8x128xf32, #tpu.memory_space<vmem>>, vector<1x16xf32>,
        %get3A_688 = vector.shape_cast %get3A_687 : vector<1x16xf32> to vector<16xf32>
        %mul3A_689 = arith.mulf %get3A_688, %div3A_683 : vector<16xf32>
        %swap3A_690 = arith.constant 6 : i32
        %swap3A_691 = arith.index_cast %swap3A_690 : i32 to index
        %swap3A_692 = arith.constant 0 : index
        %swap3A_693 = tpu.vector_load %arg9[%swap3A_691, %swap3A_692] {strides = array<i32>} : memref<8x128xf32, #tpu.memory_space<vmem>>, vector<1x16xf32>,
        %swap3A_694 = vector.shape_cast %swap3A_693 : vector<1x16xf32> to vector<16xf32>
        %swap3A_695 = vector.shape_cast %mul3A_689 : vector<16xf32> to vector<1x16xf32>
        tpu.vector_store %arg9[%swap3A_691, %swap3A_692], %swap3A_695 {strides = array<i32>} : memref<8x128xf32, #tpu.memory_space<vmem>>, vector<1x16xf32>,
        %get3A_696 = arith.constant 6 : i32
        %get3A_697 = arith.index_cast %get3A_696 : i32 to index
        %get3A_698 = arith.constant 16 : index
        %get3A_699 = tpu.vector_load %arg9[%get3A_697, %get3A_698] {strides = array<i32>} : memref<8x128xf32, #tpu.memory_space<vmem>>, vector<1x16xf32>,
        %get3A_700 = vector.shape_cast %get3A_699 : vector<1x16xf32> to vector<16xf32>
        %mul3A_701 = arith.mulf %get3A_700, %div3A_683 : vector<16xf32>
        %swap3A_702 = arith.constant 6 : i32
        %swap3A_703 = arith.index_cast %swap3A_702 : i32 to index
        %swap3A_704 = arith.constant 16 : index
        %swap3A_705 = tpu.vector_load %arg9[%swap3A_703, %swap3A_704] {strides = array<i32>} : memref<8x128xf32, #tpu.memory_space<vmem>>, vector<1x16xf32>,
        %swap3A_706 = vector.shape_cast %swap3A_705 : vector<1x16xf32> to vector<16xf32>
        %swap3A_707 = vector.shape_cast %mul3A_701 : vector<16xf32> to vector<1x16xf32>
        tpu.vector_store %arg9[%swap3A_703, %swap3A_704], %swap3A_707 {strides = array<i32>} : memref<8x128xf32, #tpu.memory_space<vmem>>, vector<1x16xf32>,
        %get3A_708 = arith.constant 6 : i32
        %get3A_709 = arith.index_cast %get3A_708 : i32 to index
        %get3A_710 = arith.constant 32 : index
        %get3A_711 = tpu.vector_load %arg9[%get3A_709, %get3A_710] {strides = array<i32>} : memref<8x128xf32, #tpu.memory_space<vmem>>, vector<1x16xf32>,
        %get3A_712 = vector.shape_cast %get3A_711 : vector<1x16xf32> to vector<16xf32>
        %mul3A_713 = arith.mulf %get3A_712, %div3A_683 : vector<16xf32>
        %swap3A_714 = arith.constant 6 : i32
        %swap3A_715 = arith.index_cast %swap3A_714 : i32 to index
        %swap3A_716 = arith.constant 32 : index
        %swap3A_717 = tpu.vector_load %arg9[%swap3A_715, %swap3A_716] {strides = array<i32>} : memref<8x128xf32, #tpu.memory_space<vmem>>, vector<1x16xf32>,
        %swap3A_718 = vector.shape_cast %swap3A_717 : vector<1x16xf32> to vector<16xf32>
        %swap3A_719 = vector.shape_cast %mul3A_713 : vector<16xf32> to vector<1x16xf32>
        tpu.vector_store %arg9[%swap3A_715, %swap3A_716], %swap3A_719 {strides = array<i32>} : memref<8x128xf32, #tpu.memory_space<vmem>>, vector<1x16xf32>,
        %get3A_720 = arith.constant 6 : i32
        %get3A_721 = arith.index_cast %get3A_720 : i32 to index
        %get3A_722 = arith.constant 48 : index
        %get3A_723 = tpu.vector_load %arg9[%get3A_721, %get3A_722] {strides = array<i32>} : memref<8x128xf32, #tpu.memory_space<vmem>>, vector<1x16xf32>,
        %get3A_724 = vector.shape_cast %get3A_723 : vector<1x16xf32> to vector<16xf32>
        %mul3A_725 = arith.mulf %get3A_724, %div3A_683 : vector<16xf32>
        %swap3A_726 = arith.constant 6 : i32
        %swap3A_727 = arith.index_cast %swap3A_726 : i32 to index
        %swap3A_728 = arith.constant 48 : index
        %swap3A_729 = tpu.vector_load %arg9[%swap3A_727, %swap3A_728] {strides = array<i32>} : memref<8x128xf32, #tpu.memory_space<vmem>>, vector<1x16xf32>,
        %swap3A_730 = vector.shape_cast %swap3A_729 : vector<1x16xf32> to vector<16xf32>
        %swap3A_731 = vector.shape_cast %mul3A_725 : vector<16xf32> to vector<1x16xf32>
        tpu.vector_store %arg9[%swap3A_727, %swap3A_728], %swap3A_731 {strides = array<i32>} : memref<8x128xf32, #tpu.memory_space<vmem>>, vector<1x16xf32>,
        %get3A_732 = arith.constant 6 : i32
        %get3A_733 = arith.index_cast %get3A_732 : i32 to index
        %get3A_734 = arith.constant 64 : index
        %get3A_735 = tpu.vector_load %arg9[%get3A_733, %get3A_734] {strides = array<i32>} : memref<8x128xf32, #tpu.memory_space<vmem>>, vector<1x16xf32>,
        %get3A_736 = vector.shape_cast %get3A_735 : vector<1x16xf32> to vector<16xf32>
        %mul3A_737 = arith.mulf %get3A_736, %div3A_683 : vector<16xf32>
        %swap3A_738 = arith.constant 6 : i32
        %swap3A_739 = arith.index_cast %swap3A_738 : i32 to index
        %swap3A_740 = arith.constant 64 : index
        %swap3A_741 = tpu.vector_load %arg9[%swap3A_739, %swap3A_740] {strides = array<i32>} : memref<8x128xf32, #tpu.memory_space<vmem>>, vector<1x16xf32>,
        %swap3A_742 = vector.shape_cast %swap3A_741 : vector<1x16xf32> to vector<16xf32>
        %swap3A_743 = vector.shape_cast %mul3A_737 : vector<16xf32> to vector<1x16xf32>
        tpu.vector_store %arg9[%swap3A_739, %swap3A_740], %swap3A_743 {strides = array<i32>} : memref<8x128xf32, #tpu.memory_space<vmem>>, vector<1x16xf32>,
        %get3A_744 = arith.constant 6 : i32
        %get3A_745 = arith.index_cast %get3A_744 : i32 to index
        %get3A_746 = arith.constant 80 : index
        %get3A_747 = tpu.vector_load %arg9[%get3A_745, %get3A_746] {strides = array<i32>} : memref<8x128xf32, #tpu.memory_space<vmem>>, vector<1x16xf32>,
        %get3A_748 = vector.shape_cast %get3A_747 : vector<1x16xf32> to vector<16xf32>
        %mul3A_749 = arith.mulf %get3A_748, %div3A_683 : vector<16xf32>
        %swap3A_750 = arith.constant 6 : i32
        %swap3A_751 = arith.index_cast %swap3A_750 : i32 to index
        %swap3A_752 = arith.constant 80 : index
        %swap3A_753 = tpu.vector_load %arg9[%swap3A_751, %swap3A_752] {strides = array<i32>} : memref<8x128xf32, #tpu.memory_space<vmem>>, vector<1x16xf32>,
        %swap3A_754 = vector.shape_cast %swap3A_753 : vector<1x16xf32> to vector<16xf32>
        %swap3A_755 = vector.shape_cast %mul3A_749 : vector<16xf32> to vector<1x16xf32>
        tpu.vector_store %arg9[%swap3A_751, %swap3A_752], %swap3A_755 {strides = array<i32>} : memref<8x128xf32, #tpu.memory_space<vmem>>, vector<1x16xf32>,
        %get3A_756 = arith.constant 6 : i32
        %get3A_757 = arith.index_cast %get3A_756 : i32 to index
        %get3A_758 = arith.constant 96 : index
        %get3A_759 = tpu.vector_load %arg9[%get3A_757, %get3A_758] {strides = array<i32>} : memref<8x128xf32, #tpu.memory_space<vmem>>, vector<1x16xf32>,
        %get3A_760 = vector.shape_cast %get3A_759 : vector<1x16xf32> to vector<16xf32>
        %mul3A_761 = arith.mulf %get3A_760, %div3A_683 : vector<16xf32>
        %swap3A_762 = arith.constant 6 : i32
        %swap3A_763 = arith.index_cast %swap3A_762 : i32 to index
        %swap3A_764 = arith.constant 96 : index
        %swap3A_765 = tpu.vector_load %arg9[%swap3A_763, %swap3A_764] {strides = array<i32>} : memref<8x128xf32, #tpu.memory_space<vmem>>, vector<1x16xf32>,
        %swap3A_766 = vector.shape_cast %swap3A_765 : vector<1x16xf32> to vector<16xf32>
        %swap3A_767 = vector.shape_cast %mul3A_761 : vector<16xf32> to vector<1x16xf32>
        tpu.vector_store %arg9[%swap3A_763, %swap3A_764], %swap3A_767 {strides = array<i32>} : memref<8x128xf32, #tpu.memory_space<vmem>>, vector<1x16xf32>,
        %get3A_768 = arith.constant 6 : i32
        %get3A_769 = arith.index_cast %get3A_768 : i32 to index
        %get3A_770 = arith.constant 112 : index
        %get3A_771 = tpu.vector_load %arg9[%get3A_769, %get3A_770] {strides = array<i32>} : memref<8x128xf32, #tpu.memory_space<vmem>>, vector<1x16xf32>,
        %get3A_772 = vector.shape_cast %get3A_771 : vector<1x16xf32> to vector<16xf32>
        %mul3A_773 = arith.mulf %get3A_772, %div3A_683 : vector<16xf32>
        %swap3A_774 = arith.constant 6 : i32
        %swap3A_775 = arith.index_cast %swap3A_774 : i32 to index
        %swap3A_776 = arith.constant 112 : index
        %swap3A_777 = tpu.vector_load %arg9[%swap3A_775, %swap3A_776] {strides = array<i32>} : memref<8x128xf32, #tpu.memory_space<vmem>>, vector<1x16xf32>,
        %swap3A_778 = vector.shape_cast %swap3A_777 : vector<1x16xf32> to vector<16xf32>
        %swap3A_779 = vector.shape_cast %mul3A_773 : vector<16xf32> to vector<1x16xf32>
        tpu.vector_store %arg9[%swap3A_775, %swap3A_776], %swap3A_779 {strides = array<i32>} : memref<8x128xf32, #tpu.memory_space<vmem>>, vector<1x16xf32>,
        %get3A_780 = arith.constant 7 : i32
        %get3A_781 = arith.index_cast %get3A_780 : i32 to index
        %get3A_782 = arith.constant 0 : index
        %get3A_783 = tpu.vector_load %arg10[%get3A_781, %get3A_782] {strides = array<i32>} : memref<8x128xf32, #tpu.memory_space<vmem>>, vector<1x16xf32>,
        %get3A_784 = vector.shape_cast %get3A_783 : vector<1x16xf32> to vector<16xf32>
        %max3A_785 = arith.constant 1.000000e+00 : f32
        %max3A_786 = vector.broadcast %max3A_785 : f32 to vector<16xf32>
        %max3A_787 = arith.maximumf %get3A_784, %max3A_786 : vector<16xf32>
        %div3A_788 = arith.constant 1.000000e+00 : f32
        %div3A_789 = vector.broadcast %div3A_788 : f32 to vector<16xf32>
        %div3A_790 = arith.divf %div3A_789, %max3A_787 : vector<16xf32>
        %get3A_791 = arith.constant 7 : i32
        %get3A_792 = arith.index_cast %get3A_791 : i32 to index
        %get3A_793 = arith.constant 0 : index
        %get3A_794 = tpu.vector_load %arg9[%get3A_792, %get3A_793] {strides = array<i32>} : memref<8x128xf32, #tpu.memory_space<vmem>>, vector<1x16xf32>,
        %get3A_795 = vector.shape_cast %get3A_794 : vector<1x16xf32> to vector<16xf32>
        %mul3A_796 = arith.mulf %get3A_795, %div3A_790 : vector<16xf32>
        %swap3A_797 = arith.constant 7 : i32
        %swap3A_798 = arith.index_cast %swap3A_797 : i32 to index
        %swap3A_799 = arith.constant 0 : index
        %swap3A_800 = tpu.vector_load %arg9[%swap3A_798, %swap3A_799] {strides = array<i32>} : memref<8x128xf32, #tpu.memory_space<vmem>>, vector<1x16xf32>,
        %swap3A_801 = vector.shape_cast %swap3A_800 : vector<1x16xf32> to vector<16xf32>
        %swap3A_802 = vector.shape_cast %mul3A_796 : vector<16xf32> to vector<1x16xf32>
        tpu.vector_store %arg9[%swap3A_798, %swap3A_799], %swap3A_802 {strides = array<i32>} : memref<8x128xf32, #tpu.memory_space<vmem>>, vector<1x16xf32>,
        %get3A_803 = arith.constant 7 : i32
        %get3A_804 = arith.index_cast %get3A_803 : i32 to index
        %get3A_805 = arith.constant 16 : index
        %get3A_806 = tpu.vector_load %arg9[%get3A_804, %get3A_805] {strides = array<i32>} : memref<8x128xf32, #tpu.memory_space<vmem>>, vector<1x16xf32>,
        %get3A_807 = vector.shape_cast %get3A_806 : vector<1x16xf32> to vector<16xf32>
        %mul3A_808 = arith.mulf %get3A_807, %div3A_790 : vector<16xf32>
        %swap3A_809 = arith.constant 7 : i32
        %swap3A_810 = arith.index_cast %swap3A_809 : i32 to index
        %swap3A_811 = arith.constant 16 : index
        %swap3A_812 = tpu.vector_load %arg9[%swap3A_810, %swap3A_811] {strides = array<i32>} : memref<8x128xf32, #tpu.memory_space<vmem>>, vector<1x16xf32>,
        %swap3A_813 = vector.shape_cast %swap3A_812 : vector<1x16xf32> to vector<16xf32>
        %swap3A_814 = vector.shape_cast %mul3A_808 : vector<16xf32> to vector<1x16xf32>
        tpu.vector_store %arg9[%swap3A_810, %swap3A_811], %swap3A_814 {strides = array<i32>} : memref<8x128xf32, #tpu.memory_space<vmem>>, vector<1x16xf32>,
        %get3A_815 = arith.constant 7 : i32
        %get3A_816 = arith.index_cast %get3A_815 : i32 to index
        %get3A_817 = arith.constant 32 : index
        %get3A_818 = tpu.vector_load %arg9[%get3A_816, %get3A_817] {strides = array<i32>} : memref<8x128xf32, #tpu.memory_space<vmem>>, vector<1x16xf32>,
        %get3A_819 = vector.shape_cast %get3A_818 : vector<1x16xf32> to vector<16xf32>
        %mul3A_820 = arith.mulf %get3A_819, %div3A_790 : vector<16xf32>
        %swap3A_821 = arith.constant 7 : i32
        %swap3A_822 = arith.index_cast %swap3A_821 : i32 to index
        %swap3A_823 = arith.constant 32 : index
        %swap3A_824 = tpu.vector_load %arg9[%swap3A_822, %swap3A_823] {strides = array<i32>} : memref<8x128xf32, #tpu.memory_space<vmem>>, vector<1x16xf32>,
        %swap3A_825 = vector.shape_cast %swap3A_824 : vector<1x16xf32> to vector<16xf32>
        %swap3A_826 = vector.shape_cast %mul3A_820 : vector<16xf32> to vector<1x16xf32>
        tpu.vector_store %arg9[%swap3A_822, %swap3A_823], %swap3A_826 {strides = array<i32>} : memref<8x128xf32, #tpu.memory_space<vmem>>, vector<1x16xf32>,
        %get3A_827 = arith.constant 7 : i32
        %get3A_828 = arith.index_cast %get3A_827 : i32 to index
        %get3A_829 = arith.constant 48 : index
        %get3A_830 = tpu.vector_load %arg9[%get3A_828, %get3A_829] {strides = array<i32>} : memref<8x128xf32, #tpu.memory_space<vmem>>, vector<1x16xf32>,
        %get3A_831 = vector.shape_cast %get3A_830 : vector<1x16xf32> to vector<16xf32>
        %mul3A_832 = arith.mulf %get3A_831, %div3A_790 : vector<16xf32>
        %swap3A_833 = arith.constant 7 : i32
        %swap3A_834 = arith.index_cast %swap3A_833 : i32 to index
        %swap3A_835 = arith.constant 48 : index
        %swap3A_836 = tpu.vector_load %arg9[%swap3A_834, %swap3A_835] {strides = array<i32>} : memref<8x128xf32, #tpu.memory_space<vmem>>, vector<1x16xf32>,
        %swap3A_837 = vector.shape_cast %swap3A_836 : vector<1x16xf32> to vector<16xf32>
        %swap3A_838 = vector.shape_cast %mul3A_832 : vector<16xf32> to vector<1x16xf32>
        tpu.vector_store %arg9[%swap3A_834, %swap3A_835], %swap3A_838 {strides = array<i32>} : memref<8x128xf32, #tpu.memory_space<vmem>>, vector<1x16xf32>,
        %get3A_839 = arith.constant 7 : i32
        %get3A_840 = arith.index_cast %get3A_839 : i32 to index
        %get3A_841 = arith.constant 64 : index
        %get3A_842 = tpu.vector_load %arg9[%get3A_840, %get3A_841] {strides = array<i32>} : memref<8x128xf32, #tpu.memory_space<vmem>>, vector<1x16xf32>,
        %get3A_843 = vector.shape_cast %get3A_842 : vector<1x16xf32> to vector<16xf32>
        %mul3A_844 = arith.mulf %get3A_843, %div3A_790 : vector<16xf32>
        %swap3A_845 = arith.constant 7 : i32
        %swap3A_846 = arith.index_cast %swap3A_845 : i32 to index
        %swap3A_847 = arith.constant 64 : index
        %swap3A_848 = tpu.vector_load %arg9[%swap3A_846, %swap3A_847] {strides = array<i32>} : memref<8x128xf32, #tpu.memory_space<vmem>>, vector<1x16xf32>,
        %swap3A_849 = vector.shape_cast %swap3A_848 : vector<1x16xf32> to vector<16xf32>
        %swap3A_850 = vector.shape_cast %mul3A_844 : vector<16xf32> to vector<1x16xf32>
        tpu.vector_store %arg9[%swap3A_846, %swap3A_847], %swap3A_850 {strides = array<i32>} : memref<8x128xf32, #tpu.memory_space<vmem>>, vector<1x16xf32>,
        %get3A_851 = arith.constant 7 : i32
        %get3A_852 = arith.index_cast %get3A_851 : i32 to index
        %get3A_853 = arith.constant 80 : index
        %get3A_854 = tpu.vector_load %arg9[%get3A_852, %get3A_853] {strides = array<i32>} : memref<8x128xf32, #tpu.memory_space<vmem>>, vector<1x16xf32>,
        %get3A_855 = vector.shape_cast %get3A_854 : vector<1x16xf32> to vector<16xf32>
        %mul3A_856 = arith.mulf %get3A_855, %div3A_790 : vector<16xf32>
        %swap3A_857 = arith.constant 7 : i32
        %swap3A_858 = arith.index_cast %swap3A_857 : i32 to index
        %swap3A_859 = arith.constant 80 : index
        %swap3A_860 = tpu.vector_load %arg9[%swap3A_858, %swap3A_859] {strides = array<i32>} : memref<8x128xf32, #tpu.memory_space<vmem>>, vector<1x16xf32>,
        %swap3A_861 = vector.shape_cast %swap3A_860 : vector<1x16xf32> to vector<16xf32>
        %swap3A_862 = vector.shape_cast %mul3A_856 : vector<16xf32> to vector<1x16xf32>
        tpu.vector_store %arg9[%swap3A_858, %swap3A_859], %swap3A_862 {strides = array<i32>} : memref<8x128xf32, #tpu.memory_space<vmem>>, vector<1x16xf32>,
        %get3A_863 = arith.constant 7 : i32
        %get3A_864 = arith.index_cast %get3A_863 : i32 to index
        %get3A_865 = arith.constant 96 : index
        %get3A_866 = tpu.vector_load %arg9[%get3A_864, %get3A_865] {strides = array<i32>} : memref<8x128xf32, #tpu.memory_space<vmem>>, vector<1x16xf32>,
        %get3A_867 = vector.shape_cast %get3A_866 : vector<1x16xf32> to vector<16xf32>
        %mul3A_868 = arith.mulf %get3A_867, %div3A_790 : vector<16xf32>
        %swap3A_869 = arith.constant 7 : i32
        %swap3A_870 = arith.index_cast %swap3A_869 : i32 to index
        %swap3A_871 = arith.constant 96 : index
        %swap3A_872 = tpu.vector_load %arg9[%swap3A_870, %swap3A_871] {strides = array<i32>} : memref<8x128xf32, #tpu.memory_space<vmem>>, vector<1x16xf32>,
        %swap3A_873 = vector.shape_cast %swap3A_872 : vector<1x16xf32> to vector<16xf32>
        %swap3A_874 = vector.shape_cast %mul3A_868 : vector<16xf32> to vector<1x16xf32>
        tpu.vector_store %arg9[%swap3A_870, %swap3A_871], %swap3A_874 {strides = array<i32>} : memref<8x128xf32, #tpu.memory_space<vmem>>, vector<1x16xf32>,
        %get3A_875 = arith.constant 7 : i32
        %get3A_876 = arith.index_cast %get3A_875 : i32 to index
        %get3A_877 = arith.constant 112 : index
        %get3A_878 = tpu.vector_load %arg9[%get3A_876, %get3A_877] {strides = array<i32>} : memref<8x128xf32, #tpu.memory_space<vmem>>, vector<1x16xf32>,
        %get3A_879 = vector.shape_cast %get3A_878 : vector<1x16xf32> to vector<16xf32>
        %mul3A_880 = arith.mulf %get3A_879, %div3A_790 : vector<16xf32>
        %swap3A_881 = arith.constant 7 : i32
        %swap3A_882 = arith.index_cast %swap3A_881 : i32 to index
        %swap3A_883 = arith.constant 112 : index
        %swap3A_884 = tpu.vector_load %arg9[%swap3A_882, %swap3A_883] {strides = array<i32>} : memref<8x128xf32, #tpu.memory_space<vmem>>, vector<1x16xf32>,
        %swap3A_885 = vector.shape_cast %swap3A_884 : vector<1x16xf32> to vector<16xf32>
        %swap3A_886 = vector.shape_cast %mul3A_880 : vector<16xf32> to vector<1x16xf32>
        tpu.vector_store %arg9[%swap3A_882, %swap3A_883], %swap3A_886 {strides = array<i32>} : memref<8x128xf32, #tpu.memory_space<vmem>>, vector<1x16xf32>,
        %mul3A_887 = arith.constant 8 : i32
        %mul3A_888 = arith.muli %arg1, %mul3A_887 : i32
        "tpu.region"() ({
          %run_scoped3A_889 = tpu.sem_alloc : memref<!tpu.dma_semaphore, #tpu.memory_space<semaphore_mem>>
          %dma_start3A = arith.constant 0 : i32
          %dma_start3A_890 = tpu.memref_slice %arg6[%mul3A_888, %dma_start3A] : memref<64x128xf32, #tpu.memory_space<hbm>> -> memref<8x128xf32, #tpu.memory_space<hbm>>
          %dma_start3A_891 = arith.constant 0 : i32
          %dma_start3A_892 = tpu.memref_slice %arg6[%mul3A_888, %dma_start3A_891] : memref<64x128xf32, #tpu.memory_space<hbm>> -> memref<8x128xf32, #tpu.memory_space<hbm>>
          tpu.enqueue_dma source(%arg9 : memref<8x128xf32, #tpu.memory_space<vmem>>) target(%dma_start3A_892 : memref<8x128xf32, #tpu.memory_space<hbm>>) target_semaphore(%run_scoped3A_889 : memref<!tpu.dma_semaphore, #tpu.memory_space<semaphore_mem>>)
          %dma_wait3A = arith.constant 0 : i32
          %dma_wait3A_893 = tpu.memref_slice %arg6[%mul3A_888, %dma_wait3A] : memref<64x128xf32, #tpu.memory_space<hbm>> -> memref<8x128xf32, #tpu.memory_space<hbm>>
          %dma_wait3A_894 = arith.constant 0 : i32
          %dma_wait3A_895 = tpu.memref_slice %arg6[%mul3A_888, %dma_wait3A_894] : memref<64x128xf32, #tpu.memory_space<hbm>> -> memref<8x128xf32, #tpu.memory_space<hbm>>
          tpu.wait_dma2 semaphore(%run_scoped3A_889 : memref<!tpu.dma_semaphore, #tpu.memory_space<semaphore_mem>>) src(%arg9 : memref<8x128xf32, #tpu.memory_space<vmem>>) dst(%dma_wait3A_895 : memref<8x128xf32, #tpu.memory_space<hbm>>)
          tpu.yield
        }) : () -> ()
      } else {
      }
    } else {
    }
    return
  }
}

#map = affine_map<(d0, d1) -> (0, 0)>
#map1 = affine_map<(d0, d1) -> (0, 0, 0)>
module attributes {stable_mosaic.version = 14 : i64} {
  func.func @_agg_body(%arg0: i32, %arg1: i32, %arg2: memref<10240x128xf32, #tpu.memory_space<hbm>>, %arg3: memref<32x80x125xi32, #tpu.memory_space<hbm>>, %arg4: memref<32x80x125xi32, #tpu.memory_space<hbm>>, %arg5: memref<640x128xf32, #tpu.memory_space<hbm>>, %arg6: memref<2x10240x128xf32, #tpu.memory_space<hbm>>, %arg7: memref<40x125xi32, #tpu.memory_space<vmem>>, %arg8: memref<40x125xi32, #tpu.memory_space<vmem>>, %arg9: memref<250x128xf32, #tpu.memory_space<vmem>>, %arg10: memref<10240x128xf32, #tpu.memory_space<vmem_shared>>, %arg11: memref<!tpu.dma_semaphore, #tpu.memory_space<semaphore_mem>>, %arg12: memref<!tpu.dma_semaphore, #tpu.memory_space<semaphore_mem>>, %arg13: memref<!tpu.dma_semaphore, #tpu.memory_space<semaphore_mem>>, %arg14: memref<!tpu.dma_semaphore, #tpu.memory_space<semaphore_mem>>) attributes {dimension_semantics = [#tpu.dimension_semantics<core_parallel>, #tpu.dimension_semantics<subcore_parallel>], iteration_bounds = array<i64: 2, 16>, scalar_prefetch = 0 : i64, scratch_operands = 8 : i64, tpu.core_type = #tpu.core_type<sc_vector_subcore>, window_params = [{transform_indices = #map}, {transform_indices = #map1}, {transform_indices = #map1}, {transform_indices = #map}, {transform_indices = #map1}]} {
    %mul3A = arith.constant 2 : i32
    %mul3A_0 = arith.muli %arg1, %mul3A : i32
    %add3A = arith.addi %mul3A_0, %arg0 : i32
    %mul3A_1 = arith.constant 640 : i32
    %mul3A_2 = arith.muli %arg1, %mul3A_1 : i32
    "tpu.region"() ({
      %run_scoped3A = tpu.sem_alloc : memref<!tpu.dma_semaphore, #tpu.memory_space<semaphore_mem>>
      %dma_start3A_112 = arith.constant 0 : i32
      %dma_start3A_113 = tpu.memref_slice %arg10[%mul3A_2, %dma_start3A_112] : memref<10240x128xf32, #tpu.memory_space<vmem_shared>> -> memref<640x128xf32, #tpu.memory_space<vmem_shared>>
      tpu.enqueue_dma source(%arg5 : memref<640x128xf32, #tpu.memory_space<hbm>>) target(%dma_start3A_113 : memref<640x128xf32, #tpu.memory_space<vmem_shared>>) target_semaphore(%run_scoped3A : memref<!tpu.dma_semaphore, #tpu.memory_space<semaphore_mem>>)
      %dma_wait3A = arith.constant 0 : i32
      %dma_wait3A_114 = tpu.memref_slice %arg10[%mul3A_2, %dma_wait3A] : memref<10240x128xf32, #tpu.memory_space<vmem_shared>> -> memref<640x128xf32, #tpu.memory_space<vmem_shared>>
      tpu.wait_dma2 semaphore(%run_scoped3A : memref<!tpu.dma_semaphore, #tpu.memory_space<semaphore_mem>>) src(%arg5 : memref<640x128xf32, #tpu.memory_space<hbm>>) dst(%dma_wait3A_114 : memref<640x128xf32, #tpu.memory_space<vmem_shared>>)
      tpu.yield
    }) : () -> ()
    %barrier3A = arith.constant 0 : index
    tpu.barrier barrier_id(%barrier3A)
    "tpu.region"() ({
      %run_scoped3A = tpu.sem_alloc : memref<!tpu.dma_semaphore, #tpu.memory_space<semaphore_mem>>
      %dma_start3A_112 = arith.constant 0 : i32
      %dma_start3A_113 = arith.constant 0 : i32
      %dma_start3A_114 = tpu.memref_slice %arg3[%add3A, %dma_start3A_112, %dma_start3A_113] : memref<32x80x125xi32, #tpu.memory_space<hbm>> -> memref<1x80x125xi32, #tpu.memory_space<hbm>>
      %dma_start3A_115 = tpu.memref_squeeze %dma_start3A_114 : memref<1x80x125xi32, #tpu.memory_space<hbm>> -> memref<80x125xi32, #tpu.memory_space<hbm>>
      %dma_start3A_116 = arith.constant 0 : i32
      %dma_start3A_117 = arith.constant 0 : i32
      %dma_start3A_118 = tpu.memref_slice %dma_start3A_115[%dma_start3A_116, %dma_start3A_117] : memref<80x125xi32, #tpu.memory_space<hbm>> -> memref<40x125xi32, #tpu.memory_space<hbm>>
      %dma_start3A_119 = arith.constant 0 : i32
      %dma_start3A_120 = arith.constant 0 : i32
      %dma_start3A_121 = tpu.memref_slice %arg3[%add3A, %dma_start3A_119, %dma_start3A_120] : memref<32x80x125xi32, #tpu.memory_space<hbm>> -> memref<1x80x125xi32, #tpu.memory_space<hbm>>
      %dma_start3A_122 = tpu.memref_squeeze %dma_start3A_121 : memref<1x80x125xi32, #tpu.memory_space<hbm>> -> memref<80x125xi32, #tpu.memory_space<hbm>>
      %dma_start3A_123 = arith.constant 0 : i32
      %dma_start3A_124 = arith.constant 0 : i32
      %dma_start3A_125 = tpu.memref_slice %dma_start3A_122[%dma_start3A_123, %dma_start3A_124] : memref<80x125xi32, #tpu.memory_space<hbm>> -> memref<40x125xi32, #tpu.memory_space<hbm>>
      tpu.enqueue_dma source(%dma_start3A_125 : memref<40x125xi32, #tpu.memory_space<hbm>>) target(%arg7 : memref<40x125xi32, #tpu.memory_space<vmem>>) target_semaphore(%run_scoped3A : memref<!tpu.dma_semaphore, #tpu.memory_space<semaphore_mem>>)
      %dma_wait3A = arith.constant 0 : i32
      %dma_wait3A_126 = arith.constant 0 : i32
      %dma_wait3A_127 = tpu.memref_slice %arg3[%add3A, %dma_wait3A, %dma_wait3A_126] : memref<32x80x125xi32, #tpu.memory_space<hbm>> -> memref<1x80x125xi32, #tpu.memory_space<hbm>>
      %dma_wait3A_128 = tpu.memref_squeeze %dma_wait3A_127 : memref<1x80x125xi32, #tpu.memory_space<hbm>> -> memref<80x125xi32, #tpu.memory_space<hbm>>
      %dma_wait3A_129 = arith.constant 0 : i32
      %dma_wait3A_130 = arith.constant 0 : i32
      %dma_wait3A_131 = tpu.memref_slice %dma_wait3A_128[%dma_wait3A_129, %dma_wait3A_130] : memref<80x125xi32, #tpu.memory_space<hbm>> -> memref<40x125xi32, #tpu.memory_space<hbm>>
      %dma_wait3A_132 = arith.constant 0 : i32
      %dma_wait3A_133 = arith.constant 0 : i32
      %dma_wait3A_134 = tpu.memref_slice %arg3[%add3A, %dma_wait3A_132, %dma_wait3A_133] : memref<32x80x125xi32, #tpu.memory_space<hbm>> -> memref<1x80x125xi32, #tpu.memory_space<hbm>>
      %dma_wait3A_135 = tpu.memref_squeeze %dma_wait3A_134 : memref<1x80x125xi32, #tpu.memory_space<hbm>> -> memref<80x125xi32, #tpu.memory_space<hbm>>
      %dma_wait3A_136 = arith.constant 0 : i32
      %dma_wait3A_137 = arith.constant 0 : i32
      %dma_wait3A_138 = tpu.memref_slice %dma_wait3A_135[%dma_wait3A_136, %dma_wait3A_137] : memref<80x125xi32, #tpu.memory_space<hbm>> -> memref<40x125xi32, #tpu.memory_space<hbm>>
      tpu.wait_dma2 semaphore(%run_scoped3A : memref<!tpu.dma_semaphore, #tpu.memory_space<semaphore_mem>>) src(%dma_wait3A_138 : memref<40x125xi32, #tpu.memory_space<hbm>>) dst(%arg7 : memref<40x125xi32, #tpu.memory_space<vmem>>)
      tpu.yield
    }) : () -> ()
    "tpu.region"() ({
      %run_scoped3A = tpu.sem_alloc : memref<!tpu.dma_semaphore, #tpu.memory_space<semaphore_mem>>
      %dma_start3A_112 = arith.constant 0 : i32
      %dma_start3A_113 = arith.constant 0 : i32
      %dma_start3A_114 = tpu.memref_slice %arg4[%add3A, %dma_start3A_112, %dma_start3A_113] : memref<32x80x125xi32, #tpu.memory_space<hbm>> -> memref<1x80x125xi32, #tpu.memory_space<hbm>>
      %dma_start3A_115 = tpu.memref_squeeze %dma_start3A_114 : memref<1x80x125xi32, #tpu.memory_space<hbm>> -> memref<80x125xi32, #tpu.memory_space<hbm>>
      %dma_start3A_116 = arith.constant 0 : i32
      %dma_start3A_117 = arith.constant 0 : i32
      %dma_start3A_118 = tpu.memref_slice %dma_start3A_115[%dma_start3A_116, %dma_start3A_117] : memref<80x125xi32, #tpu.memory_space<hbm>> -> memref<40x125xi32, #tpu.memory_space<hbm>>
      %dma_start3A_119 = arith.constant 0 : i32
      %dma_start3A_120 = arith.constant 0 : i32
      %dma_start3A_121 = tpu.memref_slice %arg4[%add3A, %dma_start3A_119, %dma_start3A_120] : memref<32x80x125xi32, #tpu.memory_space<hbm>> -> memref<1x80x125xi32, #tpu.memory_space<hbm>>
      %dma_start3A_122 = tpu.memref_squeeze %dma_start3A_121 : memref<1x80x125xi32, #tpu.memory_space<hbm>> -> memref<80x125xi32, #tpu.memory_space<hbm>>
      %dma_start3A_123 = arith.constant 0 : i32
      %dma_start3A_124 = arith.constant 0 : i32
      %dma_start3A_125 = tpu.memref_slice %dma_start3A_122[%dma_start3A_123, %dma_start3A_124] : memref<80x125xi32, #tpu.memory_space<hbm>> -> memref<40x125xi32, #tpu.memory_space<hbm>>
      tpu.enqueue_dma source(%dma_start3A_125 : memref<40x125xi32, #tpu.memory_space<hbm>>) target(%arg8 : memref<40x125xi32, #tpu.memory_space<vmem>>) target_semaphore(%run_scoped3A : memref<!tpu.dma_semaphore, #tpu.memory_space<semaphore_mem>>)
      %dma_wait3A = arith.constant 0 : i32
      %dma_wait3A_126 = arith.constant 0 : i32
      %dma_wait3A_127 = tpu.memref_slice %arg4[%add3A, %dma_wait3A, %dma_wait3A_126] : memref<32x80x125xi32, #tpu.memory_space<hbm>> -> memref<1x80x125xi32, #tpu.memory_space<hbm>>
      %dma_wait3A_128 = tpu.memref_squeeze %dma_wait3A_127 : memref<1x80x125xi32, #tpu.memory_space<hbm>> -> memref<80x125xi32, #tpu.memory_space<hbm>>
      %dma_wait3A_129 = arith.constant 0 : i32
      %dma_wait3A_130 = arith.constant 0 : i32
      %dma_wait3A_131 = tpu.memref_slice %dma_wait3A_128[%dma_wait3A_129, %dma_wait3A_130] : memref<80x125xi32, #tpu.memory_space<hbm>> -> memref<40x125xi32, #tpu.memory_space<hbm>>
      %dma_wait3A_132 = arith.constant 0 : i32
      %dma_wait3A_133 = arith.constant 0 : i32
      %dma_wait3A_134 = tpu.memref_slice %arg4[%add3A, %dma_wait3A_132, %dma_wait3A_133] : memref<32x80x125xi32, #tpu.memory_space<hbm>> -> memref<1x80x125xi32, #tpu.memory_space<hbm>>
      %dma_wait3A_135 = tpu.memref_squeeze %dma_wait3A_134 : memref<1x80x125xi32, #tpu.memory_space<hbm>> -> memref<80x125xi32, #tpu.memory_space<hbm>>
      %dma_wait3A_136 = arith.constant 0 : i32
      %dma_wait3A_137 = arith.constant 0 : i32
      %dma_wait3A_138 = tpu.memref_slice %dma_wait3A_135[%dma_wait3A_136, %dma_wait3A_137] : memref<80x125xi32, #tpu.memory_space<hbm>> -> memref<40x125xi32, #tpu.memory_space<hbm>>
      tpu.wait_dma2 semaphore(%run_scoped3A : memref<!tpu.dma_semaphore, #tpu.memory_space<semaphore_mem>>) src(%dma_wait3A_138 : memref<40x125xi32, #tpu.memory_space<hbm>>) dst(%arg8 : memref<40x125xi32, #tpu.memory_space<vmem>>)
      tpu.yield
    }) : () -> ()
    %dma_start3A = arith.constant 0 : i32
    %dma_start3A_3 = arith.constant 0 : i32
    %dma_start3A_4 = arith.constant 0 : i32
    %dma_start3A_5 = tpu.memref_slice %arg9[%dma_start3A_3, %dma_start3A_4] : memref<250x128xf32, #tpu.memory_space<vmem>> -> memref<64x128xf32, #tpu.memory_space<vmem>>
    %dma_start3A_6 = arith.constant 0 : i32
    %dma_start3A_7 = tpu.memref_slice %arg7[%dma_start3A, %dma_start3A_6] : memref<40x125xi32, #tpu.memory_space<vmem>> -> memref<1x125xi32, #tpu.memory_space<vmem>>
    %dma_start3A_8 = tpu.memref_squeeze %dma_start3A_7 : memref<1x125xi32, #tpu.memory_space<vmem>> -> memref<125xi32, #tpu.memory_space<vmem>>
    %dma_start3A_9 = arith.constant 0 : i32
    %dma_start3A_10 = tpu.memref_slice %dma_start3A_8[%dma_start3A_9] : memref<125xi32, #tpu.memory_space<vmem>> -> memref<64xi32, #tpu.memory_space<vmem>>
    %dma_start3A_11 = arith.constant 0 : i32
    %dma_start3A_12 = arith.constant 0 : i32
    %dma_start3A_13 = tpu.memref_slice %arg2[%dma_start3A_11, %dma_start3A_12] : memref<10240x128xf32, #tpu.memory_space<hbm>> -> memref<10240x128xf32, #tpu.memory_space<hbm>>
    tpu.enqueue_indirect_dma source(%dma_start3A_13 : memref<10240x128xf32, #tpu.memory_space<hbm>>) target(%dma_start3A_5 : memref<64x128xf32, #tpu.memory_space<vmem>>) offsets(%dma_start3A_10 : memref<64xi32, #tpu.memory_space<vmem>>) semaphore(%arg11 : memref<!tpu.dma_semaphore, #tpu.memory_space<semaphore_mem>>)
    %dma_start3A_14 = arith.constant 0 : i32
    %dma_start3A_15 = arith.constant 64 : i32
    %dma_start3A_16 = arith.constant 0 : i32
    %dma_start3A_17 = tpu.memref_slice %arg9[%dma_start3A_15, %dma_start3A_16] : memref<250x128xf32, #tpu.memory_space<vmem>> -> memref<61x128xf32, #tpu.memory_space<vmem>>
    %dma_start3A_18 = arith.constant 0 : i32
    %dma_start3A_19 = tpu.memref_slice %arg7[%dma_start3A_14, %dma_start3A_18] : memref<40x125xi32, #tpu.memory_space<vmem>> -> memref<1x125xi32, #tpu.memory_space<vmem>>
    %dma_start3A_20 = tpu.memref_squeeze %dma_start3A_19 : memref<1x125xi32, #tpu.memory_space<vmem>> -> memref<125xi32, #tpu.memory_space<vmem>>
    %dma_start3A_21 = arith.constant 64 : i32
    %dma_start3A_22 = tpu.memref_slice %dma_start3A_20[%dma_start3A_21] : memref<125xi32, #tpu.memory_space<vmem>> -> memref<61xi32, #tpu.memory_space<vmem>>
    %dma_start3A_23 = arith.constant 0 : i32
    %dma_start3A_24 = arith.constant 0 : i32
    %dma_start3A_25 = tpu.memref_slice %arg2[%dma_start3A_23, %dma_start3A_24] : memref<10240x128xf32, #tpu.memory_space<hbm>> -> memref<10240x128xf32, #tpu.memory_space<hbm>>
    tpu.enqueue_indirect_dma source(%dma_start3A_25 : memref<10240x128xf32, #tpu.memory_space<hbm>>) target(%dma_start3A_17 : memref<61x128xf32, #tpu.memory_space<vmem>>) offsets(%dma_start3A_22 : memref<61xi32, #tpu.memory_space<vmem>>) semaphore(%arg11 : memref<!tpu.dma_semaphore, #tpu.memory_space<semaphore_mem>>)
    %dma_start3A_26 = arith.constant 1 : i32
    %dma_start3A_27 = arith.constant 125 : i32
    %dma_start3A_28 = arith.constant 0 : i32
    %dma_start3A_29 = tpu.memref_slice %arg9[%dma_start3A_27, %dma_start3A_28] : memref<250x128xf32, #tpu.memory_space<vmem>> -> memref<64x128xf32, #tpu.memory_space<vmem>>
    %dma_start3A_30 = arith.constant 0 : i32
    %dma_start3A_31 = tpu.memref_slice %arg7[%dma_start3A_26, %dma_start3A_30] : memref<40x125xi32, #tpu.memory_space<vmem>> -> memref<1x125xi32, #tpu.memory_space<vmem>>
    %dma_start3A_32 = tpu.memref_squeeze %dma_start3A_31 : memref<1x125xi32, #tpu.memory_space<vmem>> -> memref<125xi32, #tpu.memory_space<vmem>>
    %dma_start3A_33 = arith.constant 0 : i32
    %dma_start3A_34 = tpu.memref_slice %dma_start3A_32[%dma_start3A_33] : memref<125xi32, #tpu.memory_space<vmem>> -> memref<64xi32, #tpu.memory_space<vmem>>
    %dma_start3A_35 = arith.constant 0 : i32
    %dma_start3A_36 = arith.constant 0 : i32
    %dma_start3A_37 = tpu.memref_slice %arg2[%dma_start3A_35, %dma_start3A_36] : memref<10240x128xf32, #tpu.memory_space<hbm>> -> memref<10240x128xf32, #tpu.memory_space<hbm>>
    tpu.enqueue_indirect_dma source(%dma_start3A_37 : memref<10240x128xf32, #tpu.memory_space<hbm>>) target(%dma_start3A_29 : memref<64x128xf32, #tpu.memory_space<vmem>>) offsets(%dma_start3A_34 : memref<64xi32, #tpu.memory_space<vmem>>) semaphore(%arg12 : memref<!tpu.dma_semaphore, #tpu.memory_space<semaphore_mem>>)
    %dma_start3A_38 = arith.constant 1 : i32
    %dma_start3A_39 = arith.constant 189 : i32
    %dma_start3A_40 = arith.constant 0 : i32
    %dma_start3A_41 = tpu.memref_slice %arg9[%dma_start3A_39, %dma_start3A_40] : memref<250x128xf32, #tpu.memory_space<vmem>> -> memref<61x128xf32, #tpu.memory_space<vmem>>
    %dma_start3A_42 = arith.constant 0 : i32
    %dma_start3A_43 = tpu.memref_slice %arg7[%dma_start3A_38, %dma_start3A_42] : memref<40x125xi32, #tpu.memory_space<vmem>> -> memref<1x125xi32, #tpu.memory_space<vmem>>
    %dma_start3A_44 = tpu.memref_squeeze %dma_start3A_43 : memref<1x125xi32, #tpu.memory_space<vmem>> -> memref<125xi32, #tpu.memory_space<vmem>>
    %dma_start3A_45 = arith.constant 64 : i32
    %dma_start3A_46 = tpu.memref_slice %dma_start3A_44[%dma_start3A_45] : memref<125xi32, #tpu.memory_space<vmem>> -> memref<61xi32, #tpu.memory_space<vmem>>
    %dma_start3A_47 = arith.constant 0 : i32
    %dma_start3A_48 = arith.constant 0 : i32
    %dma_start3A_49 = tpu.memref_slice %arg2[%dma_start3A_47, %dma_start3A_48] : memref<10240x128xf32, #tpu.memory_space<hbm>> -> memref<10240x128xf32, #tpu.memory_space<hbm>>
    tpu.enqueue_indirect_dma source(%dma_start3A_49 : memref<10240x128xf32, #tpu.memory_space<hbm>>) target(%dma_start3A_41 : memref<61x128xf32, #tpu.memory_space<vmem>>) offsets(%dma_start3A_46 : memref<61xi32, #tpu.memory_space<vmem>>) semaphore(%arg12 : memref<!tpu.dma_semaphore, #tpu.memory_space<semaphore_mem>>)
    %scan3A = arith.constant 0 : i32
    %scan3A_50 = arith.constant 20 : i32
    %scan3A_51 = arith.addi %scan3A, %scan3A_50 : i32
    %scan3A_52 = arith.constant 1 : i32
    scf.for %scan3A_112 = %scan3A to %scan3A_51 step %scan3A_52  : i32 {
      %mul3A_113 = arith.constant 2 : i32
      %mul3A_114 = arith.muli %scan3A_112, %mul3A_113 : i32
      %add3A_115 = arith.constant 0 : i32
      %add3A_116 = arith.addi %mul3A_114, %add3A_115 : i32
      %dma_wait3A = arith.constant 0 : i32
      %dma_wait3A_117 = arith.constant 0 : i32
      %dma_wait3A_118 = tpu.memref_slice %arg9[%dma_wait3A, %dma_wait3A_117] : memref<250x128xf32, #tpu.memory_space<vmem>> -> memref<64x128xf32, #tpu.memory_space<vmem>>
      %dma_wait3A_119 = arith.constant 0 : i32
      %dma_wait3A_120 = tpu.memref_slice %arg7[%add3A_116, %dma_wait3A_119] : memref<40x125xi32, #tpu.memory_space<vmem>> -> memref<1x125xi32, #tpu.memory_space<vmem>>
      %dma_wait3A_121 = tpu.memref_squeeze %dma_wait3A_120 : memref<1x125xi32, #tpu.memory_space<vmem>> -> memref<125xi32, #tpu.memory_space<vmem>>
      %dma_wait3A_122 = arith.constant 0 : i32
      %dma_wait3A_123 = tpu.memref_slice %dma_wait3A_121[%dma_wait3A_122] : memref<125xi32, #tpu.memory_space<vmem>> -> memref<64xi32, #tpu.memory_space<vmem>>
      %dma_wait3A_124 = arith.constant 0 : i32
      %dma_wait3A_125 = arith.constant 0 : i32
      %dma_wait3A_126 = tpu.memref_slice %arg2[%dma_wait3A_124, %dma_wait3A_125] : memref<10240x128xf32, #tpu.memory_space<hbm>> -> memref<10240x128xf32, #tpu.memory_space<hbm>>
      tpu.wait_indirect_dma semaphore(%arg11 : memref<!tpu.dma_semaphore, #tpu.memory_space<semaphore_mem>>) src(%dma_wait3A_126 : memref<10240x128xf32, #tpu.memory_space<hbm>>) dst(%dma_wait3A_118 : memref<64x128xf32, #tpu.memory_space<vmem>>)
      %dma_wait3A_127 = arith.constant 64 : i32
      %dma_wait3A_128 = arith.constant 0 : i32
      %dma_wait3A_129 = tpu.memref_slice %arg9[%dma_wait3A_127, %dma_wait3A_128] : memref<250x128xf32, #tpu.memory_space<vmem>> -> memref<61x128xf32, #tpu.memory_space<vmem>>
      %dma_wait3A_130 = arith.constant 0 : i32
      %dma_wait3A_131 = tpu.memref_slice %arg7[%add3A_116, %dma_wait3A_130] : memref<40x125xi32, #tpu.memory_space<vmem>> -> memref<1x125xi32, #tpu.memory_space<vmem>>
      %dma_wait3A_132 = tpu.memref_squeeze %dma_wait3A_131 : memref<1x125xi32, #tpu.memory_space<vmem>> -> memref<125xi32, #tpu.memory_space<vmem>>
      %dma_wait3A_133 = arith.constant 64 : i32
      %dma_wait3A_134 = tpu.memref_slice %dma_wait3A_132[%dma_wait3A_133] : memref<125xi32, #tpu.memory_space<vmem>> -> memref<61xi32, #tpu.memory_space<vmem>>
      %dma_wait3A_135 = arith.constant 0 : i32
      %dma_wait3A_136 = arith.constant 0 : i32
      %dma_wait3A_137 = tpu.memref_slice %arg2[%dma_wait3A_135, %dma_wait3A_136] : memref<10240x128xf32, #tpu.memory_space<hbm>> -> memref<10240x128xf32, #tpu.memory_space<hbm>>
      tpu.wait_indirect_dma semaphore(%arg11 : memref<!tpu.dma_semaphore, #tpu.memory_space<semaphore_mem>>) src(%dma_wait3A_137 : memref<10240x128xf32, #tpu.memory_space<hbm>>) dst(%dma_wait3A_129 : memref<61x128xf32, #tpu.memory_space<vmem>>)
      %dma_start3A_138 = arith.constant 0 : i32
      %dma_start3A_139 = arith.constant 0 : i32
      %dma_start3A_140 = tpu.memref_slice %arg9[%dma_start3A_138, %dma_start3A_139] : memref<250x128xf32, #tpu.memory_space<vmem>> -> memref<125x128xf32, #tpu.memory_space<vmem>>
      %dma_start3A_141 = arith.constant 0 : i32
      %dma_start3A_142 = tpu.memref_slice %arg8[%add3A_116, %dma_start3A_141] : memref<40x125xi32, #tpu.memory_space<vmem>> -> memref<1x125xi32, #tpu.memory_space<vmem>>
      %dma_start3A_143 = tpu.memref_squeeze %dma_start3A_142 : memref<1x125xi32, #tpu.memory_space<vmem>> -> memref<125xi32, #tpu.memory_space<vmem>>
      %dma_start3A_144 = arith.constant 0 : i32
      %dma_start3A_145 = arith.constant 0 : i32
      %dma_start3A_146 = tpu.memref_slice %arg10[%dma_start3A_144, %dma_start3A_145] : memref<10240x128xf32, #tpu.memory_space<vmem_shared>> -> memref<10240x128xf32, #tpu.memory_space<vmem_shared>>
      tpu.enqueue_indirect_dma source(%dma_start3A_140 : memref<125x128xf32, #tpu.memory_space<vmem>>) target(%dma_start3A_146 : memref<10240x128xf32, #tpu.memory_space<vmem_shared>>) offsets(%dma_start3A_143 : memref<125xi32, #tpu.memory_space<vmem>>) semaphore(%arg13 : memref<!tpu.dma_semaphore, #tpu.memory_space<semaphore_mem>>) {add = true}
      %dma_wait3A_147 = arith.constant 0 : i32
      %dma_wait3A_148 = arith.constant 0 : i32
      %dma_wait3A_149 = tpu.memref_slice %arg9[%dma_wait3A_147, %dma_wait3A_148] : memref<250x128xf32, #tpu.memory_space<vmem>> -> memref<125x128xf32, #tpu.memory_space<vmem>>
      %dma_wait3A_150 = arith.constant 0 : i32
      %dma_wait3A_151 = tpu.memref_slice %arg8[%add3A_116, %dma_wait3A_150] : memref<40x125xi32, #tpu.memory_space<vmem>> -> memref<1x125xi32, #tpu.memory_space<vmem>>
      %dma_wait3A_152 = tpu.memref_squeeze %dma_wait3A_151 : memref<1x125xi32, #tpu.memory_space<vmem>> -> memref<125xi32, #tpu.memory_space<vmem>>
      %dma_wait3A_153 = arith.constant 0 : i32
      %dma_wait3A_154 = arith.constant 0 : i32
      %dma_wait3A_155 = tpu.memref_slice %arg10[%dma_wait3A_153, %dma_wait3A_154] : memref<10240x128xf32, #tpu.memory_space<vmem_shared>> -> memref<10240x128xf32, #tpu.memory_space<vmem_shared>>
      tpu.wait_indirect_dma semaphore(%arg13 : memref<!tpu.dma_semaphore, #tpu.memory_space<semaphore_mem>>) src(%dma_wait3A_149 : memref<125x128xf32, #tpu.memory_space<vmem>>) dst(%dma_wait3A_155 : memref<10240x128xf32, #tpu.memory_space<vmem_shared>>)
      %add3A_156 = arith.constant 2 : i32
      %add3A_157 = arith.addi %add3A_116, %add3A_156 : i32
      %lt3A = arith.constant 40 : i32
      %lt3A_158 = arith.cmpi slt, %add3A_157, %lt3A : i32
      %convert_element_type3A = arith.extui %lt3A_158 : i1 to i32
      %cond3A = arith.constant 0 : i32
      %cond3A_159 = arith.cmpi ne, %convert_element_type3A, %cond3A : i32
      scf.if %cond3A_159 {
        %add3A_211 = arith.constant 2 : i32
        %add3A_212 = arith.addi %add3A_116, %add3A_211 : i32
        %dma_start3A_213 = arith.constant 0 : i32
        %dma_start3A_214 = arith.constant 0 : i32
        %dma_start3A_215 = tpu.memref_slice %arg9[%dma_start3A_213, %dma_start3A_214] : memref<250x128xf32, #tpu.memory_space<vmem>> -> memref<64x128xf32, #tpu.memory_space<vmem>>
        %dma_start3A_216 = arith.constant 0 : i32
        %dma_start3A_217 = tpu.memref_slice %arg7[%add3A_212, %dma_start3A_216] : memref<40x125xi32, #tpu.memory_space<vmem>> -> memref<1x125xi32, #tpu.memory_space<vmem>>
        %dma_start3A_218 = tpu.memref_squeeze %dma_start3A_217 : memref<1x125xi32, #tpu.memory_space<vmem>> -> memref<125xi32, #tpu.memory_space<vmem>>
        %dma_start3A_219 = arith.constant 0 : i32
        %dma_start3A_220 = tpu.memref_slice %dma_start3A_218[%dma_start3A_219] : memref<125xi32, #tpu.memory_space<vmem>> -> memref<64xi32, #tpu.memory_space<vmem>>
        %dma_start3A_221 = arith.constant 0 : i32
        %dma_start3A_222 = arith.constant 0 : i32
        %dma_start3A_223 = tpu.memref_slice %arg2[%dma_start3A_221, %dma_start3A_222] : memref<10240x128xf32, #tpu.memory_space<hbm>> -> memref<10240x128xf32, #tpu.memory_space<hbm>>
        tpu.enqueue_indirect_dma source(%dma_start3A_223 : memref<10240x128xf32, #tpu.memory_space<hbm>>) target(%dma_start3A_215 : memref<64x128xf32, #tpu.memory_space<vmem>>) offsets(%dma_start3A_220 : memref<64xi32, #tpu.memory_space<vmem>>) semaphore(%arg11 : memref<!tpu.dma_semaphore, #tpu.memory_space<semaphore_mem>>)
        %dma_start3A_224 = arith.constant 64 : i32
        %dma_start3A_225 = arith.constant 0 : i32
        %dma_start3A_226 = tpu.memref_slice %arg9[%dma_start3A_224, %dma_start3A_225] : memref<250x128xf32, #tpu.memory_space<vmem>> -> memref<61x128xf32, #tpu.memory_space<vmem>>
        %dma_start3A_227 = arith.constant 0 : i32
        %dma_start3A_228 = tpu.memref_slice %arg7[%add3A_212, %dma_start3A_227] : memref<40x125xi32, #tpu.memory_space<vmem>> -> memref<1x125xi32, #tpu.memory_space<vmem>>
        %dma_start3A_229 = tpu.memref_squeeze %dma_start3A_228 : memref<1x125xi32, #tpu.memory_space<vmem>> -> memref<125xi32, #tpu.memory_space<vmem>>
        %dma_start3A_230 = arith.constant 64 : i32
        %dma_start3A_231 = tpu.memref_slice %dma_start3A_229[%dma_start3A_230] : memref<125xi32, #tpu.memory_space<vmem>> -> memref<61xi32, #tpu.memory_space<vmem>>
        %dma_start3A_232 = arith.constant 0 : i32
        %dma_start3A_233 = arith.constant 0 : i32
        %dma_start3A_234 = tpu.memref_slice %arg2[%dma_start3A_232, %dma_start3A_233] : memref<10240x128xf32, #tpu.memory_space<hbm>> -> memref<10240x128xf32, #tpu.memory_space<hbm>>
        tpu.enqueue_indirect_dma source(%dma_start3A_234 : memref<10240x128xf32, #tpu.memory_space<hbm>>) target(%dma_start3A_226 : memref<61x128xf32, #tpu.memory_space<vmem>>) offsets(%dma_start3A_231 : memref<61xi32, #tpu.memory_space<vmem>>) semaphore(%arg11 : memref<!tpu.dma_semaphore, #tpu.memory_space<semaphore_mem>>)
      } else {
      }
      %mul3A_160 = arith.constant 2 : i32
      %mul3A_161 = arith.muli %scan3A_112, %mul3A_160 : i32
      %add3A_162 = arith.constant 1 : i32
      %add3A_163 = arith.addi %mul3A_161, %add3A_162 : i32
      %dma_wait3A_164 = arith.constant 125 : i32
      %dma_wait3A_165 = arith.constant 0 : i32
      %dma_wait3A_166 = tpu.memref_slice %arg9[%dma_wait3A_164, %dma_wait3A_165] : memref<250x128xf32, #tpu.memory_space<vmem>> -> memref<64x128xf32, #tpu.memory_space<vmem>>
      %dma_wait3A_167 = arith.constant 0 : i32
      %dma_wait3A_168 = tpu.memref_slice %arg7[%add3A_163, %dma_wait3A_167] : memref<40x125xi32, #tpu.memory_space<vmem>> -> memref<1x125xi32, #tpu.memory_space<vmem>>
      %dma_wait3A_169 = tpu.memref_squeeze %dma_wait3A_168 : memref<1x125xi32, #tpu.memory_space<vmem>> -> memref<125xi32, #tpu.memory_space<vmem>>
      %dma_wait3A_170 = arith.constant 0 : i32
      %dma_wait3A_171 = tpu.memref_slice %dma_wait3A_169[%dma_wait3A_170] : memref<125xi32, #tpu.memory_space<vmem>> -> memref<64xi32, #tpu.memory_space<vmem>>
      %dma_wait3A_172 = arith.constant 0 : i32
      %dma_wait3A_173 = arith.constant 0 : i32
      %dma_wait3A_174 = tpu.memref_slice %arg2[%dma_wait3A_172, %dma_wait3A_173] : memref<10240x128xf32, #tpu.memory_space<hbm>> -> memref<10240x128xf32, #tpu.memory_space<hbm>>
      tpu.wait_indirect_dma semaphore(%arg12 : memref<!tpu.dma_semaphore, #tpu.memory_space<semaphore_mem>>) src(%dma_wait3A_174 : memref<10240x128xf32, #tpu.memory_space<hbm>>) dst(%dma_wait3A_166 : memref<64x128xf32, #tpu.memory_space<vmem>>)
      %dma_wait3A_175 = arith.constant 189 : i32
      %dma_wait3A_176 = arith.constant 0 : i32
      %dma_wait3A_177 = tpu.memref_slice %arg9[%dma_wait3A_175, %dma_wait3A_176] : memref<250x128xf32, #tpu.memory_space<vmem>> -> memref<61x128xf32, #tpu.memory_space<vmem>>
      %dma_wait3A_178 = arith.constant 0 : i32
      %dma_wait3A_179 = tpu.memref_slice %arg7[%add3A_163, %dma_wait3A_178] : memref<40x125xi32, #tpu.memory_space<vmem>> -> memref<1x125xi32, #tpu.memory_space<vmem>>
      %dma_wait3A_180 = tpu.memref_squeeze %dma_wait3A_179 : memref<1x125xi32, #tpu.memory_space<vmem>> -> memref<125xi32, #tpu.memory_space<vmem>>
      %dma_wait3A_181 = arith.constant 64 : i32
      %dma_wait3A_182 = tpu.memref_slice %dma_wait3A_180[%dma_wait3A_181] : memref<125xi32, #tpu.memory_space<vmem>> -> memref<61xi32, #tpu.memory_space<vmem>>
      %dma_wait3A_183 = arith.constant 0 : i32
      %dma_wait3A_184 = arith.constant 0 : i32
      %dma_wait3A_185 = tpu.memref_slice %arg2[%dma_wait3A_183, %dma_wait3A_184] : memref<10240x128xf32, #tpu.memory_space<hbm>> -> memref<10240x128xf32, #tpu.memory_space<hbm>>
      tpu.wait_indirect_dma semaphore(%arg12 : memref<!tpu.dma_semaphore, #tpu.memory_space<semaphore_mem>>) src(%dma_wait3A_185 : memref<10240x128xf32, #tpu.memory_space<hbm>>) dst(%dma_wait3A_177 : memref<61x128xf32, #tpu.memory_space<vmem>>)
      %dma_start3A_186 = arith.constant 125 : i32
      %dma_start3A_187 = arith.constant 0 : i32
      %dma_start3A_188 = tpu.memref_slice %arg9[%dma_start3A_186, %dma_start3A_187] : memref<250x128xf32, #tpu.memory_space<vmem>> -> memref<125x128xf32, #tpu.memory_space<vmem>>
      %dma_start3A_189 = arith.constant 0 : i32
      %dma_start3A_190 = tpu.memref_slice %arg8[%add3A_163, %dma_start3A_189] : memref<40x125xi32, #tpu.memory_space<vmem>> -> memref<1x125xi32, #tpu.memory_space<vmem>>
      %dma_start3A_191 = tpu.memref_squeeze %dma_start3A_190 : memref<1x125xi32, #tpu.memory_space<vmem>> -> memref<125xi32, #tpu.memory_space<vmem>>
      %dma_start3A_192 = arith.constant 0 : i32
      %dma_start3A_193 = arith.constant 0 : i32
      %dma_start3A_194 = tpu.memref_slice %arg10[%dma_start3A_192, %dma_start3A_193] : memref<10240x128xf32, #tpu.memory_space<vmem_shared>> -> memref<10240x128xf32, #tpu.memory_space<vmem_shared>>
      tpu.enqueue_indirect_dma source(%dma_start3A_188 : memref<125x128xf32, #tpu.memory_space<vmem>>) target(%dma_start3A_194 : memref<10240x128xf32, #tpu.memory_space<vmem_shared>>) offsets(%dma_start3A_191 : memref<125xi32, #tpu.memory_space<vmem>>) semaphore(%arg14 : memref<!tpu.dma_semaphore, #tpu.memory_space<semaphore_mem>>) {add = true}
      %dma_wait3A_195 = arith.constant 125 : i32
      %dma_wait3A_196 = arith.constant 0 : i32
      %dma_wait3A_197 = tpu.memref_slice %arg9[%dma_wait3A_195, %dma_wait3A_196] : memref<250x128xf32, #tpu.memory_space<vmem>> -> memref<125x128xf32, #tpu.memory_space<vmem>>
      %dma_wait3A_198 = arith.constant 0 : i32
      %dma_wait3A_199 = tpu.memref_slice %arg8[%add3A_163, %dma_wait3A_198] : memref<40x125xi32, #tpu.memory_space<vmem>> -> memref<1x125xi32, #tpu.memory_space<vmem>>
      %dma_wait3A_200 = tpu.memref_squeeze %dma_wait3A_199 : memref<1x125xi32, #tpu.memory_space<vmem>> -> memref<125xi32, #tpu.memory_space<vmem>>
      %dma_wait3A_201 = arith.constant 0 : i32
      %dma_wait3A_202 = arith.constant 0 : i32
      %dma_wait3A_203 = tpu.memref_slice %arg10[%dma_wait3A_201, %dma_wait3A_202] : memref<10240x128xf32, #tpu.memory_space<vmem_shared>> -> memref<10240x128xf32, #tpu.memory_space<vmem_shared>>
      tpu.wait_indirect_dma semaphore(%arg14 : memref<!tpu.dma_semaphore, #tpu.memory_space<semaphore_mem>>) src(%dma_wait3A_197 : memref<125x128xf32, #tpu.memory_space<vmem>>) dst(%dma_wait3A_203 : memref<10240x128xf32, #tpu.memory_space<vmem_shared>>)
      %add3A_204 = arith.constant 2 : i32
      %add3A_205 = arith.addi %add3A_163, %add3A_204 : i32
      %lt3A_206 = arith.constant 40 : i32
      %lt3A_207 = arith.cmpi slt, %add3A_205, %lt3A_206 : i32
      %convert_element_type3A_208 = arith.extui %lt3A_207 : i1 to i32
      %cond3A_209 = arith.constant 0 : i32
      %cond3A_210 = arith.cmpi ne, %convert_element_type3A_208, %cond3A_209 : i32
      scf.if %cond3A_210 {
        %add3A_211 = arith.constant 2 : i32
        %add3A_212 = arith.addi %add3A_163, %add3A_211 : i32
        %dma_start3A_213 = arith.constant 125 : i32
        %dma_start3A_214 = arith.constant 0 : i32
        %dma_start3A_215 = tpu.memref_slice %arg9[%dma_start3A_213, %dma_start3A_214] : memref<250x128xf32, #tpu.memory_space<vmem>> -> memref<64x128xf32, #tpu.memory_space<vmem>>
        %dma_start3A_216 = arith.constant 0 : i32
        %dma_start3A_217 = tpu.memref_slice %arg7[%add3A_212, %dma_start3A_216] : memref<40x125xi32, #tpu.memory_space<vmem>> -> memref<1x125xi32, #tpu.memory_space<vmem>>
        %dma_start3A_218 = tpu.memref_squeeze %dma_start3A_217 : memref<1x125xi32, #tpu.memory_space<vmem>> -> memref<125xi32, #tpu.memory_space<vmem>>
        %dma_start3A_219 = arith.constant 0 : i32
        %dma_start3A_220 = tpu.memref_slice %dma_start3A_218[%dma_start3A_219] : memref<125xi32, #tpu.memory_space<vmem>> -> memref<64xi32, #tpu.memory_space<vmem>>
        %dma_start3A_221 = arith.constant 0 : i32
        %dma_start3A_222 = arith.constant 0 : i32
        %dma_start3A_223 = tpu.memref_slice %arg2[%dma_start3A_221, %dma_start3A_222] : memref<10240x128xf32, #tpu.memory_space<hbm>> -> memref<10240x128xf32, #tpu.memory_space<hbm>>
        tpu.enqueue_indirect_dma source(%dma_start3A_223 : memref<10240x128xf32, #tpu.memory_space<hbm>>) target(%dma_start3A_215 : memref<64x128xf32, #tpu.memory_space<vmem>>) offsets(%dma_start3A_220 : memref<64xi32, #tpu.memory_space<vmem>>) semaphore(%arg12 : memref<!tpu.dma_semaphore, #tpu.memory_space<semaphore_mem>>)
        %dma_start3A_224 = arith.constant 189 : i32
        %dma_start3A_225 = arith.constant 0 : i32
        %dma_start3A_226 = tpu.memref_slice %arg9[%dma_start3A_224, %dma_start3A_225] : memref<250x128xf32, #tpu.memory_space<vmem>> -> memref<61x128xf32, #tpu.memory_space<vmem>>
        %dma_start3A_227 = arith.constant 0 : i32
        %dma_start3A_228 = tpu.memref_slice %arg7[%add3A_212, %dma_start3A_227] : memref<40x125xi32, #tpu.memory_space<vmem>> -> memref<1x125xi32, #tpu.memory_space<vmem>>
        %dma_start3A_229 = tpu.memref_squeeze %dma_start3A_228 : memref<1x125xi32, #tpu.memory_space<vmem>> -> memref<125xi32, #tpu.memory_space<vmem>>
        %dma_start3A_230 = arith.constant 64 : i32
        %dma_start3A_231 = tpu.memref_slice %dma_start3A_229[%dma_start3A_230] : memref<125xi32, #tpu.memory_space<vmem>> -> memref<61xi32, #tpu.memory_space<vmem>>
        %dma_start3A_232 = arith.constant 0 : i32
        %dma_start3A_233 = arith.constant 0 : i32
        %dma_start3A_234 = tpu.memref_slice %arg2[%dma_start3A_232, %dma_start3A_233] : memref<10240x128xf32, #tpu.memory_space<hbm>> -> memref<10240x128xf32, #tpu.memory_space<hbm>>
        tpu.enqueue_indirect_dma source(%dma_start3A_234 : memref<10240x128xf32, #tpu.memory_space<hbm>>) target(%dma_start3A_226 : memref<61x128xf32, #tpu.memory_space<vmem>>) offsets(%dma_start3A_231 : memref<61xi32, #tpu.memory_space<vmem>>) semaphore(%arg12 : memref<!tpu.dma_semaphore, #tpu.memory_space<semaphore_mem>>)
      } else {
      }
    }
    %scan3A_53 = arith.constant 20 : i32
    "tpu.region"() ({
      %run_scoped3A = tpu.sem_alloc : memref<!tpu.dma_semaphore, #tpu.memory_space<semaphore_mem>>
      %dma_start3A_112 = arith.constant 0 : i32
      %dma_start3A_113 = arith.constant 0 : i32
      %dma_start3A_114 = tpu.memref_slice %arg3[%add3A, %dma_start3A_112, %dma_start3A_113] : memref<32x80x125xi32, #tpu.memory_space<hbm>> -> memref<1x80x125xi32, #tpu.memory_space<hbm>>
      %dma_start3A_115 = tpu.memref_squeeze %dma_start3A_114 : memref<1x80x125xi32, #tpu.memory_space<hbm>> -> memref<80x125xi32, #tpu.memory_space<hbm>>
      %dma_start3A_116 = arith.constant 40 : i32
      %dma_start3A_117 = arith.constant 0 : i32
      %dma_start3A_118 = tpu.memref_slice %dma_start3A_115[%dma_start3A_116, %dma_start3A_117] : memref<80x125xi32, #tpu.memory_space<hbm>> -> memref<40x125xi32, #tpu.memory_space<hbm>>
      %dma_start3A_119 = arith.constant 0 : i32
      %dma_start3A_120 = arith.constant 0 : i32
      %dma_start3A_121 = tpu.memref_slice %arg3[%add3A, %dma_start3A_119, %dma_start3A_120] : memref<32x80x125xi32, #tpu.memory_space<hbm>> -> memref<1x80x125xi32, #tpu.memory_space<hbm>>
      %dma_start3A_122 = tpu.memref_squeeze %dma_start3A_121 : memref<1x80x125xi32, #tpu.memory_space<hbm>> -> memref<80x125xi32, #tpu.memory_space<hbm>>
      %dma_start3A_123 = arith.constant 40 : i32
      %dma_start3A_124 = arith.constant 0 : i32
      %dma_start3A_125 = tpu.memref_slice %dma_start3A_122[%dma_start3A_123, %dma_start3A_124] : memref<80x125xi32, #tpu.memory_space<hbm>> -> memref<40x125xi32, #tpu.memory_space<hbm>>
      tpu.enqueue_dma source(%dma_start3A_125 : memref<40x125xi32, #tpu.memory_space<hbm>>) target(%arg7 : memref<40x125xi32, #tpu.memory_space<vmem>>) target_semaphore(%run_scoped3A : memref<!tpu.dma_semaphore, #tpu.memory_space<semaphore_mem>>)
      %dma_wait3A = arith.constant 0 : i32
      %dma_wait3A_126 = arith.constant 0 : i32
      %dma_wait3A_127 = tpu.memref_slice %arg3[%add3A, %dma_wait3A, %dma_wait3A_126] : memref<32x80x125xi32, #tpu.memory_space<hbm>> -> memref<1x80x125xi32, #tpu.memory_space<hbm>>
      %dma_wait3A_128 = tpu.memref_squeeze %dma_wait3A_127 : memref<1x80x125xi32, #tpu.memory_space<hbm>> -> memref<80x125xi32, #tpu.memory_space<hbm>>
      %dma_wait3A_129 = arith.constant 40 : i32
      %dma_wait3A_130 = arith.constant 0 : i32
      %dma_wait3A_131 = tpu.memref_slice %dma_wait3A_128[%dma_wait3A_129, %dma_wait3A_130] : memref<80x125xi32, #tpu.memory_space<hbm>> -> memref<40x125xi32, #tpu.memory_space<hbm>>
      %dma_wait3A_132 = arith.constant 0 : i32
      %dma_wait3A_133 = arith.constant 0 : i32
      %dma_wait3A_134 = tpu.memref_slice %arg3[%add3A, %dma_wait3A_132, %dma_wait3A_133] : memref<32x80x125xi32, #tpu.memory_space<hbm>> -> memref<1x80x125xi32, #tpu.memory_space<hbm>>
      %dma_wait3A_135 = tpu.memref_squeeze %dma_wait3A_134 : memref<1x80x125xi32, #tpu.memory_space<hbm>> -> memref<80x125xi32, #tpu.memory_space<hbm>>
      %dma_wait3A_136 = arith.constant 40 : i32
      %dma_wait3A_137 = arith.constant 0 : i32
      %dma_wait3A_138 = tpu.memref_slice %dma_wait3A_135[%dma_wait3A_136, %dma_wait3A_137] : memref<80x125xi32, #tpu.memory_space<hbm>> -> memref<40x125xi32, #tpu.memory_space<hbm>>
      tpu.wait_dma2 semaphore(%run_scoped3A : memref<!tpu.dma_semaphore, #tpu.memory_space<semaphore_mem>>) src(%dma_wait3A_138 : memref<40x125xi32, #tpu.memory_space<hbm>>) dst(%arg7 : memref<40x125xi32, #tpu.memory_space<vmem>>)
      tpu.yield
    }) : () -> ()
    "tpu.region"() ({
      %run_scoped3A = tpu.sem_alloc : memref<!tpu.dma_semaphore, #tpu.memory_space<semaphore_mem>>
      %dma_start3A_112 = arith.constant 0 : i32
      %dma_start3A_113 = arith.constant 0 : i32
      %dma_start3A_114 = tpu.memref_slice %arg4[%add3A, %dma_start3A_112, %dma_start3A_113] : memref<32x80x125xi32, #tpu.memory_space<hbm>> -> memref<1x80x125xi32, #tpu.memory_space<hbm>>
      %dma_start3A_115 = tpu.memref_squeeze %dma_start3A_114 : memref<1x80x125xi32, #tpu.memory_space<hbm>> -> memref<80x125xi32, #tpu.memory_space<hbm>>
      %dma_start3A_116 = arith.constant 40 : i32
      %dma_start3A_117 = arith.constant 0 : i32
      %dma_start3A_118 = tpu.memref_slice %dma_start3A_115[%dma_start3A_116, %dma_start3A_117] : memref<80x125xi32, #tpu.memory_space<hbm>> -> memref<40x125xi32, #tpu.memory_space<hbm>>
      %dma_start3A_119 = arith.constant 0 : i32
      %dma_start3A_120 = arith.constant 0 : i32
      %dma_start3A_121 = tpu.memref_slice %arg4[%add3A, %dma_start3A_119, %dma_start3A_120] : memref<32x80x125xi32, #tpu.memory_space<hbm>> -> memref<1x80x125xi32, #tpu.memory_space<hbm>>
      %dma_start3A_122 = tpu.memref_squeeze %dma_start3A_121 : memref<1x80x125xi32, #tpu.memory_space<hbm>> -> memref<80x125xi32, #tpu.memory_space<hbm>>
      %dma_start3A_123 = arith.constant 40 : i32
      %dma_start3A_124 = arith.constant 0 : i32
      %dma_start3A_125 = tpu.memref_slice %dma_start3A_122[%dma_start3A_123, %dma_start3A_124] : memref<80x125xi32, #tpu.memory_space<hbm>> -> memref<40x125xi32, #tpu.memory_space<hbm>>
      tpu.enqueue_dma source(%dma_start3A_125 : memref<40x125xi32, #tpu.memory_space<hbm>>) target(%arg8 : memref<40x125xi32, #tpu.memory_space<vmem>>) target_semaphore(%run_scoped3A : memref<!tpu.dma_semaphore, #tpu.memory_space<semaphore_mem>>)
      %dma_wait3A = arith.constant 0 : i32
      %dma_wait3A_126 = arith.constant 0 : i32
      %dma_wait3A_127 = tpu.memref_slice %arg4[%add3A, %dma_wait3A, %dma_wait3A_126] : memref<32x80x125xi32, #tpu.memory_space<hbm>> -> memref<1x80x125xi32, #tpu.memory_space<hbm>>
      %dma_wait3A_128 = tpu.memref_squeeze %dma_wait3A_127 : memref<1x80x125xi32, #tpu.memory_space<hbm>> -> memref<80x125xi32, #tpu.memory_space<hbm>>
      %dma_wait3A_129 = arith.constant 40 : i32
      %dma_wait3A_130 = arith.constant 0 : i32
      %dma_wait3A_131 = tpu.memref_slice %dma_wait3A_128[%dma_wait3A_129, %dma_wait3A_130] : memref<80x125xi32, #tpu.memory_space<hbm>> -> memref<40x125xi32, #tpu.memory_space<hbm>>
      %dma_wait3A_132 = arith.constant 0 : i32
      %dma_wait3A_133 = arith.constant 0 : i32
      %dma_wait3A_134 = tpu.memref_slice %arg4[%add3A, %dma_wait3A_132, %dma_wait3A_133] : memref<32x80x125xi32, #tpu.memory_space<hbm>> -> memref<1x80x125xi32, #tpu.memory_space<hbm>>
      %dma_wait3A_135 = tpu.memref_squeeze %dma_wait3A_134 : memref<1x80x125xi32, #tpu.memory_space<hbm>> -> memref<80x125xi32, #tpu.memory_space<hbm>>
      %dma_wait3A_136 = arith.constant 40 : i32
      %dma_wait3A_137 = arith.constant 0 : i32
      %dma_wait3A_138 = tpu.memref_slice %dma_wait3A_135[%dma_wait3A_136, %dma_wait3A_137] : memref<80x125xi32, #tpu.memory_space<hbm>> -> memref<40x125xi32, #tpu.memory_space<hbm>>
      tpu.wait_dma2 semaphore(%run_scoped3A : memref<!tpu.dma_semaphore, #tpu.memory_space<semaphore_mem>>) src(%dma_wait3A_138 : memref<40x125xi32, #tpu.memory_space<hbm>>) dst(%arg8 : memref<40x125xi32, #tpu.memory_space<vmem>>)
      tpu.yield
    }) : () -> ()
    %dma_start3A_54 = arith.constant 0 : i32
    %dma_start3A_55 = arith.constant 0 : i32
    %dma_start3A_56 = arith.constant 0 : i32
    %dma_start3A_57 = tpu.memref_slice %arg9[%dma_start3A_55, %dma_start3A_56] : memref<250x128xf32, #tpu.memory_space<vmem>> -> memref<64x128xf32, #tpu.memory_space<vmem>>
    %dma_start3A_58 = arith.constant 0 : i32
    %dma_start3A_59 = tpu.memref_slice %arg7[%dma_start3A_54, %dma_start3A_58] : memref<40x125xi32, #tpu.memory_space<vmem>> -> memref<1x125xi32, #tpu.memory_space<vmem>>
    %dma_start3A_60 = tpu.memref_squeeze %dma_start3A_59 : memref<1x125xi32, #tpu.memory_space<vmem>> -> memref<125xi32, #tpu.memory_space<vmem>>
    %dma_start3A_61 = arith.constant 0 : i32
    %dma_start3A_62 = tpu.memref_slice %dma_start3A_60[%dma_start3A_61] : memref<125xi32, #tpu.memory_space<vmem>> -> memref<64xi32, #tpu.memory_space<vmem>>
    %dma_start3A_63 = arith.constant 0 : i32
    %dma_start3A_64 = arith.constant 0 : i32
    %dma_start3A_65 = tpu.memref_slice %arg2[%dma_start3A_63, %dma_start3A_64] : memref<10240x128xf32, #tpu.memory_space<hbm>> -> memref<10240x128xf32, #tpu.memory_space<hbm>>
    tpu.enqueue_indirect_dma source(%dma_start3A_65 : memref<10240x128xf32, #tpu.memory_space<hbm>>) target(%dma_start3A_57 : memref<64x128xf32, #tpu.memory_space<vmem>>) offsets(%dma_start3A_62 : memref<64xi32, #tpu.memory_space<vmem>>) semaphore(%arg11 : memref<!tpu.dma_semaphore, #tpu.memory_space<semaphore_mem>>)
    %dma_start3A_66 = arith.constant 0 : i32
    %dma_start3A_67 = arith.constant 64 : i32
    %dma_start3A_68 = arith.constant 0 : i32
    %dma_start3A_69 = tpu.memref_slice %arg9[%dma_start3A_67, %dma_start3A_68] : memref<250x128xf32, #tpu.memory_space<vmem>> -> memref<61x128xf32, #tpu.memory_space<vmem>>
    %dma_start3A_70 = arith.constant 0 : i32
    %dma_start3A_71 = tpu.memref_slice %arg7[%dma_start3A_66, %dma_start3A_70] : memref<40x125xi32, #tpu.memory_space<vmem>> -> memref<1x125xi32, #tpu.memory_space<vmem>>
    %dma_start3A_72 = tpu.memref_squeeze %dma_start3A_71 : memref<1x125xi32, #tpu.memory_space<vmem>> -> memref<125xi32, #tpu.memory_space<vmem>>
    %dma_start3A_73 = arith.constant 64 : i32
    %dma_start3A_74 = tpu.memref_slice %dma_start3A_72[%dma_start3A_73] : memref<125xi32, #tpu.memory_space<vmem>> -> memref<61xi32, #tpu.memory_space<vmem>>
    %dma_start3A_75 = arith.constant 0 : i32
    %dma_start3A_76 = arith.constant 0 : i32
    %dma_start3A_77 = tpu.memref_slice %arg2[%dma_start3A_75, %dma_start3A_76] : memref<10240x128xf32, #tpu.memory_space<hbm>> -> memref<10240x128xf32, #tpu.memory_space<hbm>>
    tpu.enqueue_indirect_dma source(%dma_start3A_77 : memref<10240x128xf32, #tpu.memory_space<hbm>>) target(%dma_start3A_69 : memref<61x128xf32, #tpu.memory_space<vmem>>) offsets(%dma_start3A_74 : memref<61xi32, #tpu.memory_space<vmem>>) semaphore(%arg11 : memref<!tpu.dma_semaphore, #tpu.memory_space<semaphore_mem>>)
    %dma_start3A_78 = arith.constant 1 : i32
    %dma_start3A_79 = arith.constant 125 : i32
    %dma_start3A_80 = arith.constant 0 : i32
    %dma_start3A_81 = tpu.memref_slice %arg9[%dma_start3A_79, %dma_start3A_80] : memref<250x128xf32, #tpu.memory_space<vmem>> -> memref<64x128xf32, #tpu.memory_space<vmem>>
    %dma_start3A_82 = arith.constant 0 : i32
    %dma_start3A_83 = tpu.memref_slice %arg7[%dma_start3A_78, %dma_start3A_82] : memref<40x125xi32, #tpu.memory_space<vmem>> -> memref<1x125xi32, #tpu.memory_space<vmem>>
    %dma_start3A_84 = tpu.memref_squeeze %dma_start3A_83 : memref<1x125xi32, #tpu.memory_space<vmem>> -> memref<125xi32, #tpu.memory_space<vmem>>
    %dma_start3A_85 = arith.constant 0 : i32
    %dma_start3A_86 = tpu.memref_slice %dma_start3A_84[%dma_start3A_85] : memref<125xi32, #tpu.memory_space<vmem>> -> memref<64xi32, #tpu.memory_space<vmem>>
    %dma_start3A_87 = arith.constant 0 : i32
    %dma_start3A_88 = arith.constant 0 : i32
    %dma_start3A_89 = tpu.memref_slice %arg2[%dma_start3A_87, %dma_start3A_88] : memref<10240x128xf32, #tpu.memory_space<hbm>> -> memref<10240x128xf32, #tpu.memory_space<hbm>>
    tpu.enqueue_indirect_dma source(%dma_start3A_89 : memref<10240x128xf32, #tpu.memory_space<hbm>>) target(%dma_start3A_81 : memref<64x128xf32, #tpu.memory_space<vmem>>) offsets(%dma_start3A_86 : memref<64xi32, #tpu.memory_space<vmem>>) semaphore(%arg12 : memref<!tpu.dma_semaphore, #tpu.memory_space<semaphore_mem>>)
    %dma_start3A_90 = arith.constant 1 : i32
    %dma_start3A_91 = arith.constant 189 : i32
    %dma_start3A_92 = arith.constant 0 : i32
    %dma_start3A_93 = tpu.memref_slice %arg9[%dma_start3A_91, %dma_start3A_92] : memref<250x128xf32, #tpu.memory_space<vmem>> -> memref<61x128xf32, #tpu.memory_space<vmem>>
    %dma_start3A_94 = arith.constant 0 : i32
    %dma_start3A_95 = tpu.memref_slice %arg7[%dma_start3A_90, %dma_start3A_94] : memref<40x125xi32, #tpu.memory_space<vmem>> -> memref<1x125xi32, #tpu.memory_space<vmem>>
    %dma_start3A_96 = tpu.memref_squeeze %dma_start3A_95 : memref<1x125xi32, #tpu.memory_space<vmem>> -> memref<125xi32, #tpu.memory_space<vmem>>
    %dma_start3A_97 = arith.constant 64 : i32
    %dma_start3A_98 = tpu.memref_slice %dma_start3A_96[%dma_start3A_97] : memref<125xi32, #tpu.memory_space<vmem>> -> memref<61xi32, #tpu.memory_space<vmem>>
    %dma_start3A_99 = arith.constant 0 : i32
    %dma_start3A_100 = arith.constant 0 : i32
    %dma_start3A_101 = tpu.memref_slice %arg2[%dma_start3A_99, %dma_start3A_100] : memref<10240x128xf32, #tpu.memory_space<hbm>> -> memref<10240x128xf32, #tpu.memory_space<hbm>>
    tpu.enqueue_indirect_dma source(%dma_start3A_101 : memref<10240x128xf32, #tpu.memory_space<hbm>>) target(%dma_start3A_93 : memref<61x128xf32, #tpu.memory_space<vmem>>) offsets(%dma_start3A_98 : memref<61xi32, #tpu.memory_space<vmem>>) semaphore(%arg12 : memref<!tpu.dma_semaphore, #tpu.memory_space<semaphore_mem>>)
    %scan3A_102 = arith.constant 0 : i32
    %scan3A_103 = arith.constant 20 : i32
    %scan3A_104 = arith.addi %scan3A_102, %scan3A_103 : i32
    %scan3A_105 = arith.constant 1 : i32
    scf.for %scan3A_112 = %scan3A_102 to %scan3A_104 step %scan3A_105  : i32 {
      %mul3A_113 = arith.constant 2 : i32
      %mul3A_114 = arith.muli %scan3A_112, %mul3A_113 : i32
      %add3A_115 = arith.constant 0 : i32
      %add3A_116 = arith.addi %mul3A_114, %add3A_115 : i32
      %dma_wait3A = arith.constant 0 : i32
      %dma_wait3A_117 = arith.constant 0 : i32
      %dma_wait3A_118 = tpu.memref_slice %arg9[%dma_wait3A, %dma_wait3A_117] : memref<250x128xf32, #tpu.memory_space<vmem>> -> memref<64x128xf32, #tpu.memory_space<vmem>>
      %dma_wait3A_119 = arith.constant 0 : i32
      %dma_wait3A_120 = tpu.memref_slice %arg7[%add3A_116, %dma_wait3A_119] : memref<40x125xi32, #tpu.memory_space<vmem>> -> memref<1x125xi32, #tpu.memory_space<vmem>>
      %dma_wait3A_121 = tpu.memref_squeeze %dma_wait3A_120 : memref<1x125xi32, #tpu.memory_space<vmem>> -> memref<125xi32, #tpu.memory_space<vmem>>
      %dma_wait3A_122 = arith.constant 0 : i32
      %dma_wait3A_123 = tpu.memref_slice %dma_wait3A_121[%dma_wait3A_122] : memref<125xi32, #tpu.memory_space<vmem>> -> memref<64xi32, #tpu.memory_space<vmem>>
      %dma_wait3A_124 = arith.constant 0 : i32
      %dma_wait3A_125 = arith.constant 0 : i32
      %dma_wait3A_126 = tpu.memref_slice %arg2[%dma_wait3A_124, %dma_wait3A_125] : memref<10240x128xf32, #tpu.memory_space<hbm>> -> memref<10240x128xf32, #tpu.memory_space<hbm>>
      tpu.wait_indirect_dma semaphore(%arg11 : memref<!tpu.dma_semaphore, #tpu.memory_space<semaphore_mem>>) src(%dma_wait3A_126 : memref<10240x128xf32, #tpu.memory_space<hbm>>) dst(%dma_wait3A_118 : memref<64x128xf32, #tpu.memory_space<vmem>>)
      %dma_wait3A_127 = arith.constant 64 : i32
      %dma_wait3A_128 = arith.constant 0 : i32
      %dma_wait3A_129 = tpu.memref_slice %arg9[%dma_wait3A_127, %dma_wait3A_128] : memref<250x128xf32, #tpu.memory_space<vmem>> -> memref<61x128xf32, #tpu.memory_space<vmem>>
      %dma_wait3A_130 = arith.constant 0 : i32
      %dma_wait3A_131 = tpu.memref_slice %arg7[%add3A_116, %dma_wait3A_130] : memref<40x125xi32, #tpu.memory_space<vmem>> -> memref<1x125xi32, #tpu.memory_space<vmem>>
      %dma_wait3A_132 = tpu.memref_squeeze %dma_wait3A_131 : memref<1x125xi32, #tpu.memory_space<vmem>> -> memref<125xi32, #tpu.memory_space<vmem>>
      %dma_wait3A_133 = arith.constant 64 : i32
      %dma_wait3A_134 = tpu.memref_slice %dma_wait3A_132[%dma_wait3A_133] : memref<125xi32, #tpu.memory_space<vmem>> -> memref<61xi32, #tpu.memory_space<vmem>>
      %dma_wait3A_135 = arith.constant 0 : i32
      %dma_wait3A_136 = arith.constant 0 : i32
      %dma_wait3A_137 = tpu.memref_slice %arg2[%dma_wait3A_135, %dma_wait3A_136] : memref<10240x128xf32, #tpu.memory_space<hbm>> -> memref<10240x128xf32, #tpu.memory_space<hbm>>
      tpu.wait_indirect_dma semaphore(%arg11 : memref<!tpu.dma_semaphore, #tpu.memory_space<semaphore_mem>>) src(%dma_wait3A_137 : memref<10240x128xf32, #tpu.memory_space<hbm>>) dst(%dma_wait3A_129 : memref<61x128xf32, #tpu.memory_space<vmem>>)
      %dma_start3A_138 = arith.constant 0 : i32
      %dma_start3A_139 = arith.constant 0 : i32
      %dma_start3A_140 = tpu.memref_slice %arg9[%dma_start3A_138, %dma_start3A_139] : memref<250x128xf32, #tpu.memory_space<vmem>> -> memref<125x128xf32, #tpu.memory_space<vmem>>
      %dma_start3A_141 = arith.constant 0 : i32
      %dma_start3A_142 = tpu.memref_slice %arg8[%add3A_116, %dma_start3A_141] : memref<40x125xi32, #tpu.memory_space<vmem>> -> memref<1x125xi32, #tpu.memory_space<vmem>>
      %dma_start3A_143 = tpu.memref_squeeze %dma_start3A_142 : memref<1x125xi32, #tpu.memory_space<vmem>> -> memref<125xi32, #tpu.memory_space<vmem>>
      %dma_start3A_144 = arith.constant 0 : i32
      %dma_start3A_145 = arith.constant 0 : i32
      %dma_start3A_146 = tpu.memref_slice %arg10[%dma_start3A_144, %dma_start3A_145] : memref<10240x128xf32, #tpu.memory_space<vmem_shared>> -> memref<10240x128xf32, #tpu.memory_space<vmem_shared>>
      tpu.enqueue_indirect_dma source(%dma_start3A_140 : memref<125x128xf32, #tpu.memory_space<vmem>>) target(%dma_start3A_146 : memref<10240x128xf32, #tpu.memory_space<vmem_shared>>) offsets(%dma_start3A_143 : memref<125xi32, #tpu.memory_space<vmem>>) semaphore(%arg13 : memref<!tpu.dma_semaphore, #tpu.memory_space<semaphore_mem>>) {add = true}
      %dma_wait3A_147 = arith.constant 0 : i32
      %dma_wait3A_148 = arith.constant 0 : i32
      %dma_wait3A_149 = tpu.memref_slice %arg9[%dma_wait3A_147, %dma_wait3A_148] : memref<250x128xf32, #tpu.memory_space<vmem>> -> memref<125x128xf32, #tpu.memory_space<vmem>>
      %dma_wait3A_150 = arith.constant 0 : i32
      %dma_wait3A_151 = tpu.memref_slice %arg8[%add3A_116, %dma_wait3A_150] : memref<40x125xi32, #tpu.memory_space<vmem>> -> memref<1x125xi32, #tpu.memory_space<vmem>>
      %dma_wait3A_152 = tpu.memref_squeeze %dma_wait3A_151 : memref<1x125xi32, #tpu.memory_space<vmem>> -> memref<125xi32, #tpu.memory_space<vmem>>
      %dma_wait3A_153 = arith.constant 0 : i32
      %dma_wait3A_154 = arith.constant 0 : i32
      %dma_wait3A_155 = tpu.memref_slice %arg10[%dma_wait3A_153, %dma_wait3A_154] : memref<10240x128xf32, #tpu.memory_space<vmem_shared>> -> memref<10240x128xf32, #tpu.memory_space<vmem_shared>>
      tpu.wait_indirect_dma semaphore(%arg13 : memref<!tpu.dma_semaphore, #tpu.memory_space<semaphore_mem>>) src(%dma_wait3A_149 : memref<125x128xf32, #tpu.memory_space<vmem>>) dst(%dma_wait3A_155 : memref<10240x128xf32, #tpu.memory_space<vmem_shared>>)
      %add3A_156 = arith.constant 2 : i32
      %add3A_157 = arith.addi %add3A_116, %add3A_156 : i32
      %lt3A = arith.constant 40 : i32
      %lt3A_158 = arith.cmpi slt, %add3A_157, %lt3A : i32
      %convert_element_type3A = arith.extui %lt3A_158 : i1 to i32
      %cond3A = arith.constant 0 : i32
      %cond3A_159 = arith.cmpi ne, %convert_element_type3A, %cond3A : i32
      scf.if %cond3A_159 {
        %add3A_211 = arith.constant 2 : i32
        %add3A_212 = arith.addi %add3A_116, %add3A_211 : i32
        %dma_start3A_213 = arith.constant 0 : i32
        %dma_start3A_214 = arith.constant 0 : i32
        %dma_start3A_215 = tpu.memref_slice %arg9[%dma_start3A_213, %dma_start3A_214] : memref<250x128xf32, #tpu.memory_space<vmem>> -> memref<64x128xf32, #tpu.memory_space<vmem>>
        %dma_start3A_216 = arith.constant 0 : i32
        %dma_start3A_217 = tpu.memref_slice %arg7[%add3A_212, %dma_start3A_216] : memref<40x125xi32, #tpu.memory_space<vmem>> -> memref<1x125xi32, #tpu.memory_space<vmem>>
        %dma_start3A_218 = tpu.memref_squeeze %dma_start3A_217 : memref<1x125xi32, #tpu.memory_space<vmem>> -> memref<125xi32, #tpu.memory_space<vmem>>
        %dma_start3A_219 = arith.constant 0 : i32
        %dma_start3A_220 = tpu.memref_slice %dma_start3A_218[%dma_start3A_219] : memref<125xi32, #tpu.memory_space<vmem>> -> memref<64xi32, #tpu.memory_space<vmem>>
        %dma_start3A_221 = arith.constant 0 : i32
        %dma_start3A_222 = arith.constant 0 : i32
        %dma_start3A_223 = tpu.memref_slice %arg2[%dma_start3A_221, %dma_start3A_222] : memref<10240x128xf32, #tpu.memory_space<hbm>> -> memref<10240x128xf32, #tpu.memory_space<hbm>>
        tpu.enqueue_indirect_dma source(%dma_start3A_223 : memref<10240x128xf32, #tpu.memory_space<hbm>>) target(%dma_start3A_215 : memref<64x128xf32, #tpu.memory_space<vmem>>) offsets(%dma_start3A_220 : memref<64xi32, #tpu.memory_space<vmem>>) semaphore(%arg11 : memref<!tpu.dma_semaphore, #tpu.memory_space<semaphore_mem>>)
        %dma_start3A_224 = arith.constant 64 : i32
        %dma_start3A_225 = arith.constant 0 : i32
        %dma_start3A_226 = tpu.memref_slice %arg9[%dma_start3A_224, %dma_start3A_225] : memref<250x128xf32, #tpu.memory_space<vmem>> -> memref<61x128xf32, #tpu.memory_space<vmem>>
        %dma_start3A_227 = arith.constant 0 : i32
        %dma_start3A_228 = tpu.memref_slice %arg7[%add3A_212, %dma_start3A_227] : memref<40x125xi32, #tpu.memory_space<vmem>> -> memref<1x125xi32, #tpu.memory_space<vmem>>
        %dma_start3A_229 = tpu.memref_squeeze %dma_start3A_228 : memref<1x125xi32, #tpu.memory_space<vmem>> -> memref<125xi32, #tpu.memory_space<vmem>>
        %dma_start3A_230 = arith.constant 64 : i32
        %dma_start3A_231 = tpu.memref_slice %dma_start3A_229[%dma_start3A_230] : memref<125xi32, #tpu.memory_space<vmem>> -> memref<61xi32, #tpu.memory_space<vmem>>
        %dma_start3A_232 = arith.constant 0 : i32
        %dma_start3A_233 = arith.constant 0 : i32
        %dma_start3A_234 = tpu.memref_slice %arg2[%dma_start3A_232, %dma_start3A_233] : memref<10240x128xf32, #tpu.memory_space<hbm>> -> memref<10240x128xf32, #tpu.memory_space<hbm>>
        tpu.enqueue_indirect_dma source(%dma_start3A_234 : memref<10240x128xf32, #tpu.memory_space<hbm>>) target(%dma_start3A_226 : memref<61x128xf32, #tpu.memory_space<vmem>>) offsets(%dma_start3A_231 : memref<61xi32, #tpu.memory_space<vmem>>) semaphore(%arg11 : memref<!tpu.dma_semaphore, #tpu.memory_space<semaphore_mem>>)
      } else {
      }
      %mul3A_160 = arith.constant 2 : i32
      %mul3A_161 = arith.muli %scan3A_112, %mul3A_160 : i32
      %add3A_162 = arith.constant 1 : i32
      %add3A_163 = arith.addi %mul3A_161, %add3A_162 : i32
      %dma_wait3A_164 = arith.constant 125 : i32
      %dma_wait3A_165 = arith.constant 0 : i32
      %dma_wait3A_166 = tpu.memref_slice %arg9[%dma_wait3A_164, %dma_wait3A_165] : memref<250x128xf32, #tpu.memory_space<vmem>> -> memref<64x128xf32, #tpu.memory_space<vmem>>
      %dma_wait3A_167 = arith.constant 0 : i32
      %dma_wait3A_168 = tpu.memref_slice %arg7[%add3A_163, %dma_wait3A_167] : memref<40x125xi32, #tpu.memory_space<vmem>> -> memref<1x125xi32, #tpu.memory_space<vmem>>
      %dma_wait3A_169 = tpu.memref_squeeze %dma_wait3A_168 : memref<1x125xi32, #tpu.memory_space<vmem>> -> memref<125xi32, #tpu.memory_space<vmem>>
      %dma_wait3A_170 = arith.constant 0 : i32
      %dma_wait3A_171 = tpu.memref_slice %dma_wait3A_169[%dma_wait3A_170] : memref<125xi32, #tpu.memory_space<vmem>> -> memref<64xi32, #tpu.memory_space<vmem>>
      %dma_wait3A_172 = arith.constant 0 : i32
      %dma_wait3A_173 = arith.constant 0 : i32
      %dma_wait3A_174 = tpu.memref_slice %arg2[%dma_wait3A_172, %dma_wait3A_173] : memref<10240x128xf32, #tpu.memory_space<hbm>> -> memref<10240x128xf32, #tpu.memory_space<hbm>>
      tpu.wait_indirect_dma semaphore(%arg12 : memref<!tpu.dma_semaphore, #tpu.memory_space<semaphore_mem>>) src(%dma_wait3A_174 : memref<10240x128xf32, #tpu.memory_space<hbm>>) dst(%dma_wait3A_166 : memref<64x128xf32, #tpu.memory_space<vmem>>)
      %dma_wait3A_175 = arith.constant 189 : i32
      %dma_wait3A_176 = arith.constant 0 : i32
      %dma_wait3A_177 = tpu.memref_slice %arg9[%dma_wait3A_175, %dma_wait3A_176] : memref<250x128xf32, #tpu.memory_space<vmem>> -> memref<61x128xf32, #tpu.memory_space<vmem>>
      %dma_wait3A_178 = arith.constant 0 : i32
      %dma_wait3A_179 = tpu.memref_slice %arg7[%add3A_163, %dma_wait3A_178] : memref<40x125xi32, #tpu.memory_space<vmem>> -> memref<1x125xi32, #tpu.memory_space<vmem>>
      %dma_wait3A_180 = tpu.memref_squeeze %dma_wait3A_179 : memref<1x125xi32, #tpu.memory_space<vmem>> -> memref<125xi32, #tpu.memory_space<vmem>>
      %dma_wait3A_181 = arith.constant 64 : i32
      %dma_wait3A_182 = tpu.memref_slice %dma_wait3A_180[%dma_wait3A_181] : memref<125xi32, #tpu.memory_space<vmem>> -> memref<61xi32, #tpu.memory_space<vmem>>
      %dma_wait3A_183 = arith.constant 0 : i32
      %dma_wait3A_184 = arith.constant 0 : i32
      %dma_wait3A_185 = tpu.memref_slice %arg2[%dma_wait3A_183, %dma_wait3A_184] : memref<10240x128xf32, #tpu.memory_space<hbm>> -> memref<10240x128xf32, #tpu.memory_space<hbm>>
      tpu.wait_indirect_dma semaphore(%arg12 : memref<!tpu.dma_semaphore, #tpu.memory_space<semaphore_mem>>) src(%dma_wait3A_185 : memref<10240x128xf32, #tpu.memory_space<hbm>>) dst(%dma_wait3A_177 : memref<61x128xf32, #tpu.memory_space<vmem>>)
      %dma_start3A_186 = arith.constant 125 : i32
      %dma_start3A_187 = arith.constant 0 : i32
      %dma_start3A_188 = tpu.memref_slice %arg9[%dma_start3A_186, %dma_start3A_187] : memref<250x128xf32, #tpu.memory_space<vmem>> -> memref<125x128xf32, #tpu.memory_space<vmem>>
      %dma_start3A_189 = arith.constant 0 : i32
      %dma_start3A_190 = tpu.memref_slice %arg8[%add3A_163, %dma_start3A_189] : memref<40x125xi32, #tpu.memory_space<vmem>> -> memref<1x125xi32, #tpu.memory_space<vmem>>
      %dma_start3A_191 = tpu.memref_squeeze %dma_start3A_190 : memref<1x125xi32, #tpu.memory_space<vmem>> -> memref<125xi32, #tpu.memory_space<vmem>>
      %dma_start3A_192 = arith.constant 0 : i32
      %dma_start3A_193 = arith.constant 0 : i32
      %dma_start3A_194 = tpu.memref_slice %arg10[%dma_start3A_192, %dma_start3A_193] : memref<10240x128xf32, #tpu.memory_space<vmem_shared>> -> memref<10240x128xf32, #tpu.memory_space<vmem_shared>>
      tpu.enqueue_indirect_dma source(%dma_start3A_188 : memref<125x128xf32, #tpu.memory_space<vmem>>) target(%dma_start3A_194 : memref<10240x128xf32, #tpu.memory_space<vmem_shared>>) offsets(%dma_start3A_191 : memref<125xi32, #tpu.memory_space<vmem>>) semaphore(%arg14 : memref<!tpu.dma_semaphore, #tpu.memory_space<semaphore_mem>>) {add = true}
      %dma_wait3A_195 = arith.constant 125 : i32
      %dma_wait3A_196 = arith.constant 0 : i32
      %dma_wait3A_197 = tpu.memref_slice %arg9[%dma_wait3A_195, %dma_wait3A_196] : memref<250x128xf32, #tpu.memory_space<vmem>> -> memref<125x128xf32, #tpu.memory_space<vmem>>
      %dma_wait3A_198 = arith.constant 0 : i32
      %dma_wait3A_199 = tpu.memref_slice %arg8[%add3A_163, %dma_wait3A_198] : memref<40x125xi32, #tpu.memory_space<vmem>> -> memref<1x125xi32, #tpu.memory_space<vmem>>
      %dma_wait3A_200 = tpu.memref_squeeze %dma_wait3A_199 : memref<1x125xi32, #tpu.memory_space<vmem>> -> memref<125xi32, #tpu.memory_space<vmem>>
      %dma_wait3A_201 = arith.constant 0 : i32
      %dma_wait3A_202 = arith.constant 0 : i32
      %dma_wait3A_203 = tpu.memref_slice %arg10[%dma_wait3A_201, %dma_wait3A_202] : memref<10240x128xf32, #tpu.memory_space<vmem_shared>> -> memref<10240x128xf32, #tpu.memory_space<vmem_shared>>
      tpu.wait_indirect_dma semaphore(%arg14 : memref<!tpu.dma_semaphore, #tpu.memory_space<semaphore_mem>>) src(%dma_wait3A_197 : memref<125x128xf32, #tpu.memory_space<vmem>>) dst(%dma_wait3A_203 : memref<10240x128xf32, #tpu.memory_space<vmem_shared>>)
      %add3A_204 = arith.constant 2 : i32
      %add3A_205 = arith.addi %add3A_163, %add3A_204 : i32
      %lt3A_206 = arith.constant 40 : i32
      %lt3A_207 = arith.cmpi slt, %add3A_205, %lt3A_206 : i32
      %convert_element_type3A_208 = arith.extui %lt3A_207 : i1 to i32
      %cond3A_209 = arith.constant 0 : i32
      %cond3A_210 = arith.cmpi ne, %convert_element_type3A_208, %cond3A_209 : i32
      scf.if %cond3A_210 {
        %add3A_211 = arith.constant 2 : i32
        %add3A_212 = arith.addi %add3A_163, %add3A_211 : i32
        %dma_start3A_213 = arith.constant 125 : i32
        %dma_start3A_214 = arith.constant 0 : i32
        %dma_start3A_215 = tpu.memref_slice %arg9[%dma_start3A_213, %dma_start3A_214] : memref<250x128xf32, #tpu.memory_space<vmem>> -> memref<64x128xf32, #tpu.memory_space<vmem>>
        %dma_start3A_216 = arith.constant 0 : i32
        %dma_start3A_217 = tpu.memref_slice %arg7[%add3A_212, %dma_start3A_216] : memref<40x125xi32, #tpu.memory_space<vmem>> -> memref<1x125xi32, #tpu.memory_space<vmem>>
        %dma_start3A_218 = tpu.memref_squeeze %dma_start3A_217 : memref<1x125xi32, #tpu.memory_space<vmem>> -> memref<125xi32, #tpu.memory_space<vmem>>
        %dma_start3A_219 = arith.constant 0 : i32
        %dma_start3A_220 = tpu.memref_slice %dma_start3A_218[%dma_start3A_219] : memref<125xi32, #tpu.memory_space<vmem>> -> memref<64xi32, #tpu.memory_space<vmem>>
        %dma_start3A_221 = arith.constant 0 : i32
        %dma_start3A_222 = arith.constant 0 : i32
        %dma_start3A_223 = tpu.memref_slice %arg2[%dma_start3A_221, %dma_start3A_222] : memref<10240x128xf32, #tpu.memory_space<hbm>> -> memref<10240x128xf32, #tpu.memory_space<hbm>>
        tpu.enqueue_indirect_dma source(%dma_start3A_223 : memref<10240x128xf32, #tpu.memory_space<hbm>>) target(%dma_start3A_215 : memref<64x128xf32, #tpu.memory_space<vmem>>) offsets(%dma_start3A_220 : memref<64xi32, #tpu.memory_space<vmem>>) semaphore(%arg12 : memref<!tpu.dma_semaphore, #tpu.memory_space<semaphore_mem>>)
        %dma_start3A_224 = arith.constant 189 : i32
        %dma_start3A_225 = arith.constant 0 : i32
        %dma_start3A_226 = tpu.memref_slice %arg9[%dma_start3A_224, %dma_start3A_225] : memref<250x128xf32, #tpu.memory_space<vmem>> -> memref<61x128xf32, #tpu.memory_space<vmem>>
        %dma_start3A_227 = arith.constant 0 : i32
        %dma_start3A_228 = tpu.memref_slice %arg7[%add3A_212, %dma_start3A_227] : memref<40x125xi32, #tpu.memory_space<vmem>> -> memref<1x125xi32, #tpu.memory_space<vmem>>
        %dma_start3A_229 = tpu.memref_squeeze %dma_start3A_228 : memref<1x125xi32, #tpu.memory_space<vmem>> -> memref<125xi32, #tpu.memory_space<vmem>>
        %dma_start3A_230 = arith.constant 64 : i32
        %dma_start3A_231 = tpu.memref_slice %dma_start3A_229[%dma_start3A_230] : memref<125xi32, #tpu.memory_space<vmem>> -> memref<61xi32, #tpu.memory_space<vmem>>
        %dma_start3A_232 = arith.constant 0 : i32
        %dma_start3A_233 = arith.constant 0 : i32
        %dma_start3A_234 = tpu.memref_slice %arg2[%dma_start3A_232, %dma_start3A_233] : memref<10240x128xf32, #tpu.memory_space<hbm>> -> memref<10240x128xf32, #tpu.memory_space<hbm>>
        tpu.enqueue_indirect_dma source(%dma_start3A_234 : memref<10240x128xf32, #tpu.memory_space<hbm>>) target(%dma_start3A_226 : memref<61x128xf32, #tpu.memory_space<vmem>>) offsets(%dma_start3A_231 : memref<61xi32, #tpu.memory_space<vmem>>) semaphore(%arg12 : memref<!tpu.dma_semaphore, #tpu.memory_space<semaphore_mem>>)
      } else {
      }
    }
    %scan3A_106 = arith.constant 20 : i32
    %barrier3A_107 = arith.constant 0 : index
    tpu.barrier barrier_id(%barrier3A_107)
    %mul3A_108 = arith.constant 640 : i32
    %mul3A_109 = arith.muli %arg1, %mul3A_108 : i32
    %mul3A_110 = arith.constant 640 : i32
    %mul3A_111 = arith.muli %arg1, %mul3A_110 : i32
    "tpu.region"() ({
      %run_scoped3A = tpu.sem_alloc : memref<!tpu.dma_semaphore, #tpu.memory_space<semaphore_mem>>
      %dma_start3A_112 = arith.constant 0 : i32
      %dma_start3A_113 = arith.constant 0 : i32
      %dma_start3A_114 = tpu.memref_slice %arg6[%arg0, %dma_start3A_112, %dma_start3A_113] : memref<2x10240x128xf32, #tpu.memory_space<hbm>> -> memref<1x10240x128xf32, #tpu.memory_space<hbm>>
      %dma_start3A_115 = tpu.memref_squeeze %dma_start3A_114 : memref<1x10240x128xf32, #tpu.memory_space<hbm>> -> memref<10240x128xf32, #tpu.memory_space<hbm>>
      %dma_start3A_116 = arith.constant 0 : i32
      %dma_start3A_117 = tpu.memref_slice %dma_start3A_115[%mul3A_111, %dma_start3A_116] : memref<10240x128xf32, #tpu.memory_space<hbm>> -> memref<640x128xf32, #tpu.memory_space<hbm>>
      %dma_start3A_118 = arith.constant 0 : i32
      %dma_start3A_119 = tpu.memref_slice %arg10[%mul3A_109, %dma_start3A_118] : memref<10240x128xf32, #tpu.memory_space<vmem_shared>> -> memref<640x128xf32, #tpu.memory_space<vmem_shared>>
      tpu.enqueue_dma source(%dma_start3A_119 : memref<640x128xf32, #tpu.memory_space<vmem_shared>>) target(%dma_start3A_117 : memref<640x128xf32, #tpu.memory_space<hbm>>) target_semaphore(%run_scoped3A : memref<!tpu.dma_semaphore, #tpu.memory_space<semaphore_mem>>)
      %dma_wait3A = arith.constant 0 : i32
      %dma_wait3A_120 = arith.constant 0 : i32
      %dma_wait3A_121 = tpu.memref_slice %arg6[%arg0, %dma_wait3A, %dma_wait3A_120] : memref<2x10240x128xf32, #tpu.memory_space<hbm>> -> memref<1x10240x128xf32, #tpu.memory_space<hbm>>
      %dma_wait3A_122 = tpu.memref_squeeze %dma_wait3A_121 : memref<1x10240x128xf32, #tpu.memory_space<hbm>> -> memref<10240x128xf32, #tpu.memory_space<hbm>>
      %dma_wait3A_123 = arith.constant 0 : i32
      %dma_wait3A_124 = tpu.memref_slice %dma_wait3A_122[%mul3A_111, %dma_wait3A_123] : memref<10240x128xf32, #tpu.memory_space<hbm>> -> memref<640x128xf32, #tpu.memory_space<hbm>>
      %dma_wait3A_125 = arith.constant 0 : i32
      %dma_wait3A_126 = tpu.memref_slice %arg10[%mul3A_109, %dma_wait3A_125] : memref<10240x128xf32, #tpu.memory_space<vmem_shared>> -> memref<640x128xf32, #tpu.memory_space<vmem_shared>>
      tpu.wait_dma2 semaphore(%run_scoped3A : memref<!tpu.dma_semaphore, #tpu.memory_space<semaphore_mem>>) src(%dma_wait3A_126 : memref<640x128xf32, #tpu.memory_space<vmem_shared>>) dst(%dma_wait3A_124 : memref<640x128xf32, #tpu.memory_space<hbm>>)
      tpu.yield
    }) : () -> ()
    return
  }
}

#map = affine_map<(d0, d1) -> (0, 0)>
#map1 = affine_map<(d0, d1) -> (0, 0, 0)>
module attributes {stable_mosaic.version = 14 : i64} {
  func.func @_prep_body(%arg0: i32, %arg1: i32, %arg2: memref<16384x128xf32, #tpu.memory_space<hbm>>, %arg3: memref<32x80x125xi32, #tpu.memory_space<hbm>>, %arg4: memref<16x5x128xi32, #tpu.memory_space<hbm>>, %arg5: memref<16x5x128xi32, #tpu.memory_space<hbm>>, %arg6: memref<16x6x125xi32, #tpu.memory_space<hbm>>, %arg7: memref<640x128xf32, #tpu.memory_space<hbm>>, %arg8: memref<125x128xf32, #tpu.memory_space<hbm>>, %arg9: memref<10240x128xf32, #tpu.memory_space<hbm>>, %arg10: memref<2x10240x128xf32, #tpu.memory_space<hbm>>, %arg11: memref<64x128xf32, #tpu.memory_space<hbm>>, %arg12: memref<16x125xi32, #tpu.memory_space<vmem>>, %arg13: memref<5x128xi32, #tpu.memory_space<vmem>>, %arg14: memref<5x128xi32, #tpu.memory_space<vmem>>, %arg15: memref<5x128xi32, #tpu.memory_space<vmem>>, %arg16: memref<128x128xf32, #tpu.memory_space<vmem>>, %arg17: memref<125x128xf32, #tpu.memory_space<vmem>>, %arg18: memref<6x125xi32, #tpu.memory_space<vmem>>, %arg19: memref<10240x128xf32, #tpu.memory_space<vmem_shared>>, %arg20: memref<128x128xf32, #tpu.memory_space<vmem_shared>>, %arg21: memref<!tpu.dma_semaphore, #tpu.memory_space<semaphore_mem>>, %arg22: memref<!tpu.dma_semaphore, #tpu.memory_space<semaphore_mem>>, %arg23: memref<!tpu.dma_semaphore, #tpu.memory_space<semaphore_mem>>) attributes {dimension_semantics = [#tpu.dimension_semantics<core_parallel>, #tpu.dimension_semantics<subcore_parallel>], iteration_bounds = array<i64: 2, 16>, scalar_prefetch = 0 : i64, scratch_operands = 12 : i64, tpu.core_type = #tpu.core_type<sc_vector_subcore>, window_params = [{transform_indices = #map}, {transform_indices = #map1}, {transform_indices = #map1}, {transform_indices = #map1}, {transform_indices = #map1}, {transform_indices = #map}, {transform_indices = #map}, {transform_indices = #map}, {transform_indices = #map1}, {transform_indices = #map}]} {
    %mul3A = arith.constant 2 : i32
    %mul3A_0 = arith.muli %arg1, %mul3A : i32
    %add3A = arith.addi %mul3A_0, %arg0 : i32
    %mul3A_1 = arith.constant 640 : i32
    %mul3A_2 = arith.muli %arg1, %mul3A_1 : i32
    "tpu.region"() ({
      %run_scoped3A = tpu.sem_alloc : memref<!tpu.dma_semaphore, #tpu.memory_space<semaphore_mem>>
      %dma_start3A = arith.constant 0 : i32
      %dma_start3A_105 = tpu.memref_slice %arg19[%mul3A_2, %dma_start3A] : memref<10240x128xf32, #tpu.memory_space<vmem_shared>> -> memref<640x128xf32, #tpu.memory_space<vmem_shared>>
      tpu.enqueue_dma source(%arg7 : memref<640x128xf32, #tpu.memory_space<hbm>>) target(%dma_start3A_105 : memref<640x128xf32, #tpu.memory_space<vmem_shared>>) target_semaphore(%run_scoped3A : memref<!tpu.dma_semaphore, #tpu.memory_space<semaphore_mem>>)
      %dma_wait3A = arith.constant 0 : i32
      %dma_wait3A_106 = tpu.memref_slice %arg19[%mul3A_2, %dma_wait3A] : memref<10240x128xf32, #tpu.memory_space<vmem_shared>> -> memref<640x128xf32, #tpu.memory_space<vmem_shared>>
      tpu.wait_dma2 semaphore(%run_scoped3A : memref<!tpu.dma_semaphore, #tpu.memory_space<semaphore_mem>>) src(%arg7 : memref<640x128xf32, #tpu.memory_space<hbm>>) dst(%dma_wait3A_106 : memref<640x128xf32, #tpu.memory_space<vmem_shared>>)
      tpu.yield
    }) : () -> ()
    "tpu.region"() ({
      %run_scoped3A = tpu.sem_alloc : memref<!tpu.dma_semaphore, #tpu.memory_space<semaphore_mem>>
      tpu.enqueue_dma source(%arg8 : memref<125x128xf32, #tpu.memory_space<hbm>>) target(%arg17 : memref<125x128xf32, #tpu.memory_space<vmem>>) target_semaphore(%run_scoped3A : memref<!tpu.dma_semaphore, #tpu.memory_space<semaphore_mem>>)
      tpu.wait_dma2 semaphore(%run_scoped3A : memref<!tpu.dma_semaphore, #tpu.memory_space<semaphore_mem>>) src(%arg8 : memref<125x128xf32, #tpu.memory_space<hbm>>) dst(%arg17 : memref<125x128xf32, #tpu.memory_space<vmem>>)
      tpu.yield
    }) : () -> ()
    %eq3A = arith.constant 0 : i32
    %eq3A_3 = arith.cmpi eq, %arg0, %eq3A : i32
    %convert_element_type3A = arith.extui %eq3A_3 : i1 to i32
    %cond3A = arith.constant 0 : i32
    %cond3A_4 = arith.cmpi ne, %convert_element_type3A, %cond3A : i32
    scf.if %cond3A_4 {
      %mul3A_105 = arith.constant 8 : i32
      %mul3A_106 = arith.muli %arg1, %mul3A_105 : i32
      "tpu.region"() ({
        %run_scoped3A = tpu.sem_alloc : memref<!tpu.dma_semaphore, #tpu.memory_space<semaphore_mem>>
        %dma_start3A = arith.constant 0 : i32
        %dma_start3A_107 = tpu.memref_slice %arg20[%mul3A_106, %dma_start3A] : memref<128x128xf32, #tpu.memory_space<vmem_shared>> -> memref<8x128xf32, #tpu.memory_space<vmem_shared>>
        %dma_start3A_108 = arith.constant 0 : i32
        %dma_start3A_109 = arith.constant 0 : i32
        %dma_start3A_110 = tpu.memref_slice %arg7[%dma_start3A_108, %dma_start3A_109] : memref<640x128xf32, #tpu.memory_space<hbm>> -> memref<8x128xf32, #tpu.memory_space<hbm>>
        tpu.enqueue_dma source(%dma_start3A_110 : memref<8x128xf32, #tpu.memory_space<hbm>>) target(%dma_start3A_107 : memref<8x128xf32, #tpu.memory_space<vmem_shared>>) target_semaphore(%run_scoped3A : memref<!tpu.dma_semaphore, #tpu.memory_space<semaphore_mem>>)
        %dma_wait3A = arith.constant 0 : i32
        %dma_wait3A_111 = tpu.memref_slice %arg20[%mul3A_106, %dma_wait3A] : memref<128x128xf32, #tpu.memory_space<vmem_shared>> -> memref<8x128xf32, #tpu.memory_space<vmem_shared>>
        %dma_wait3A_112 = arith.constant 0 : i32
        %dma_wait3A_113 = arith.constant 0 : i32
        %dma_wait3A_114 = tpu.memref_slice %arg7[%dma_wait3A_112, %dma_wait3A_113] : memref<640x128xf32, #tpu.memory_space<hbm>> -> memref<8x128xf32, #tpu.memory_space<hbm>>
        tpu.wait_dma2 semaphore(%run_scoped3A : memref<!tpu.dma_semaphore, #tpu.memory_space<semaphore_mem>>) src(%dma_wait3A_114 : memref<8x128xf32, #tpu.memory_space<hbm>>) dst(%dma_wait3A_111 : memref<8x128xf32, #tpu.memory_space<vmem_shared>>)
        tpu.yield
      }) : () -> ()
      "tpu.region"() ({
        %run_scoped3A = tpu.sem_alloc : memref<!tpu.dma_semaphore, #tpu.memory_space<semaphore_mem>>
        %dma_start3A = arith.constant 0 : i32
        %dma_start3A_107 = arith.constant 0 : i32
        %dma_start3A_108 = tpu.memref_slice %arg6[%arg1, %dma_start3A, %dma_start3A_107] : memref<16x6x125xi32, #tpu.memory_space<hbm>> -> memref<1x6x125xi32, #tpu.memory_space<hbm>>
        %dma_start3A_109 = tpu.memref_squeeze %dma_start3A_108 : memref<1x6x125xi32, #tpu.memory_space<hbm>> -> memref<6x125xi32, #tpu.memory_space<hbm>>
        %dma_start3A_110 = arith.constant 0 : i32
        %dma_start3A_111 = arith.constant 0 : i32
        %dma_start3A_112 = tpu.memref_slice %arg6[%arg1, %dma_start3A_110, %dma_start3A_111] : memref<16x6x125xi32, #tpu.memory_space<hbm>> -> memref<1x6x125xi32, #tpu.memory_space<hbm>>
        %dma_start3A_113 = tpu.memref_squeeze %dma_start3A_112 : memref<1x6x125xi32, #tpu.memory_space<hbm>> -> memref<6x125xi32, #tpu.memory_space<hbm>>
        tpu.enqueue_dma source(%dma_start3A_113 : memref<6x125xi32, #tpu.memory_space<hbm>>) target(%arg18 : memref<6x125xi32, #tpu.memory_space<vmem>>) target_semaphore(%run_scoped3A : memref<!tpu.dma_semaphore, #tpu.memory_space<semaphore_mem>>)
        %dma_wait3A = arith.constant 0 : i32
        %dma_wait3A_114 = arith.constant 0 : i32
        %dma_wait3A_115 = tpu.memref_slice %arg6[%arg1, %dma_wait3A, %dma_wait3A_114] : memref<16x6x125xi32, #tpu.memory_space<hbm>> -> memref<1x6x125xi32, #tpu.memory_space<hbm>>
        %dma_wait3A_116 = tpu.memref_squeeze %dma_wait3A_115 : memref<1x6x125xi32, #tpu.memory_space<hbm>> -> memref<6x125xi32, #tpu.memory_space<hbm>>
        %dma_wait3A_117 = arith.constant 0 : i32
        %dma_wait3A_118 = arith.constant 0 : i32
        %dma_wait3A_119 = tpu.memref_slice %arg6[%arg1, %dma_wait3A_117, %dma_wait3A_118] : memref<16x6x125xi32, #tpu.memory_space<hbm>> -> memref<1x6x125xi32, #tpu.memory_space<hbm>>
        %dma_wait3A_120 = tpu.memref_squeeze %dma_wait3A_119 : memref<1x6x125xi32, #tpu.memory_space<hbm>> -> memref<6x125xi32, #tpu.memory_space<hbm>>
        tpu.wait_dma2 semaphore(%run_scoped3A : memref<!tpu.dma_semaphore, #tpu.memory_space<semaphore_mem>>) src(%dma_wait3A_120 : memref<6x125xi32, #tpu.memory_space<hbm>>) dst(%arg18 : memref<6x125xi32, #tpu.memory_space<vmem>>)
        tpu.yield
      }) : () -> ()
    } else {
    }
    %eq3A_5 = arith.constant 1 : i32
    %eq3A_6 = arith.cmpi eq, %arg0, %eq3A_5 : i32
    %convert_element_type3A_7 = arith.extui %eq3A_6 : i1 to i32
    %cond3A_8 = arith.constant 0 : i32
    %cond3A_9 = arith.cmpi ne, %convert_element_type3A_7, %cond3A_8 : i32
    scf.if %cond3A_9 {
      "tpu.region"() ({
        %run_scoped3A = tpu.sem_alloc : memref<!tpu.dma_semaphore, #tpu.memory_space<semaphore_mem>>
        %dma_start3A = arith.constant 0 : i32
        %dma_start3A_110 = arith.constant 0 : i32
        %dma_start3A_111 = tpu.memref_slice %arg4[%arg1, %dma_start3A, %dma_start3A_110] : memref<16x5x128xi32, #tpu.memory_space<hbm>> -> memref<1x5x128xi32, #tpu.memory_space<hbm>>
        %dma_start3A_112 = tpu.memref_squeeze %dma_start3A_111 : memref<1x5x128xi32, #tpu.memory_space<hbm>> -> memref<5x128xi32, #tpu.memory_space<hbm>>
        %dma_start3A_113 = arith.constant 0 : i32
        %dma_start3A_114 = arith.constant 0 : i32
        %dma_start3A_115 = tpu.memref_slice %arg4[%arg1, %dma_start3A_113, %dma_start3A_114] : memref<16x5x128xi32, #tpu.memory_space<hbm>> -> memref<1x5x128xi32, #tpu.memory_space<hbm>>
        %dma_start3A_116 = tpu.memref_squeeze %dma_start3A_115 : memref<1x5x128xi32, #tpu.memory_space<hbm>> -> memref<5x128xi32, #tpu.memory_space<hbm>>
        tpu.enqueue_dma source(%dma_start3A_116 : memref<5x128xi32, #tpu.memory_space<hbm>>) target(%arg13 : memref<5x128xi32, #tpu.memory_space<vmem>>) target_semaphore(%run_scoped3A : memref<!tpu.dma_semaphore, #tpu.memory_space<semaphore_mem>>)
        %dma_wait3A = arith.constant 0 : i32
        %dma_wait3A_117 = arith.constant 0 : i32
        %dma_wait3A_118 = tpu.memref_slice %arg4[%arg1, %dma_wait3A, %dma_wait3A_117] : memref<16x5x128xi32, #tpu.memory_space<hbm>> -> memref<1x5x128xi32, #tpu.memory_space<hbm>>
        %dma_wait3A_119 = tpu.memref_squeeze %dma_wait3A_118 : memref<1x5x128xi32, #tpu.memory_space<hbm>> -> memref<5x128xi32, #tpu.memory_space<hbm>>
        %dma_wait3A_120 = arith.constant 0 : i32
        %dma_wait3A_121 = arith.constant 0 : i32
        %dma_wait3A_122 = tpu.memref_slice %arg4[%arg1, %dma_wait3A_120, %dma_wait3A_121] : memref<16x5x128xi32, #tpu.memory_space<hbm>> -> memref<1x5x128xi32, #tpu.memory_space<hbm>>
        %dma_wait3A_123 = tpu.memref_squeeze %dma_wait3A_122 : memref<1x5x128xi32, #tpu.memory_space<hbm>> -> memref<5x128xi32, #tpu.memory_space<hbm>>
        tpu.wait_dma2 semaphore(%run_scoped3A : memref<!tpu.dma_semaphore, #tpu.memory_space<semaphore_mem>>) src(%dma_wait3A_123 : memref<5x128xi32, #tpu.memory_space<hbm>>) dst(%arg13 : memref<5x128xi32, #tpu.memory_space<vmem>>)
        tpu.yield
      }) : () -> ()
      "tpu.region"() ({
        %run_scoped3A = tpu.sem_alloc : memref<!tpu.dma_semaphore, #tpu.memory_space<semaphore_mem>>
        %dma_start3A = arith.constant 0 : i32
        %dma_start3A_110 = arith.constant 0 : i32
        %dma_start3A_111 = tpu.memref_slice %arg5[%arg1, %dma_start3A, %dma_start3A_110] : memref<16x5x128xi32, #tpu.memory_space<hbm>> -> memref<1x5x128xi32, #tpu.memory_space<hbm>>
        %dma_start3A_112 = tpu.memref_squeeze %dma_start3A_111 : memref<1x5x128xi32, #tpu.memory_space<hbm>> -> memref<5x128xi32, #tpu.memory_space<hbm>>
        %dma_start3A_113 = arith.constant 0 : i32
        %dma_start3A_114 = arith.constant 0 : i32
        %dma_start3A_115 = tpu.memref_slice %arg5[%arg1, %dma_start3A_113, %dma_start3A_114] : memref<16x5x128xi32, #tpu.memory_space<hbm>> -> memref<1x5x128xi32, #tpu.memory_space<hbm>>
        %dma_start3A_116 = tpu.memref_squeeze %dma_start3A_115 : memref<1x5x128xi32, #tpu.memory_space<hbm>> -> memref<5x128xi32, #tpu.memory_space<hbm>>
        tpu.enqueue_dma source(%dma_start3A_116 : memref<5x128xi32, #tpu.memory_space<hbm>>) target(%arg14 : memref<5x128xi32, #tpu.memory_space<vmem>>) target_semaphore(%run_scoped3A : memref<!tpu.dma_semaphore, #tpu.memory_space<semaphore_mem>>)
        %dma_wait3A = arith.constant 0 : i32
        %dma_wait3A_117 = arith.constant 0 : i32
        %dma_wait3A_118 = tpu.memref_slice %arg5[%arg1, %dma_wait3A, %dma_wait3A_117] : memref<16x5x128xi32, #tpu.memory_space<hbm>> -> memref<1x5x128xi32, #tpu.memory_space<hbm>>
        %dma_wait3A_119 = tpu.memref_squeeze %dma_wait3A_118 : memref<1x5x128xi32, #tpu.memory_space<hbm>> -> memref<5x128xi32, #tpu.memory_space<hbm>>
        %dma_wait3A_120 = arith.constant 0 : i32
        %dma_wait3A_121 = arith.constant 0 : i32
        %dma_wait3A_122 = tpu.memref_slice %arg5[%arg1, %dma_wait3A_120, %dma_wait3A_121] : memref<16x5x128xi32, #tpu.memory_space<hbm>> -> memref<1x5x128xi32, #tpu.memory_space<hbm>>
        %dma_wait3A_123 = tpu.memref_squeeze %dma_wait3A_122 : memref<1x5x128xi32, #tpu.memory_space<hbm>> -> memref<5x128xi32, #tpu.memory_space<hbm>>
        tpu.wait_dma2 semaphore(%run_scoped3A : memref<!tpu.dma_semaphore, #tpu.memory_space<semaphore_mem>>) src(%dma_wait3A_123 : memref<5x128xi32, #tpu.memory_space<hbm>>) dst(%arg14 : memref<5x128xi32, #tpu.memory_space<vmem>>)
        tpu.yield
      }) : () -> ()
      %scan3A_105 = arith.constant 0 : i32
      %scan3A_106 = arith.constant 40 : i32
      %scan3A_107 = arith.addi %scan3A_105, %scan3A_106 : i32
      %scan3A_108 = arith.constant 1 : i32
      scf.for %scan3A_110 = %scan3A_105 to %scan3A_107 step %scan3A_108  : i32 {
        %jit3A = arith.constant 8 : i32
        %div3A = arith.divsi %scan3A_110, %jit3A : i32
        %sign3A = arith.constant 0 : i32
        %sign3A_111 = arith.cmpi sgt, %scan3A_110, %sign3A : i32
        %sign3A_112 = arith.extui %sign3A_111 : i1 to i32
        %sign3A_113 = arith.constant 0 : i32
        %sign3A_114 = arith.cmpi slt, %scan3A_110, %sign3A_113 : i32
        %sign3A_115 = arith.extui %sign3A_114 : i1 to i32
        %sign3A_116 = arith.subi %sign3A_112, %sign3A_115 : i32
        %sign3A_117 = arith.constant 0 : i32
        %sign3A_118 = arith.cmpi sgt, %jit3A, %sign3A_117 : i32
        %sign3A_119 = arith.extui %sign3A_118 : i1 to i32
        %sign3A_120 = arith.constant 0 : i32
        %sign3A_121 = arith.cmpi slt, %jit3A, %sign3A_120 : i32
        %sign3A_122 = arith.extui %sign3A_121 : i1 to i32
        %sign3A_123 = arith.subi %sign3A_119, %sign3A_122 : i32
        %ne3A = arith.cmpi ne, %sign3A_116, %sign3A_123 : i32
        %rem3A = arith.remsi %scan3A_110, %jit3A : i32
        %ne3A_124 = arith.constant 0 : i32
        %ne3A_125 = arith.cmpi ne, %rem3A, %ne3A_124 : i32
        %and3A_126 = arith.andi %ne3A, %ne3A_125 : i1
        %sub3A = arith.constant 1 : i32
        %sub3A_127 = arith.subi %div3A, %sub3A : i32
        %select_n3A = arith.select %and3A_126, %sub3A_127, %div3A : i32
        %jit3A_128 = arith.constant 8 : i32
        %eq3A_129 = arith.constant 0 : i32
        %eq3A_130 = arith.cmpi eq, %jit3A_128, %eq3A_129 : i32
        %jit3A_131 = arith.constant 1 : i32
        %select_n3A_132 = arith.select %eq3A_130, %jit3A_131, %jit3A_128 : i32
        %rem3A_133 = arith.remsi %scan3A_110, %select_n3A_132 : i32
        %ne3A_134 = arith.constant 0 : i32
        %ne3A_135 = arith.cmpi ne, %rem3A_133, %ne3A_134 : i32
        %lt3A_136 = arith.constant 0 : i32
        %lt3A_137 = arith.cmpi slt, %rem3A_133, %lt3A_136 : i32
        %lt3A_138 = arith.constant 0 : i32
        %lt3A_139 = arith.cmpi slt, %select_n3A_132, %lt3A_138 : i32
        %ne3A_140 = arith.xori %lt3A_137, %lt3A_139 : i1
        %and3A_141 = arith.andi %ne3A_140, %ne3A_135 : i1
        %add3A_142 = arith.addi %rem3A_133, %select_n3A_132 : i32
        %select_n3A_143 = arith.select %and3A_141, %add3A_142, %rem3A_133 : i32
        %mul3A_144 = arith.constant 16 : i32
        %mul3A_145 = arith.muli %select_n3A_143, %mul3A_144 : i32
        %get3A = arith.index_cast %select_n3A : i32 to index
        %get3A_146 = arith.index_cast %mul3A_145 : i32 to index
        %get3A_147 = tpu.vector_load %arg13[%get3A, %get3A_146] {strides = array<i32>} : memref<5x128xi32, #tpu.memory_space<vmem>>, vector<1x16xi32>,
        %get3A_148 = vector.shape_cast %get3A_147 : vector<1x16xi32> to vector<16xi32>
        %get3A_149 = arith.index_cast %select_n3A : i32 to index
        %get3A_150 = arith.index_cast %mul3A_145 : i32 to index
        %get3A_151 = tpu.vector_load %arg14[%get3A_149, %get3A_150] {strides = array<i32>} : memref<5x128xi32, #tpu.memory_space<vmem>>, vector<1x16xi32>,
        %get3A_152 = vector.shape_cast %get3A_151 : vector<1x16xi32> to vector<16xi32>
        %mul3A_153 = arith.constant 256 : i32
        %mul3A_154 = vector.broadcast %mul3A_153 : i32 to vector<16xi32>
        %mul3A_155 = arith.muli %get3A_148, %mul3A_154 : vector<16xi32>
        %add3A_156 = arith.addi %mul3A_155, %get3A_152 : vector<16xi32>
        %min3A = arith.constant 16383 : i32
        %min3A_157 = vector.broadcast %min3A : i32 to vector<16xi32>
        %min3A_158 = arith.minsi %add3A_156, %min3A_157 : vector<16xi32>
        %swap3A = arith.index_cast %select_n3A : i32 to index
        %swap3A_159 = arith.index_cast %mul3A_145 : i32 to index
        %swap3A_160 = tpu.vector_load %arg15[%swap3A, %swap3A_159] {strides = array<i32>} : memref<5x128xi32, #tpu.memory_space<vmem>>, vector<1x16xi32>,
        %swap3A_161 = vector.shape_cast %swap3A_160 : vector<1x16xi32> to vector<16xi32>
        %swap3A_162 = vector.shape_cast %min3A_158 : vector<16xi32> to vector<1x16xi32>
        tpu.vector_store %arg15[%swap3A, %swap3A_159], %swap3A_162 {strides = array<i32>} : memref<5x128xi32, #tpu.memory_space<vmem>>, vector<1x16xi32>,
      }
      %scan3A_109 = arith.constant 40 : i32
    } else {
    }
    %barrier3A = arith.constant 0 : index
    tpu.barrier barrier_id(%barrier3A)
    %eq3A_10 = arith.constant 0 : i32
    %eq3A_11 = arith.cmpi eq, %arg0, %eq3A_10 : i32
    %convert_element_type3A_12 = arith.extui %eq3A_11 : i1 to i32
    %cond3A_13 = arith.constant 0 : i32
    %cond3A_14 = arith.cmpi ne, %convert_element_type3A_12, %cond3A_13 : i32
    scf.if %cond3A_14 {
      %run_scoped3A = arith.constant 0 : i32
      "tpu.region"() ({
        %run_scoped3A_110 = tpu.sem_alloc : memref<!tpu.dma_semaphore, #tpu.memory_space<semaphore_mem>>
        %dma_start3A = arith.constant 0 : i32
        %dma_start3A_111 = tpu.memref_slice %arg18[%run_scoped3A, %dma_start3A] : memref<6x125xi32, #tpu.memory_space<vmem>> -> memref<1x125xi32, #tpu.memory_space<vmem>>
        %dma_start3A_112 = tpu.memref_squeeze %dma_start3A_111 : memref<1x125xi32, #tpu.memory_space<vmem>> -> memref<125xi32, #tpu.memory_space<vmem>>
        %dma_start3A_113 = arith.constant 0 : i32
        %dma_start3A_114 = arith.constant 0 : i32
        %dma_start3A_115 = tpu.memref_slice %arg20[%dma_start3A_113, %dma_start3A_114] : memref<128x128xf32, #tpu.memory_space<vmem_shared>> -> memref<128x128xf32, #tpu.memory_space<vmem_shared>>
        tpu.enqueue_indirect_dma source(%arg17 : memref<125x128xf32, #tpu.memory_space<vmem>>) target(%dma_start3A_115 : memref<128x128xf32, #tpu.memory_space<vmem_shared>>) offsets(%dma_start3A_112 : memref<125xi32, #tpu.memory_space<vmem>>) semaphore(%run_scoped3A_110 : memref<!tpu.dma_semaphore, #tpu.memory_space<semaphore_mem>>) {add = true}
        %dma_wait3A = arith.constant 0 : i32
        %dma_wait3A_116 = tpu.memref_slice %arg18[%run_scoped3A, %dma_wait3A] : memref<6x125xi32, #tpu.memory_space<vmem>> -> memref<1x125xi32, #tpu.memory_space<vmem>>
        %dma_wait3A_117 = tpu.memref_squeeze %dma_wait3A_116 : memref<1x125xi32, #tpu.memory_space<vmem>> -> memref<125xi32, #tpu.memory_space<vmem>>
        %dma_wait3A_118 = arith.constant 0 : i32
        %dma_wait3A_119 = arith.constant 0 : i32
        %dma_wait3A_120 = tpu.memref_slice %arg20[%dma_wait3A_118, %dma_wait3A_119] : memref<128x128xf32, #tpu.memory_space<vmem_shared>> -> memref<128x128xf32, #tpu.memory_space<vmem_shared>>
        tpu.wait_indirect_dma semaphore(%run_scoped3A_110 : memref<!tpu.dma_semaphore, #tpu.memory_space<semaphore_mem>>) src(%arg17 : memref<125x128xf32, #tpu.memory_space<vmem>>) dst(%dma_wait3A_120 : memref<128x128xf32, #tpu.memory_space<vmem_shared>>)
        tpu.yield
      }) : () -> ()
      %run_scoped3A_105 = arith.constant 1 : i32
      "tpu.region"() ({
        %run_scoped3A_110 = tpu.sem_alloc : memref<!tpu.dma_semaphore, #tpu.memory_space<semaphore_mem>>
        %dma_start3A = arith.constant 0 : i32
        %dma_start3A_111 = tpu.memref_slice %arg18[%run_scoped3A_105, %dma_start3A] : memref<6x125xi32, #tpu.memory_space<vmem>> -> memref<1x125xi32, #tpu.memory_space<vmem>>
        %dma_start3A_112 = tpu.memref_squeeze %dma_start3A_111 : memref<1x125xi32, #tpu.memory_space<vmem>> -> memref<125xi32, #tpu.memory_space<vmem>>
        %dma_start3A_113 = arith.constant 0 : i32
        %dma_start3A_114 = arith.constant 0 : i32
        %dma_start3A_115 = tpu.memref_slice %arg20[%dma_start3A_113, %dma_start3A_114] : memref<128x128xf32, #tpu.memory_space<vmem_shared>> -> memref<128x128xf32, #tpu.memory_space<vmem_shared>>
        tpu.enqueue_indirect_dma source(%arg17 : memref<125x128xf32, #tpu.memory_space<vmem>>) target(%dma_start3A_115 : memref<128x128xf32, #tpu.memory_space<vmem_shared>>) offsets(%dma_start3A_112 : memref<125xi32, #tpu.memory_space<vmem>>) semaphore(%run_scoped3A_110 : memref<!tpu.dma_semaphore, #tpu.memory_space<semaphore_mem>>) {add = true}
        %dma_wait3A = arith.constant 0 : i32
        %dma_wait3A_116 = tpu.memref_slice %arg18[%run_scoped3A_105, %dma_wait3A] : memref<6x125xi32, #tpu.memory_space<vmem>> -> memref<1x125xi32, #tpu.memory_space<vmem>>
        %dma_wait3A_117 = tpu.memref_squeeze %dma_wait3A_116 : memref<1x125xi32, #tpu.memory_space<vmem>> -> memref<125xi32, #tpu.memory_space<vmem>>
        %dma_wait3A_118 = arith.constant 0 : i32
        %dma_wait3A_119 = arith.constant 0 : i32
        %dma_wait3A_120 = tpu.memref_slice %arg20[%dma_wait3A_118, %dma_wait3A_119] : memref<128x128xf32, #tpu.memory_space<vmem_shared>> -> memref<128x128xf32, #tpu.memory_space<vmem_shared>>
        tpu.wait_indirect_dma semaphore(%run_scoped3A_110 : memref<!tpu.dma_semaphore, #tpu.memory_space<semaphore_mem>>) src(%arg17 : memref<125x128xf32, #tpu.memory_space<vmem>>) dst(%dma_wait3A_120 : memref<128x128xf32, #tpu.memory_space<vmem_shared>>)
        tpu.yield
      }) : () -> ()
      %run_scoped3A_106 = arith.constant 2 : i32
      "tpu.region"() ({
        %run_scoped3A_110 = tpu.sem_alloc : memref<!tpu.dma_semaphore, #tpu.memory_space<semaphore_mem>>
        %dma_start3A = arith.constant 0 : i32
        %dma_start3A_111 = tpu.memref_slice %arg18[%run_scoped3A_106, %dma_start3A] : memref<6x125xi32, #tpu.memory_space<vmem>> -> memref<1x125xi32, #tpu.memory_space<vmem>>
        %dma_start3A_112 = tpu.memref_squeeze %dma_start3A_111 : memref<1x125xi32, #tpu.memory_space<vmem>> -> memref<125xi32, #tpu.memory_space<vmem>>
        %dma_start3A_113 = arith.constant 0 : i32
        %dma_start3A_114 = arith.constant 0 : i32
        %dma_start3A_115 = tpu.memref_slice %arg20[%dma_start3A_113, %dma_start3A_114] : memref<128x128xf32, #tpu.memory_space<vmem_shared>> -> memref<128x128xf32, #tpu.memory_space<vmem_shared>>
        tpu.enqueue_indirect_dma source(%arg17 : memref<125x128xf32, #tpu.memory_space<vmem>>) target(%dma_start3A_115 : memref<128x128xf32, #tpu.memory_space<vmem_shared>>) offsets(%dma_start3A_112 : memref<125xi32, #tpu.memory_space<vmem>>) semaphore(%run_scoped3A_110 : memref<!tpu.dma_semaphore, #tpu.memory_space<semaphore_mem>>) {add = true}
        %dma_wait3A = arith.constant 0 : i32
        %dma_wait3A_116 = tpu.memref_slice %arg18[%run_scoped3A_106, %dma_wait3A] : memref<6x125xi32, #tpu.memory_space<vmem>> -> memref<1x125xi32, #tpu.memory_space<vmem>>
        %dma_wait3A_117 = tpu.memref_squeeze %dma_wait3A_116 : memref<1x125xi32, #tpu.memory_space<vmem>> -> memref<125xi32, #tpu.memory_space<vmem>>
        %dma_wait3A_118 = arith.constant 0 : i32
        %dma_wait3A_119 = arith.constant 0 : i32
        %dma_wait3A_120 = tpu.memref_slice %arg20[%dma_wait3A_118, %dma_wait3A_119] : memref<128x128xf32, #tpu.memory_space<vmem_shared>> -> memref<128x128xf32, #tpu.memory_space<vmem_shared>>
        tpu.wait_indirect_dma semaphore(%run_scoped3A_110 : memref<!tpu.dma_semaphore, #tpu.memory_space<semaphore_mem>>) src(%arg17 : memref<125x128xf32, #tpu.memory_space<vmem>>) dst(%dma_wait3A_120 : memref<128x128xf32, #tpu.memory_space<vmem_shared>>)
        tpu.yield
      }) : () -> ()
      %run_scoped3A_107 = arith.constant 3 : i32
      "tpu.region"() ({
        %run_scoped3A_110 = tpu.sem_alloc : memref<!tpu.dma_semaphore, #tpu.memory_space<semaphore_mem>>
        %dma_start3A = arith.constant 0 : i32
        %dma_start3A_111 = tpu.memref_slice %arg18[%run_scoped3A_107, %dma_start3A] : memref<6x125xi32, #tpu.memory_space<vmem>> -> memref<1x125xi32, #tpu.memory_space<vmem>>
        %dma_start3A_112 = tpu.memref_squeeze %dma_start3A_111 : memref<1x125xi32, #tpu.memory_space<vmem>> -> memref<125xi32, #tpu.memory_space<vmem>>
        %dma_start3A_113 = arith.constant 0 : i32
        %dma_start3A_114 = arith.constant 0 : i32
        %dma_start3A_115 = tpu.memref_slice %arg20[%dma_start3A_113, %dma_start3A_114] : memref<128x128xf32, #tpu.memory_space<vmem_shared>> -> memref<128x128xf32, #tpu.memory_space<vmem_shared>>
        tpu.enqueue_indirect_dma source(%arg17 : memref<125x128xf32, #tpu.memory_space<vmem>>) target(%dma_start3A_115 : memref<128x128xf32, #tpu.memory_space<vmem_shared>>) offsets(%dma_start3A_112 : memref<125xi32, #tpu.memory_space<vmem>>) semaphore(%run_scoped3A_110 : memref<!tpu.dma_semaphore, #tpu.memory_space<semaphore_mem>>) {add = true}
        %dma_wait3A = arith.constant 0 : i32
        %dma_wait3A_116 = tpu.memref_slice %arg18[%run_scoped3A_107, %dma_wait3A] : memref<6x125xi32, #tpu.memory_space<vmem>> -> memref<1x125xi32, #tpu.memory_space<vmem>>
        %dma_wait3A_117 = tpu.memref_squeeze %dma_wait3A_116 : memref<1x125xi32, #tpu.memory_space<vmem>> -> memref<125xi32, #tpu.memory_space<vmem>>
        %dma_wait3A_118 = arith.constant 0 : i32
        %dma_wait3A_119 = arith.constant 0 : i32
        %dma_wait3A_120 = tpu.memref_slice %arg20[%dma_wait3A_118, %dma_wait3A_119] : memref<128x128xf32, #tpu.memory_space<vmem_shared>> -> memref<128x128xf32, #tpu.memory_space<vmem_shared>>
        tpu.wait_indirect_dma semaphore(%run_scoped3A_110 : memref<!tpu.dma_semaphore, #tpu.memory_space<semaphore_mem>>) src(%arg17 : memref<125x128xf32, #tpu.memory_space<vmem>>) dst(%dma_wait3A_120 : memref<128x128xf32, #tpu.memory_space<vmem_shared>>)
        tpu.yield
      }) : () -> ()
      %run_scoped3A_108 = arith.constant 4 : i32
      "tpu.region"() ({
        %run_scoped3A_110 = tpu.sem_alloc : memref<!tpu.dma_semaphore, #tpu.memory_space<semaphore_mem>>
        %dma_start3A = arith.constant 0 : i32
        %dma_start3A_111 = tpu.memref_slice %arg18[%run_scoped3A_108, %dma_start3A] : memref<6x125xi32, #tpu.memory_space<vmem>> -> memref<1x125xi32, #tpu.memory_space<vmem>>
        %dma_start3A_112 = tpu.memref_squeeze %dma_start3A_111 : memref<1x125xi32, #tpu.memory_space<vmem>> -> memref<125xi32, #tpu.memory_space<vmem>>
        %dma_start3A_113 = arith.constant 0 : i32
        %dma_start3A_114 = arith.constant 0 : i32
        %dma_start3A_115 = tpu.memref_slice %arg20[%dma_start3A_113, %dma_start3A_114] : memref<128x128xf32, #tpu.memory_space<vmem_shared>> -> memref<128x128xf32, #tpu.memory_space<vmem_shared>>
        tpu.enqueue_indirect_dma source(%arg17 : memref<125x128xf32, #tpu.memory_space<vmem>>) target(%dma_start3A_115 : memref<128x128xf32, #tpu.memory_space<vmem_shared>>) offsets(%dma_start3A_112 : memref<125xi32, #tpu.memory_space<vmem>>) semaphore(%run_scoped3A_110 : memref<!tpu.dma_semaphore, #tpu.memory_space<semaphore_mem>>) {add = true}
        %dma_wait3A = arith.constant 0 : i32
        %dma_wait3A_116 = tpu.memref_slice %arg18[%run_scoped3A_108, %dma_wait3A] : memref<6x125xi32, #tpu.memory_space<vmem>> -> memref<1x125xi32, #tpu.memory_space<vmem>>
        %dma_wait3A_117 = tpu.memref_squeeze %dma_wait3A_116 : memref<1x125xi32, #tpu.memory_space<vmem>> -> memref<125xi32, #tpu.memory_space<vmem>>
        %dma_wait3A_118 = arith.constant 0 : i32
        %dma_wait3A_119 = arith.constant 0 : i32
        %dma_wait3A_120 = tpu.memref_slice %arg20[%dma_wait3A_118, %dma_wait3A_119] : memref<128x128xf32, #tpu.memory_space<vmem_shared>> -> memref<128x128xf32, #tpu.memory_space<vmem_shared>>
        tpu.wait_indirect_dma semaphore(%run_scoped3A_110 : memref<!tpu.dma_semaphore, #tpu.memory_space<semaphore_mem>>) src(%arg17 : memref<125x128xf32, #tpu.memory_space<vmem>>) dst(%dma_wait3A_120 : memref<128x128xf32, #tpu.memory_space<vmem_shared>>)
        tpu.yield
      }) : () -> ()
      %run_scoped3A_109 = arith.constant 5 : i32
      "tpu.region"() ({
        %run_scoped3A_110 = tpu.sem_alloc : memref<!tpu.dma_semaphore, #tpu.memory_space<semaphore_mem>>
        %dma_start3A = arith.constant 0 : i32
        %dma_start3A_111 = tpu.memref_slice %arg18[%run_scoped3A_109, %dma_start3A] : memref<6x125xi32, #tpu.memory_space<vmem>> -> memref<1x125xi32, #tpu.memory_space<vmem>>
        %dma_start3A_112 = tpu.memref_squeeze %dma_start3A_111 : memref<1x125xi32, #tpu.memory_space<vmem>> -> memref<125xi32, #tpu.memory_space<vmem>>
        %dma_start3A_113 = arith.constant 0 : i32
        %dma_start3A_114 = arith.constant 0 : i32
        %dma_start3A_115 = tpu.memref_slice %arg20[%dma_start3A_113, %dma_start3A_114] : memref<128x128xf32, #tpu.memory_space<vmem_shared>> -> memref<128x128xf32, #tpu.memory_space<vmem_shared>>
        tpu.enqueue_indirect_dma source(%arg17 : memref<125x128xf32, #tpu.memory_space<vmem>>) target(%dma_start3A_115 : memref<128x128xf32, #tpu.memory_space<vmem_shared>>) offsets(%dma_start3A_112 : memref<125xi32, #tpu.memory_space<vmem>>) semaphore(%run_scoped3A_110 : memref<!tpu.dma_semaphore, #tpu.memory_space<semaphore_mem>>) {add = true}
        %dma_wait3A = arith.constant 0 : i32
        %dma_wait3A_116 = tpu.memref_slice %arg18[%run_scoped3A_109, %dma_wait3A] : memref<6x125xi32, #tpu.memory_space<vmem>> -> memref<1x125xi32, #tpu.memory_space<vmem>>
        %dma_wait3A_117 = tpu.memref_squeeze %dma_wait3A_116 : memref<1x125xi32, #tpu.memory_space<vmem>> -> memref<125xi32, #tpu.memory_space<vmem>>
        %dma_wait3A_118 = arith.constant 0 : i32
        %dma_wait3A_119 = arith.constant 0 : i32
        %dma_wait3A_120 = tpu.memref_slice %arg20[%dma_wait3A_118, %dma_wait3A_119] : memref<128x128xf32, #tpu.memory_space<vmem_shared>> -> memref<128x128xf32, #tpu.memory_space<vmem_shared>>
        tpu.wait_indirect_dma semaphore(%run_scoped3A_110 : memref<!tpu.dma_semaphore, #tpu.memory_space<semaphore_mem>>) src(%arg17 : memref<125x128xf32, #tpu.memory_space<vmem>>) dst(%dma_wait3A_120 : memref<128x128xf32, #tpu.memory_space<vmem_shared>>)
        tpu.yield
      }) : () -> ()
    } else {
    }
    %eq3A_15 = arith.constant 1 : i32
    %eq3A_16 = arith.cmpi eq, %arg0, %eq3A_15 : i32
    %convert_element_type3A_17 = arith.extui %eq3A_16 : i1 to i32
    %cond3A_18 = arith.constant 0 : i32
    %cond3A_19 = arith.cmpi ne, %convert_element_type3A_17, %cond3A_18 : i32
    scf.if %cond3A_19 {
      %dma_start3A = arith.constant 0 : i32
      %dma_start3A_105 = arith.constant 0 : i32
      %dma_start3A_106 = tpu.memref_slice %arg15[%dma_start3A, %dma_start3A_105] : memref<5x128xi32, #tpu.memory_space<vmem>> -> memref<1x128xi32, #tpu.memory_space<vmem>>
      %dma_start3A_107 = tpu.memref_squeeze %dma_start3A_106 : memref<1x128xi32, #tpu.memory_space<vmem>> -> memref<128xi32, #tpu.memory_space<vmem>>
      %dma_start3A_108 = arith.constant 0 : i32
      %dma_start3A_109 = arith.constant 0 : i32
      %dma_start3A_110 = tpu.memref_slice %arg2[%dma_start3A_108, %dma_start3A_109] : memref<16384x128xf32, #tpu.memory_space<hbm>> -> memref<16384x128xf32, #tpu.memory_space<hbm>>
      tpu.enqueue_indirect_dma source(%dma_start3A_110 : memref<16384x128xf32, #tpu.memory_space<hbm>>) target(%arg16 : memref<128x128xf32, #tpu.memory_space<vmem>>) offsets(%dma_start3A_107 : memref<128xi32, #tpu.memory_space<vmem>>) semaphore(%arg22 : memref<!tpu.dma_semaphore, #tpu.memory_space<semaphore_mem>>)
    } else {
    }
    "tpu.region"() ({
      %run_scoped3A = tpu.sem_alloc : memref<!tpu.dma_semaphore, #tpu.memory_space<semaphore_mem>>
      %dma_start3A = arith.constant 0 : i32
      %dma_start3A_105 = arith.constant 0 : i32
      %dma_start3A_106 = tpu.memref_slice %arg3[%add3A, %dma_start3A, %dma_start3A_105] : memref<32x80x125xi32, #tpu.memory_space<hbm>> -> memref<1x80x125xi32, #tpu.memory_space<hbm>>
      %dma_start3A_107 = tpu.memref_squeeze %dma_start3A_106 : memref<1x80x125xi32, #tpu.memory_space<hbm>> -> memref<80x125xi32, #tpu.memory_space<hbm>>
      %dma_start3A_108 = arith.constant 0 : i32
      %dma_start3A_109 = arith.constant 0 : i32
      %dma_start3A_110 = tpu.memref_slice %dma_start3A_107[%dma_start3A_108, %dma_start3A_109] : memref<80x125xi32, #tpu.memory_space<hbm>> -> memref<16x125xi32, #tpu.memory_space<hbm>>
      %dma_start3A_111 = arith.constant 0 : i32
      %dma_start3A_112 = arith.constant 0 : i32
      %dma_start3A_113 = tpu.memref_slice %arg3[%add3A, %dma_start3A_111, %dma_start3A_112] : memref<32x80x125xi32, #tpu.memory_space<hbm>> -> memref<1x80x125xi32, #tpu.memory_space<hbm>>
      %dma_start3A_114 = tpu.memref_squeeze %dma_start3A_113 : memref<1x80x125xi32, #tpu.memory_space<hbm>> -> memref<80x125xi32, #tpu.memory_space<hbm>>
      %dma_start3A_115 = arith.constant 0 : i32
      %dma_start3A_116 = arith.constant 0 : i32
      %dma_start3A_117 = tpu.memref_slice %dma_start3A_114[%dma_start3A_115, %dma_start3A_116] : memref<80x125xi32, #tpu.memory_space<hbm>> -> memref<16x125xi32, #tpu.memory_space<hbm>>
      tpu.enqueue_dma source(%dma_start3A_117 : memref<16x125xi32, #tpu.memory_space<hbm>>) target(%arg12 : memref<16x125xi32, #tpu.memory_space<vmem>>) target_semaphore(%run_scoped3A : memref<!tpu.dma_semaphore, #tpu.memory_space<semaphore_mem>>)
      %dma_wait3A = arith.constant 0 : i32
      %dma_wait3A_118 = arith.constant 0 : i32
      %dma_wait3A_119 = tpu.memref_slice %arg3[%add3A, %dma_wait3A, %dma_wait3A_118] : memref<32x80x125xi32, #tpu.memory_space<hbm>> -> memref<1x80x125xi32, #tpu.memory_space<hbm>>
      %dma_wait3A_120 = tpu.memref_squeeze %dma_wait3A_119 : memref<1x80x125xi32, #tpu.memory_space<hbm>> -> memref<80x125xi32, #tpu.memory_space<hbm>>
      %dma_wait3A_121 = arith.constant 0 : i32
      %dma_wait3A_122 = arith.constant 0 : i32
      %dma_wait3A_123 = tpu.memref_slice %dma_wait3A_120[%dma_wait3A_121, %dma_wait3A_122] : memref<80x125xi32, #tpu.memory_space<hbm>> -> memref<16x125xi32, #tpu.memory_space<hbm>>
      %dma_wait3A_124 = arith.constant 0 : i32
      %dma_wait3A_125 = arith.constant 0 : i32
      %dma_wait3A_126 = tpu.memref_slice %arg3[%add3A, %dma_wait3A_124, %dma_wait3A_125] : memref<32x80x125xi32, #tpu.memory_space<hbm>> -> memref<1x80x125xi32, #tpu.memory_space<hbm>>
      %dma_wait3A_127 = tpu.memref_squeeze %dma_wait3A_126 : memref<1x80x125xi32, #tpu.memory_space<hbm>> -> memref<80x125xi32, #tpu.memory_space<hbm>>
      %dma_wait3A_128 = arith.constant 0 : i32
      %dma_wait3A_129 = arith.constant 0 : i32
      %dma_wait3A_130 = tpu.memref_slice %dma_wait3A_127[%dma_wait3A_128, %dma_wait3A_129] : memref<80x125xi32, #tpu.memory_space<hbm>> -> memref<16x125xi32, #tpu.memory_space<hbm>>
      tpu.wait_dma2 semaphore(%run_scoped3A : memref<!tpu.dma_semaphore, #tpu.memory_space<semaphore_mem>>) src(%dma_wait3A_130 : memref<16x125xi32, #tpu.memory_space<hbm>>) dst(%arg12 : memref<16x125xi32, #tpu.memory_space<vmem>>)
      tpu.yield
    }) : () -> ()
    %scan3A = arith.constant 0 : i32
    %scan3A_20 = arith.constant 4 : i32
    %scan3A_21 = arith.addi %scan3A, %scan3A_20 : i32
    %scan3A_22 = arith.constant 1 : i32
    scf.for %scan3A_105 = %scan3A to %scan3A_21 step %scan3A_22  : i32 {
      %mul3A_106 = arith.constant 4 : i32
      %mul3A_107 = arith.muli %scan3A_105, %mul3A_106 : i32
      %add3A_108 = arith.constant 0 : i32
      %add3A_109 = arith.addi %mul3A_107, %add3A_108 : i32
      %dma_start3A = arith.constant 0 : i32
      %dma_start3A_110 = tpu.memref_slice %arg12[%add3A_109, %dma_start3A] : memref<16x125xi32, #tpu.memory_space<vmem>> -> memref<1x125xi32, #tpu.memory_space<vmem>>
      %dma_start3A_111 = tpu.memref_squeeze %dma_start3A_110 : memref<1x125xi32, #tpu.memory_space<vmem>> -> memref<125xi32, #tpu.memory_space<vmem>>
      %dma_start3A_112 = arith.constant 0 : i32
      %dma_start3A_113 = arith.constant 0 : i32
      %dma_start3A_114 = tpu.memref_slice %arg19[%dma_start3A_112, %dma_start3A_113] : memref<10240x128xf32, #tpu.memory_space<vmem_shared>> -> memref<10240x128xf32, #tpu.memory_space<vmem_shared>>
      tpu.enqueue_indirect_dma source(%arg17 : memref<125x128xf32, #tpu.memory_space<vmem>>) target(%dma_start3A_114 : memref<10240x128xf32, #tpu.memory_space<vmem_shared>>) offsets(%dma_start3A_111 : memref<125xi32, #tpu.memory_space<vmem>>) semaphore(%arg21 : memref<!tpu.dma_semaphore, #tpu.memory_space<semaphore_mem>>) {add = true}
      %mul3A_115 = arith.constant 4 : i32
      %mul3A_116 = arith.muli %scan3A_105, %mul3A_115 : i32
      %add3A_117 = arith.constant 1 : i32
      %add3A_118 = arith.addi %mul3A_116, %add3A_117 : i32
      %dma_start3A_119 = arith.constant 0 : i32
      %dma_start3A_120 = tpu.memref_slice %arg12[%add3A_118, %dma_start3A_119] : memref<16x125xi32, #tpu.memory_space<vmem>> -> memref<1x125xi32, #tpu.memory_space<vmem>>
      %dma_start3A_121 = tpu.memref_squeeze %dma_start3A_120 : memref<1x125xi32, #tpu.memory_space<vmem>> -> memref<125xi32, #tpu.memory_space<vmem>>
      %dma_start3A_122 = arith.constant 0 : i32
      %dma_start3A_123 = arith.constant 0 : i32
      %dma_start3A_124 = tpu.memref_slice %arg19[%dma_start3A_122, %dma_start3A_123] : memref<10240x128xf32, #tpu.memory_space<vmem_shared>> -> memref<10240x128xf32, #tpu.memory_space<vmem_shared>>
      tpu.enqueue_indirect_dma source(%arg17 : memref<125x128xf32, #tpu.memory_space<vmem>>) target(%dma_start3A_124 : memref<10240x128xf32, #tpu.memory_space<vmem_shared>>) offsets(%dma_start3A_121 : memref<125xi32, #tpu.memory_space<vmem>>) semaphore(%arg21 : memref<!tpu.dma_semaphore, #tpu.memory_space<semaphore_mem>>) {add = true}
      %mul3A_125 = arith.constant 4 : i32
      %mul3A_126 = arith.muli %scan3A_105, %mul3A_125 : i32
      %add3A_127 = arith.constant 2 : i32
      %add3A_128 = arith.addi %mul3A_126, %add3A_127 : i32
      %dma_start3A_129 = arith.constant 0 : i32
      %dma_start3A_130 = tpu.memref_slice %arg12[%add3A_128, %dma_start3A_129] : memref<16x125xi32, #tpu.memory_space<vmem>> -> memref<1x125xi32, #tpu.memory_space<vmem>>
      %dma_start3A_131 = tpu.memref_squeeze %dma_start3A_130 : memref<1x125xi32, #tpu.memory_space<vmem>> -> memref<125xi32, #tpu.memory_space<vmem>>
      %dma_start3A_132 = arith.constant 0 : i32
      %dma_start3A_133 = arith.constant 0 : i32
      %dma_start3A_134 = tpu.memref_slice %arg19[%dma_start3A_132, %dma_start3A_133] : memref<10240x128xf32, #tpu.memory_space<vmem_shared>> -> memref<10240x128xf32, #tpu.memory_space<vmem_shared>>
      tpu.enqueue_indirect_dma source(%arg17 : memref<125x128xf32, #tpu.memory_space<vmem>>) target(%dma_start3A_134 : memref<10240x128xf32, #tpu.memory_space<vmem_shared>>) offsets(%dma_start3A_131 : memref<125xi32, #tpu.memory_space<vmem>>) semaphore(%arg21 : memref<!tpu.dma_semaphore, #tpu.memory_space<semaphore_mem>>) {add = true}
      %mul3A_135 = arith.constant 4 : i32
      %mul3A_136 = arith.muli %scan3A_105, %mul3A_135 : i32
      %add3A_137 = arith.constant 3 : i32
      %add3A_138 = arith.addi %mul3A_136, %add3A_137 : i32
      %dma_start3A_139 = arith.constant 0 : i32
      %dma_start3A_140 = tpu.memref_slice %arg12[%add3A_138, %dma_start3A_139] : memref<16x125xi32, #tpu.memory_space<vmem>> -> memref<1x125xi32, #tpu.memory_space<vmem>>
      %dma_start3A_141 = tpu.memref_squeeze %dma_start3A_140 : memref<1x125xi32, #tpu.memory_space<vmem>> -> memref<125xi32, #tpu.memory_space<vmem>>
      %dma_start3A_142 = arith.constant 0 : i32
      %dma_start3A_143 = arith.constant 0 : i32
      %dma_start3A_144 = tpu.memref_slice %arg19[%dma_start3A_142, %dma_start3A_143] : memref<10240x128xf32, #tpu.memory_space<vmem_shared>> -> memref<10240x128xf32, #tpu.memory_space<vmem_shared>>
      tpu.enqueue_indirect_dma source(%arg17 : memref<125x128xf32, #tpu.memory_space<vmem>>) target(%dma_start3A_144 : memref<10240x128xf32, #tpu.memory_space<vmem_shared>>) offsets(%dma_start3A_141 : memref<125xi32, #tpu.memory_space<vmem>>) semaphore(%arg21 : memref<!tpu.dma_semaphore, #tpu.memory_space<semaphore_mem>>) {add = true}
      %mul3A_145 = arith.constant 4 : i32
      %mul3A_146 = arith.muli %scan3A_105, %mul3A_145 : i32
      %add3A_147 = arith.constant 0 : i32
      %add3A_148 = arith.addi %mul3A_146, %add3A_147 : i32
      %dma_wait3A = arith.constant 0 : i32
      %dma_wait3A_149 = tpu.memref_slice %arg12[%add3A_148, %dma_wait3A] : memref<16x125xi32, #tpu.memory_space<vmem>> -> memref<1x125xi32, #tpu.memory_space<vmem>>
      %dma_wait3A_150 = tpu.memref_squeeze %dma_wait3A_149 : memref<1x125xi32, #tpu.memory_space<vmem>> -> memref<125xi32, #tpu.memory_space<vmem>>
      %dma_wait3A_151 = arith.constant 0 : i32
      %dma_wait3A_152 = arith.constant 0 : i32
      %dma_wait3A_153 = tpu.memref_slice %arg19[%dma_wait3A_151, %dma_wait3A_152] : memref<10240x128xf32, #tpu.memory_space<vmem_shared>> -> memref<10240x128xf32, #tpu.memory_space<vmem_shared>>
      tpu.wait_indirect_dma semaphore(%arg21 : memref<!tpu.dma_semaphore, #tpu.memory_space<semaphore_mem>>) src(%arg17 : memref<125x128xf32, #tpu.memory_space<vmem>>) dst(%dma_wait3A_153 : memref<10240x128xf32, #tpu.memory_space<vmem_shared>>)
      %mul3A_154 = arith.constant 4 : i32
      %mul3A_155 = arith.muli %scan3A_105, %mul3A_154 : i32
      %add3A_156 = arith.constant 1 : i32
      %add3A_157 = arith.addi %mul3A_155, %add3A_156 : i32
      %dma_wait3A_158 = arith.constant 0 : i32
      %dma_wait3A_159 = tpu.memref_slice %arg12[%add3A_157, %dma_wait3A_158] : memref<16x125xi32, #tpu.memory_space<vmem>> -> memref<1x125xi32, #tpu.memory_space<vmem>>
      %dma_wait3A_160 = tpu.memref_squeeze %dma_wait3A_159 : memref<1x125xi32, #tpu.memory_space<vmem>> -> memref<125xi32, #tpu.memory_space<vmem>>
      %dma_wait3A_161 = arith.constant 0 : i32
      %dma_wait3A_162 = arith.constant 0 : i32
      %dma_wait3A_163 = tpu.memref_slice %arg19[%dma_wait3A_161, %dma_wait3A_162] : memref<10240x128xf32, #tpu.memory_space<vmem_shared>> -> memref<10240x128xf32, #tpu.memory_space<vmem_shared>>
      tpu.wait_indirect_dma semaphore(%arg21 : memref<!tpu.dma_semaphore, #tpu.memory_space<semaphore_mem>>) src(%arg17 : memref<125x128xf32, #tpu.memory_space<vmem>>) dst(%dma_wait3A_163 : memref<10240x128xf32, #tpu.memory_space<vmem_shared>>)
      %mul3A_164 = arith.constant 4 : i32
      %mul3A_165 = arith.muli %scan3A_105, %mul3A_164 : i32
      %add3A_166 = arith.constant 2 : i32
      %add3A_167 = arith.addi %mul3A_165, %add3A_166 : i32
      %dma_wait3A_168 = arith.constant 0 : i32
      %dma_wait3A_169 = tpu.memref_slice %arg12[%add3A_167, %dma_wait3A_168] : memref<16x125xi32, #tpu.memory_space<vmem>> -> memref<1x125xi32, #tpu.memory_space<vmem>>
      %dma_wait3A_170 = tpu.memref_squeeze %dma_wait3A_169 : memref<1x125xi32, #tpu.memory_space<vmem>> -> memref<125xi32, #tpu.memory_space<vmem>>
      %dma_wait3A_171 = arith.constant 0 : i32
      %dma_wait3A_172 = arith.constant 0 : i32
      %dma_wait3A_173 = tpu.memref_slice %arg19[%dma_wait3A_171, %dma_wait3A_172] : memref<10240x128xf32, #tpu.memory_space<vmem_shared>> -> memref<10240x128xf32, #tpu.memory_space<vmem_shared>>
      tpu.wait_indirect_dma semaphore(%arg21 : memref<!tpu.dma_semaphore, #tpu.memory_space<semaphore_mem>>) src(%arg17 : memref<125x128xf32, #tpu.memory_space<vmem>>) dst(%dma_wait3A_173 : memref<10240x128xf32, #tpu.memory_space<vmem_shared>>)
      %mul3A_174 = arith.constant 4 : i32
      %mul3A_175 = arith.muli %scan3A_105, %mul3A_174 : i32
      %add3A_176 = arith.constant 3 : i32
      %add3A_177 = arith.addi %mul3A_175, %add3A_176 : i32
      %dma_wait3A_178 = arith.constant 0 : i32
      %dma_wait3A_179 = tpu.memref_slice %arg12[%add3A_177, %dma_wait3A_178] : memref<16x125xi32, #tpu.memory_space<vmem>> -> memref<1x125xi32, #tpu.memory_space<vmem>>
      %dma_wait3A_180 = tpu.memref_squeeze %dma_wait3A_179 : memref<1x125xi32, #tpu.memory_space<vmem>> -> memref<125xi32, #tpu.memory_space<vmem>>
      %dma_wait3A_181 = arith.constant 0 : i32
      %dma_wait3A_182 = arith.constant 0 : i32
      %dma_wait3A_183 = tpu.memref_slice %arg19[%dma_wait3A_181, %dma_wait3A_182] : memref<10240x128xf32, #tpu.memory_space<vmem_shared>> -> memref<10240x128xf32, #tpu.memory_space<vmem_shared>>
      tpu.wait_indirect_dma semaphore(%arg21 : memref<!tpu.dma_semaphore, #tpu.memory_space<semaphore_mem>>) src(%arg17 : memref<125x128xf32, #tpu.memory_space<vmem>>) dst(%dma_wait3A_183 : memref<10240x128xf32, #tpu.memory_space<vmem_shared>>)
    }
    %scan3A_23 = arith.constant 4 : i32
    %eq3A_24 = arith.constant 1 : i32
    %eq3A_25 = arith.cmpi eq, %arg0, %eq3A_24 : i32
    %convert_element_type3A_26 = arith.extui %eq3A_25 : i1 to i32
    %cond3A_27 = arith.constant 0 : i32
    %cond3A_28 = arith.cmpi ne, %convert_element_type3A_26, %cond3A_27 : i32
    scf.if %cond3A_28 {
      %dma_wait3A = arith.constant 0 : i32
      %dma_wait3A_105 = arith.constant 0 : i32
      %dma_wait3A_106 = tpu.memref_slice %arg15[%dma_wait3A, %dma_wait3A_105] : memref<5x128xi32, #tpu.memory_space<vmem>> -> memref<1x128xi32, #tpu.memory_space<vmem>>
      %dma_wait3A_107 = tpu.memref_squeeze %dma_wait3A_106 : memref<1x128xi32, #tpu.memory_space<vmem>> -> memref<128xi32, #tpu.memory_space<vmem>>
      %dma_wait3A_108 = arith.constant 0 : i32
      %dma_wait3A_109 = arith.constant 0 : i32
      %dma_wait3A_110 = tpu.memref_slice %arg2[%dma_wait3A_108, %dma_wait3A_109] : memref<16384x128xf32, #tpu.memory_space<hbm>> -> memref<16384x128xf32, #tpu.memory_space<hbm>>
      tpu.wait_indirect_dma semaphore(%arg22 : memref<!tpu.dma_semaphore, #tpu.memory_space<semaphore_mem>>) src(%dma_wait3A_110 : memref<16384x128xf32, #tpu.memory_space<hbm>>) dst(%arg16 : memref<128x128xf32, #tpu.memory_space<vmem>>)
      %mul3A_111 = arith.constant 640 : i32
      %mul3A_112 = arith.muli %arg1, %mul3A_111 : i32
      %add3A_113 = arith.constant 0 : i32
      %add3A_114 = arith.addi %mul3A_112, %add3A_113 : i32
      %dma_start3A = arith.constant 0 : i32
      %dma_start3A_115 = tpu.memref_slice %arg9[%add3A_114, %dma_start3A] : memref<10240x128xf32, #tpu.memory_space<hbm>> -> memref<128x128xf32, #tpu.memory_space<hbm>>
      %dma_start3A_116 = arith.constant 0 : i32
      %dma_start3A_117 = tpu.memref_slice %arg9[%add3A_114, %dma_start3A_116] : memref<10240x128xf32, #tpu.memory_space<hbm>> -> memref<128x128xf32, #tpu.memory_space<hbm>>
      tpu.enqueue_dma source(%arg16 : memref<128x128xf32, #tpu.memory_space<vmem>>) target(%dma_start3A_117 : memref<128x128xf32, #tpu.memory_space<hbm>>) target_semaphore(%arg23 : memref<!tpu.dma_semaphore, #tpu.memory_space<semaphore_mem>>)
    } else {
    }
    %eq3A_29 = arith.constant 1 : i32
    %eq3A_30 = arith.cmpi eq, %arg0, %eq3A_29 : i32
    %convert_element_type3A_31 = arith.extui %eq3A_30 : i1 to i32
    %cond3A_32 = arith.constant 0 : i32
    %cond3A_33 = arith.cmpi ne, %convert_element_type3A_31, %cond3A_32 : i32
    scf.if %cond3A_33 {
      %mul3A_105 = arith.constant 640 : i32
      %mul3A_106 = arith.muli %arg1, %mul3A_105 : i32
      %add3A_107 = arith.constant 0 : i32
      %add3A_108 = arith.addi %mul3A_106, %add3A_107 : i32
      %dma_wait3A = arith.constant 0 : i32
      %dma_wait3A_109 = tpu.memref_slice %arg9[%add3A_108, %dma_wait3A] : memref<10240x128xf32, #tpu.memory_space<hbm>> -> memref<128x128xf32, #tpu.memory_space<hbm>>
      %dma_wait3A_110 = arith.constant 0 : i32
      %dma_wait3A_111 = tpu.memref_slice %arg9[%add3A_108, %dma_wait3A_110] : memref<10240x128xf32, #tpu.memory_space<hbm>> -> memref<128x128xf32, #tpu.memory_space<hbm>>
      tpu.wait_dma2 semaphore(%arg23 : memref<!tpu.dma_semaphore, #tpu.memory_space<semaphore_mem>>) src(%arg16 : memref<128x128xf32, #tpu.memory_space<vmem>>) dst(%dma_wait3A_111 : memref<128x128xf32, #tpu.memory_space<hbm>>)
      %dma_start3A = arith.constant 1 : i32
      %dma_start3A_112 = arith.constant 0 : i32
      %dma_start3A_113 = tpu.memref_slice %arg15[%dma_start3A, %dma_start3A_112] : memref<5x128xi32, #tpu.memory_space<vmem>> -> memref<1x128xi32, #tpu.memory_space<vmem>>
      %dma_start3A_114 = tpu.memref_squeeze %dma_start3A_113 : memref<1x128xi32, #tpu.memory_space<vmem>> -> memref<128xi32, #tpu.memory_space<vmem>>
      %dma_start3A_115 = arith.constant 0 : i32
      %dma_start3A_116 = arith.constant 0 : i32
      %dma_start3A_117 = tpu.memref_slice %arg2[%dma_start3A_115, %dma_start3A_116] : memref<16384x128xf32, #tpu.memory_space<hbm>> -> memref<16384x128xf32, #tpu.memory_space<hbm>>
      tpu.enqueue_indirect_dma source(%dma_start3A_117 : memref<16384x128xf32, #tpu.memory_space<hbm>>) target(%arg16 : memref<128x128xf32, #tpu.memory_space<vmem>>) offsets(%dma_start3A_114 : memref<128xi32, #tpu.memory_space<vmem>>) semaphore(%arg22 : memref<!tpu.dma_semaphore, #tpu.memory_space<semaphore_mem>>)
    } else {
    }
    "tpu.region"() ({
      %run_scoped3A = tpu.sem_alloc : memref<!tpu.dma_semaphore, #tpu.memory_space<semaphore_mem>>
      %dma_start3A = arith.constant 0 : i32
      %dma_start3A_105 = arith.constant 0 : i32
      %dma_start3A_106 = tpu.memref_slice %arg3[%add3A, %dma_start3A, %dma_start3A_105] : memref<32x80x125xi32, #tpu.memory_space<hbm>> -> memref<1x80x125xi32, #tpu.memory_space<hbm>>
      %dma_start3A_107 = tpu.memref_squeeze %dma_start3A_106 : memref<1x80x125xi32, #tpu.memory_space<hbm>> -> memref<80x125xi32, #tpu.memory_space<hbm>>
      %dma_start3A_108 = arith.constant 16 : i32
      %dma_start3A_109 = arith.constant 0 : i32
      %dma_start3A_110 = tpu.memref_slice %dma_start3A_107[%dma_start3A_108, %dma_start3A_109] : memref<80x125xi32, #tpu.memory_space<hbm>> -> memref<16x125xi32, #tpu.memory_space<hbm>>
      %dma_start3A_111 = arith.constant 0 : i32
      %dma_start3A_112 = arith.constant 0 : i32
      %dma_start3A_113 = tpu.memref_slice %arg3[%add3A, %dma_start3A_111, %dma_start3A_112] : memref<32x80x125xi32, #tpu.memory_space<hbm>> -> memref<1x80x125xi32, #tpu.memory_space<hbm>>
      %dma_start3A_114 = tpu.memref_squeeze %dma_start3A_113 : memref<1x80x125xi32, #tpu.memory_space<hbm>> -> memref<80x125xi32, #tpu.memory_space<hbm>>
      %dma_start3A_115 = arith.constant 16 : i32
      %dma_start3A_116 = arith.constant 0 : i32
      %dma_start3A_117 = tpu.memref_slice %dma_start3A_114[%dma_start3A_115, %dma_start3A_116] : memref<80x125xi32, #tpu.memory_space<hbm>> -> memref<16x125xi32, #tpu.memory_space<hbm>>
      tpu.enqueue_dma source(%dma_start3A_117 : memref<16x125xi32, #tpu.memory_space<hbm>>) target(%arg12 : memref<16x125xi32, #tpu.memory_space<vmem>>) target_semaphore(%run_scoped3A : memref<!tpu.dma_semaphore, #tpu.memory_space<semaphore_mem>>)
      %dma_wait3A = arith.constant 0 : i32
      %dma_wait3A_118 = arith.constant 0 : i32
      %dma_wait3A_119 = tpu.memref_slice %arg3[%add3A, %dma_wait3A, %dma_wait3A_118] : memref<32x80x125xi32, #tpu.memory_space<hbm>> -> memref<1x80x125xi32, #tpu.memory_space<hbm>>
      %dma_wait3A_120 = tpu.memref_squeeze %dma_wait3A_119 : memref<1x80x125xi32, #tpu.memory_space<hbm>> -> memref<80x125xi32, #tpu.memory_space<hbm>>
      %dma_wait3A_121 = arith.constant 16 : i32
      %dma_wait3A_122 = arith.constant 0 : i32
      %dma_wait3A_123 = tpu.memref_slice %dma_wait3A_120[%dma_wait3A_121, %dma_wait3A_122] : memref<80x125xi32, #tpu.memory_space<hbm>> -> memref<16x125xi32, #tpu.memory_space<hbm>>
      %dma_wait3A_124 = arith.constant 0 : i32
      %dma_wait3A_125 = arith.constant 0 : i32
      %dma_wait3A_126 = tpu.memref_slice %arg3[%add3A, %dma_wait3A_124, %dma_wait3A_125] : memref<32x80x125xi32, #tpu.memory_space<hbm>> -> memref<1x80x125xi32, #tpu.memory_space<hbm>>
      %dma_wait3A_127 = tpu.memref_squeeze %dma_wait3A_126 : memref<1x80x125xi32, #tpu.memory_space<hbm>> -> memref<80x125xi32, #tpu.memory_space<hbm>>
      %dma_wait3A_128 = arith.constant 16 : i32
      %dma_wait3A_129 = arith.constant 0 : i32
      %dma_wait3A_130 = tpu.memref_slice %dma_wait3A_127[%dma_wait3A_128, %dma_wait3A_129] : memref<80x125xi32, #tpu.memory_space<hbm>> -> memref<16x125xi32, #tpu.memory_space<hbm>>
      tpu.wait_dma2 semaphore(%run_scoped3A : memref<!tpu.dma_semaphore, #tpu.memory_space<semaphore_mem>>) src(%dma_wait3A_130 : memref<16x125xi32, #tpu.memory_space<hbm>>) dst(%arg12 : memref<16x125xi32, #tpu.memory_space<vmem>>)
      tpu.yield
    }) : () -> ()
    %scan3A_34 = arith.constant 0 : i32
    %scan3A_35 = arith.constant 4 : i32
    %scan3A_36 = arith.addi %scan3A_34, %scan3A_35 : i32
    %scan3A_37 = arith.constant 1 : i32
    scf.for %scan3A_105 = %scan3A_34 to %scan3A_36 step %scan3A_37  : i32 {
      %mul3A_106 = arith.constant 4 : i32
      %mul3A_107 = arith.muli %scan3A_105, %mul3A_106 : i32
      %add3A_108 = arith.constant 0 : i32
      %add3A_109 = arith.addi %mul3A_107, %add3A_108 : i32
      %dma_start3A = arith.constant 0 : i32
      %dma_start3A_110 = tpu.memref_slice %arg12[%add3A_109, %dma_start3A] : memref<16x125xi32, #tpu.memory_space<vmem>> -> memref<1x125xi32, #tpu.memory_space<vmem>>
      %dma_start3A_111 = tpu.memref_squeeze %dma_start3A_110 : memref<1x125xi32, #tpu.memory_space<vmem>> -> memref<125xi32, #tpu.memory_space<vmem>>
      %dma_start3A_112 = arith.constant 0 : i32
      %dma_start3A_113 = arith.constant 0 : i32
      %dma_start3A_114 = tpu.memref_slice %arg19[%dma_start3A_112, %dma_start3A_113] : memref<10240x128xf32, #tpu.memory_space<vmem_shared>> -> memref<10240x128xf32, #tpu.memory_space<vmem_shared>>
      tpu.enqueue_indirect_dma source(%arg17 : memref<125x128xf32, #tpu.memory_space<vmem>>) target(%dma_start3A_114 : memref<10240x128xf32, #tpu.memory_space<vmem_shared>>) offsets(%dma_start3A_111 : memref<125xi32, #tpu.memory_space<vmem>>) semaphore(%arg21 : memref<!tpu.dma_semaphore, #tpu.memory_space<semaphore_mem>>) {add = true}
      %mul3A_115 = arith.constant 4 : i32
      %mul3A_116 = arith.muli %scan3A_105, %mul3A_115 : i32
      %add3A_117 = arith.constant 1 : i32
      %add3A_118 = arith.addi %mul3A_116, %add3A_117 : i32
      %dma_start3A_119 = arith.constant 0 : i32
      %dma_start3A_120 = tpu.memref_slice %arg12[%add3A_118, %dma_start3A_119] : memref<16x125xi32, #tpu.memory_space<vmem>> -> memref<1x125xi32, #tpu.memory_space<vmem>>
      %dma_start3A_121 = tpu.memref_squeeze %dma_start3A_120 : memref<1x125xi32, #tpu.memory_space<vmem>> -> memref<125xi32, #tpu.memory_space<vmem>>
      %dma_start3A_122 = arith.constant 0 : i32
      %dma_start3A_123 = arith.constant 0 : i32
      %dma_start3A_124 = tpu.memref_slice %arg19[%dma_start3A_122, %dma_start3A_123] : memref<10240x128xf32, #tpu.memory_space<vmem_shared>> -> memref<10240x128xf32, #tpu.memory_space<vmem_shared>>
      tpu.enqueue_indirect_dma source(%arg17 : memref<125x128xf32, #tpu.memory_space<vmem>>) target(%dma_start3A_124 : memref<10240x128xf32, #tpu.memory_space<vmem_shared>>) offsets(%dma_start3A_121 : memref<125xi32, #tpu.memory_space<vmem>>) semaphore(%arg21 : memref<!tpu.dma_semaphore, #tpu.memory_space<semaphore_mem>>) {add = true}
      %mul3A_125 = arith.constant 4 : i32
      %mul3A_126 = arith.muli %scan3A_105, %mul3A_125 : i32
      %add3A_127 = arith.constant 2 : i32
      %add3A_128 = arith.addi %mul3A_126, %add3A_127 : i32
      %dma_start3A_129 = arith.constant 0 : i32
      %dma_start3A_130 = tpu.memref_slice %arg12[%add3A_128, %dma_start3A_129] : memref<16x125xi32, #tpu.memory_space<vmem>> -> memref<1x125xi32, #tpu.memory_space<vmem>>
      %dma_start3A_131 = tpu.memref_squeeze %dma_start3A_130 : memref<1x125xi32, #tpu.memory_space<vmem>> -> memref<125xi32, #tpu.memory_space<vmem>>
      %dma_start3A_132 = arith.constant 0 : i32
      %dma_start3A_133 = arith.constant 0 : i32
      %dma_start3A_134 = tpu.memref_slice %arg19[%dma_start3A_132, %dma_start3A_133] : memref<10240x128xf32, #tpu.memory_space<vmem_shared>> -> memref<10240x128xf32, #tpu.memory_space<vmem_shared>>
      tpu.enqueue_indirect_dma source(%arg17 : memref<125x128xf32, #tpu.memory_space<vmem>>) target(%dma_start3A_134 : memref<10240x128xf32, #tpu.memory_space<vmem_shared>>) offsets(%dma_start3A_131 : memref<125xi32, #tpu.memory_space<vmem>>) semaphore(%arg21 : memref<!tpu.dma_semaphore, #tpu.memory_space<semaphore_mem>>) {add = true}
      %mul3A_135 = arith.constant 4 : i32
      %mul3A_136 = arith.muli %scan3A_105, %mul3A_135 : i32
      %add3A_137 = arith.constant 3 : i32
      %add3A_138 = arith.addi %mul3A_136, %add3A_137 : i32
      %dma_start3A_139 = arith.constant 0 : i32
      %dma_start3A_140 = tpu.memref_slice %arg12[%add3A_138, %dma_start3A_139] : memref<16x125xi32, #tpu.memory_space<vmem>> -> memref<1x125xi32, #tpu.memory_space<vmem>>
      %dma_start3A_141 = tpu.memref_squeeze %dma_start3A_140 : memref<1x125xi32, #tpu.memory_space<vmem>> -> memref<125xi32, #tpu.memory_space<vmem>>
      %dma_start3A_142 = arith.constant 0 : i32
      %dma_start3A_143 = arith.constant 0 : i32
      %dma_start3A_144 = tpu.memref_slice %arg19[%dma_start3A_142, %dma_start3A_143] : memref<10240x128xf32, #tpu.memory_space<vmem_shared>> -> memref<10240x128xf32, #tpu.memory_space<vmem_shared>>
      tpu.enqueue_indirect_dma source(%arg17 : memref<125x128xf32, #tpu.memory_space<vmem>>) target(%dma_start3A_144 : memref<10240x128xf32, #tpu.memory_space<vmem_shared>>) offsets(%dma_start3A_141 : memref<125xi32, #tpu.memory_space<vmem>>) semaphore(%arg21 : memref<!tpu.dma_semaphore, #tpu.memory_space<semaphore_mem>>) {add = true}
      %mul3A_145 = arith.constant 4 : i32
      %mul3A_146 = arith.muli %scan3A_105, %mul3A_145 : i32
      %add3A_147 = arith.constant 0 : i32
      %add3A_148 = arith.addi %mul3A_146, %add3A_147 : i32
      %dma_wait3A = arith.constant 0 : i32
      %dma_wait3A_149 = tpu.memref_slice %arg12[%add3A_148, %dma_wait3A] : memref<16x125xi32, #tpu.memory_space<vmem>> -> memref<1x125xi32, #tpu.memory_space<vmem>>
      %dma_wait3A_150 = tpu.memref_squeeze %dma_wait3A_149 : memref<1x125xi32, #tpu.memory_space<vmem>> -> memref<125xi32, #tpu.memory_space<vmem>>
      %dma_wait3A_151 = arith.constant 0 : i32
      %dma_wait3A_152 = arith.constant 0 : i32
      %dma_wait3A_153 = tpu.memref_slice %arg19[%dma_wait3A_151, %dma_wait3A_152] : memref<10240x128xf32, #tpu.memory_space<vmem_shared>> -> memref<10240x128xf32, #tpu.memory_space<vmem_shared>>
      tpu.wait_indirect_dma semaphore(%arg21 : memref<!tpu.dma_semaphore, #tpu.memory_space<semaphore_mem>>) src(%arg17 : memref<125x128xf32, #tpu.memory_space<vmem>>) dst(%dma_wait3A_153 : memref<10240x128xf32, #tpu.memory_space<vmem_shared>>)
      %mul3A_154 = arith.constant 4 : i32
      %mul3A_155 = arith.muli %scan3A_105, %mul3A_154 : i32
      %add3A_156 = arith.constant 1 : i32
      %add3A_157 = arith.addi %mul3A_155, %add3A_156 : i32
      %dma_wait3A_158 = arith.constant 0 : i32
      %dma_wait3A_159 = tpu.memref_slice %arg12[%add3A_157, %dma_wait3A_158] : memref<16x125xi32, #tpu.memory_space<vmem>> -> memref<1x125xi32, #tpu.memory_space<vmem>>
      %dma_wait3A_160 = tpu.memref_squeeze %dma_wait3A_159 : memref<1x125xi32, #tpu.memory_space<vmem>> -> memref<125xi32, #tpu.memory_space<vmem>>
      %dma_wait3A_161 = arith.constant 0 : i32
      %dma_wait3A_162 = arith.constant 0 : i32
      %dma_wait3A_163 = tpu.memref_slice %arg19[%dma_wait3A_161, %dma_wait3A_162] : memref<10240x128xf32, #tpu.memory_space<vmem_shared>> -> memref<10240x128xf32, #tpu.memory_space<vmem_shared>>
      tpu.wait_indirect_dma semaphore(%arg21 : memref<!tpu.dma_semaphore, #tpu.memory_space<semaphore_mem>>) src(%arg17 : memref<125x128xf32, #tpu.memory_space<vmem>>) dst(%dma_wait3A_163 : memref<10240x128xf32, #tpu.memory_space<vmem_shared>>)
      %mul3A_164 = arith.constant 4 : i32
      %mul3A_165 = arith.muli %scan3A_105, %mul3A_164 : i32
      %add3A_166 = arith.constant 2 : i32
      %add3A_167 = arith.addi %mul3A_165, %add3A_166 : i32
      %dma_wait3A_168 = arith.constant 0 : i32
      %dma_wait3A_169 = tpu.memref_slice %arg12[%add3A_167, %dma_wait3A_168] : memref<16x125xi32, #tpu.memory_space<vmem>> -> memref<1x125xi32, #tpu.memory_space<vmem>>
      %dma_wait3A_170 = tpu.memref_squeeze %dma_wait3A_169 : memref<1x125xi32, #tpu.memory_space<vmem>> -> memref<125xi32, #tpu.memory_space<vmem>>
      %dma_wait3A_171 = arith.constant 0 : i32
      %dma_wait3A_172 = arith.constant 0 : i32
      %dma_wait3A_173 = tpu.memref_slice %arg19[%dma_wait3A_171, %dma_wait3A_172] : memref<10240x128xf32, #tpu.memory_space<vmem_shared>> -> memref<10240x128xf32, #tpu.memory_space<vmem_shared>>
      tpu.wait_indirect_dma semaphore(%arg21 : memref<!tpu.dma_semaphore, #tpu.memory_space<semaphore_mem>>) src(%arg17 : memref<125x128xf32, #tpu.memory_space<vmem>>) dst(%dma_wait3A_173 : memref<10240x128xf32, #tpu.memory_space<vmem_shared>>)
      %mul3A_174 = arith.constant 4 : i32
      %mul3A_175 = arith.muli %scan3A_105, %mul3A_174 : i32
      %add3A_176 = arith.constant 3 : i32
      %add3A_177 = arith.addi %mul3A_175, %add3A_176 : i32
      %dma_wait3A_178 = arith.constant 0 : i32
      %dma_wait3A_179 = tpu.memref_slice %arg12[%add3A_177, %dma_wait3A_178] : memref<16x125xi32, #tpu.memory_space<vmem>> -> memref<1x125xi32, #tpu.memory_space<vmem>>
      %dma_wait3A_180 = tpu.memref_squeeze %dma_wait3A_179 : memref<1x125xi32, #tpu.memory_space<vmem>> -> memref<125xi32, #tpu.memory_space<vmem>>
      %dma_wait3A_181 = arith.constant 0 : i32
      %dma_wait3A_182 = arith.constant 0 : i32
      %dma_wait3A_183 = tpu.memref_slice %arg19[%dma_wait3A_181, %dma_wait3A_182] : memref<10240x128xf32, #tpu.memory_space<vmem_shared>> -> memref<10240x128xf32, #tpu.memory_space<vmem_shared>>
      tpu.wait_indirect_dma semaphore(%arg21 : memref<!tpu.dma_semaphore, #tpu.memory_space<semaphore_mem>>) src(%arg17 : memref<125x128xf32, #tpu.memory_space<vmem>>) dst(%dma_wait3A_183 : memref<10240x128xf32, #tpu.memory_space<vmem_shared>>)
    }
    %scan3A_38 = arith.constant 4 : i32
    %eq3A_39 = arith.constant 1 : i32
    %eq3A_40 = arith.cmpi eq, %arg0, %eq3A_39 : i32
    %convert_element_type3A_41 = arith.extui %eq3A_40 : i1 to i32
    %cond3A_42 = arith.constant 0 : i32
    %cond3A_43 = arith.cmpi ne, %convert_element_type3A_41, %cond3A_42 : i32
    scf.if %cond3A_43 {
      %dma_wait3A = arith.constant 1 : i32
      %dma_wait3A_105 = arith.constant 0 : i32
      %dma_wait3A_106 = tpu.memref_slice %arg15[%dma_wait3A, %dma_wait3A_105] : memref<5x128xi32, #tpu.memory_space<vmem>> -> memref<1x128xi32, #tpu.memory_space<vmem>>
      %dma_wait3A_107 = tpu.memref_squeeze %dma_wait3A_106 : memref<1x128xi32, #tpu.memory_space<vmem>> -> memref<128xi32, #tpu.memory_space<vmem>>
      %dma_wait3A_108 = arith.constant 0 : i32
      %dma_wait3A_109 = arith.constant 0 : i32
      %dma_wait3A_110 = tpu.memref_slice %arg2[%dma_wait3A_108, %dma_wait3A_109] : memref<16384x128xf32, #tpu.memory_space<hbm>> -> memref<16384x128xf32, #tpu.memory_space<hbm>>
      tpu.wait_indirect_dma semaphore(%arg22 : memref<!tpu.dma_semaphore, #tpu.memory_space<semaphore_mem>>) src(%dma_wait3A_110 : memref<16384x128xf32, #tpu.memory_space<hbm>>) dst(%arg16 : memref<128x128xf32, #tpu.memory_space<vmem>>)
      %mul3A_111 = arith.constant 640 : i32
      %mul3A_112 = arith.muli %arg1, %mul3A_111 : i32
      %add3A_113 = arith.constant 128 : i32
      %add3A_114 = arith.addi %mul3A_112, %add3A_113 : i32
      %dma_start3A = arith.constant 0 : i32
      %dma_start3A_115 = tpu.memref_slice %arg9[%add3A_114, %dma_start3A] : memref<10240x128xf32, #tpu.memory_space<hbm>> -> memref<128x128xf32, #tpu.memory_space<hbm>>
      %dma_start3A_116 = arith.constant 0 : i32
      %dma_start3A_117 = tpu.memref_slice %arg9[%add3A_114, %dma_start3A_116] : memref<10240x128xf32, #tpu.memory_space<hbm>> -> memref<128x128xf32, #tpu.memory_space<hbm>>
      tpu.enqueue_dma source(%arg16 : memref<128x128xf32, #tpu.memory_space<vmem>>) target(%dma_start3A_117 : memref<128x128xf32, #tpu.memory_space<hbm>>) target_semaphore(%arg23 : memref<!tpu.dma_semaphore, #tpu.memory_space<semaphore_mem>>)
    } else {
    }
    %eq3A_44 = arith.constant 1 : i32
    %eq3A_45 = arith.cmpi eq, %arg0, %eq3A_44 : i32
    %convert_element_type3A_46 = arith.extui %eq3A_45 : i1 to i32
    %cond3A_47 = arith.constant 0 : i32
    %cond3A_48 = arith.cmpi ne, %convert_element_type3A_46, %cond3A_47 : i32
    scf.if %cond3A_48 {
      %mul3A_105 = arith.constant 640 : i32
      %mul3A_106 = arith.muli %arg1, %mul3A_105 : i32
      %add3A_107 = arith.constant 128 : i32
      %add3A_108 = arith.addi %mul3A_106, %add3A_107 : i32
      %dma_wait3A = arith.constant 0 : i32
      %dma_wait3A_109 = tpu.memref_slice %arg9[%add3A_108, %dma_wait3A] : memref<10240x128xf32, #tpu.memory_space<hbm>> -> memref<128x128xf32, #tpu.memory_space<hbm>>
      %dma_wait3A_110 = arith.constant 0 : i32
      %dma_wait3A_111 = tpu.memref_slice %arg9[%add3A_108, %dma_wait3A_110] : memref<10240x128xf32, #tpu.memory_space<hbm>> -> memref<128x128xf32, #tpu.memory_space<hbm>>
      tpu.wait_dma2 semaphore(%arg23 : memref<!tpu.dma_semaphore, #tpu.memory_space<semaphore_mem>>) src(%arg16 : memref<128x128xf32, #tpu.memory_space<vmem>>) dst(%dma_wait3A_111 : memref<128x128xf32, #tpu.memory_space<hbm>>)
      %dma_start3A = arith.constant 2 : i32
      %dma_start3A_112 = arith.constant 0 : i32
      %dma_start3A_113 = tpu.memref_slice %arg15[%dma_start3A, %dma_start3A_112] : memref<5x128xi32, #tpu.memory_space<vmem>> -> memref<1x128xi32, #tpu.memory_space<vmem>>
      %dma_start3A_114 = tpu.memref_squeeze %dma_start3A_113 : memref<1x128xi32, #tpu.memory_space<vmem>> -> memref<128xi32, #tpu.memory_space<vmem>>
      %dma_start3A_115 = arith.constant 0 : i32
      %dma_start3A_116 = arith.constant 0 : i32
      %dma_start3A_117 = tpu.memref_slice %arg2[%dma_start3A_115, %dma_start3A_116] : memref<16384x128xf32, #tpu.memory_space<hbm>> -> memref<16384x128xf32, #tpu.memory_space<hbm>>
      tpu.enqueue_indirect_dma source(%dma_start3A_117 : memref<16384x128xf32, #tpu.memory_space<hbm>>) target(%arg16 : memref<128x128xf32, #tpu.memory_space<vmem>>) offsets(%dma_start3A_114 : memref<128xi32, #tpu.memory_space<vmem>>) semaphore(%arg22 : memref<!tpu.dma_semaphore, #tpu.memory_space<semaphore_mem>>)
    } else {
    }
    "tpu.region"() ({
      %run_scoped3A = tpu.sem_alloc : memref<!tpu.dma_semaphore, #tpu.memory_space<semaphore_mem>>
      %dma_start3A = arith.constant 0 : i32
      %dma_start3A_105 = arith.constant 0 : i32
      %dma_start3A_106 = tpu.memref_slice %arg3[%add3A, %dma_start3A, %dma_start3A_105] : memref<32x80x125xi32, #tpu.memory_space<hbm>> -> memref<1x80x125xi32, #tpu.memory_space<hbm>>
      %dma_start3A_107 = tpu.memref_squeeze %dma_start3A_106 : memref<1x80x125xi32, #tpu.memory_space<hbm>> -> memref<80x125xi32, #tpu.memory_space<hbm>>
      %dma_start3A_108 = arith.constant 32 : i32
      %dma_start3A_109 = arith.constant 0 : i32
      %dma_start3A_110 = tpu.memref_slice %dma_start3A_107[%dma_start3A_108, %dma_start3A_109] : memref<80x125xi32, #tpu.memory_space<hbm>> -> memref<16x125xi32, #tpu.memory_space<hbm>>
      %dma_start3A_111 = arith.constant 0 : i32
      %dma_start3A_112 = arith.constant 0 : i32
      %dma_start3A_113 = tpu.memref_slice %arg3[%add3A, %dma_start3A_111, %dma_start3A_112] : memref<32x80x125xi32, #tpu.memory_space<hbm>> -> memref<1x80x125xi32, #tpu.memory_space<hbm>>
      %dma_start3A_114 = tpu.memref_squeeze %dma_start3A_113 : memref<1x80x125xi32, #tpu.memory_space<hbm>> -> memref<80x125xi32, #tpu.memory_space<hbm>>
      %dma_start3A_115 = arith.constant 32 : i32
      %dma_start3A_116 = arith.constant 0 : i32
      %dma_start3A_117 = tpu.memref_slice %dma_start3A_114[%dma_start3A_115, %dma_start3A_116] : memref<80x125xi32, #tpu.memory_space<hbm>> -> memref<16x125xi32, #tpu.memory_space<hbm>>
      tpu.enqueue_dma source(%dma_start3A_117 : memref<16x125xi32, #tpu.memory_space<hbm>>) target(%arg12 : memref<16x125xi32, #tpu.memory_space<vmem>>) target_semaphore(%run_scoped3A : memref<!tpu.dma_semaphore, #tpu.memory_space<semaphore_mem>>)
      %dma_wait3A = arith.constant 0 : i32
      %dma_wait3A_118 = arith.constant 0 : i32
      %dma_wait3A_119 = tpu.memref_slice %arg3[%add3A, %dma_wait3A, %dma_wait3A_118] : memref<32x80x125xi32, #tpu.memory_space<hbm>> -> memref<1x80x125xi32, #tpu.memory_space<hbm>>
      %dma_wait3A_120 = tpu.memref_squeeze %dma_wait3A_119 : memref<1x80x125xi32, #tpu.memory_space<hbm>> -> memref<80x125xi32, #tpu.memory_space<hbm>>
      %dma_wait3A_121 = arith.constant 32 : i32
      %dma_wait3A_122 = arith.constant 0 : i32
      %dma_wait3A_123 = tpu.memref_slice %dma_wait3A_120[%dma_wait3A_121, %dma_wait3A_122] : memref<80x125xi32, #tpu.memory_space<hbm>> -> memref<16x125xi32, #tpu.memory_space<hbm>>
      %dma_wait3A_124 = arith.constant 0 : i32
      %dma_wait3A_125 = arith.constant 0 : i32
      %dma_wait3A_126 = tpu.memref_slice %arg3[%add3A, %dma_wait3A_124, %dma_wait3A_125] : memref<32x80x125xi32, #tpu.memory_space<hbm>> -> memref<1x80x125xi32, #tpu.memory_space<hbm>>
      %dma_wait3A_127 = tpu.memref_squeeze %dma_wait3A_126 : memref<1x80x125xi32, #tpu.memory_space<hbm>> -> memref<80x125xi32, #tpu.memory_space<hbm>>
      %dma_wait3A_128 = arith.constant 32 : i32
      %dma_wait3A_129 = arith.constant 0 : i32
      %dma_wait3A_130 = tpu.memref_slice %dma_wait3A_127[%dma_wait3A_128, %dma_wait3A_129] : memref<80x125xi32, #tpu.memory_space<hbm>> -> memref<16x125xi32, #tpu.memory_space<hbm>>
      tpu.wait_dma2 semaphore(%run_scoped3A : memref<!tpu.dma_semaphore, #tpu.memory_space<semaphore_mem>>) src(%dma_wait3A_130 : memref<16x125xi32, #tpu.memory_space<hbm>>) dst(%arg12 : memref<16x125xi32, #tpu.memory_space<vmem>>)
      tpu.yield
    }) : () -> ()
    %scan3A_49 = arith.constant 0 : i32
    %scan3A_50 = arith.constant 4 : i32
    %scan3A_51 = arith.addi %scan3A_49, %scan3A_50 : i32
    %scan3A_52 = arith.constant 1 : i32
    scf.for %scan3A_105 = %scan3A_49 to %scan3A_51 step %scan3A_52  : i32 {
      %mul3A_106 = arith.constant 4 : i32
      %mul3A_107 = arith.muli %scan3A_105, %mul3A_106 : i32
      %add3A_108 = arith.constant 0 : i32
      %add3A_109 = arith.addi %mul3A_107, %add3A_108 : i32
      %dma_start3A = arith.constant 0 : i32
      %dma_start3A_110 = tpu.memref_slice %arg12[%add3A_109, %dma_start3A] : memref<16x125xi32, #tpu.memory_space<vmem>> -> memref<1x125xi32, #tpu.memory_space<vmem>>
      %dma_start3A_111 = tpu.memref_squeeze %dma_start3A_110 : memref<1x125xi32, #tpu.memory_space<vmem>> -> memref<125xi32, #tpu.memory_space<vmem>>
      %dma_start3A_112 = arith.constant 0 : i32
      %dma_start3A_113 = arith.constant 0 : i32
      %dma_start3A_114 = tpu.memref_slice %arg19[%dma_start3A_112, %dma_start3A_113] : memref<10240x128xf32, #tpu.memory_space<vmem_shared>> -> memref<10240x128xf32, #tpu.memory_space<vmem_shared>>
      tpu.enqueue_indirect_dma source(%arg17 : memref<125x128xf32, #tpu.memory_space<vmem>>) target(%dma_start3A_114 : memref<10240x128xf32, #tpu.memory_space<vmem_shared>>) offsets(%dma_start3A_111 : memref<125xi32, #tpu.memory_space<vmem>>) semaphore(%arg21 : memref<!tpu.dma_semaphore, #tpu.memory_space<semaphore_mem>>) {add = true}
      %mul3A_115 = arith.constant 4 : i32
      %mul3A_116 = arith.muli %scan3A_105, %mul3A_115 : i32
      %add3A_117 = arith.constant 1 : i32
      %add3A_118 = arith.addi %mul3A_116, %add3A_117 : i32
      %dma_start3A_119 = arith.constant 0 : i32
      %dma_start3A_120 = tpu.memref_slice %arg12[%add3A_118, %dma_start3A_119] : memref<16x125xi32, #tpu.memory_space<vmem>> -> memref<1x125xi32, #tpu.memory_space<vmem>>
      %dma_start3A_121 = tpu.memref_squeeze %dma_start3A_120 : memref<1x125xi32, #tpu.memory_space<vmem>> -> memref<125xi32, #tpu.memory_space<vmem>>
      %dma_start3A_122 = arith.constant 0 : i32
      %dma_start3A_123 = arith.constant 0 : i32
      %dma_start3A_124 = tpu.memref_slice %arg19[%dma_start3A_122, %dma_start3A_123] : memref<10240x128xf32, #tpu.memory_space<vmem_shared>> -> memref<10240x128xf32, #tpu.memory_space<vmem_shared>>
      tpu.enqueue_indirect_dma source(%arg17 : memref<125x128xf32, #tpu.memory_space<vmem>>) target(%dma_start3A_124 : memref<10240x128xf32, #tpu.memory_space<vmem_shared>>) offsets(%dma_start3A_121 : memref<125xi32, #tpu.memory_space<vmem>>) semaphore(%arg21 : memref<!tpu.dma_semaphore, #tpu.memory_space<semaphore_mem>>) {add = true}
      %mul3A_125 = arith.constant 4 : i32
      %mul3A_126 = arith.muli %scan3A_105, %mul3A_125 : i32
      %add3A_127 = arith.constant 2 : i32
      %add3A_128 = arith.addi %mul3A_126, %add3A_127 : i32
      %dma_start3A_129 = arith.constant 0 : i32
      %dma_start3A_130 = tpu.memref_slice %arg12[%add3A_128, %dma_start3A_129] : memref<16x125xi32, #tpu.memory_space<vmem>> -> memref<1x125xi32, #tpu.memory_space<vmem>>
      %dma_start3A_131 = tpu.memref_squeeze %dma_start3A_130 : memref<1x125xi32, #tpu.memory_space<vmem>> -> memref<125xi32, #tpu.memory_space<vmem>>
      %dma_start3A_132 = arith.constant 0 : i32
      %dma_start3A_133 = arith.constant 0 : i32
      %dma_start3A_134 = tpu.memref_slice %arg19[%dma_start3A_132, %dma_start3A_133] : memref<10240x128xf32, #tpu.memory_space<vmem_shared>> -> memref<10240x128xf32, #tpu.memory_space<vmem_shared>>
      tpu.enqueue_indirect_dma source(%arg17 : memref<125x128xf32, #tpu.memory_space<vmem>>) target(%dma_start3A_134 : memref<10240x128xf32, #tpu.memory_space<vmem_shared>>) offsets(%dma_start3A_131 : memref<125xi32, #tpu.memory_space<vmem>>) semaphore(%arg21 : memref<!tpu.dma_semaphore, #tpu.memory_space<semaphore_mem>>) {add = true}
      %mul3A_135 = arith.constant 4 : i32
      %mul3A_136 = arith.muli %scan3A_105, %mul3A_135 : i32
      %add3A_137 = arith.constant 3 : i32
      %add3A_138 = arith.addi %mul3A_136, %add3A_137 : i32
      %dma_start3A_139 = arith.constant 0 : i32
      %dma_start3A_140 = tpu.memref_slice %arg12[%add3A_138, %dma_start3A_139] : memref<16x125xi32, #tpu.memory_space<vmem>> -> memref<1x125xi32, #tpu.memory_space<vmem>>
      %dma_start3A_141 = tpu.memref_squeeze %dma_start3A_140 : memref<1x125xi32, #tpu.memory_space<vmem>> -> memref<125xi32, #tpu.memory_space<vmem>>
      %dma_start3A_142 = arith.constant 0 : i32
      %dma_start3A_143 = arith.constant 0 : i32
      %dma_start3A_144 = tpu.memref_slice %arg19[%dma_start3A_142, %dma_start3A_143] : memref<10240x128xf32, #tpu.memory_space<vmem_shared>> -> memref<10240x128xf32, #tpu.memory_space<vmem_shared>>
      tpu.enqueue_indirect_dma source(%arg17 : memref<125x128xf32, #tpu.memory_space<vmem>>) target(%dma_start3A_144 : memref<10240x128xf32, #tpu.memory_space<vmem_shared>>) offsets(%dma_start3A_141 : memref<125xi32, #tpu.memory_space<vmem>>) semaphore(%arg21 : memref<!tpu.dma_semaphore, #tpu.memory_space<semaphore_mem>>) {add = true}
      %mul3A_145 = arith.constant 4 : i32
      %mul3A_146 = arith.muli %scan3A_105, %mul3A_145 : i32
      %add3A_147 = arith.constant 0 : i32
      %add3A_148 = arith.addi %mul3A_146, %add3A_147 : i32
      %dma_wait3A = arith.constant 0 : i32
      %dma_wait3A_149 = tpu.memref_slice %arg12[%add3A_148, %dma_wait3A] : memref<16x125xi32, #tpu.memory_space<vmem>> -> memref<1x125xi32, #tpu.memory_space<vmem>>
      %dma_wait3A_150 = tpu.memref_squeeze %dma_wait3A_149 : memref<1x125xi32, #tpu.memory_space<vmem>> -> memref<125xi32, #tpu.memory_space<vmem>>
      %dma_wait3A_151 = arith.constant 0 : i32
      %dma_wait3A_152 = arith.constant 0 : i32
      %dma_wait3A_153 = tpu.memref_slice %arg19[%dma_wait3A_151, %dma_wait3A_152] : memref<10240x128xf32, #tpu.memory_space<vmem_shared>> -> memref<10240x128xf32, #tpu.memory_space<vmem_shared>>
      tpu.wait_indirect_dma semaphore(%arg21 : memref<!tpu.dma_semaphore, #tpu.memory_space<semaphore_mem>>) src(%arg17 : memref<125x128xf32, #tpu.memory_space<vmem>>) dst(%dma_wait3A_153 : memref<10240x128xf32, #tpu.memory_space<vmem_shared>>)
      %mul3A_154 = arith.constant 4 : i32
      %mul3A_155 = arith.muli %scan3A_105, %mul3A_154 : i32
      %add3A_156 = arith.constant 1 : i32
      %add3A_157 = arith.addi %mul3A_155, %add3A_156 : i32
      %dma_wait3A_158 = arith.constant 0 : i32
      %dma_wait3A_159 = tpu.memref_slice %arg12[%add3A_157, %dma_wait3A_158] : memref<16x125xi32, #tpu.memory_space<vmem>> -> memref<1x125xi32, #tpu.memory_space<vmem>>
      %dma_wait3A_160 = tpu.memref_squeeze %dma_wait3A_159 : memref<1x125xi32, #tpu.memory_space<vmem>> -> memref<125xi32, #tpu.memory_space<vmem>>
      %dma_wait3A_161 = arith.constant 0 : i32
      %dma_wait3A_162 = arith.constant 0 : i32
      %dma_wait3A_163 = tpu.memref_slice %arg19[%dma_wait3A_161, %dma_wait3A_162] : memref<10240x128xf32, #tpu.memory_space<vmem_shared>> -> memref<10240x128xf32, #tpu.memory_space<vmem_shared>>
      tpu.wait_indirect_dma semaphore(%arg21 : memref<!tpu.dma_semaphore, #tpu.memory_space<semaphore_mem>>) src(%arg17 : memref<125x128xf32, #tpu.memory_space<vmem>>) dst(%dma_wait3A_163 : memref<10240x128xf32, #tpu.memory_space<vmem_shared>>)
      %mul3A_164 = arith.constant 4 : i32
      %mul3A_165 = arith.muli %scan3A_105, %mul3A_164 : i32
      %add3A_166 = arith.constant 2 : i32
      %add3A_167 = arith.addi %mul3A_165, %add3A_166 : i32
      %dma_wait3A_168 = arith.constant 0 : i32
      %dma_wait3A_169 = tpu.memref_slice %arg12[%add3A_167, %dma_wait3A_168] : memref<16x125xi32, #tpu.memory_space<vmem>> -> memref<1x125xi32, #tpu.memory_space<vmem>>
      %dma_wait3A_170 = tpu.memref_squeeze %dma_wait3A_169 : memref<1x125xi32, #tpu.memory_space<vmem>> -> memref<125xi32, #tpu.memory_space<vmem>>
      %dma_wait3A_171 = arith.constant 0 : i32
      %dma_wait3A_172 = arith.constant 0 : i32
      %dma_wait3A_173 = tpu.memref_slice %arg19[%dma_wait3A_171, %dma_wait3A_172] : memref<10240x128xf32, #tpu.memory_space<vmem_shared>> -> memref<10240x128xf32, #tpu.memory_space<vmem_shared>>
      tpu.wait_indirect_dma semaphore(%arg21 : memref<!tpu.dma_semaphore, #tpu.memory_space<semaphore_mem>>) src(%arg17 : memref<125x128xf32, #tpu.memory_space<vmem>>) dst(%dma_wait3A_173 : memref<10240x128xf32, #tpu.memory_space<vmem_shared>>)
      %mul3A_174 = arith.constant 4 : i32
      %mul3A_175 = arith.muli %scan3A_105, %mul3A_174 : i32
      %add3A_176 = arith.constant 3 : i32
      %add3A_177 = arith.addi %mul3A_175, %add3A_176 : i32
      %dma_wait3A_178 = arith.constant 0 : i32
      %dma_wait3A_179 = tpu.memref_slice %arg12[%add3A_177, %dma_wait3A_178] : memref<16x125xi32, #tpu.memory_space<vmem>> -> memref<1x125xi32, #tpu.memory_space<vmem>>
      %dma_wait3A_180 = tpu.memref_squeeze %dma_wait3A_179 : memref<1x125xi32, #tpu.memory_space<vmem>> -> memref<125xi32, #tpu.memory_space<vmem>>
      %dma_wait3A_181 = arith.constant 0 : i32
      %dma_wait3A_182 = arith.constant 0 : i32
      %dma_wait3A_183 = tpu.memref_slice %arg19[%dma_wait3A_181, %dma_wait3A_182] : memref<10240x128xf32, #tpu.memory_space<vmem_shared>> -> memref<10240x128xf32, #tpu.memory_space<vmem_shared>>
      tpu.wait_indirect_dma semaphore(%arg21 : memref<!tpu.dma_semaphore, #tpu.memory_space<semaphore_mem>>) src(%arg17 : memref<125x128xf32, #tpu.memory_space<vmem>>) dst(%dma_wait3A_183 : memref<10240x128xf32, #tpu.memory_space<vmem_shared>>)
    }
    %scan3A_53 = arith.constant 4 : i32
    %eq3A_54 = arith.constant 1 : i32
    %eq3A_55 = arith.cmpi eq, %arg0, %eq3A_54 : i32
    %convert_element_type3A_56 = arith.extui %eq3A_55 : i1 to i32
    %cond3A_57 = arith.constant 0 : i32
    %cond3A_58 = arith.cmpi ne, %convert_element_type3A_56, %cond3A_57 : i32
    scf.if %cond3A_58 {
      %dma_wait3A = arith.constant 2 : i32
      %dma_wait3A_105 = arith.constant 0 : i32
      %dma_wait3A_106 = tpu.memref_slice %arg15[%dma_wait3A, %dma_wait3A_105] : memref<5x128xi32, #tpu.memory_space<vmem>> -> memref<1x128xi32, #tpu.memory_space<vmem>>
      %dma_wait3A_107 = tpu.memref_squeeze %dma_wait3A_106 : memref<1x128xi32, #tpu.memory_space<vmem>> -> memref<128xi32, #tpu.memory_space<vmem>>
      %dma_wait3A_108 = arith.constant 0 : i32
      %dma_wait3A_109 = arith.constant 0 : i32
      %dma_wait3A_110 = tpu.memref_slice %arg2[%dma_wait3A_108, %dma_wait3A_109] : memref<16384x128xf32, #tpu.memory_space<hbm>> -> memref<16384x128xf32, #tpu.memory_space<hbm>>
      tpu.wait_indirect_dma semaphore(%arg22 : memref<!tpu.dma_semaphore, #tpu.memory_space<semaphore_mem>>) src(%dma_wait3A_110 : memref<16384x128xf32, #tpu.memory_space<hbm>>) dst(%arg16 : memref<128x128xf32, #tpu.memory_space<vmem>>)
      %mul3A_111 = arith.constant 640 : i32
      %mul3A_112 = arith.muli %arg1, %mul3A_111 : i32
      %add3A_113 = arith.constant 256 : i32
      %add3A_114 = arith.addi %mul3A_112, %add3A_113 : i32
      %dma_start3A = arith.constant 0 : i32
      %dma_start3A_115 = tpu.memref_slice %arg9[%add3A_114, %dma_start3A] : memref<10240x128xf32, #tpu.memory_space<hbm>> -> memref<128x128xf32, #tpu.memory_space<hbm>>
      %dma_start3A_116 = arith.constant 0 : i32
      %dma_start3A_117 = tpu.memref_slice %arg9[%add3A_114, %dma_start3A_116] : memref<10240x128xf32, #tpu.memory_space<hbm>> -> memref<128x128xf32, #tpu.memory_space<hbm>>
      tpu.enqueue_dma source(%arg16 : memref<128x128xf32, #tpu.memory_space<vmem>>) target(%dma_start3A_117 : memref<128x128xf32, #tpu.memory_space<hbm>>) target_semaphore(%arg23 : memref<!tpu.dma_semaphore, #tpu.memory_space<semaphore_mem>>)
    } else {
    }
    %eq3A_59 = arith.constant 1 : i32
    %eq3A_60 = arith.cmpi eq, %arg0, %eq3A_59 : i32
    %convert_element_type3A_61 = arith.extui %eq3A_60 : i1 to i32
    %cond3A_62 = arith.constant 0 : i32
    %cond3A_63 = arith.cmpi ne, %convert_element_type3A_61, %cond3A_62 : i32
    scf.if %cond3A_63 {
      %mul3A_105 = arith.constant 640 : i32
      %mul3A_106 = arith.muli %arg1, %mul3A_105 : i32
      %add3A_107 = arith.constant 256 : i32
      %add3A_108 = arith.addi %mul3A_106, %add3A_107 : i32
      %dma_wait3A = arith.constant 0 : i32
      %dma_wait3A_109 = tpu.memref_slice %arg9[%add3A_108, %dma_wait3A] : memref<10240x128xf32, #tpu.memory_space<hbm>> -> memref<128x128xf32, #tpu.memory_space<hbm>>
      %dma_wait3A_110 = arith.constant 0 : i32
      %dma_wait3A_111 = tpu.memref_slice %arg9[%add3A_108, %dma_wait3A_110] : memref<10240x128xf32, #tpu.memory_space<hbm>> -> memref<128x128xf32, #tpu.memory_space<hbm>>
      tpu.wait_dma2 semaphore(%arg23 : memref<!tpu.dma_semaphore, #tpu.memory_space<semaphore_mem>>) src(%arg16 : memref<128x128xf32, #tpu.memory_space<vmem>>) dst(%dma_wait3A_111 : memref<128x128xf32, #tpu.memory_space<hbm>>)
      %dma_start3A = arith.constant 3 : i32
      %dma_start3A_112 = arith.constant 0 : i32
      %dma_start3A_113 = tpu.memref_slice %arg15[%dma_start3A, %dma_start3A_112] : memref<5x128xi32, #tpu.memory_space<vmem>> -> memref<1x128xi32, #tpu.memory_space<vmem>>
      %dma_start3A_114 = tpu.memref_squeeze %dma_start3A_113 : memref<1x128xi32, #tpu.memory_space<vmem>> -> memref<128xi32, #tpu.memory_space<vmem>>
      %dma_start3A_115 = arith.constant 0 : i32
      %dma_start3A_116 = arith.constant 0 : i32
      %dma_start3A_117 = tpu.memref_slice %arg2[%dma_start3A_115, %dma_start3A_116] : memref<16384x128xf32, #tpu.memory_space<hbm>> -> memref<16384x128xf32, #tpu.memory_space<hbm>>
      tpu.enqueue_indirect_dma source(%dma_start3A_117 : memref<16384x128xf32, #tpu.memory_space<hbm>>) target(%arg16 : memref<128x128xf32, #tpu.memory_space<vmem>>) offsets(%dma_start3A_114 : memref<128xi32, #tpu.memory_space<vmem>>) semaphore(%arg22 : memref<!tpu.dma_semaphore, #tpu.memory_space<semaphore_mem>>)
    } else {
    }
    "tpu.region"() ({
      %run_scoped3A = tpu.sem_alloc : memref<!tpu.dma_semaphore, #tpu.memory_space<semaphore_mem>>
      %dma_start3A = arith.constant 0 : i32
      %dma_start3A_105 = arith.constant 0 : i32
      %dma_start3A_106 = tpu.memref_slice %arg3[%add3A, %dma_start3A, %dma_start3A_105] : memref<32x80x125xi32, #tpu.memory_space<hbm>> -> memref<1x80x125xi32, #tpu.memory_space<hbm>>
      %dma_start3A_107 = tpu.memref_squeeze %dma_start3A_106 : memref<1x80x125xi32, #tpu.memory_space<hbm>> -> memref<80x125xi32, #tpu.memory_space<hbm>>
      %dma_start3A_108 = arith.constant 48 : i32
      %dma_start3A_109 = arith.constant 0 : i32
      %dma_start3A_110 = tpu.memref_slice %dma_start3A_107[%dma_start3A_108, %dma_start3A_109] : memref<80x125xi32, #tpu.memory_space<hbm>> -> memref<16x125xi32, #tpu.memory_space<hbm>>
      %dma_start3A_111 = arith.constant 0 : i32
      %dma_start3A_112 = arith.constant 0 : i32
      %dma_start3A_113 = tpu.memref_slice %arg3[%add3A, %dma_start3A_111, %dma_start3A_112] : memref<32x80x125xi32, #tpu.memory_space<hbm>> -> memref<1x80x125xi32, #tpu.memory_space<hbm>>
      %dma_start3A_114 = tpu.memref_squeeze %dma_start3A_113 : memref<1x80x125xi32, #tpu.memory_space<hbm>> -> memref<80x125xi32, #tpu.memory_space<hbm>>
      %dma_start3A_115 = arith.constant 48 : i32
      %dma_start3A_116 = arith.constant 0 : i32
      %dma_start3A_117 = tpu.memref_slice %dma_start3A_114[%dma_start3A_115, %dma_start3A_116] : memref<80x125xi32, #tpu.memory_space<hbm>> -> memref<16x125xi32, #tpu.memory_space<hbm>>
      tpu.enqueue_dma source(%dma_start3A_117 : memref<16x125xi32, #tpu.memory_space<hbm>>) target(%arg12 : memref<16x125xi32, #tpu.memory_space<vmem>>) target_semaphore(%run_scoped3A : memref<!tpu.dma_semaphore, #tpu.memory_space<semaphore_mem>>)
      %dma_wait3A = arith.constant 0 : i32
      %dma_wait3A_118 = arith.constant 0 : i32
      %dma_wait3A_119 = tpu.memref_slice %arg3[%add3A, %dma_wait3A, %dma_wait3A_118] : memref<32x80x125xi32, #tpu.memory_space<hbm>> -> memref<1x80x125xi32, #tpu.memory_space<hbm>>
      %dma_wait3A_120 = tpu.memref_squeeze %dma_wait3A_119 : memref<1x80x125xi32, #tpu.memory_space<hbm>> -> memref<80x125xi32, #tpu.memory_space<hbm>>
      %dma_wait3A_121 = arith.constant 48 : i32
      %dma_wait3A_122 = arith.constant 0 : i32
      %dma_wait3A_123 = tpu.memref_slice %dma_wait3A_120[%dma_wait3A_121, %dma_wait3A_122] : memref<80x125xi32, #tpu.memory_space<hbm>> -> memref<16x125xi32, #tpu.memory_space<hbm>>
      %dma_wait3A_124 = arith.constant 0 : i32
      %dma_wait3A_125 = arith.constant 0 : i32
      %dma_wait3A_126 = tpu.memref_slice %arg3[%add3A, %dma_wait3A_124, %dma_wait3A_125] : memref<32x80x125xi32, #tpu.memory_space<hbm>> -> memref<1x80x125xi32, #tpu.memory_space<hbm>>
      %dma_wait3A_127 = tpu.memref_squeeze %dma_wait3A_126 : memref<1x80x125xi32, #tpu.memory_space<hbm>> -> memref<80x125xi32, #tpu.memory_space<hbm>>
      %dma_wait3A_128 = arith.constant 48 : i32
      %dma_wait3A_129 = arith.constant 0 : i32
      %dma_wait3A_130 = tpu.memref_slice %dma_wait3A_127[%dma_wait3A_128, %dma_wait3A_129] : memref<80x125xi32, #tpu.memory_space<hbm>> -> memref<16x125xi32, #tpu.memory_space<hbm>>
      tpu.wait_dma2 semaphore(%run_scoped3A : memref<!tpu.dma_semaphore, #tpu.memory_space<semaphore_mem>>) src(%dma_wait3A_130 : memref<16x125xi32, #tpu.memory_space<hbm>>) dst(%arg12 : memref<16x125xi32, #tpu.memory_space<vmem>>)
      tpu.yield
    }) : () -> ()
    %scan3A_64 = arith.constant 0 : i32
    %scan3A_65 = arith.constant 4 : i32
    %scan3A_66 = arith.addi %scan3A_64, %scan3A_65 : i32
    %scan3A_67 = arith.constant 1 : i32
    scf.for %scan3A_105 = %scan3A_64 to %scan3A_66 step %scan3A_67  : i32 {
      %mul3A_106 = arith.constant 4 : i32
      %mul3A_107 = arith.muli %scan3A_105, %mul3A_106 : i32
      %add3A_108 = arith.constant 0 : i32
      %add3A_109 = arith.addi %mul3A_107, %add3A_108 : i32
      %dma_start3A = arith.constant 0 : i32
      %dma_start3A_110 = tpu.memref_slice %arg12[%add3A_109, %dma_start3A] : memref<16x125xi32, #tpu.memory_space<vmem>> -> memref<1x125xi32, #tpu.memory_space<vmem>>
      %dma_start3A_111 = tpu.memref_squeeze %dma_start3A_110 : memref<1x125xi32, #tpu.memory_space<vmem>> -> memref<125xi32, #tpu.memory_space<vmem>>
      %dma_start3A_112 = arith.constant 0 : i32
      %dma_start3A_113 = arith.constant 0 : i32
      %dma_start3A_114 = tpu.memref_slice %arg19[%dma_start3A_112, %dma_start3A_113] : memref<10240x128xf32, #tpu.memory_space<vmem_shared>> -> memref<10240x128xf32, #tpu.memory_space<vmem_shared>>
      tpu.enqueue_indirect_dma source(%arg17 : memref<125x128xf32, #tpu.memory_space<vmem>>) target(%dma_start3A_114 : memref<10240x128xf32, #tpu.memory_space<vmem_shared>>) offsets(%dma_start3A_111 : memref<125xi32, #tpu.memory_space<vmem>>) semaphore(%arg21 : memref<!tpu.dma_semaphore, #tpu.memory_space<semaphore_mem>>) {add = true}
      %mul3A_115 = arith.constant 4 : i32
      %mul3A_116 = arith.muli %scan3A_105, %mul3A_115 : i32
      %add3A_117 = arith.constant 1 : i32
      %add3A_118 = arith.addi %mul3A_116, %add3A_117 : i32
      %dma_start3A_119 = arith.constant 0 : i32
      %dma_start3A_120 = tpu.memref_slice %arg12[%add3A_118, %dma_start3A_119] : memref<16x125xi32, #tpu.memory_space<vmem>> -> memref<1x125xi32, #tpu.memory_space<vmem>>
      %dma_start3A_121 = tpu.memref_squeeze %dma_start3A_120 : memref<1x125xi32, #tpu.memory_space<vmem>> -> memref<125xi32, #tpu.memory_space<vmem>>
      %dma_start3A_122 = arith.constant 0 : i32
      %dma_start3A_123 = arith.constant 0 : i32
      %dma_start3A_124 = tpu.memref_slice %arg19[%dma_start3A_122, %dma_start3A_123] : memref<10240x128xf32, #tpu.memory_space<vmem_shared>> -> memref<10240x128xf32, #tpu.memory_space<vmem_shared>>
      tpu.enqueue_indirect_dma source(%arg17 : memref<125x128xf32, #tpu.memory_space<vmem>>) target(%dma_start3A_124 : memref<10240x128xf32, #tpu.memory_space<vmem_shared>>) offsets(%dma_start3A_121 : memref<125xi32, #tpu.memory_space<vmem>>) semaphore(%arg21 : memref<!tpu.dma_semaphore, #tpu.memory_space<semaphore_mem>>) {add = true}
      %mul3A_125 = arith.constant 4 : i32
      %mul3A_126 = arith.muli %scan3A_105, %mul3A_125 : i32
      %add3A_127 = arith.constant 2 : i32
      %add3A_128 = arith.addi %mul3A_126, %add3A_127 : i32
      %dma_start3A_129 = arith.constant 0 : i32
      %dma_start3A_130 = tpu.memref_slice %arg12[%add3A_128, %dma_start3A_129] : memref<16x125xi32, #tpu.memory_space<vmem>> -> memref<1x125xi32, #tpu.memory_space<vmem>>
      %dma_start3A_131 = tpu.memref_squeeze %dma_start3A_130 : memref<1x125xi32, #tpu.memory_space<vmem>> -> memref<125xi32, #tpu.memory_space<vmem>>
      %dma_start3A_132 = arith.constant 0 : i32
      %dma_start3A_133 = arith.constant 0 : i32
      %dma_start3A_134 = tpu.memref_slice %arg19[%dma_start3A_132, %dma_start3A_133] : memref<10240x128xf32, #tpu.memory_space<vmem_shared>> -> memref<10240x128xf32, #tpu.memory_space<vmem_shared>>
      tpu.enqueue_indirect_dma source(%arg17 : memref<125x128xf32, #tpu.memory_space<vmem>>) target(%dma_start3A_134 : memref<10240x128xf32, #tpu.memory_space<vmem_shared>>) offsets(%dma_start3A_131 : memref<125xi32, #tpu.memory_space<vmem>>) semaphore(%arg21 : memref<!tpu.dma_semaphore, #tpu.memory_space<semaphore_mem>>) {add = true}
      %mul3A_135 = arith.constant 4 : i32
      %mul3A_136 = arith.muli %scan3A_105, %mul3A_135 : i32
      %add3A_137 = arith.constant 3 : i32
      %add3A_138 = arith.addi %mul3A_136, %add3A_137 : i32
      %dma_start3A_139 = arith.constant 0 : i32
      %dma_start3A_140 = tpu.memref_slice %arg12[%add3A_138, %dma_start3A_139] : memref<16x125xi32, #tpu.memory_space<vmem>> -> memref<1x125xi32, #tpu.memory_space<vmem>>
      %dma_start3A_141 = tpu.memref_squeeze %dma_start3A_140 : memref<1x125xi32, #tpu.memory_space<vmem>> -> memref<125xi32, #tpu.memory_space<vmem>>
      %dma_start3A_142 = arith.constant 0 : i32
      %dma_start3A_143 = arith.constant 0 : i32
      %dma_start3A_144 = tpu.memref_slice %arg19[%dma_start3A_142, %dma_start3A_143] : memref<10240x128xf32, #tpu.memory_space<vmem_shared>> -> memref<10240x128xf32, #tpu.memory_space<vmem_shared>>
      tpu.enqueue_indirect_dma source(%arg17 : memref<125x128xf32, #tpu.memory_space<vmem>>) target(%dma_start3A_144 : memref<10240x128xf32, #tpu.memory_space<vmem_shared>>) offsets(%dma_start3A_141 : memref<125xi32, #tpu.memory_space<vmem>>) semaphore(%arg21 : memref<!tpu.dma_semaphore, #tpu.memory_space<semaphore_mem>>) {add = true}
      %mul3A_145 = arith.constant 4 : i32
      %mul3A_146 = arith.muli %scan3A_105, %mul3A_145 : i32
      %add3A_147 = arith.constant 0 : i32
      %add3A_148 = arith.addi %mul3A_146, %add3A_147 : i32
      %dma_wait3A = arith.constant 0 : i32
      %dma_wait3A_149 = tpu.memref_slice %arg12[%add3A_148, %dma_wait3A] : memref<16x125xi32, #tpu.memory_space<vmem>> -> memref<1x125xi32, #tpu.memory_space<vmem>>
      %dma_wait3A_150 = tpu.memref_squeeze %dma_wait3A_149 : memref<1x125xi32, #tpu.memory_space<vmem>> -> memref<125xi32, #tpu.memory_space<vmem>>
      %dma_wait3A_151 = arith.constant 0 : i32
      %dma_wait3A_152 = arith.constant 0 : i32
      %dma_wait3A_153 = tpu.memref_slice %arg19[%dma_wait3A_151, %dma_wait3A_152] : memref<10240x128xf32, #tpu.memory_space<vmem_shared>> -> memref<10240x128xf32, #tpu.memory_space<vmem_shared>>
      tpu.wait_indirect_dma semaphore(%arg21 : memref<!tpu.dma_semaphore, #tpu.memory_space<semaphore_mem>>) src(%arg17 : memref<125x128xf32, #tpu.memory_space<vmem>>) dst(%dma_wait3A_153 : memref<10240x128xf32, #tpu.memory_space<vmem_shared>>)
      %mul3A_154 = arith.constant 4 : i32
      %mul3A_155 = arith.muli %scan3A_105, %mul3A_154 : i32
      %add3A_156 = arith.constant 1 : i32
      %add3A_157 = arith.addi %mul3A_155, %add3A_156 : i32
      %dma_wait3A_158 = arith.constant 0 : i32
      %dma_wait3A_159 = tpu.memref_slice %arg12[%add3A_157, %dma_wait3A_158] : memref<16x125xi32, #tpu.memory_space<vmem>> -> memref<1x125xi32, #tpu.memory_space<vmem>>
      %dma_wait3A_160 = tpu.memref_squeeze %dma_wait3A_159 : memref<1x125xi32, #tpu.memory_space<vmem>> -> memref<125xi32, #tpu.memory_space<vmem>>
      %dma_wait3A_161 = arith.constant 0 : i32
      %dma_wait3A_162 = arith.constant 0 : i32
      %dma_wait3A_163 = tpu.memref_slice %arg19[%dma_wait3A_161, %dma_wait3A_162] : memref<10240x128xf32, #tpu.memory_space<vmem_shared>> -> memref<10240x128xf32, #tpu.memory_space<vmem_shared>>
      tpu.wait_indirect_dma semaphore(%arg21 : memref<!tpu.dma_semaphore, #tpu.memory_space<semaphore_mem>>) src(%arg17 : memref<125x128xf32, #tpu.memory_space<vmem>>) dst(%dma_wait3A_163 : memref<10240x128xf32, #tpu.memory_space<vmem_shared>>)
      %mul3A_164 = arith.constant 4 : i32
      %mul3A_165 = arith.muli %scan3A_105, %mul3A_164 : i32
      %add3A_166 = arith.constant 2 : i32
      %add3A_167 = arith.addi %mul3A_165, %add3A_166 : i32
      %dma_wait3A_168 = arith.constant 0 : i32
      %dma_wait3A_169 = tpu.memref_slice %arg12[%add3A_167, %dma_wait3A_168] : memref<16x125xi32, #tpu.memory_space<vmem>> -> memref<1x125xi32, #tpu.memory_space<vmem>>
      %dma_wait3A_170 = tpu.memref_squeeze %dma_wait3A_169 : memref<1x125xi32, #tpu.memory_space<vmem>> -> memref<125xi32, #tpu.memory_space<vmem>>
      %dma_wait3A_171 = arith.constant 0 : i32
      %dma_wait3A_172 = arith.constant 0 : i32
      %dma_wait3A_173 = tpu.memref_slice %arg19[%dma_wait3A_171, %dma_wait3A_172] : memref<10240x128xf32, #tpu.memory_space<vmem_shared>> -> memref<10240x128xf32, #tpu.memory_space<vmem_shared>>
      tpu.wait_indirect_dma semaphore(%arg21 : memref<!tpu.dma_semaphore, #tpu.memory_space<semaphore_mem>>) src(%arg17 : memref<125x128xf32, #tpu.memory_space<vmem>>) dst(%dma_wait3A_173 : memref<10240x128xf32, #tpu.memory_space<vmem_shared>>)
      %mul3A_174 = arith.constant 4 : i32
      %mul3A_175 = arith.muli %scan3A_105, %mul3A_174 : i32
      %add3A_176 = arith.constant 3 : i32
      %add3A_177 = arith.addi %mul3A_175, %add3A_176 : i32
      %dma_wait3A_178 = arith.constant 0 : i32
      %dma_wait3A_179 = tpu.memref_slice %arg12[%add3A_177, %dma_wait3A_178] : memref<16x125xi32, #tpu.memory_space<vmem>> -> memref<1x125xi32, #tpu.memory_space<vmem>>
      %dma_wait3A_180 = tpu.memref_squeeze %dma_wait3A_179 : memref<1x125xi32, #tpu.memory_space<vmem>> -> memref<125xi32, #tpu.memory_space<vmem>>
      %dma_wait3A_181 = arith.constant 0 : i32
      %dma_wait3A_182 = arith.constant 0 : i32
      %dma_wait3A_183 = tpu.memref_slice %arg19[%dma_wait3A_181, %dma_wait3A_182] : memref<10240x128xf32, #tpu.memory_space<vmem_shared>> -> memref<10240x128xf32, #tpu.memory_space<vmem_shared>>
      tpu.wait_indirect_dma semaphore(%arg21 : memref<!tpu.dma_semaphore, #tpu.memory_space<semaphore_mem>>) src(%arg17 : memref<125x128xf32, #tpu.memory_space<vmem>>) dst(%dma_wait3A_183 : memref<10240x128xf32, #tpu.memory_space<vmem_shared>>)
    }
    %scan3A_68 = arith.constant 4 : i32
    %eq3A_69 = arith.constant 1 : i32
    %eq3A_70 = arith.cmpi eq, %arg0, %eq3A_69 : i32
    %convert_element_type3A_71 = arith.extui %eq3A_70 : i1 to i32
    %cond3A_72 = arith.constant 0 : i32
    %cond3A_73 = arith.cmpi ne, %convert_element_type3A_71, %cond3A_72 : i32
    scf.if %cond3A_73 {
      %dma_wait3A = arith.constant 3 : i32
      %dma_wait3A_105 = arith.constant 0 : i32
      %dma_wait3A_106 = tpu.memref_slice %arg15[%dma_wait3A, %dma_wait3A_105] : memref<5x128xi32, #tpu.memory_space<vmem>> -> memref<1x128xi32, #tpu.memory_space<vmem>>
      %dma_wait3A_107 = tpu.memref_squeeze %dma_wait3A_106 : memref<1x128xi32, #tpu.memory_space<vmem>> -> memref<128xi32, #tpu.memory_space<vmem>>
      %dma_wait3A_108 = arith.constant 0 : i32
      %dma_wait3A_109 = arith.constant 0 : i32
      %dma_wait3A_110 = tpu.memref_slice %arg2[%dma_wait3A_108, %dma_wait3A_109] : memref<16384x128xf32, #tpu.memory_space<hbm>> -> memref<16384x128xf32, #tpu.memory_space<hbm>>
      tpu.wait_indirect_dma semaphore(%arg22 : memref<!tpu.dma_semaphore, #tpu.memory_space<semaphore_mem>>) src(%dma_wait3A_110 : memref<16384x128xf32, #tpu.memory_space<hbm>>) dst(%arg16 : memref<128x128xf32, #tpu.memory_space<vmem>>)
      %mul3A_111 = arith.constant 640 : i32
      %mul3A_112 = arith.muli %arg1, %mul3A_111 : i32
      %add3A_113 = arith.constant 384 : i32
      %add3A_114 = arith.addi %mul3A_112, %add3A_113 : i32
      %dma_start3A = arith.constant 0 : i32
      %dma_start3A_115 = tpu.memref_slice %arg9[%add3A_114, %dma_start3A] : memref<10240x128xf32, #tpu.memory_space<hbm>> -> memref<128x128xf32, #tpu.memory_space<hbm>>
      %dma_start3A_116 = arith.constant 0 : i32
      %dma_start3A_117 = tpu.memref_slice %arg9[%add3A_114, %dma_start3A_116] : memref<10240x128xf32, #tpu.memory_space<hbm>> -> memref<128x128xf32, #tpu.memory_space<hbm>>
      tpu.enqueue_dma source(%arg16 : memref<128x128xf32, #tpu.memory_space<vmem>>) target(%dma_start3A_117 : memref<128x128xf32, #tpu.memory_space<hbm>>) target_semaphore(%arg23 : memref<!tpu.dma_semaphore, #tpu.memory_space<semaphore_mem>>)
    } else {
    }
    %eq3A_74 = arith.constant 1 : i32
    %eq3A_75 = arith.cmpi eq, %arg0, %eq3A_74 : i32
    %convert_element_type3A_76 = arith.extui %eq3A_75 : i1 to i32
    %cond3A_77 = arith.constant 0 : i32
    %cond3A_78 = arith.cmpi ne, %convert_element_type3A_76, %cond3A_77 : i32
    scf.if %cond3A_78 {
      %mul3A_105 = arith.constant 640 : i32
      %mul3A_106 = arith.muli %arg1, %mul3A_105 : i32
      %add3A_107 = arith.constant 384 : i32
      %add3A_108 = arith.addi %mul3A_106, %add3A_107 : i32
      %dma_wait3A = arith.constant 0 : i32
      %dma_wait3A_109 = tpu.memref_slice %arg9[%add3A_108, %dma_wait3A] : memref<10240x128xf32, #tpu.memory_space<hbm>> -> memref<128x128xf32, #tpu.memory_space<hbm>>
      %dma_wait3A_110 = arith.constant 0 : i32
      %dma_wait3A_111 = tpu.memref_slice %arg9[%add3A_108, %dma_wait3A_110] : memref<10240x128xf32, #tpu.memory_space<hbm>> -> memref<128x128xf32, #tpu.memory_space<hbm>>
      tpu.wait_dma2 semaphore(%arg23 : memref<!tpu.dma_semaphore, #tpu.memory_space<semaphore_mem>>) src(%arg16 : memref<128x128xf32, #tpu.memory_space<vmem>>) dst(%dma_wait3A_111 : memref<128x128xf32, #tpu.memory_space<hbm>>)
      %dma_start3A = arith.constant 4 : i32
      %dma_start3A_112 = arith.constant 0 : i32
      %dma_start3A_113 = tpu.memref_slice %arg15[%dma_start3A, %dma_start3A_112] : memref<5x128xi32, #tpu.memory_space<vmem>> -> memref<1x128xi32, #tpu.memory_space<vmem>>
      %dma_start3A_114 = tpu.memref_squeeze %dma_start3A_113 : memref<1x128xi32, #tpu.memory_space<vmem>> -> memref<128xi32, #tpu.memory_space<vmem>>
      %dma_start3A_115 = arith.constant 0 : i32
      %dma_start3A_116 = arith.constant 0 : i32
      %dma_start3A_117 = tpu.memref_slice %arg2[%dma_start3A_115, %dma_start3A_116] : memref<16384x128xf32, #tpu.memory_space<hbm>> -> memref<16384x128xf32, #tpu.memory_space<hbm>>
      tpu.enqueue_indirect_dma source(%dma_start3A_117 : memref<16384x128xf32, #tpu.memory_space<hbm>>) target(%arg16 : memref<128x128xf32, #tpu.memory_space<vmem>>) offsets(%dma_start3A_114 : memref<128xi32, #tpu.memory_space<vmem>>) semaphore(%arg22 : memref<!tpu.dma_semaphore, #tpu.memory_space<semaphore_mem>>)
    } else {
    }
    "tpu.region"() ({
      %run_scoped3A = tpu.sem_alloc : memref<!tpu.dma_semaphore, #tpu.memory_space<semaphore_mem>>
      %dma_start3A = arith.constant 0 : i32
      %dma_start3A_105 = arith.constant 0 : i32
      %dma_start3A_106 = tpu.memref_slice %arg3[%add3A, %dma_start3A, %dma_start3A_105] : memref<32x80x125xi32, #tpu.memory_space<hbm>> -> memref<1x80x125xi32, #tpu.memory_space<hbm>>
      %dma_start3A_107 = tpu.memref_squeeze %dma_start3A_106 : memref<1x80x125xi32, #tpu.memory_space<hbm>> -> memref<80x125xi32, #tpu.memory_space<hbm>>
      %dma_start3A_108 = arith.constant 64 : i32
      %dma_start3A_109 = arith.constant 0 : i32
      %dma_start3A_110 = tpu.memref_slice %dma_start3A_107[%dma_start3A_108, %dma_start3A_109] : memref<80x125xi32, #tpu.memory_space<hbm>> -> memref<16x125xi32, #tpu.memory_space<hbm>>
      %dma_start3A_111 = arith.constant 0 : i32
      %dma_start3A_112 = arith.constant 0 : i32
      %dma_start3A_113 = tpu.memref_slice %arg3[%add3A, %dma_start3A_111, %dma_start3A_112] : memref<32x80x125xi32, #tpu.memory_space<hbm>> -> memref<1x80x125xi32, #tpu.memory_space<hbm>>
      %dma_start3A_114 = tpu.memref_squeeze %dma_start3A_113 : memref<1x80x125xi32, #tpu.memory_space<hbm>> -> memref<80x125xi32, #tpu.memory_space<hbm>>
      %dma_start3A_115 = arith.constant 64 : i32
      %dma_start3A_116 = arith.constant 0 : i32
      %dma_start3A_117 = tpu.memref_slice %dma_start3A_114[%dma_start3A_115, %dma_start3A_116] : memref<80x125xi32, #tpu.memory_space<hbm>> -> memref<16x125xi32, #tpu.memory_space<hbm>>
      tpu.enqueue_dma source(%dma_start3A_117 : memref<16x125xi32, #tpu.memory_space<hbm>>) target(%arg12 : memref<16x125xi32, #tpu.memory_space<vmem>>) target_semaphore(%run_scoped3A : memref<!tpu.dma_semaphore, #tpu.memory_space<semaphore_mem>>)
      %dma_wait3A = arith.constant 0 : i32
      %dma_wait3A_118 = arith.constant 0 : i32
      %dma_wait3A_119 = tpu.memref_slice %arg3[%add3A, %dma_wait3A, %dma_wait3A_118] : memref<32x80x125xi32, #tpu.memory_space<hbm>> -> memref<1x80x125xi32, #tpu.memory_space<hbm>>
      %dma_wait3A_120 = tpu.memref_squeeze %dma_wait3A_119 : memref<1x80x125xi32, #tpu.memory_space<hbm>> -> memref<80x125xi32, #tpu.memory_space<hbm>>
      %dma_wait3A_121 = arith.constant 64 : i32
      %dma_wait3A_122 = arith.constant 0 : i32
      %dma_wait3A_123 = tpu.memref_slice %dma_wait3A_120[%dma_wait3A_121, %dma_wait3A_122] : memref<80x125xi32, #tpu.memory_space<hbm>> -> memref<16x125xi32, #tpu.memory_space<hbm>>
      %dma_wait3A_124 = arith.constant 0 : i32
      %dma_wait3A_125 = arith.constant 0 : i32
      %dma_wait3A_126 = tpu.memref_slice %arg3[%add3A, %dma_wait3A_124, %dma_wait3A_125] : memref<32x80x125xi32, #tpu.memory_space<hbm>> -> memref<1x80x125xi32, #tpu.memory_space<hbm>>
      %dma_wait3A_127 = tpu.memref_squeeze %dma_wait3A_126 : memref<1x80x125xi32, #tpu.memory_space<hbm>> -> memref<80x125xi32, #tpu.memory_space<hbm>>
      %dma_wait3A_128 = arith.constant 64 : i32
      %dma_wait3A_129 = arith.constant 0 : i32
      %dma_wait3A_130 = tpu.memref_slice %dma_wait3A_127[%dma_wait3A_128, %dma_wait3A_129] : memref<80x125xi32, #tpu.memory_space<hbm>> -> memref<16x125xi32, #tpu.memory_space<hbm>>
      tpu.wait_dma2 semaphore(%run_scoped3A : memref<!tpu.dma_semaphore, #tpu.memory_space<semaphore_mem>>) src(%dma_wait3A_130 : memref<16x125xi32, #tpu.memory_space<hbm>>) dst(%arg12 : memref<16x125xi32, #tpu.memory_space<vmem>>)
      tpu.yield
    }) : () -> ()
    %scan3A_79 = arith.constant 0 : i32
    %scan3A_80 = arith.constant 4 : i32
    %scan3A_81 = arith.addi %scan3A_79, %scan3A_80 : i32
    %scan3A_82 = arith.constant 1 : i32
    scf.for %scan3A_105 = %scan3A_79 to %scan3A_81 step %scan3A_82  : i32 {
      %mul3A_106 = arith.constant 4 : i32
      %mul3A_107 = arith.muli %scan3A_105, %mul3A_106 : i32
      %add3A_108 = arith.constant 0 : i32
      %add3A_109 = arith.addi %mul3A_107, %add3A_108 : i32
      %dma_start3A = arith.constant 0 : i32
      %dma_start3A_110 = tpu.memref_slice %arg12[%add3A_109, %dma_start3A] : memref<16x125xi32, #tpu.memory_space<vmem>> -> memref<1x125xi32, #tpu.memory_space<vmem>>
      %dma_start3A_111 = tpu.memref_squeeze %dma_start3A_110 : memref<1x125xi32, #tpu.memory_space<vmem>> -> memref<125xi32, #tpu.memory_space<vmem>>
      %dma_start3A_112 = arith.constant 0 : i32
      %dma_start3A_113 = arith.constant 0 : i32
      %dma_start3A_114 = tpu.memref_slice %arg19[%dma_start3A_112, %dma_start3A_113] : memref<10240x128xf32, #tpu.memory_space<vmem_shared>> -> memref<10240x128xf32, #tpu.memory_space<vmem_shared>>
      tpu.enqueue_indirect_dma source(%arg17 : memref<125x128xf32, #tpu.memory_space<vmem>>) target(%dma_start3A_114 : memref<10240x128xf32, #tpu.memory_space<vmem_shared>>) offsets(%dma_start3A_111 : memref<125xi32, #tpu.memory_space<vmem>>) semaphore(%arg21 : memref<!tpu.dma_semaphore, #tpu.memory_space<semaphore_mem>>) {add = true}
      %mul3A_115 = arith.constant 4 : i32
      %mul3A_116 = arith.muli %scan3A_105, %mul3A_115 : i32
      %add3A_117 = arith.constant 1 : i32
      %add3A_118 = arith.addi %mul3A_116, %add3A_117 : i32
      %dma_start3A_119 = arith.constant 0 : i32
      %dma_start3A_120 = tpu.memref_slice %arg12[%add3A_118, %dma_start3A_119] : memref<16x125xi32, #tpu.memory_space<vmem>> -> memref<1x125xi32, #tpu.memory_space<vmem>>
      %dma_start3A_121 = tpu.memref_squeeze %dma_start3A_120 : memref<1x125xi32, #tpu.memory_space<vmem>> -> memref<125xi32, #tpu.memory_space<vmem>>
      %dma_start3A_122 = arith.constant 0 : i32
      %dma_start3A_123 = arith.constant 0 : i32
      %dma_start3A_124 = tpu.memref_slice %arg19[%dma_start3A_122, %dma_start3A_123] : memref<10240x128xf32, #tpu.memory_space<vmem_shared>> -> memref<10240x128xf32, #tpu.memory_space<vmem_shared>>
      tpu.enqueue_indirect_dma source(%arg17 : memref<125x128xf32, #tpu.memory_space<vmem>>) target(%dma_start3A_124 : memref<10240x128xf32, #tpu.memory_space<vmem_shared>>) offsets(%dma_start3A_121 : memref<125xi32, #tpu.memory_space<vmem>>) semaphore(%arg21 : memref<!tpu.dma_semaphore, #tpu.memory_space<semaphore_mem>>) {add = true}
      %mul3A_125 = arith.constant 4 : i32
      %mul3A_126 = arith.muli %scan3A_105, %mul3A_125 : i32
      %add3A_127 = arith.constant 2 : i32
      %add3A_128 = arith.addi %mul3A_126, %add3A_127 : i32
      %dma_start3A_129 = arith.constant 0 : i32
      %dma_start3A_130 = tpu.memref_slice %arg12[%add3A_128, %dma_start3A_129] : memref<16x125xi32, #tpu.memory_space<vmem>> -> memref<1x125xi32, #tpu.memory_space<vmem>>
      %dma_start3A_131 = tpu.memref_squeeze %dma_start3A_130 : memref<1x125xi32, #tpu.memory_space<vmem>> -> memref<125xi32, #tpu.memory_space<vmem>>
      %dma_start3A_132 = arith.constant 0 : i32
      %dma_start3A_133 = arith.constant 0 : i32
      %dma_start3A_134 = tpu.memref_slice %arg19[%dma_start3A_132, %dma_start3A_133] : memref<10240x128xf32, #tpu.memory_space<vmem_shared>> -> memref<10240x128xf32, #tpu.memory_space<vmem_shared>>
      tpu.enqueue_indirect_dma source(%arg17 : memref<125x128xf32, #tpu.memory_space<vmem>>) target(%dma_start3A_134 : memref<10240x128xf32, #tpu.memory_space<vmem_shared>>) offsets(%dma_start3A_131 : memref<125xi32, #tpu.memory_space<vmem>>) semaphore(%arg21 : memref<!tpu.dma_semaphore, #tpu.memory_space<semaphore_mem>>) {add = true}
      %mul3A_135 = arith.constant 4 : i32
      %mul3A_136 = arith.muli %scan3A_105, %mul3A_135 : i32
      %add3A_137 = arith.constant 3 : i32
      %add3A_138 = arith.addi %mul3A_136, %add3A_137 : i32
      %dma_start3A_139 = arith.constant 0 : i32
      %dma_start3A_140 = tpu.memref_slice %arg12[%add3A_138, %dma_start3A_139] : memref<16x125xi32, #tpu.memory_space<vmem>> -> memref<1x125xi32, #tpu.memory_space<vmem>>
      %dma_start3A_141 = tpu.memref_squeeze %dma_start3A_140 : memref<1x125xi32, #tpu.memory_space<vmem>> -> memref<125xi32, #tpu.memory_space<vmem>>
      %dma_start3A_142 = arith.constant 0 : i32
      %dma_start3A_143 = arith.constant 0 : i32
      %dma_start3A_144 = tpu.memref_slice %arg19[%dma_start3A_142, %dma_start3A_143] : memref<10240x128xf32, #tpu.memory_space<vmem_shared>> -> memref<10240x128xf32, #tpu.memory_space<vmem_shared>>
      tpu.enqueue_indirect_dma source(%arg17 : memref<125x128xf32, #tpu.memory_space<vmem>>) target(%dma_start3A_144 : memref<10240x128xf32, #tpu.memory_space<vmem_shared>>) offsets(%dma_start3A_141 : memref<125xi32, #tpu.memory_space<vmem>>) semaphore(%arg21 : memref<!tpu.dma_semaphore, #tpu.memory_space<semaphore_mem>>) {add = true}
      %mul3A_145 = arith.constant 4 : i32
      %mul3A_146 = arith.muli %scan3A_105, %mul3A_145 : i32
      %add3A_147 = arith.constant 0 : i32
      %add3A_148 = arith.addi %mul3A_146, %add3A_147 : i32
      %dma_wait3A = arith.constant 0 : i32
      %dma_wait3A_149 = tpu.memref_slice %arg12[%add3A_148, %dma_wait3A] : memref<16x125xi32, #tpu.memory_space<vmem>> -> memref<1x125xi32, #tpu.memory_space<vmem>>
      %dma_wait3A_150 = tpu.memref_squeeze %dma_wait3A_149 : memref<1x125xi32, #tpu.memory_space<vmem>> -> memref<125xi32, #tpu.memory_space<vmem>>
      %dma_wait3A_151 = arith.constant 0 : i32
      %dma_wait3A_152 = arith.constant 0 : i32
      %dma_wait3A_153 = tpu.memref_slice %arg19[%dma_wait3A_151, %dma_wait3A_152] : memref<10240x128xf32, #tpu.memory_space<vmem_shared>> -> memref<10240x128xf32, #tpu.memory_space<vmem_shared>>
      tpu.wait_indirect_dma semaphore(%arg21 : memref<!tpu.dma_semaphore, #tpu.memory_space<semaphore_mem>>) src(%arg17 : memref<125x128xf32, #tpu.memory_space<vmem>>) dst(%dma_wait3A_153 : memref<10240x128xf32, #tpu.memory_space<vmem_shared>>)
      %mul3A_154 = arith.constant 4 : i32
      %mul3A_155 = arith.muli %scan3A_105, %mul3A_154 : i32
      %add3A_156 = arith.constant 1 : i32
      %add3A_157 = arith.addi %mul3A_155, %add3A_156 : i32
      %dma_wait3A_158 = arith.constant 0 : i32
      %dma_wait3A_159 = tpu.memref_slice %arg12[%add3A_157, %dma_wait3A_158] : memref<16x125xi32, #tpu.memory_space<vmem>> -> memref<1x125xi32, #tpu.memory_space<vmem>>
      %dma_wait3A_160 = tpu.memref_squeeze %dma_wait3A_159 : memref<1x125xi32, #tpu.memory_space<vmem>> -> memref<125xi32, #tpu.memory_space<vmem>>
      %dma_wait3A_161 = arith.constant 0 : i32
      %dma_wait3A_162 = arith.constant 0 : i32
      %dma_wait3A_163 = tpu.memref_slice %arg19[%dma_wait3A_161, %dma_wait3A_162] : memref<10240x128xf32, #tpu.memory_space<vmem_shared>> -> memref<10240x128xf32, #tpu.memory_space<vmem_shared>>
      tpu.wait_indirect_dma semaphore(%arg21 : memref<!tpu.dma_semaphore, #tpu.memory_space<semaphore_mem>>) src(%arg17 : memref<125x128xf32, #tpu.memory_space<vmem>>) dst(%dma_wait3A_163 : memref<10240x128xf32, #tpu.memory_space<vmem_shared>>)
      %mul3A_164 = arith.constant 4 : i32
      %mul3A_165 = arith.muli %scan3A_105, %mul3A_164 : i32
      %add3A_166 = arith.constant 2 : i32
      %add3A_167 = arith.addi %mul3A_165, %add3A_166 : i32
      %dma_wait3A_168 = arith.constant 0 : i32
      %dma_wait3A_169 = tpu.memref_slice %arg12[%add3A_167, %dma_wait3A_168] : memref<16x125xi32, #tpu.memory_space<vmem>> -> memref<1x125xi32, #tpu.memory_space<vmem>>
      %dma_wait3A_170 = tpu.memref_squeeze %dma_wait3A_169 : memref<1x125xi32, #tpu.memory_space<vmem>> -> memref<125xi32, #tpu.memory_space<vmem>>
      %dma_wait3A_171 = arith.constant 0 : i32
      %dma_wait3A_172 = arith.constant 0 : i32
      %dma_wait3A_173 = tpu.memref_slice %arg19[%dma_wait3A_171, %dma_wait3A_172] : memref<10240x128xf32, #tpu.memory_space<vmem_shared>> -> memref<10240x128xf32, #tpu.memory_space<vmem_shared>>
      tpu.wait_indirect_dma semaphore(%arg21 : memref<!tpu.dma_semaphore, #tpu.memory_space<semaphore_mem>>) src(%arg17 : memref<125x128xf32, #tpu.memory_space<vmem>>) dst(%dma_wait3A_173 : memref<10240x128xf32, #tpu.memory_space<vmem_shared>>)
      %mul3A_174 = arith.constant 4 : i32
      %mul3A_175 = arith.muli %scan3A_105, %mul3A_174 : i32
      %add3A_176 = arith.constant 3 : i32
      %add3A_177 = arith.addi %mul3A_175, %add3A_176 : i32
      %dma_wait3A_178 = arith.constant 0 : i32
      %dma_wait3A_179 = tpu.memref_slice %arg12[%add3A_177, %dma_wait3A_178] : memref<16x125xi32, #tpu.memory_space<vmem>> -> memref<1x125xi32, #tpu.memory_space<vmem>>
      %dma_wait3A_180 = tpu.memref_squeeze %dma_wait3A_179 : memref<1x125xi32, #tpu.memory_space<vmem>> -> memref<125xi32, #tpu.memory_space<vmem>>
      %dma_wait3A_181 = arith.constant 0 : i32
      %dma_wait3A_182 = arith.constant 0 : i32
      %dma_wait3A_183 = tpu.memref_slice %arg19[%dma_wait3A_181, %dma_wait3A_182] : memref<10240x128xf32, #tpu.memory_space<vmem_shared>> -> memref<10240x128xf32, #tpu.memory_space<vmem_shared>>
      tpu.wait_indirect_dma semaphore(%arg21 : memref<!tpu.dma_semaphore, #tpu.memory_space<semaphore_mem>>) src(%arg17 : memref<125x128xf32, #tpu.memory_space<vmem>>) dst(%dma_wait3A_183 : memref<10240x128xf32, #tpu.memory_space<vmem_shared>>)
    }
    %scan3A_83 = arith.constant 4 : i32
    %eq3A_84 = arith.constant 1 : i32
    %eq3A_85 = arith.cmpi eq, %arg0, %eq3A_84 : i32
    %convert_element_type3A_86 = arith.extui %eq3A_85 : i1 to i32
    %cond3A_87 = arith.constant 0 : i32
    %cond3A_88 = arith.cmpi ne, %convert_element_type3A_86, %cond3A_87 : i32
    scf.if %cond3A_88 {
      %dma_wait3A = arith.constant 4 : i32
      %dma_wait3A_105 = arith.constant 0 : i32
      %dma_wait3A_106 = tpu.memref_slice %arg15[%dma_wait3A, %dma_wait3A_105] : memref<5x128xi32, #tpu.memory_space<vmem>> -> memref<1x128xi32, #tpu.memory_space<vmem>>
      %dma_wait3A_107 = tpu.memref_squeeze %dma_wait3A_106 : memref<1x128xi32, #tpu.memory_space<vmem>> -> memref<128xi32, #tpu.memory_space<vmem>>
      %dma_wait3A_108 = arith.constant 0 : i32
      %dma_wait3A_109 = arith.constant 0 : i32
      %dma_wait3A_110 = tpu.memref_slice %arg2[%dma_wait3A_108, %dma_wait3A_109] : memref<16384x128xf32, #tpu.memory_space<hbm>> -> memref<16384x128xf32, #tpu.memory_space<hbm>>
      tpu.wait_indirect_dma semaphore(%arg22 : memref<!tpu.dma_semaphore, #tpu.memory_space<semaphore_mem>>) src(%dma_wait3A_110 : memref<16384x128xf32, #tpu.memory_space<hbm>>) dst(%arg16 : memref<128x128xf32, #tpu.memory_space<vmem>>)
      %mul3A_111 = arith.constant 640 : i32
      %mul3A_112 = arith.muli %arg1, %mul3A_111 : i32
      %add3A_113 = arith.constant 512 : i32
      %add3A_114 = arith.addi %mul3A_112, %add3A_113 : i32
      %dma_start3A = arith.constant 0 : i32
      %dma_start3A_115 = tpu.memref_slice %arg9[%add3A_114, %dma_start3A] : memref<10240x128xf32, #tpu.memory_space<hbm>> -> memref<128x128xf32, #tpu.memory_space<hbm>>
      %dma_start3A_116 = arith.constant 0 : i32
      %dma_start3A_117 = tpu.memref_slice %arg9[%add3A_114, %dma_start3A_116] : memref<10240x128xf32, #tpu.memory_space<hbm>> -> memref<128x128xf32, #tpu.memory_space<hbm>>
      tpu.enqueue_dma source(%arg16 : memref<128x128xf32, #tpu.memory_space<vmem>>) target(%dma_start3A_117 : memref<128x128xf32, #tpu.memory_space<hbm>>) target_semaphore(%arg23 : memref<!tpu.dma_semaphore, #tpu.memory_space<semaphore_mem>>)
    } else {
    }
    %eq3A_89 = arith.constant 1 : i32
    %eq3A_90 = arith.cmpi eq, %arg0, %eq3A_89 : i32
    %convert_element_type3A_91 = arith.extui %eq3A_90 : i1 to i32
    %cond3A_92 = arith.constant 0 : i32
    %cond3A_93 = arith.cmpi ne, %convert_element_type3A_91, %cond3A_92 : i32
    scf.if %cond3A_93 {
      %mul3A_105 = arith.constant 640 : i32
      %mul3A_106 = arith.muli %arg1, %mul3A_105 : i32
      %add3A_107 = arith.constant 512 : i32
      %add3A_108 = arith.addi %mul3A_106, %add3A_107 : i32
      %dma_wait3A = arith.constant 0 : i32
      %dma_wait3A_109 = tpu.memref_slice %arg9[%add3A_108, %dma_wait3A] : memref<10240x128xf32, #tpu.memory_space<hbm>> -> memref<128x128xf32, #tpu.memory_space<hbm>>
      %dma_wait3A_110 = arith.constant 0 : i32
      %dma_wait3A_111 = tpu.memref_slice %arg9[%add3A_108, %dma_wait3A_110] : memref<10240x128xf32, #tpu.memory_space<hbm>> -> memref<128x128xf32, #tpu.memory_space<hbm>>
      tpu.wait_dma2 semaphore(%arg23 : memref<!tpu.dma_semaphore, #tpu.memory_space<semaphore_mem>>) src(%arg16 : memref<128x128xf32, #tpu.memory_space<vmem>>) dst(%dma_wait3A_111 : memref<128x128xf32, #tpu.memory_space<hbm>>)
    } else {
    }
    %barrier3A_94 = arith.constant 0 : index
    tpu.barrier barrier_id(%barrier3A_94)
    %mul3A_95 = arith.constant 640 : i32
    %mul3A_96 = arith.muli %arg1, %mul3A_95 : i32
    %mul3A_97 = arith.constant 640 : i32
    %mul3A_98 = arith.muli %arg1, %mul3A_97 : i32
    "tpu.region"() ({
      %run_scoped3A = tpu.sem_alloc : memref<!tpu.dma_semaphore, #tpu.memory_space<semaphore_mem>>
      %dma_start3A = arith.constant 0 : i32
      %dma_start3A_105 = arith.constant 0 : i32
      %dma_start3A_106 = tpu.memref_slice %arg10[%arg0, %dma_start3A, %dma_start3A_105] : memref<2x10240x128xf32, #tpu.memory_space<hbm>> -> memref<1x10240x128xf32, #tpu.memory_space<hbm>>
      %dma_start3A_107 = tpu.memref_squeeze %dma_start3A_106 : memref<1x10240x128xf32, #tpu.memory_space<hbm>> -> memref<10240x128xf32, #tpu.memory_space<hbm>>
      %dma_start3A_108 = arith.constant 0 : i32
      %dma_start3A_109 = tpu.memref_slice %dma_start3A_107[%mul3A_98, %dma_start3A_108] : memref<10240x128xf32, #tpu.memory_space<hbm>> -> memref<640x128xf32, #tpu.memory_space<hbm>>
      %dma_start3A_110 = arith.constant 0 : i32
      %dma_start3A_111 = tpu.memref_slice %arg19[%mul3A_96, %dma_start3A_110] : memref<10240x128xf32, #tpu.memory_space<vmem_shared>> -> memref<640x128xf32, #tpu.memory_space<vmem_shared>>
      tpu.enqueue_dma source(%dma_start3A_111 : memref<640x128xf32, #tpu.memory_space<vmem_shared>>) target(%dma_start3A_109 : memref<640x128xf32, #tpu.memory_space<hbm>>) target_semaphore(%run_scoped3A : memref<!tpu.dma_semaphore, #tpu.memory_space<semaphore_mem>>)
      %dma_wait3A = arith.constant 0 : i32
      %dma_wait3A_112 = arith.constant 0 : i32
      %dma_wait3A_113 = tpu.memref_slice %arg10[%arg0, %dma_wait3A, %dma_wait3A_112] : memref<2x10240x128xf32, #tpu.memory_space<hbm>> -> memref<1x10240x128xf32, #tpu.memory_space<hbm>>
      %dma_wait3A_114 = tpu.memref_squeeze %dma_wait3A_113 : memref<1x10240x128xf32, #tpu.memory_space<hbm>> -> memref<10240x128xf32, #tpu.memory_space<hbm>>
      %dma_wait3A_115 = arith.constant 0 : i32
      %dma_wait3A_116 = tpu.memref_slice %dma_wait3A_114[%mul3A_98, %dma_wait3A_115] : memref<10240x128xf32, #tpu.memory_space<hbm>> -> memref<640x128xf32, #tpu.memory_space<hbm>>
      %dma_wait3A_117 = arith.constant 0 : i32
      %dma_wait3A_118 = tpu.memref_slice %arg19[%mul3A_96, %dma_wait3A_117] : memref<10240x128xf32, #tpu.memory_space<vmem_shared>> -> memref<640x128xf32, #tpu.memory_space<vmem_shared>>
      tpu.wait_dma2 semaphore(%run_scoped3A : memref<!tpu.dma_semaphore, #tpu.memory_space<semaphore_mem>>) src(%dma_wait3A_118 : memref<640x128xf32, #tpu.memory_space<vmem_shared>>) dst(%dma_wait3A_116 : memref<640x128xf32, #tpu.memory_space<hbm>>)
      tpu.yield
    }) : () -> ()
    %eq3A_99 = arith.constant 0 : i32
    %eq3A_100 = arith.cmpi eq, %arg0, %eq3A_99 : i32
    %lt3A = arith.constant 8 : i32
    %lt3A_101 = arith.cmpi slt, %arg1, %lt3A : i32
    %and3A = arith.andi %eq3A_100, %lt3A_101 : i1
    %convert_element_type3A_102 = arith.extui %and3A : i1 to i32
    %cond3A_103 = arith.constant 0 : i32
    %cond3A_104 = arith.cmpi ne, %convert_element_type3A_102, %cond3A_103 : i32
    scf.if %cond3A_104 {
      %mul3A_105 = arith.constant 8 : i32
      %mul3A_106 = arith.muli %arg1, %mul3A_105 : i32
      %mul3A_107 = arith.constant 8 : i32
      %mul3A_108 = arith.muli %arg1, %mul3A_107 : i32
      "tpu.region"() ({
        %run_scoped3A = tpu.sem_alloc : memref<!tpu.dma_semaphore, #tpu.memory_space<semaphore_mem>>
        %dma_start3A = arith.constant 0 : i32
        %dma_start3A_109 = tpu.memref_slice %arg11[%mul3A_108, %dma_start3A] : memref<64x128xf32, #tpu.memory_space<hbm>> -> memref<8x128xf32, #tpu.memory_space<hbm>>
        %dma_start3A_110 = arith.constant 0 : i32
        %dma_start3A_111 = tpu.memref_slice %arg20[%mul3A_106, %dma_start3A_110] : memref<128x128xf32, #tpu.memory_space<vmem_shared>> -> memref<8x128xf32, #tpu.memory_space<vmem_shared>>
        tpu.enqueue_dma source(%dma_start3A_111 : memref<8x128xf32, #tpu.memory_space<vmem_shared>>) target(%dma_start3A_109 : memref<8x128xf32, #tpu.memory_space<hbm>>) target_semaphore(%run_scoped3A : memref<!tpu.dma_semaphore, #tpu.memory_space<semaphore_mem>>)
        %dma_wait3A = arith.constant 0 : i32
        %dma_wait3A_112 = tpu.memref_slice %arg11[%mul3A_108, %dma_wait3A] : memref<64x128xf32, #tpu.memory_space<hbm>> -> memref<8x128xf32, #tpu.memory_space<hbm>>
        %dma_wait3A_113 = arith.constant 0 : i32
        %dma_wait3A_114 = tpu.memref_slice %arg20[%mul3A_106, %dma_wait3A_113] : memref<128x128xf32, #tpu.memory_space<vmem_shared>> -> memref<8x128xf32, #tpu.memory_space<vmem_shared>>
        tpu.wait_dma2 semaphore(%run_scoped3A : memref<!tpu.dma_semaphore, #tpu.memory_space<semaphore_mem>>) src(%dma_wait3A_114 : memref<8x128xf32, #tpu.memory_space<vmem_shared>>) dst(%dma_wait3A_112 : memref<8x128xf32, #tpu.memory_space<hbm>>)
        tpu.yield
      }) : () -> ()
    } else {
    }
    return
  }
}

module attributes {stable_mosaic.version = 14 : i64} {
  func.func @_b1_body(%arg0: i32, %arg1: memref<2048x128xf32, #tpu.memory_space<vmem>>, %arg2: memref<128x128xf32, #tpu.memory_space<vmem>>, %arg3: memref<2048x128xf32, #tpu.memory_space<vmem>>, %arg4: memref<2048x128xf32, #tpu.memory_space<vmem>>, %arg5: memref<2048x128xf32, #tpu.memory_space<vmem>>, %arg6: memref<2048x1xf32, #tpu.memory_space<vmem>>) attributes {dimension_semantics = [#tpu.dimension_semantics<arbitrary>], iteration_bounds = array<i64: 5>, scalar_prefetch = 0 : i64, scratch_operands = 0 : i64, tpu.core_type = #tpu.core_type<tc>, window_params = [{transform_indices = @transform_0, window_bounds = array<i64: 2048, 128>}, {pipeline_mode = #tpu.pipeline_mode<synchronous>, transform_indices = @transform_1, window_bounds = array<i64: 128, 128>}, {transform_indices = @transform_2, window_bounds = array<i64: 2048, 128>}, {transform_indices = @transform_3, window_bounds = array<i64: 2048, 128>}, {transform_indices = @transform_4, window_bounds = array<i64: 2048, 128>}, {transform_indices = @transform_5, window_bounds = array<i64: 2048, 1>}]} {
    %get3A = arith.constant 0 : index
    %get3A_0 = arith.constant 0 : index
    %get3A_1 = vector.load %arg3[%get3A, %get3A_0] : memref<2048x128xf32, #tpu.memory_space<vmem>>, vector<2048x1xf32>
    %get3A_2 = arith.constant 0 : index
    %get3A_3 = arith.constant 0 : index
    %get3A_4 = vector.load %arg4[%get3A_2, %get3A_3] : memref<2048x128xf32, #tpu.memory_space<vmem>>, vector<2048x1xf32>
    %add3A = arith.addf %get3A_1, %get3A_4 : vector<2048x1xf32>
    %add3A_5 = arith.constant 1.000000e+00 : f32
    %add3A_6 = vector.broadcast %add3A_5 : f32 to vector<2048x1xf32>
    %add3A_7 = arith.addf %add3A, %add3A_6 : vector<2048x1xf32>
    %rsqrt3A = math.rsqrt %add3A_7 : vector<2048x1xf32>
    %swap3A = arith.constant 0 : index
    %swap3A_8 = arith.constant 0 : index
    %swap3A_9 = vector.load %arg6[%swap3A, %swap3A_8] : memref<2048x1xf32, #tpu.memory_space<vmem>>, vector<2048x1xf32>
    tpu.vector_store %arg6[%swap3A, %swap3A_8], %rsqrt3A {strides = array<i32>} : memref<2048x1xf32, #tpu.memory_space<vmem>>, vector<2048x1xf32>,
    %get3A_10 = arith.constant 0 : index
    %get3A_11 = arith.constant 0 : index
    %get3A_12 = vector.load %arg1[%get3A_10, %get3A_11] : memref<2048x128xf32, #tpu.memory_space<vmem>>, vector<2048x128xf32>
    %get3A_13 = arith.constant 0 : index
    %get3A_14 = arith.constant 0 : index
    %get3A_15 = vector.load %arg2[%get3A_13, %get3A_14] : memref<128x128xf32, #tpu.memory_space<vmem>>, vector<128x128xf32>
    %dot_general3A = arith.constant dense<0.000000e+00> : vector<2048x128xf32>
    %dot_general3A_16 = tpu.matmul %get3A_12, %get3A_15, %dot_general3A {dimension_numbers = #tpu.dot_dimension_numbers<[1], [0], [0], [1], [0, 0, 1, 1], [], []>, transpose_lhs_hint = false} : vector<2048x128xf32>, vector<128x128xf32>, vector<2048x128xf32> -> vector<2048x128xf32>
    %mul3A = vector.broadcast %rsqrt3A : vector<2048x1xf32> to vector<2048x128xf32>
    %mul3A_17 = arith.mulf %dot_general3A_16, %mul3A : vector<2048x128xf32>
    %swap3A_18 = arith.constant 0 : index
    %swap3A_19 = arith.constant 0 : index
    %swap3A_20 = vector.load %arg5[%swap3A_18, %swap3A_19] : memref<2048x128xf32, #tpu.memory_space<vmem>>, vector<2048x128xf32>
    tpu.vector_store %arg5[%swap3A_18, %swap3A_19], %mul3A_17 {strides = array<i32>} : memref<2048x128xf32, #tpu.memory_space<vmem>>, vector<2048x128xf32>,
    return
  }
  func.func @transform_0(%arg0: i32) -> (i32, i32) {
    %c0_i32 = arith.constant 0 : i32
    %c0_i32_0 = arith.constant 0 : i32
    return %arg0, %c0_i32 : i32, i32
  }
  func.func @transform_1(%arg0: i32) -> (i32, i32) {
    %c0_i32 = arith.constant 0 : i32
    %c0_i32_0 = arith.constant 0 : i32
    %c0_i32_1 = arith.constant 0 : i32
    return %c0_i32, %c0_i32_0 : i32, i32
  }
  func.func @transform_2(%arg0: i32) -> (i32, i32) {
    %c0_i32 = arith.constant 0 : i32
    %c0_i32_0 = arith.constant 0 : i32
    return %arg0, %c0_i32 : i32, i32
  }
  func.func @transform_3(%arg0: i32) -> (i32, i32) {
    %c0_i32 = arith.constant 0 : i32
    %c0_i32_0 = arith.constant 0 : i32
    return %arg0, %c0_i32 : i32, i32
  }
  func.func @transform_4(%arg0: i32) -> (i32, i32) {
    %c0_i32 = arith.constant 0 : i32
    %c0_i32_0 = arith.constant 0 : i32
    return %arg0, %c0_i32 : i32, i32
  }
  func.func @transform_5(%arg0: i32) -> (i32, i32) {
    %c0_i32 = arith.constant 0 : i32
    %c0_i32_0 = arith.constant 0 : i32
    return %arg0, %c0_i32 : i32, i32
  }
}

module attributes {stable_mosaic.version = 14 : i64} {
  func.func @_b2_body(%arg0: i32, %arg1: memref<2048x128xf32, #tpu.memory_space<vmem>>, %arg2: memref<2048x128xf32, #tpu.memory_space<vmem>>, %arg3: memref<2048x128xf32, #tpu.memory_space<vmem>>, %arg4: memref<2048x1xf32, #tpu.memory_space<vmem>>, %arg5: memref<1x128xf32, #tpu.memory_space<vmem>>, %arg6: memref<128x128xf32, #tpu.memory_space<vmem>>, %arg7: memref<2048x128xf32, #tpu.memory_space<vmem>>) attributes {dimension_semantics = [#tpu.dimension_semantics<arbitrary>], iteration_bounds = array<i64: 5>, scalar_prefetch = 0 : i64, scratch_operands = 0 : i64, tpu.core_type = #tpu.core_type<tc>, window_params = [{transform_indices = @transform_0, window_bounds = array<i64: 2048, 128>}, {transform_indices = @transform_1, window_bounds = array<i64: 2048, 128>}, {transform_indices = @transform_2, window_bounds = array<i64: 2048, 128>}, {transform_indices = @transform_3, window_bounds = array<i64: 2048, 1>}, {pipeline_mode = #tpu.pipeline_mode<synchronous>, transform_indices = @transform_4, window_bounds = array<i64: 1, 128>}, {pipeline_mode = #tpu.pipeline_mode<synchronous>, transform_indices = @transform_5, window_bounds = array<i64: 128, 128>}, {transform_indices = @transform_6, window_bounds = array<i64: 2048, 128>}]} {
    %get3A = arith.constant 0 : index
    %get3A_0 = arith.constant 0 : index
    %get3A_1 = vector.load %arg4[%get3A, %get3A_0] : memref<2048x1xf32, #tpu.memory_space<vmem>>, vector<2048x1xf32>
    %get3A_2 = arith.constant 0 : index
    %get3A_3 = arith.constant 0 : index
    %get3A_4 = vector.load %arg1[%get3A_2, %get3A_3] : memref<2048x128xf32, #tpu.memory_space<vmem>>, vector<2048x128xf32>
    %get3A_5 = arith.constant 0 : index
    %get3A_6 = arith.constant 0 : index
    %get3A_7 = vector.load %arg2[%get3A_5, %get3A_6] : memref<2048x128xf32, #tpu.memory_space<vmem>>, vector<2048x128xf32>
    %add3A = arith.addf %get3A_4, %get3A_7 : vector<2048x128xf32>
    %get3A_8 = arith.constant 0 : index
    %get3A_9 = arith.constant 0 : index
    %get3A_10 = vector.load %arg3[%get3A_8, %get3A_9] : memref<2048x128xf32, #tpu.memory_space<vmem>>, vector<2048x128xf32>
    %add3A_11 = arith.addf %add3A, %get3A_10 : vector<2048x128xf32>
    %mul3A = vector.broadcast %get3A_1 : vector<2048x1xf32> to vector<2048x128xf32>
    %mul3A_12 = arith.mulf %mul3A, %add3A_11 : vector<2048x128xf32>
    %get3A_13 = arith.constant 0 : index
    %get3A_14 = arith.constant 0 : index
    %get3A_15 = vector.load %arg5[%get3A_13, %get3A_14] : memref<1x128xf32, #tpu.memory_space<vmem>>, vector<1x128xf32>
    %add3A_16 = vector.broadcast %get3A_15 : vector<1x128xf32> to vector<2048x128xf32>
    %add3A_17 = arith.addf %mul3A_12, %add3A_16 : vector<2048x128xf32>
    %max3A = arith.constant 0.000000e+00 : f32
    %max3A_18 = vector.broadcast %max3A : f32 to vector<2048x128xf32>
    %max3A_19 = arith.maximumf %add3A_17, %max3A_18 : vector<2048x128xf32>
    %get3A_20 = arith.constant 0 : index
    %get3A_21 = arith.constant 0 : index
    %get3A_22 = vector.load %arg6[%get3A_20, %get3A_21] : memref<128x128xf32, #tpu.memory_space<vmem>>, vector<128x128xf32>
    %dot_general3A = arith.constant dense<0.000000e+00> : vector<2048x128xf32>
    %dot_general3A_23 = tpu.matmul %max3A_19, %get3A_22, %dot_general3A {dimension_numbers = #tpu.dot_dimension_numbers<[1], [0], [0], [1], [0, 0, 1, 1], [], []>, transpose_lhs_hint = false} : vector<2048x128xf32>, vector<128x128xf32>, vector<2048x128xf32> -> vector<2048x128xf32>
    %mul3A_24 = vector.broadcast %get3A_1 : vector<2048x1xf32> to vector<2048x128xf32>
    %mul3A_25 = arith.mulf %dot_general3A_23, %mul3A_24 : vector<2048x128xf32>
    %swap3A = arith.constant 0 : index
    %swap3A_26 = arith.constant 0 : index
    %swap3A_27 = vector.load %arg7[%swap3A, %swap3A_26] : memref<2048x128xf32, #tpu.memory_space<vmem>>, vector<2048x128xf32>
    tpu.vector_store %arg7[%swap3A, %swap3A_26], %mul3A_25 {strides = array<i32>} : memref<2048x128xf32, #tpu.memory_space<vmem>>, vector<2048x128xf32>,
    return
  }
  func.func @transform_0(%arg0: i32) -> (i32, i32) {
    %c0_i32 = arith.constant 0 : i32
    %c0_i32_0 = arith.constant 0 : i32
    return %arg0, %c0_i32 : i32, i32
  }
  func.func @transform_1(%arg0: i32) -> (i32, i32) {
    %c0_i32 = arith.constant 0 : i32
    %c0_i32_0 = arith.constant 0 : i32
    return %arg0, %c0_i32 : i32, i32
  }
  func.func @transform_2(%arg0: i32) -> (i32, i32) {
    %c0_i32 = arith.constant 0 : i32
    %c0_i32_0 = arith.constant 0 : i32
    return %arg0, %c0_i32 : i32, i32
  }
  func.func @transform_3(%arg0: i32) -> (i32, i32) {
    %c0_i32 = arith.constant 0 : i32
    %c0_i32_0 = arith.constant 0 : i32
    return %arg0, %c0_i32 : i32, i32
  }
  func.func @transform_4(%arg0: i32) -> (i32, i32) {
    %c0_i32 = arith.constant 0 : i32
    %c0_i32_0 = arith.constant 0 : i32
    %c0_i32_1 = arith.constant 0 : i32
    return %c0_i32, %c0_i32_0 : i32, i32
  }
  func.func @transform_5(%arg0: i32) -> (i32, i32) {
    %c0_i32 = arith.constant 0 : i32
    %c0_i32_0 = arith.constant 0 : i32
    %c0_i32_1 = arith.constant 0 : i32
    return %c0_i32, %c0_i32_0 : i32, i32
  }
  func.func @transform_6(%arg0: i32) -> (i32, i32) {
    %c0_i32 = arith.constant 0 : i32
    %c0_i32_0 = arith.constant 0 : i32
    return %arg0, %c0_i32 : i32, i32
  }
}

module attributes {stable_mosaic.version = 14 : i64} {
  func.func @_b3_body(%arg0: i32, %arg1: memref<2048x128xf32, #tpu.memory_space<vmem>>, %arg2: memref<2048x128xf32, #tpu.memory_space<vmem>>, %arg3: memref<2048x128xf32, #tpu.memory_space<vmem>>, %arg4: memref<2048x1xf32, #tpu.memory_space<vmem>>, %arg5: memref<1x128xf32, #tpu.memory_space<vmem>>, %arg6: memref<2048x128xf32, #tpu.memory_space<vmem>>) attributes {dimension_semantics = [#tpu.dimension_semantics<arbitrary>], iteration_bounds = array<i64: 5>, scalar_prefetch = 0 : i64, scratch_operands = 0 : i64, tpu.core_type = #tpu.core_type<tc>, window_params = [{transform_indices = @transform_0, window_bounds = array<i64: 2048, 128>}, {transform_indices = @transform_1, window_bounds = array<i64: 2048, 128>}, {transform_indices = @transform_2, window_bounds = array<i64: 2048, 128>}, {transform_indices = @transform_3, window_bounds = array<i64: 2048, 1>}, {pipeline_mode = #tpu.pipeline_mode<synchronous>, transform_indices = @transform_4, window_bounds = array<i64: 1, 128>}, {transform_indices = @transform_5, window_bounds = array<i64: 2048, 128>}]} {
    %get3A = arith.constant 0 : index
    %get3A_0 = arith.constant 0 : index
    %get3A_1 = vector.load %arg4[%get3A, %get3A_0] : memref<2048x1xf32, #tpu.memory_space<vmem>>, vector<2048x1xf32>
    %get3A_2 = arith.constant 0 : index
    %get3A_3 = arith.constant 0 : index
    %get3A_4 = vector.load %arg1[%get3A_2, %get3A_3] : memref<2048x128xf32, #tpu.memory_space<vmem>>, vector<2048x128xf32>
    %get3A_5 = arith.constant 0 : index
    %get3A_6 = arith.constant 0 : index
    %get3A_7 = vector.load %arg2[%get3A_5, %get3A_6] : memref<2048x128xf32, #tpu.memory_space<vmem>>, vector<2048x128xf32>
    %add3A = arith.addf %get3A_4, %get3A_7 : vector<2048x128xf32>
    %get3A_8 = arith.constant 0 : index
    %get3A_9 = arith.constant 0 : index
    %get3A_10 = vector.load %arg3[%get3A_8, %get3A_9] : memref<2048x128xf32, #tpu.memory_space<vmem>>, vector<2048x128xf32>
    %add3A_11 = arith.addf %add3A, %get3A_10 : vector<2048x128xf32>
    %mul3A = vector.broadcast %get3A_1 : vector<2048x1xf32> to vector<2048x128xf32>
    %mul3A_12 = arith.mulf %mul3A, %add3A_11 : vector<2048x128xf32>
    %get3A_13 = arith.constant 0 : index
    %get3A_14 = arith.constant 0 : index
    %get3A_15 = vector.load %arg5[%get3A_13, %get3A_14] : memref<1x128xf32, #tpu.memory_space<vmem>>, vector<1x128xf32>
    %add3A_16 = vector.broadcast %get3A_15 : vector<1x128xf32> to vector<2048x128xf32>
    %add3A_17 = arith.addf %mul3A_12, %add3A_16 : vector<2048x128xf32>
    %swap3A = arith.constant 0 : index
    %swap3A_18 = arith.constant 0 : index
    %swap3A_19 = vector.load %arg6[%swap3A, %swap3A_18] : memref<2048x128xf32, #tpu.memory_space<vmem>>, vector<2048x128xf32>
    tpu.vector_store %arg6[%swap3A, %swap3A_18], %add3A_17 {strides = array<i32>} : memref<2048x128xf32, #tpu.memory_space<vmem>>, vector<2048x128xf32>,
    return
  }
  func.func @transform_0(%arg0: i32) -> (i32, i32) {
    %c0_i32 = arith.constant 0 : i32
    %c0_i32_0 = arith.constant 0 : i32
    return %arg0, %c0_i32 : i32, i32
  }
  func.func @transform_1(%arg0: i32) -> (i32, i32) {
    %c0_i32 = arith.constant 0 : i32
    %c0_i32_0 = arith.constant 0 : i32
    return %arg0, %c0_i32 : i32, i32
  }
  func.func @transform_2(%arg0: i32) -> (i32, i32) {
    %c0_i32 = arith.constant 0 : i32
    %c0_i32_0 = arith.constant 0 : i32
    return %arg0, %c0_i32 : i32, i32
  }
  func.func @transform_3(%arg0: i32) -> (i32, i32) {
    %c0_i32 = arith.constant 0 : i32
    %c0_i32_0 = arith.constant 0 : i32
    return %arg0, %c0_i32 : i32, i32
  }
  func.func @transform_4(%arg0: i32) -> (i32, i32) {
    %c0_i32 = arith.constant 0 : i32
    %c0_i32_0 = arith.constant 0 : i32
    %c0_i32_1 = arith.constant 0 : i32
    return %c0_i32, %c0_i32_0 : i32, i32
  }
  func.func @transform_5(%arg0: i32) -> (i32, i32) {
    %c0_i32 = arith.constant 0 : i32
    %c0_i32_0 = arith.constant 0 : i32
    return %arg0, %c0_i32 : i32, i32
  }
}

</mosaic_0001>

<sc_bundles>
// kernel: kernel.12.cloned.1.call-start
scs
__scs_entry_jumppad:
0x0: {  	(pc) =	sbr.rel $0x88, $3  }
0x1: {  	(tag) =	ssettag $0x0;
	lr =	simm.s32 $0x1  }
0x2: {  	[smem:$0x3F99] =	sst lr;
	_ =	strace $0xD0000000  }
0x3: {  	_ = 	snop  }
0x4: {  	_ = 	snop  }
0x5: {  	_ = 	snop  }
0x6: {  	_ = 	snop  }
0x7: {  	_ = 	snop  }
__scs_overlays_trampoline_lowered:
0x8: {  	[smem:$0x3FA8] =	sst s0  }
0x9: {  	[smem:$0x3FA9] =	sst s1  }
0xa: {  	[smem:$0x3FAA] =	sst s2  }
0xb: {  	[smem:$0x3FAB] =	sst s3  }
0xc: {  	[smem:$0x3FAC] =	sst s4  }
0xd: {  	[smem:$0x3FAD] =	sst s5  }
0xe: {  	[smem:$0x3FAE] =	sst s6  }
0xf: {  	[smem:$0x3FAF] =	sst s7  }
0x10: {  	[smem:$0x3FB0] =	sst s8  }
0x11: {  	[smem:$0x3FB1] =	sst s9;
	s0 =	simm.s32 @!p0 $0x0  }
0x12: {  	s1 =	sld [smem:$0x3F97];
	s0 =	simm.s32 @p0 $0x1  }
0x13: {  	[smem:$0x3FB2] =	sst s0;
	s0 =	simm.s32 @!p1 $0x0  }
0x14: {  	s2 =	sld [smem:$0x3F96];
	s0 =	simm.s32 @p1 $0x1  }
0x15: {  	[smem:$0x3FB3] =	sst s0;
	s0 =	simm.s32 @!p2 $0x0  }
0x16: {  	s3 =	sld [smem:$0x3FDB];
	s0 =	simm.s32 @p2 $0x1  }
0x17: {  	s4 =	simm.s32 $0x1BF5;
	[smem:$0x3FB5] =	sst s0  }
0x18: {  	s0 =	sld [smem:$0x3F98];
	_ =	swait.ge [sflag:s4], $0x0  }
0x19: {  	s7 =	sld [smem:$0x3F99]  }
0x1a: {  	s8 =	sadd.s32 $0xFFFFE003, lr  }
0x1b: {  	s9 =	sadd.s32 $0xFFFFFEF7, lr;
	s5 =	simm.s32 $0xFFFFFFFF;
	p2 =	slt.u32 s8, $0xFFFFF086  }
0x1c: {  	p1 =	slt.u32 s9, $0xF7A;
	s5 =	simm.s32 @!p2 $0x0  }
0x1d: {  	s5 =	simm.s32 @p1 $0x1;
	p0 =	seq.s32 s7, s2  }
0x1e: {  	s7 =	smul.u32 @!p0 $0xF7A, s2;
	p2 =	seq.s32 @!p0 s5, $0x0  }
0x1f: {  	s9 =	smul.u32 $0xF7A, s1;
	s8 =	simm.s32 @!p0 $0x1BF5;
	p2 =	por !p2, p0  }
0x20: {  	[sflag:s8] =	ssyncset.s32 @!p0 $0xFFFFF086;
	s6 =	sadd.s32 @!p0 s3, s7;
	s7 =	simm.s32 @!p0 $0x108  }
0x21: {  	s3 =	sadd.s32 s3, s9;
	s6 =	sadd.s32 @!p0 $0x88, s6;
	s7 =	simm.s32 @p2 $0x1082  }
0x22: {  	[simem:s7], [sflag:s8] =	dma.local @!p0 [hbm:s6], $0xF7A  }
0x23: {  	s9 =	sor.u32 $0xD0000000, s2;
	s6 =	simm.s32 $0x108;
	_ =	swait.ge @!p0 [sflag:s8], $0x0  }
0x24: {  	s3 =	sadd.s32 $0x88, s3;
	s6 =	simm.s32 @!p1 $0x1082;
	[sflag:s4] =	ssyncset.s32 $0xFFFFF086  }
0x25: {  	[simem:s6], [sflag:s4] =	dma.local [hbm:s3], $0xF7A  }
0x26: {  	[smem:$0x3F99] =	sst s1;
	(tag) =	ssettag s2;
	_ =	strace s9  }
0x27: {  	s1 =	sld [smem:$0x3FA9]  }
0x28: {  	s2 =	sld [smem:$0x3FAA]  }
0x29: {  	s4 =	sld [smem:$0x3FAC]  }
0x2a: {  	p0 =	seq.s32 s5, $0x0;
	s5 =	sld [smem:$0x3FAD]  }
0x2b: {  	s6 =	sld [smem:$0x3FAE]  }
0x2c: {  	s7 =	sld [smem:$0x3FAF]  }
0x2d: {  	s3 =	simm.s32 $0x108;
	s8 =	sld [smem:$0x3FB0]  }
0x2e: {  	s3 =	simm.s32 @!p0 $0x1082;
	s9 =	sld [smem:$0x3FB1]  }
0x2f: {  	lr =	sadd.s32 s0, s3;
	s0 =	sld [smem:$0x3FA8]  }
0x30: {  	s3 =	sld [smem:$0x3FAB]  }
0x31: {  	[smem:$0x3FB4] =	sst s10  }
0x32: {  	s10 =	sld [smem:$0x3FB2];
	_ =	sdelay $0x3  }
0x33: {  	p0 =	seq.s32 s10, $0x1;
	s10 =	sld [smem:$0x3FB4];
	_ =	sdelay $0x3  }
0x34: {  	[smem:$0x3FB4] =	sst s10  }
0x35: {  	s10 =	sld [smem:$0x3FB3];
	_ =	sdelay $0x3  }
0x36: {  	p1 =	seq.s32 s10, $0x1;
	s10 =	sld [smem:$0x3FB4];
	_ =	sdelay $0x3  }
0x37: {  	[smem:$0x3FB4] =	sst s10  }
0x38: {  	s10 =	sld [smem:$0x3FB5]  }
0x39: {  	_ = 	snop;
	(pc) =	sbr.ind lr, $3  }
0x3a: {  	_ = 	snop  }
0x3b: {  	_ = 	snop  }
0x3c: {  	p2 =	seq.s32 s10, $0x1;
	s10 =	sld [smem:$0x3FB4]  }
0x3d: {  	_ =	shalt  }
0x3e: {  	_ =	shalt  }
0x3f: {  	_ =	shalt  }
0x40: {  	_ =	shalt  }
0x41: {  	_ =	shalt  }
0x42: {  	_ =	shalt  }
0x43: {  	_ =	shalt  }
0x44: {  	_ =	shalt  }
0x45: {  	_ =	shalt  }
0x46: {  	_ =	shalt  }
0x47: {  	_ =	shalt  }
0x48: {  	_ =	shalt  }
0x49: {  	_ =	shalt  }
0x4a: {  	_ =	shalt  }
0x4b: {  	_ =	shalt  }
0x4c: {  	_ =	shalt  }
0x4d: {  	_ =	shalt  }
0x4e: {  	_ =	shalt  }
0x4f: {  	_ =	shalt  }
0x50: {  	_ =	shalt  }
0x51: {  	_ =	shalt  }
0x52: {  	_ =	shalt  }
0x53: {  	_ =	shalt  }
0x54: {  	_ =	shalt  }
0x55: {  	_ =	shalt  }
0x56: {  	_ =	shalt  }
0x57: {  	_ =	shalt  }
0x58: {  	_ =	shalt  }
0x59: {  	_ =	shalt  }
0x5a: {  	_ =	shalt  }
0x5b: {  	_ =	shalt  }
0x5c: {  	_ =	shalt  }
0x5d: {  	_ =	shalt  }
0x5e: {  	_ =	shalt  }
0x5f: {  	_ =	shalt  }
0x60: {  	_ =	shalt  }
0x61: {  	_ =	shalt  }
0x62: {  	_ =	shalt  }
0x63: {  	_ =	shalt  }
0x64: {  	_ =	shalt  }
0x65: {  	_ =	shalt  }
0x66: {  	_ =	shalt  }
0x67: {  	_ =	shalt  }
0x68: {  	_ =	shalt  }
0x69: {  	_ =	shalt  }
0x6a: {  	_ =	shalt  }
0x6b: {  	_ =	shalt  }
0x6c: {  	_ =	shalt  }
0x6d: {  	_ =	shalt  }
0x6e: {  	_ =	shalt  }
0x6f: {  	_ =	shalt  }
0x70: {  	_ =	shalt  }
0x71: {  	_ =	shalt  }
0x72: {  	_ =	shalt  }
0x73: {  	_ =	shalt  }
0x74: {  	_ =	shalt  }
0x75: {  	_ =	shalt  }
0x76: {  	_ =	shalt  }
0x77: {  	_ =	shalt  }
0x78: {  	_ =	shalt  }
0x79: {  	_ =	shalt  }
0x7a: {  	_ =	shalt  }
0x7b: {  	_ =	shalt  }
0x7c: {  	_ =	shalt  }
0x7d: {  	_ =	shalt  }
0x7e: {  	_ =	shalt  }
0x7f: {  	_ =	shalt  }
0x80: {  	_ =	shalt  }
0x81: {  	_ =	shalt  }
0x82: {  	_ =	shalt  }
0x83: {  	_ =	shalt  }
0x84: {  	_ =	shalt  }
0x85: {  	_ =	shalt  }
0x86: {  	_ =	shalt  }
0x87: {  	_ =	shalt  }
.Lfunc_end0:
.L_simem_size_0:
called_computation.1_lowered:
.L_overlay_start_0:
0x88: {  	s2 =	sld [smem:$0x3FD9]  }
0x89: {  	s3 =	sld [smem:$0x3FFE];
	_ =	sdelay $0x1  }
0x8a: {  	s1 =	srdreg.scid  }
0x8b: {  	s0 =	sand.u32 $0x1, s1  }
0x8c: {  	s16 =	sshll.u32 s0, $0xA;
	s2 =	sadd.s32 s3, s2  }
0x8d: {  	s2 =	sadd.s32 s2, s16  }
0x8e: {  	[smem:$0x3FC0] =	sst s2  }
0x8f: {  	_ = 	snop  }
0x90: {  	(tm) =	ssettm $0x1  }
0x91: {  	s17 =	sld [smem:$0x3FFB];
	_ =	sdelay $0x3  }
0x92: {  	_ =	strace s17  }
0x93: {  	s2 =	sld [smem:$0x3FFC];
	_ =	sdelay $0x3  }
0x94: {  	_ =	strace s2  }
0x95: {  	s2 =	sld [smem:$0x3FFD];
	_ =	sdelay $0x3  }
0x96: {  	_ =	strace s2  }
0x97: {  	_ =	strace $0x8FFFFFFF  }
0x98: {  	s18 =	sld [smem:$0x3FDB];
	_ =	sdelay $0x1  }
0x99: {  	s19 =	simm.s32 $_scs_section_size  }
0x9a: {  	s4 =	simm.s32 $_size__tile_overlayer_lowered;
	s5 =	simm.s32 $_tile_overlayer_lowered  }
0x9b: {  	s22 =	simm.s32 $0x1BFF;
	s21 =	sshll.u32 s5, $0x1;
	s2 =	sadd.s32 s19, s18  }
0x9c: {  	s6 =	simm.s32 $0x0;
	s20 =	sshll.u32 s4, $0x1;
	s4 =	sadd.s32 s21, s2  }
0x9d: {  	[timem:s6], [sflag:s22] =	dma.local [hbm:s4], s20  }
0x9e: {  	_ =	swait.ge [sflag:s22], s20  }
0x9f: {  	s3 =	ssub.s32 $0x0, s20;
	[sflag:s22] =	ssyncset.done $0x0  }
0xa0: {  	[sflag:s22] =	ssyncadd.s32 s3;
	_ =	sdelay $0x1  }
0xa1: {  	s23 =	simm.s32 $0x1B8B  }
0xa2: {  	_ =	swait.ge [sflag:s23], $0x1  }
0xa3: {  	[sflag:s23] =	ssyncset.done $0x0  }
0xa4: {  	s25 =	simm.s32 $0x1B8E;
	s24 =	sld [smem:$0x3FFE];
	[sflag:s23] =	ssyncadd.s32 $0xFFFFFFFF  }
0xa5: {  	s26 =	simm.s32 $execute0_lowered;
	[smem:$0x3FD2] =	sst s25  }
0xa6: {  	s4 =	sshll.u32 s26, $0x1;
	_ =	strace $0x80000049;
	[dreg:$0x1] =	wrdreg $0xFFFFFFFF  }
0xa7: {  	s28 =	simm.s32 $_size_execute0_lowered;
	s2 =	sadd.s32 s2, s4;
	[dreg:$0x0] =	wrdreg $0x0  }
0xa8: {  	s4 =	sshll.u32 s28, $0x1;
	[dreg:$0x2] =	wrdreg s2  }
0xa9: {  	[dreg:$0x3] =	wrdreg s4  }
0xaa: {  	[dreg:$0x4] =	wrdreg $0xC0  }
0xab: {  	_ =	task [dreg:s6], $0x5FFFF  }
0xac: {  	[dreg:$0x1] =	wrdreg $0xFFFFFFFF  }
0xad: {  	[dreg:$0x0] =	wrdreg $0x60  }
0xae: {  	[dreg:$0x2] =	wrdreg s24  }
0xaf: {  	[dreg:$0x3] =	wrdreg $0xA8000  }
0xb0: {  	[dreg:$0x4] =	wrdreg $0x9  }
0xb1: {  	_ =	task.clear_ibuf [dreg:s6], $0x5FFFF;
	_ =	strace $0x90000049  }
0xb2: {  	s29 =	simm.s32 $0x9;
	_ =	strace $0x8000004B  }
0xb3: {  	_ =	swait.ge [sflag:s29], $0x1  }
0xb4: {  	[sflag:s29] =	ssyncadd.s32 $0xFFFFFFFF  }
0xb5: {  	_ =	strace $0x9000004B  }
0xb6: {  	_ =	sfence  }
0xb7: {  	s30 =	sld [smem:$0x0];
	_ =	sdelay $0x2  }
0xb8: {  	s31 =	sshll.u32 s1, $0xD;
	s1 =	sshrl.u32 s1, $0x2  }
0xb9: {  	s3 =	sand.u32 $0x4000, s31;
	s1 =	sadd.s32 s1, s30  }
0xba: {  	s0 =	sor.u32 s3, s0;
	s1 =	sshll.u32 s1, $0x11  }
0xbb: {  	s0 =	sor.u32 s1, s0  }
0xbc: {  	s0 =	sadd.s32 $0x8F2B, s0  }
0xbd: {  	[sflag:s0] =	ssyncadd.remote.s32 $0x1  }
0xbe: {  	_ =	sfence.sel $0xFFFF  }
0xbf: {  	[dreg:$0x0] =	wrdreg $0xFFFFFFFF;
	(pc) =	sbr.abs _section_cstart, $3  }
0xc0: {  	[dreg:$0x1] =	wrdreg $0xFFFFFFFF  }
0xc1: {  	_ =	task.clear_ibuf [dreg:s6], $0x2FFFF;
	_ =	strace $0x9FFFFFFF  }
0xc2: {  	(tm) =	ssettm $0x7FFFFFFF  }
0xc3: {  	_ =	shalt  }
tec
execute0_lowered:
.L_overlay_start_1:
0x0: {  	(tag) =	ssettag $0x1  }
0x1: {  	s1 =	rddreg [dreg:$0x0];
	s3 =	srdreg.scid  }
0x2: {  	s0 =	stileid.u32;
	s2 =	rddreg [dreg:$0x1]  }
0x3: {  	s12 =	simm.s32 $0x1400;
	s13 =	simm.s32 $0x40;
	s14 =	simm.s32 $0x2800  }
0x4: {  	s15 =	simm.s32 $0x3D;
	s16 =	simm.s32 $0x4800;
	s17 =	simm.s32 $0x80  }
0x5: {  	s18 =	simm.s32 $0x6680;
	s19 =	simm.s32 $0xC0;
	s20 =	simm.s32 $0x8680  }
0x6: {  	s21 =	simm.s32 $0x1;
	s22 =	simm.s32 $0x7D;
	s23 =	simm.s32 $0x3  }
0x7: {  	s28 =	simm.s32 $0x2700;
	s29 =	simm.s32 $0x2780;
	s30 =	simm.s32 $0x0  }
0x8: {  	s5 =	sand.u32 $0x1, s3;
	s4 =	sshll.u32 s0, $0x1;
	s3 =	simm.s32 $0x0  }
0x9: {  	s9 =	smul.u32 $0x50000, s0;
	s31 =	sshll.u32 s0, $0x6;
	s4 =	sor.u32 s5, s4  }
0xa: {  	[smem:$0x7FF] =	sst s3;
	s7 =	smul.u32 $0x28000, s5;
	s24 =	ssub.s32 $0x2, s5  }
0xb: {  	s5 =	sadd.s32 $0xF600, s1;
	s6 =	smul.u32 $0x500, s4;
	_ =	strace $0x8000004A  }
0xc: {  	s4 =	sadd.s32 $0x11E00, s1;
	s25 =	sshrl.u32 s24, $0x1;
	s26 =	sshrl.u32 s9, $0x2  }
0xd: {  	s10 =	ssub.s32 s24, s25;
	s11 =	sadd.s32 s26, s2;
	s24 =	smul.u32 $0x2800, s0  }
0xe: {  	s25 =	simm.s32 $0x2;
	s26 =	simm.s32 $0x4;
	s8 =	sadd.s32 s6, s1  }
0xf: {  	s1 =	sadd.s32 s7, s1;
	s6 =	sor.u32 $0x1C05, s31;
	s9 =	smax.u32 s10, $0x1  }
0x10: {  	s10 =	sshrl.u32 s11, $0x3;
	s11 =	simm.s32 $0x5;
	s1 =	sadd.s32 $0x94200, s1  }
0x11: {  	s7 =	sadd.s32 $0x8A200, s8;
	s8 =	sadd.s32 $0x4E00, s8;
	s24 =	sadd.s32 s24, s1  }
.LBB2_1:
0x12: {  	[spmem:s10], [sflag:s6] =	dma.local [hbm:s5], $0x2800  }
0x13: {  	_ =	swait.ge [sflag:s11], $0x2800  }
0x14: {  	[sflag:s11] =	ssyncset.done $0x0  }
0x15: {  	[sflag:s11] =	ssyncadd.s32 $0xFFFFD800  }
0x16: {  	[bflag:$0x0] =	sbarrier.arrive $0xFFFF  }
0x17: {  	[tilespmem:s3], [sflag:$0x5] =	stream.linear.gather [hbm4b:s7+s3], $0x1400, $0x38;
	[tilespmem:$0x1E800] =	vst v63  }
0x18: {  	_ =	swait.ge [sflag:s11], $0x1400  }
0x19: {  	[sflag:s11] =	ssyncset.done $0x0  }
0x1a: {  	[sflag:s11] =	ssyncadd.s32 $0xFFFFEC00  }
0x1b: {  	[tilespmem:s12], [sflag:$0x5] =	stream.linear.gather [hbm4b:s8+s3], $0x1400, $0x38;
	[tilespmem:$0x1E800] =	vst v63  }
0x1c: {  	_ =	swait.ge [sflag:s11], $0x1400  }
0x1d: {  	[sflag:s11] =	ssyncset.done $0x0  }
0x1e: {  	[sflag:s11] =	ssyncadd.s32 $0xFFFFEC00  }
0x1f: {  	[tilespmem:s14], [sflag:$0x1] =	stream.indirect.gather [hbm4b:s4+s13], $0x80, s3, s13, $0xb8;
	[tilespmem:$0x1E800] =	vst v63  }
0x20: {  	_ = 	snop  }
0x21: {  	[tilespmem:s16], [sflag:$0x1] =	stream.indirect.gather [hbm4b:s4+s15], $0x80, s13, s15, $0xb8;
	[tilespmem:$0x1E800] =	vst v63  }
0x22: {  	_ = 	snop  }
0x23: {  	[tilespmem:s18], [sflag:$0x2] =	stream.indirect.gather [hbm4b:s4+s13], $0x80, s17, s13, $0xb8;
	[tilespmem:$0x1E800] =	vst v63  }
0x24: {  	_ = 	snop  }
0x25: {  	[tilespmem:s20], [sflag:$0x2] =	stream.indirect.gather [hbm4b:s4+s15], $0x80, s19, s15, $0xb8;
	[tilespmem:$0x1E800] =	vst v63  }
0x26: {  	_ =	swait.ge [sflag:s21], $0x2000  }
0x27: {  	[sflag:s21] =	ssyncset.done $0x0  }
0x28: {  	[sflag:s21] =	ssyncadd.s32 $0xFFFFE000  }
0x29: {  	_ =	swait.ge [sflag:s21], $0x1E80  }
0x2a: {  	[sflag:s21] =	ssyncset.done $0x0  }
0x2b: {  	s1 =	simm.s32 $0x1400;
	[sflag:s21] =	ssyncadd.s32 $0xFFFFE180  }
0x2c: {  	[spmem:s2] =	stream.indirect.scatter.add.f32 [tilespmem:s14], [sflag:$0x3], $0x80, s1, s22, $0xb8;
	[tilespmem:$0x1E800] =	vst v63  }
0x2d: {  	_ =	swait.ge [sflag:s23], $0x3E80  }
0x2e: {  	[sflag:s23] =	ssyncset.done $0x0  }
0x2f: {  	s0 =	simm.s32 $0x100;
	[sflag:s23] =	ssyncadd.s32 $0xFFFFC180  }
0x30: {  	[tilespmem:s14], [sflag:$0x1] =	stream.indirect.gather [hbm4b:s4+s13], $0x80, s0, s13, $0xb8;
	[tilespmem:$0x1E800] =	vst v63  }
0x31: {  	s0 =	simm.s32 $0x140  }
0x32: {  	[tilespmem:s16], [sflag:$0x1] =	stream.indirect.gather [hbm4b:s4+s15], $0x80, s0, s15, $0xb8;
	[tilespmem:$0x1E800] =	vst v63  }
0x33: {  	_ =	swait.ge [sflag:s25], $0x2000  }
0x34: {  	[sflag:s25] =	ssyncset.done $0x0  }
0x35: {  	[sflag:s25] =	ssyncadd.s32 $0xFFFFE000  }
0x36: {  	_ =	swait.ge [sflag:s25], $0x1E80  }
0x37: {  	[sflag:s25] =	ssyncset.done $0x0  }
0x38: {  	s0 =	simm.s32 $0x1480;
	[sflag:s25] =	ssyncadd.s32 $0xFFFFE180  }
0x39: {  	[spmem:s2] =	stream.indirect.scatter.add.f32 [tilespmem:s18], [sflag:$0x4], $0x80, s0, s22, $0xb8;
	[tilespmem:$0x1E800] =	vst v63  }
0x3a: {  	_ =	swait.ge [sflag:s26], $0x3E80  }
0x3b: {  	s31 =	simm.s32 $0x400;
	[sflag:s26] =	ssyncset.done $0x0  }
0x3c: {  	s1 =	simm.s32 $0x1C0;
	s0 =	simm.s32 $0x180;
	[sflag:s26] =	ssyncadd.s32 $0xFFFFC180  }
0x3d: {  	[tilespmem:s18], [sflag:$0x2] =	stream.indirect.gather [hbm4b:s4+s13], $0x80, s0, s13, $0xb8;
	[tilespmem:$0x1E800] =	vst v63  }
.LBB2_2:
0x3e: {  	[tilespmem:s20], [sflag:$0x2] =	stream.indirect.gather [hbm4b:s4+s15], $0x80, s1, s15, $0xb8;
	[tilespmem:$0x1E800] =	vst v63  }
0x3f: {  	s1 =	smov.u32 s31  }
0x40: {  	p0 =	sne.s32 s31, $0x4800;
	s31 =	sadd.s32 $0x400, s31;
	_ =	swait.ge [sflag:s21], $0x2000  }
0x41: {  	[sflag:s21] =	ssyncset.done $0x0  }
0x42: {  	[sflag:s21] =	ssyncadd.s32 $0xFFFFE000  }
0x43: {  	_ =	swait.ge [sflag:s21], $0x1E80  }
0x44: {  	s1 =	sshra.s32 s1, $0x2;
	[sflag:s21] =	ssyncset.done $0x0  }
0x45: {  	s0 =	sadd.s32 $0x1400, s1;
	[sflag:s21] =	ssyncadd.s32 $0xFFFFE180  }
0x46: {  	[spmem:s2] =	stream.indirect.scatter.add.f32 [tilespmem:s14], [sflag:$0x3], $0x80, s0, s22, $0xb8;
	[tilespmem:$0x1E800] =	vst v63  }
0x47: {  	_ =	swait.ge [sflag:s23], $0x3E80  }
0x48: {  	[sflag:s23] =	ssyncset.done $0x0  }
0x49: {  	s0 =	sadd.s32 $0x100, s1;
	[sflag:s23] =	ssyncadd.s32 $0xFFFFC180  }
0x4a: {  	[tilespmem:s14], [sflag:$0x1] =	stream.indirect.gather [hbm4b:s4+s13], $0x80, s0, s13, $0xb8;
	[tilespmem:$0x1E800] =	vst v63  }
0x4b: {  	s0 =	sadd.s32 $0x140, s1  }
0x4c: {  	[tilespmem:s16], [sflag:$0x1] =	stream.indirect.gather [hbm4b:s4+s15], $0x80, s0, s15, $0xb8;
	[tilespmem:$0x1E800] =	vst v63  }
0x4d: {  	_ =	swait.ge [sflag:s25], $0x2000  }
0x4e: {  	[sflag:s25] =	ssyncset.done $0x0  }
0x4f: {  	[sflag:s25] =	ssyncadd.s32 $0xFFFFE000  }
0x50: {  	_ =	swait.ge [sflag:s25], $0x1E80  }
0x51: {  	[sflag:s25] =	ssyncset.done $0x0  }
0x52: {  	s0 =	sadd.s32 $0x1480, s1;
	[sflag:s25] =	ssyncadd.s32 $0xFFFFE180  }
0x53: {  	[spmem:s2] =	stream.indirect.scatter.add.f32 [tilespmem:s18], [sflag:$0x4], $0x80, s0, s22, $0xb8;
	[tilespmem:$0x1E800] =	vst v63  }
.Ltmp0:
0x54: {  	_ =	swait.ge [sflag:s26], $0x3E80;
	(pc) =	sbr.rel @p0 .LBB2_2-.Ltmp0, $4  }
0x55: {  	[sflag:s26] =	ssyncset.done $0x0  }
0x56: {  	s0 =	sadd.s32 $0x180, s1;
	[sflag:s26] =	ssyncadd.s32 $0xFFFFC180  }
0x57: {  	[tilespmem:s18], [sflag:$0x2] =	stream.indirect.gather [hbm4b:s4+s13], $0x80, s0, s13, $0xb8;
	[tilespmem:$0x1E800] =	vst v63  }
0x58: {  	s1 =	sadd.s32 $0x1C0, s1  }
0x59: {  	[tilespmem:s20], [sflag:$0x2] =	stream.indirect.gather [hbm4b:s4+s15], $0x80, s1, s15, $0xb8;
	[tilespmem:$0x1E800] =	vst v63  }
0x5a: {  	_ =	swait.ge [sflag:s21], $0x2000  }
0x5b: {  	[sflag:s21] =	ssyncset.done $0x0  }
0x5c: {  	[sflag:s21] =	ssyncadd.s32 $0xFFFFE000  }
0x5d: {  	_ =	swait.ge [sflag:s21], $0x1E80  }
0x5e: {  	[sflag:s21] =	ssyncset.done $0x0  }
0x5f: {  	[sflag:s21] =	ssyncadd.s32 $0xFFFFE180  }
0x60: {  	[spmem:s2] =	stream.indirect.scatter.add.f32 [tilespmem:s14], [sflag:$0x3], $0x80, s28, s22, $0xb8;
	[tilespmem:$0x1E800] =	vst v63  }
0x61: {  	_ =	swait.ge [sflag:s23], $0x3E80  }
0x62: {  	[sflag:s23] =	ssyncset.done $0x0  }
0x63: {  	[sflag:s23] =	ssyncadd.s32 $0xFFFFC180  }
0x64: {  	_ =	swait.ge [sflag:s25], $0x2000  }
0x65: {  	[sflag:s25] =	ssyncset.done $0x0  }
0x66: {  	[sflag:s25] =	ssyncadd.s32 $0xFFFFE000  }
0x67: {  	_ =	swait.ge [sflag:s25], $0x1E80  }
0x68: {  	[sflag:s25] =	ssyncset.done $0x0  }
0x69: {  	[sflag:s25] =	ssyncadd.s32 $0xFFFFE180  }
0x6a: {  	[spmem:s2] =	stream.indirect.scatter.add.f32 [tilespmem:s18], [sflag:$0x4], $0x80, s29, s22, $0xb8;
	[tilespmem:$0x1E800] =	vst v63  }
0x6b: {  	_ =	swait.ge [sflag:s26], $0x3E80  }
0x6c: {  	[sflag:s26] =	ssyncset.done $0x0  }
0x6d: {  	s0 =	sadd.s32 $0x280, s7;
	s1 =	simm.s32 $0x0;
	[sflag:s26] =	ssyncadd.s32 $0xFFFFC180  }
0x6e: {  	[tilespmem:s1], [sflag:$0x5] =	stream.linear.gather [hbm4b:s0+s1], $0x1400, $0x38;
	[tilespmem:$0x1E800] =	vst v63  }
0x6f: {  	_ =	swait.ge [sflag:s11], $0x1400  }
0x70: {  	[sflag:s11] =	ssyncset.done $0x0  }
0x71: {  	s0 =	sadd.s32 $0x280, s8;
	[sflag:s11] =	ssyncadd.s32 $0xFFFFEC00  }
0x72: {  	[tilespmem:s12], [sflag:$0x5] =	stream.linear.gather [hbm4b:s0+s1], $0x1400, $0x38;
	[tilespmem:$0x1E800] =	vst v63  }
0x73: {  	_ =	swait.ge [sflag:s11], $0x1400  }
0x74: {  	[sflag:s11] =	ssyncset.done $0x0  }
0x75: {  	[sflag:s11] =	ssyncadd.s32 $0xFFFFEC00  }
0x76: {  	[tilespmem:s14], [sflag:$0x1] =	stream.indirect.gather [hbm4b:s4+s13], $0x80, s1, s13, $0xb8;
	[tilespmem:$0x1E800] =	vst v63  }
0x77: {  	_ = 	snop  }
0x78: {  	[tilespmem:s16], [sflag:$0x1] =	stream.indirect.gather [hbm4b:s4+s15], $0x80, s13, s15, $0xb8;
	[tilespmem:$0x1E800] =	vst v63  }
0x79: {  	_ = 	snop  }
0x7a: {  	[tilespmem:s18], [sflag:$0x2] =	stream.indirect.gather [hbm4b:s4+s13], $0x80, s17, s13, $0xb8;
	[tilespmem:$0x1E800] =	vst v63  }
0x7b: {  	_ = 	snop  }
0x7c: {  	[tilespmem:s20], [sflag:$0x2] =	stream.indirect.gather [hbm4b:s4+s15], $0x80, s19, s15, $0xb8;
	[tilespmem:$0x1E800] =	vst v63  }
0x7d: {  	_ =	swait.ge [sflag:s21], $0x2000  }
0x7e: {  	[sflag:s21] =	ssyncset.done $0x0  }
0x7f: {  	[sflag:s21] =	ssyncadd.s32 $0xFFFFE000  }
0x80: {  	_ =	swait.ge [sflag:s21], $0x1E80  }
0x81: {  	[sflag:s21] =	ssyncset.done $0x0  }
0x82: {  	s1 =	simm.s32 $0x1400;
	[sflag:s21] =	ssyncadd.s32 $0xFFFFE180  }
0x83: {  	[spmem:s2] =	stream.indirect.scatter.add.f32 [tilespmem:s14], [sflag:$0x3], $0x80, s1, s22, $0xb8;
	[tilespmem:$0x1E800] =	vst v63  }
0x84: {  	_ =	swait.ge [sflag:s23], $0x3E80  }
0x85: {  	[sflag:s23] =	ssyncset.done $0x0  }
0x86: {  	s1 =	simm.s32 $0x100;
	[sflag:s23] =	ssyncadd.s32 $0xFFFFC180  }
0x87: {  	[tilespmem:s14], [sflag:$0x1] =	stream.indirect.gather [hbm4b:s4+s13], $0x80, s1, s13, $0xb8;
	[tilespmem:$0x1E800] =	vst v63  }
0x88: {  	s1 =	simm.s32 $0x140  }
0x89: {  	[tilespmem:s16], [sflag:$0x1] =	stream.indirect.gather [hbm4b:s4+s15], $0x80, s1, s15, $0xb8;
	[tilespmem:$0x1E800] =	vst v63  }
0x8a: {  	_ =	swait.ge [sflag:s25], $0x2000  }
0x8b: {  	[sflag:s25] =	ssyncset.done $0x0  }
0x8c: {  	[sflag:s25] =	ssyncadd.s32 $0xFFFFE000  }
0x8d: {  	_ =	swait.ge [sflag:s25], $0x1E80  }
0x8e: {  	[sflag:s25] =	ssyncset.done $0x0  }
0x8f: {  	s1 =	simm.s32 $0x1480;
	[sflag:s25] =	ssyncadd.s32 $0xFFFFE180  }
0x90: {  	[spmem:s2] =	stream.indirect.scatter.add.f32 [tilespmem:s18], [sflag:$0x4], $0x80, s1, s22, $0xb8;
	[tilespmem:$0x1E800] =	vst v63  }
0x91: {  	_ =	swait.ge [sflag:s26], $0x3E80  }
0x92: {  	[sflag:s26] =	ssyncset.done $0x0  }
0x93: {  	s1 =	simm.s32 $0x180;
	[sflag:s26] =	ssyncadd.s32 $0xFFFFC180  }
0x94: {  	[tilespmem:s18], [sflag:$0x2] =	stream.indirect.gather [hbm4b:s4+s13], $0x80, s1, s13, $0xb8;
	[tilespmem:$0x1E800] =	vst v63  }
0x95: {  	s31 =	simm.s32 $0x400;
	s1 =	simm.s32 $0x1C0  }
.LBB2_4:
0x96: {  	[tilespmem:s20], [sflag:$0x2] =	stream.indirect.gather [hbm4b:s4+s15], $0x80, s1, s15, $0xb8;
	[tilespmem:$0x1E800] =	vst v63  }
0x97: {  	s0 =	smov.u32 s31  }
0x98: {  	p0 =	sne.s32 s31, $0x4800;
	s31 =	sadd.s32 $0x400, s31;
	_ =	swait.ge [sflag:s21], $0x2000  }
0x99: {  	[sflag:s21] =	ssyncset.done $0x0  }
0x9a: {  	[sflag:s21] =	ssyncadd.s32 $0xFFFFE000  }
0x9b: {  	_ =	swait.ge [sflag:s21], $0x1E80  }
0x9c: {  	s0 =	sshra.s32 s0, $0x2;
	[sflag:s21] =	ssyncset.done $0x0  }
0x9d: {  	s1 =	sadd.s32 $0x1400, s0;
	[sflag:s21] =	ssyncadd.s32 $0xFFFFE180  }
0x9e: {  	[spmem:s2] =	stream.indirect.scatter.add.f32 [tilespmem:s14], [sflag:$0x3], $0x80, s1, s22, $0xb8;
	[tilespmem:$0x1E800] =	vst v63  }
0x9f: {  	_ =	swait.ge [sflag:s23], $0x3E80  }
0xa0: {  	[sflag:s23] =	ssyncset.done $0x0  }
0xa1: {  	s1 =	sadd.s32 $0x100, s0;
	[sflag:s23] =	ssyncadd.s32 $0xFFFFC180  }
0xa2: {  	[tilespmem:s14], [sflag:$0x1] =	stream.indirect.gather [hbm4b:s4+s13], $0x80, s1, s13, $0xb8;
	[tilespmem:$0x1E800] =	vst v63  }
0xa3: {  	s1 =	sadd.s32 $0x140, s0  }
0xa4: {  	[tilespmem:s16], [sflag:$0x1] =	stream.indirect.gather [hbm4b:s4+s15], $0x80, s1, s15, $0xb8;
	[tilespmem:$0x1E800] =	vst v63  }
0xa5: {  	_ =	swait.ge [sflag:s25], $0x2000  }
0xa6: {  	[sflag:s25] =	ssyncset.done $0x0  }
0xa7: {  	[sflag:s25] =	ssyncadd.s32 $0xFFFFE000  }
0xa8: {  	_ =	swait.ge [sflag:s25], $0x1E80  }
0xa9: {  	[sflag:s25] =	ssyncset.done $0x0  }
0xaa: {  	s1 =	sadd.s32 $0x1480, s0;
	[sflag:s25] =	ssyncadd.s32 $0xFFFFE180  }
0xab: {  	[spmem:s2] =	stream.indirect.scatter.add.f32 [tilespmem:s18], [sflag:$0x4], $0x80, s1, s22, $0xb8;
	[tilespmem:$0x1E800] =	vst v63  }
.Ltmp1:
0xac: {  	_ =	swait.ge [sflag:s26], $0x3E80;
	(pc) =	sbr.rel @p0 .LBB2_4-.Ltmp1, $4  }
0xad: {  	[sflag:s26] =	ssyncset.done $0x0  }
0xae: {  	s1 =	sadd.s32 $0x180, s0;
	[sflag:s26] =	ssyncadd.s32 $0xFFFFC180  }
0xaf: {  	[tilespmem:s18], [sflag:$0x2] =	stream.indirect.gather [hbm4b:s4+s13], $0x80, s1, s13, $0xb8;
	[tilespmem:$0x1E800] =	vst v63  }
0xb0: {  	s1 =	sadd.s32 $0x1C0, s0  }
0xb1: {  	[tilespmem:s20], [sflag:$0x2] =	stream.indirect.gather [hbm4b:s4+s15], $0x80, s1, s15, $0xb8;
	[tilespmem:$0x1E800] =	vst v63  }
0xb2: {  	_ =	swait.ge [sflag:s21], $0x2000  }
0xb3: {  	[sflag:s21] =	ssyncset.done $0x0  }
0xb4: {  	[sflag:s21] =	ssyncadd.s32 $0xFFFFE000  }
0xb5: {  	_ =	swait.ge [sflag:s21], $0x1E80  }
0xb6: {  	[sflag:s21] =	ssyncset.done $0x0  }
0xb7: {  	[sflag:s21] =	ssyncadd.s32 $0xFFFFE180  }
0xb8: {  	[spmem:s2] =	stream.indirect.scatter.add.f32 [tilespmem:s14], [sflag:$0x3], $0x80, s28, s22, $0xb8;
	[tilespmem:$0x1E800] =	vst v63  }
0xb9: {  	_ =	swait.ge [sflag:s23], $0x3E80  }
0xba: {  	[sflag:s23] =	ssyncset.done $0x0  }
0xbb: {  	[sflag:s23] =	ssyncadd.s32 $0xFFFFC180  }
0xbc: {  	_ =	swait.ge [sflag:s25], $0x2000  }
0xbd: {  	[sflag:s25] =	ssyncset.done $0x0  }
0xbe: {  	[sflag:s25] =	ssyncadd.s32 $0xFFFFE000  }
0xbf: {  	_ =	swait.ge [sflag:s25], $0x1E80  }
0xc0: {  	[sflag:s25] =	ssyncset.done $0x0  }
0xc1: {  	[sflag:s25] =	ssyncadd.s32 $0xFFFFE180  }
0xc2: {  	[spmem:s2] =	stream.indirect.scatter.add.f32 [tilespmem:s18], [sflag:$0x4], $0x80, s29, s22, $0xb8;
	[tilespmem:$0x1E800] =	vst v63  }
0xc3: {  	_ =	swait.ge [sflag:s26], $0x3E80  }
0xc4: {  	s30 =	sadd.s32 $0x1, s30;
	[sflag:s26] =	ssyncset.done $0x0  }
0xc5: {  	p0 =	sne.s32 s30, s9;
	[sflag:s26] =	ssyncadd.s32 $0xFFFFC180  }
.Ltmp2:
0xc6: {  	[bflag:$0x0] =	sbarrier.arrive $0xFFFF;
	(pc) =	sbr.rel @p0 .LBB2_1-.Ltmp2, $4  }
0xc7: {  	[hbm:s24], [sflag:s6] =	dma.local [spmem:s10], $0x2800  }
0xc8: {  	_ =	swait.ge [sflag:s11], $0x2800  }
0xc9: {  	[sflag:s11] =	ssyncset.done $0x0  }
0xca: {  	[sflag:s11] =	ssyncadd.s32 $0xFFFFD800  }
0xcb: {  	_ =	sfence.sel $0x180000  }
0xcc: {  	[bflag:$0x0] =	sbarrier.arrive $0xFFFF  }
0xcd: {  	_ =	strace $0x9000004A  }
0xce: {  	s0 =	stileid.u32;
	[bflag:$0x2] =	sbarrier.arrive $0xFFFF  }
0xcf: {  	p0 =	sne.s32 s0, $0x0;
	s0 =	rddreg [dreg:$0x2]  }
0xd0: {  	s0 =	sadd.s32 @!p0 $0x100000, s0  }
0xd1: {  	[sflag:s0] =	ssyncadd.tile.s32 @!p0 $0x1;
	_ =	shalt  }
.Lfunc_end2:
_tile_overlayer_lowered:
.L_overlay_start_2:
0xd2: {  	(tag) =	ssettag $0x2  }
0xd3: {  	s0 =	rddreg [dreg:$0x0];
	s2 =	stileid.u32  }
0xd4: {  	s1 =	rddreg [dreg:$0x1];
	p0 =	sne.s32 s2, $0x0  }
0xd5: {  	s3 =	rddreg [dreg:$0x2];
	[bflag:$0x3] =	sbarrier.arrive $0xFFFF;
	s2 =	simm.s32 @!p0 $0x1C05  }
0xd6: {  	[timem:s3], [sflag:s2] =	dma.local @!p0 [hbm:s0], s1  }
0xd7: {  	s0 =	simm.s32 @!p0 $0x5  }
0xd8: {  	_ =	swait.ge @!p0 [sflag:s0], s1  }
0xd9: {  	s1 =	ssub.s32 @!p0 $0x0, s1;
	[sflag:s0] =	ssyncset.done @!p0 $0x0  }
0xda: {  	[sflag:s0] =	ssyncadd.s32 @!p0 s1  }
0xdb: {  	[bflag:$0x3] =	sbarrier.arrive $0xFFFF  }
0xdc: {  	_ =	shalt  }

// kernel: kernel.15.cloned.1.call-start
scs
__scs_entry_jumppad:
0x0: {  	(pc) =	sbr.rel $0x88, $3  }
0x1: {  	(tag) =	ssettag $0x0;
	lr =	simm.s32 $0x1  }
0x2: {  	[smem:$0x3F99] =	sst lr;
	_ =	strace $0xD0000000  }
0x3: {  	_ = 	snop  }
0x4: {  	_ = 	snop  }
0x5: {  	_ = 	snop  }
0x6: {  	_ = 	snop  }
0x7: {  	_ = 	snop  }
__scs_overlays_trampoline_lowered:
0x8: {  	[smem:$0x3FA8] =	sst s0  }
0x9: {  	[smem:$0x3FA9] =	sst s1  }
0xa: {  	[smem:$0x3FAA] =	sst s2  }
0xb: {  	[smem:$0x3FAB] =	sst s3  }
0xc: {  	[smem:$0x3FAC] =	sst s4  }
0xd: {  	[smem:$0x3FAD] =	sst s5  }
0xe: {  	[smem:$0x3FAE] =	sst s6  }
0xf: {  	[smem:$0x3FAF] =	sst s7  }
0x10: {  	[smem:$0x3FB0] =	sst s8  }
0x11: {  	[smem:$0x3FB1] =	sst s9;
	s0 =	simm.s32 @!p0 $0x0  }
0x12: {  	s1 =	sld [smem:$0x3F97];
	s0 =	simm.s32 @p0 $0x1  }
0x13: {  	[smem:$0x3FB2] =	sst s0;
	s0 =	simm.s32 @!p1 $0x0  }
0x14: {  	s2 =	sld [smem:$0x3F96];
	s0 =	simm.s32 @p1 $0x1  }
0x15: {  	[smem:$0x3FB3] =	sst s0;
	s0 =	simm.s32 @!p2 $0x0  }
0x16: {  	s3 =	sld [smem:$0x3FDB];
	s0 =	simm.s32 @p2 $0x1  }
0x17: {  	s4 =	simm.s32 $0x1BF5;
	[smem:$0x3FB5] =	sst s0  }
0x18: {  	s0 =	sld [smem:$0x3F98];
	_ =	swait.ge [sflag:s4], $0x0  }
0x19: {  	s7 =	sld [smem:$0x3F99]  }
0x1a: {  	s8 =	sadd.s32 $0xFFFFE003, lr  }
0x1b: {  	s9 =	sadd.s32 $0xFFFFFEF7, lr;
	s5 =	simm.s32 $0xFFFFFFFF;
	p2 =	slt.u32 s8, $0xFFFFF086  }
0x1c: {  	p1 =	slt.u32 s9, $0xF7A;
	s5 =	simm.s32 @!p2 $0x0  }
0x1d: {  	s5 =	simm.s32 @p1 $0x1;
	p0 =	seq.s32 s7, s2  }
0x1e: {  	s7 =	smul.u32 @!p0 $0xF7A, s2;
	p2 =	seq.s32 @!p0 s5, $0x0  }
0x1f: {  	s9 =	smul.u32 $0xF7A, s1;
	s8 =	simm.s32 @!p0 $0x1BF5;
	p2 =	por !p2, p0  }
0x20: {  	[sflag:s8] =	ssyncset.s32 @!p0 $0xFFFFF086;
	s6 =	sadd.s32 @!p0 s3, s7;
	s7 =	simm.s32 @!p0 $0x108  }
0x21: {  	s3 =	sadd.s32 s3, s9;
	s6 =	sadd.s32 @!p0 $0x88, s6;
	s7 =	simm.s32 @p2 $0x1082  }
0x22: {  	[simem:s7], [sflag:s8] =	dma.local @!p0 [hbm:s6], $0xF7A  }
0x23: {  	s9 =	sor.u32 $0xD0000000, s2;
	s6 =	simm.s32 $0x108;
	_ =	swait.ge @!p0 [sflag:s8], $0x0  }
0x24: {  	s3 =	sadd.s32 $0x88, s3;
	s6 =	simm.s32 @!p1 $0x1082;
	[sflag:s4] =	ssyncset.s32 $0xFFFFF086  }
0x25: {  	[simem:s6], [sflag:s4] =	dma.local [hbm:s3], $0xF7A  }
0x26: {  	[smem:$0x3F99] =	sst s1;
	(tag) =	ssettag s2;
	_ =	strace s9  }
0x27: {  	s1 =	sld [smem:$0x3FA9]  }
0x28: {  	s2 =	sld [smem:$0x3FAA]  }
0x29: {  	s4 =	sld [smem:$0x3FAC]  }
0x2a: {  	p0 =	seq.s32 s5, $0x0;
	s5 =	sld [smem:$0x3FAD]  }
0x2b: {  	s6 =	sld [smem:$0x3FAE]  }
0x2c: {  	s7 =	sld [smem:$0x3FAF]  }
0x2d: {  	s3 =	simm.s32 $0x108;
	s8 =	sld [smem:$0x3FB0]  }
0x2e: {  	s3 =	simm.s32 @!p0 $0x1082;
	s9 =	sld [smem:$0x3FB1]  }
0x2f: {  	lr =	sadd.s32 s0, s3;
	s0 =	sld [smem:$0x3FA8]  }
0x30: {  	s3 =	sld [smem:$0x3FAB]  }
0x31: {  	[smem:$0x3FB4] =	sst s10  }
0x32: {  	s10 =	sld [smem:$0x3FB2];
	_ =	sdelay $0x3  }
0x33: {  	p0 =	seq.s32 s10, $0x1;
	s10 =	sld [smem:$0x3FB4];
	_ =	sdelay $0x3  }
0x34: {  	[smem:$0x3FB4] =	sst s10  }
0x35: {  	s10 =	sld [smem:$0x3FB3];
	_ =	sdelay $0x3  }
0x36: {  	p1 =	seq.s32 s10, $0x1;
	s10 =	sld [smem:$0x3FB4];
	_ =	sdelay $0x3  }
0x37: {  	[smem:$0x3FB4] =	sst s10  }
0x38: {  	s10 =	sld [smem:$0x3FB5]  }
0x39: {  	_ = 	snop;
	(pc) =	sbr.ind lr, $3  }
0x3a: {  	_ = 	snop  }
0x3b: {  	_ = 	snop  }
0x3c: {  	p2 =	seq.s32 s10, $0x1;
	s10 =	sld [smem:$0x3FB4]  }
0x3d: {  	_ =	shalt  }
0x3e: {  	_ =	shalt  }
0x3f: {  	_ =	shalt  }
0x40: {  	_ =	shalt  }
0x41: {  	_ =	shalt  }
0x42: {  	_ =	shalt  }
0x43: {  	_ =	shalt  }
0x44: {  	_ =	shalt  }
0x45: {  	_ =	shalt  }
0x46: {  	_ =	shalt  }
0x47: {  	_ =	shalt  }
0x48: {  	_ =	shalt  }
0x49: {  	_ =	shalt  }
0x4a: {  	_ =	shalt  }
0x4b: {  	_ =	shalt  }
0x4c: {  	_ =	shalt  }
0x4d: {  	_ =	shalt  }
0x4e: {  	_ =	shalt  }
0x4f: {  	_ =	shalt  }
0x50: {  	_ =	shalt  }
0x51: {  	_ =	shalt  }
0x52: {  	_ =	shalt  }
0x53: {  	_ =	shalt  }
0x54: {  	_ =	shalt  }
0x55: {  	_ =	shalt  }
0x56: {  	_ =	shalt  }
0x57: {  	_ =	shalt  }
0x58: {  	_ =	shalt  }
0x59: {  	_ =	shalt  }
0x5a: {  	_ =	shalt  }
0x5b: {  	_ =	shalt  }
0x5c: {  	_ =	shalt  }
0x5d: {  	_ =	shalt  }
0x5e: {  	_ =	shalt  }
0x5f: {  	_ =	shalt  }
0x60: {  	_ =	shalt  }
0x61: {  	_ =	shalt  }
0x62: {  	_ =	shalt  }
0x63: {  	_ =	shalt  }
0x64: {  	_ =	shalt  }
0x65: {  	_ =	shalt  }
0x66: {  	_ =	shalt  }
0x67: {  	_ =	shalt  }
0x68: {  	_ =	shalt  }
0x69: {  	_ =	shalt  }
0x6a: {  	_ =	shalt  }
0x6b: {  	_ =	shalt  }
0x6c: {  	_ =	shalt  }
0x6d: {  	_ =	shalt  }
0x6e: {  	_ =	shalt  }
0x6f: {  	_ =	shalt  }
0x70: {  	_ =	shalt  }
0x71: {  	_ =	shalt  }
0x72: {  	_ =	shalt  }
0x73: {  	_ =	shalt  }
0x74: {  	_ =	shalt  }
0x75: {  	_ =	shalt  }
0x76: {  	_ =	shalt  }
0x77: {  	_ =	shalt  }
0x78: {  	_ =	shalt  }
0x79: {  	_ =	shalt  }
0x7a: {  	_ =	shalt  }
0x7b: {  	_ =	shalt  }
0x7c: {  	_ =	shalt  }
0x7d: {  	_ =	shalt  }
0x7e: {  	_ =	shalt  }
0x7f: {  	_ =	shalt  }
0x80: {  	_ =	shalt  }
0x81: {  	_ =	shalt  }
0x82: {  	_ =	shalt  }
0x83: {  	_ =	shalt  }
0x84: {  	_ =	shalt  }
0x85: {  	_ =	shalt  }
0x86: {  	_ =	shalt  }
0x87: {  	_ =	shalt  }
.Lfunc_end0:
.L_simem_size_0:
called_computation.2_lowered:
.L_overlay_start_0:
0x88: {  	s2 =	sld [smem:$0x3FD9]  }
0x89: {  	s3 =	sld [smem:$0x3FFE];
	_ =	sdelay $0x1  }
0x8a: {  	s1 =	srdreg.scid  }
0x8b: {  	s0 =	sand.u32 $0x1, s1  }
0x8c: {  	s16 =	sshll.u32 s0, $0xA;
	s2 =	sadd.s32 s3, s2  }
0x8d: {  	s2 =	sadd.s32 s2, s16  }
0x8e: {  	[smem:$0x3FC0] =	sst s2  }
0x8f: {  	_ = 	snop  }
0x90: {  	(tm) =	ssettm $0x1  }
0x91: {  	s17 =	sld [smem:$0x3FFB];
	_ =	sdelay $0x3  }
0x92: {  	_ =	strace s17  }
0x93: {  	s2 =	sld [smem:$0x3FFC];
	_ =	sdelay $0x3  }
0x94: {  	_ =	strace s2  }
0x95: {  	s2 =	sld [smem:$0x3FFD];
	_ =	sdelay $0x3  }
0x96: {  	_ =	strace s2  }
0x97: {  	_ =	strace $0x8FFFFFFF  }
0x98: {  	s18 =	sld [smem:$0x3FDB];
	_ =	sdelay $0x1  }
0x99: {  	s19 =	simm.s32 $_scs_section_size  }
0x9a: {  	s4 =	simm.s32 $_size__tile_overlayer_lowered;
	s5 =	simm.s32 $_tile_overlayer_lowered  }
0x9b: {  	s22 =	simm.s32 $0x1BFF;
	s21 =	sshll.u32 s5, $0x1;
	s2 =	sadd.s32 s19, s18  }
0x9c: {  	s6 =	simm.s32 $0x0;
	s20 =	sshll.u32 s4, $0x1;
	s4 =	sadd.s32 s21, s2  }
0x9d: {  	[timem:s6], [sflag:s22] =	dma.local [hbm:s4], s20  }
0x9e: {  	_ =	swait.ge [sflag:s22], s20  }
0x9f: {  	s3 =	ssub.s32 $0x0, s20;
	[sflag:s22] =	ssyncset.done $0x0  }
0xa0: {  	[sflag:s22] =	ssyncadd.s32 s3;
	_ =	sdelay $0x1  }
0xa1: {  	s23 =	simm.s32 $0x1B8B  }
0xa2: {  	_ =	swait.ge [sflag:s23], $0x1  }
0xa3: {  	[sflag:s23] =	ssyncset.done $0x0  }
0xa4: {  	s25 =	simm.s32 $0x1B8E;
	s24 =	sld [smem:$0x3FFE];
	[sflag:s23] =	ssyncadd.s32 $0xFFFFFFFF  }
0xa5: {  	s26 =	simm.s32 $execute0_lowered;
	[smem:$0x3FD2] =	sst s25  }
0xa6: {  	s4 =	sshll.u32 s26, $0x1;
	_ =	strace $0x8000004C;
	[dreg:$0x1] =	wrdreg $0xFFFFFFFF  }
0xa7: {  	s28 =	simm.s32 $_size_execute0_lowered;
	s2 =	sadd.s32 s2, s4;
	[dreg:$0x0] =	wrdreg $0x0  }
0xa8: {  	s4 =	sshll.u32 s28, $0x1;
	[dreg:$0x2] =	wrdreg s2  }
0xa9: {  	[dreg:$0x3] =	wrdreg s4  }
0xaa: {  	[dreg:$0x4] =	wrdreg $0xC0  }
0xab: {  	_ =	task [dreg:s6], $0x5FFFF  }
0xac: {  	[dreg:$0x1] =	wrdreg $0xFFFFFFFF  }
0xad: {  	[dreg:$0x0] =	wrdreg $0x60  }
0xae: {  	[dreg:$0x2] =	wrdreg s24  }
0xaf: {  	[dreg:$0x3] =	wrdreg $0xA8000  }
0xb0: {  	[dreg:$0x4] =	wrdreg $0x9  }
0xb1: {  	_ =	task.clear_ibuf [dreg:s6], $0x5FFFF;
	_ =	strace $0x9000004C  }
0xb2: {  	s29 =	simm.s32 $0x9;
	_ =	strace $0x8000004E  }
0xb3: {  	_ =	swait.ge [sflag:s29], $0x1  }
0xb4: {  	[sflag:s29] =	ssyncadd.s32 $0xFFFFFFFF  }
0xb5: {  	_ =	strace $0x9000004E  }
0xb6: {  	_ =	sfence  }
0xb7: {  	s30 =	sld [smem:$0x0];
	_ =	sdelay $0x2  }
0xb8: {  	s31 =	sshll.u32 s1, $0xD;
	s1 =	sshrl.u32 s1, $0x2  }
0xb9: {  	s3 =	sand.u32 $0x4000, s31;
	s1 =	sadd.s32 s1, s30  }
0xba: {  	s0 =	sor.u32 s3, s0;
	s1 =	sshll.u32 s1, $0x11  }
0xbb: {  	s0 =	sor.u32 s1, s0  }
0xbc: {  	s0 =	sadd.s32 $0x8F2B, s0  }
0xbd: {  	[sflag:s0] =	ssyncadd.remote.s32 $0x1  }
0xbe: {  	_ =	sfence.sel $0xFFFF  }
0xbf: {  	[dreg:$0x0] =	wrdreg $0xFFFFFFFF;
	(pc) =	sbr.abs _section_cstart, $3  }
0xc0: {  	[dreg:$0x1] =	wrdreg $0xFFFFFFFF  }
0xc1: {  	_ =	task.clear_ibuf [dreg:s6], $0x2FFFF;
	_ =	strace $0x9FFFFFFF  }
0xc2: {  	(tm) =	ssettm $0x7FFFFFFF  }
0xc3: {  	_ =	shalt  }
tec
execute0_lowered:
.L_overlay_start_1:
0x0: {  	(tag) =	ssettag $0x1  }
0x1: {  	s1 =	rddreg [dreg:$0x0];
	s3 =	srdreg.scid  }
0x2: {  	s0 =	stileid.u32;
	s2 =	rddreg [dreg:$0x1]  }
0x3: {  	s12 =	simm.s32 $0x1400;
	s13 =	simm.s32 $0x40;
	s14 =	simm.s32 $0x2800  }
0x4: {  	s15 =	simm.s32 $0x3D;
	s16 =	simm.s32 $0x4800;
	s17 =	simm.s32 $0x80  }
0x5: {  	s18 =	simm.s32 $0x6680;
	s19 =	simm.s32 $0xC0;
	s20 =	simm.s32 $0x8680  }
0x6: {  	s21 =	simm.s32 $0x1;
	s22 =	simm.s32 $0x7D;
	s23 =	simm.s32 $0x3  }
0x7: {  	s28 =	simm.s32 $0x2700;
	s29 =	simm.s32 $0x2780;
	s30 =	simm.s32 $0x0  }
0x8: {  	s5 =	sand.u32 $0x1, s3;
	s4 =	sshll.u32 s0, $0x1;
	s3 =	simm.s32 $0x0  }
0x9: {  	s9 =	smul.u32 $0x50000, s0;
	s31 =	sshll.u32 s0, $0x6;
	s4 =	sor.u32 s5, s4  }
0xa: {  	[smem:$0x7FF] =	sst s3;
	s7 =	smul.u32 $0x28000, s5;
	s24 =	ssub.s32 $0x2, s5  }
0xb: {  	s5 =	sadd.s32 $0xF600, s1;
	s6 =	smul.u32 $0x500, s4;
	_ =	strace $0x8000004D  }
0xc: {  	s4 =	sadd.s32 $0x11E00, s1;
	s25 =	sshrl.u32 s24, $0x1;
	s26 =	sshrl.u32 s9, $0x2  }
0xd: {  	s10 =	ssub.s32 s24, s25;
	s11 =	sadd.s32 s26, s2;
	s24 =	smul.u32 $0x2800, s0  }
0xe: {  	s25 =	simm.s32 $0x2;
	s26 =	simm.s32 $0x4;
	s8 =	sadd.s32 s6, s1  }
0xf: {  	s1 =	sadd.s32 s7, s1;
	s6 =	sor.u32 $0x1C05, s31;
	s9 =	smax.u32 s10, $0x1  }
0x10: {  	s10 =	sshrl.u32 s11, $0x3;
	s11 =	simm.s32 $0x5;
	s1 =	sadd.s32 $0x94200, s1  }
0x11: {  	s7 =	sadd.s32 $0x8A200, s8;
	s8 =	sadd.s32 $0x4E00, s8;
	s24 =	sadd.s32 s24, s1  }
.LBB2_1:
0x12: {  	[spmem:s10], [sflag:s6] =	dma.local [hbm:s5], $0x2800  }
0x13: {  	_ =	swait.ge [sflag:s11], $0x2800  }
0x14: {  	[sflag:s11] =	ssyncset.done $0x0  }
0x15: {  	[sflag:s11] =	ssyncadd.s32 $0xFFFFD800  }
0x16: {  	[bflag:$0x0] =	sbarrier.arrive $0xFFFF  }
0x17: {  	[tilespmem:s3], [sflag:$0x5] =	stream.linear.gather [hbm4b:s7+s3], $0x1400, $0x38;
	[tilespmem:$0x1E800] =	vst v63  }
0x18: {  	_ =	swait.ge [sflag:s11], $0x1400  }
0x19: {  	[sflag:s11] =	ssyncset.done $0x0  }
0x1a: {  	[sflag:s11] =	ssyncadd.s32 $0xFFFFEC00  }
0x1b: {  	[tilespmem:s12], [sflag:$0x5] =	stream.linear.gather [hbm4b:s8+s3], $0x1400, $0x38;
	[tilespmem:$0x1E800] =	vst v63  }
0x1c: {  	_ =	swait.ge [sflag:s11], $0x1400  }
0x1d: {  	[sflag:s11] =	ssyncset.done $0x0  }
0x1e: {  	[sflag:s11] =	ssyncadd.s32 $0xFFFFEC00  }
0x1f: {  	[tilespmem:s14], [sflag:$0x1] =	stream.indirect.gather [hbm4b:s4+s13], $0x80, s3, s13, $0xb8;
	[tilespmem:$0x1E800] =	vst v63  }
0x20: {  	_ = 	snop  }
0x21: {  	[tilespmem:s16], [sflag:$0x1] =	stream.indirect.gather [hbm4b:s4+s15], $0x80, s13, s15, $0xb8;
	[tilespmem:$0x1E800] =	vst v63  }
0x22: {  	_ = 	snop  }
0x23: {  	[tilespmem:s18], [sflag:$0x2] =	stream.indirect.gather [hbm4b:s4+s13], $0x80, s17, s13, $0xb8;
	[tilespmem:$0x1E800] =	vst v63  }
0x24: {  	_ = 	snop  }
0x25: {  	[tilespmem:s20], [sflag:$0x2] =	stream.indirect.gather [hbm4b:s4+s15], $0x80, s19, s15, $0xb8;
	[tilespmem:$0x1E800] =	vst v63  }
0x26: {  	_ =	swait.ge [sflag:s21], $0x2000  }
0x27: {  	[sflag:s21] =	ssyncset.done $0x0  }
0x28: {  	[sflag:s21] =	ssyncadd.s32 $0xFFFFE000  }
0x29: {  	_ =	swait.ge [sflag:s21], $0x1E80  }
0x2a: {  	[sflag:s21] =	ssyncset.done $0x0  }
0x2b: {  	s1 =	simm.s32 $0x1400;
	[sflag:s21] =	ssyncadd.s32 $0xFFFFE180  }
0x2c: {  	[spmem:s2] =	stream.indirect.scatter.add.f32 [tilespmem:s14], [sflag:$0x3], $0x80, s1, s22, $0xb8;
	[tilespmem:$0x1E800] =	vst v63  }
0x2d: {  	_ =	swait.ge [sflag:s23], $0x3E80  }
0x2e: {  	[sflag:s23] =	ssyncset.done $0x0  }
0x2f: {  	s0 =	simm.s32 $0x100;
	[sflag:s23] =	ssyncadd.s32 $0xFFFFC180  }
0x30: {  	[tilespmem:s14], [sflag:$0x1] =	stream.indirect.gather [hbm4b:s4+s13], $0x80, s0, s13, $0xb8;
	[tilespmem:$0x1E800] =	vst v63  }
0x31: {  	s0 =	simm.s32 $0x140  }
0x32: {  	[tilespmem:s16], [sflag:$0x1] =	stream.indirect.gather [hbm4b:s4+s15], $0x80, s0, s15, $0xb8;
	[tilespmem:$0x1E800] =	vst v63  }
0x33: {  	_ =	swait.ge [sflag:s25], $0x2000  }
0x34: {  	[sflag:s25] =	ssyncset.done $0x0  }
0x35: {  	[sflag:s25] =	ssyncadd.s32 $0xFFFFE000  }
0x36: {  	_ =	swait.ge [sflag:s25], $0x1E80  }
0x37: {  	[sflag:s25] =	ssyncset.done $0x0  }
0x38: {  	s0 =	simm.s32 $0x1480;
	[sflag:s25] =	ssyncadd.s32 $0xFFFFE180  }
0x39: {  	[spmem:s2] =	stream.indirect.scatter.add.f32 [tilespmem:s18], [sflag:$0x4], $0x80, s0, s22, $0xb8;
	[tilespmem:$0x1E800] =	vst v63  }
0x3a: {  	_ =	swait.ge [sflag:s26], $0x3E80  }
0x3b: {  	s31 =	simm.s32 $0x400;
	[sflag:s26] =	ssyncset.done $0x0  }
0x3c: {  	s1 =	simm.s32 $0x1C0;
	s0 =	simm.s32 $0x180;
	[sflag:s26] =	ssyncadd.s32 $0xFFFFC180  }
0x3d: {  	[tilespmem:s18], [sflag:$0x2] =	stream.indirect.gather [hbm4b:s4+s13], $0x80, s0, s13, $0xb8;
	[tilespmem:$0x1E800] =	vst v63  }
.LBB2_2:
0x3e: {  	[tilespmem:s20], [sflag:$0x2] =	stream.indirect.gather [hbm4b:s4+s15], $0x80, s1, s15, $0xb8;
	[tilespmem:$0x1E800] =	vst v63  }
0x3f: {  	s1 =	smov.u32 s31  }
0x40: {  	p0 =	sne.s32 s31, $0x4800;
	s31 =	sadd.s32 $0x400, s31;
	_ =	swait.ge [sflag:s21], $0x2000  }
0x41: {  	[sflag:s21] =	ssyncset.done $0x0  }
0x42: {  	[sflag:s21] =	ssyncadd.s32 $0xFFFFE000  }
0x43: {  	_ =	swait.ge [sflag:s21], $0x1E80  }
0x44: {  	s1 =	sshra.s32 s1, $0x2;
	[sflag:s21] =	ssyncset.done $0x0  }
0x45: {  	s0 =	sadd.s32 $0x1400, s1;
	[sflag:s21] =	ssyncadd.s32 $0xFFFFE180  }
0x46: {  	[spmem:s2] =	stream.indirect.scatter.add.f32 [tilespmem:s14], [sflag:$0x3], $0x80, s0, s22, $0xb8;
	[tilespmem:$0x1E800] =	vst v63  }
0x47: {  	_ =	swait.ge [sflag:s23], $0x3E80  }
0x48: {  	[sflag:s23] =	ssyncset.done $0x0  }
0x49: {  	s0 =	sadd.s32 $0x100, s1;
	[sflag:s23] =	ssyncadd.s32 $0xFFFFC180  }
0x4a: {  	[tilespmem:s14], [sflag:$0x1] =	stream.indirect.gather [hbm4b:s4+s13], $0x80, s0, s13, $0xb8;
	[tilespmem:$0x1E800] =	vst v63  }
0x4b: {  	s0 =	sadd.s32 $0x140, s1  }
0x4c: {  	[tilespmem:s16], [sflag:$0x1] =	stream.indirect.gather [hbm4b:s4+s15], $0x80, s0, s15, $0xb8;
	[tilespmem:$0x1E800] =	vst v63  }
0x4d: {  	_ =	swait.ge [sflag:s25], $0x2000  }
0x4e: {  	[sflag:s25] =	ssyncset.done $0x0  }
0x4f: {  	[sflag:s25] =	ssyncadd.s32 $0xFFFFE000  }
0x50: {  	_ =	swait.ge [sflag:s25], $0x1E80  }
0x51: {  	[sflag:s25] =	ssyncset.done $0x0  }
0x52: {  	s0 =	sadd.s32 $0x1480, s1;
	[sflag:s25] =	ssyncadd.s32 $0xFFFFE180  }
0x53: {  	[spmem:s2] =	stream.indirect.scatter.add.f32 [tilespmem:s18], [sflag:$0x4], $0x80, s0, s22, $0xb8;
	[tilespmem:$0x1E800] =	vst v63  }
.Ltmp0:
0x54: {  	_ =	swait.ge [sflag:s26], $0x3E80;
	(pc) =	sbr.rel @p0 .LBB2_2-.Ltmp0, $4  }
0x55: {  	[sflag:s26] =	ssyncset.done $0x0  }
0x56: {  	s0 =	sadd.s32 $0x180, s1;
	[sflag:s26] =	ssyncadd.s32 $0xFFFFC180  }
0x57: {  	[tilespmem:s18], [sflag:$0x2] =	stream.indirect.gather [hbm4b:s4+s13], $0x80, s0, s13, $0xb8;
	[tilespmem:$0x1E800] =	vst v63  }
0x58: {  	s1 =	sadd.s32 $0x1C0, s1  }
0x59: {  	[tilespmem:s20], [sflag:$0x2] =	stream.indirect.gather [hbm4b:s4+s15], $0x80, s1, s15, $0xb8;
	[tilespmem:$0x1E800] =	vst v63  }
0x5a: {  	_ =	swait.ge [sflag:s21], $0x2000  }
0x5b: {  	[sflag:s21] =	ssyncset.done $0x0  }
0x5c: {  	[sflag:s21] =	ssyncadd.s32 $0xFFFFE000  }
0x5d: {  	_ =	swait.ge [sflag:s21], $0x1E80  }
0x5e: {  	[sflag:s21] =	ssyncset.done $0x0  }
0x5f: {  	[sflag:s21] =	ssyncadd.s32 $0xFFFFE180  }
0x60: {  	[spmem:s2] =	stream.indirect.scatter.add.f32 [tilespmem:s14], [sflag:$0x3], $0x80, s28, s22, $0xb8;
	[tilespmem:$0x1E800] =	vst v63  }
0x61: {  	_ =	swait.ge [sflag:s23], $0x3E80  }
0x62: {  	[sflag:s23] =	ssyncset.done $0x0  }
0x63: {  	[sflag:s23] =	ssyncadd.s32 $0xFFFFC180  }
0x64: {  	_ =	swait.ge [sflag:s25], $0x2000  }
0x65: {  	[sflag:s25] =	ssyncset.done $0x0  }
0x66: {  	[sflag:s25] =	ssyncadd.s32 $0xFFFFE000  }
0x67: {  	_ =	swait.ge [sflag:s25], $0x1E80  }
0x68: {  	[sflag:s25] =	ssyncset.done $0x0  }
0x69: {  	[sflag:s25] =	ssyncadd.s32 $0xFFFFE180  }
0x6a: {  	[spmem:s2] =	stream.indirect.scatter.add.f32 [tilespmem:s18], [sflag:$0x4], $0x80, s29, s22, $0xb8;
	[tilespmem:$0x1E800] =	vst v63  }
0x6b: {  	_ =	swait.ge [sflag:s26], $0x3E80  }
0x6c: {  	[sflag:s26] =	ssyncset.done $0x0  }
0x6d: {  	s0 =	sadd.s32 $0x280, s7;
	s1 =	simm.s32 $0x0;
	[sflag:s26] =	ssyncadd.s32 $0xFFFFC180  }
0x6e: {  	[tilespmem:s1], [sflag:$0x5] =	stream.linear.gather [hbm4b:s0+s1], $0x1400, $0x38;
	[tilespmem:$0x1E800] =	vst v63  }
0x6f: {  	_ =	swait.ge [sflag:s11], $0x1400  }
0x70: {  	[sflag:s11] =	ssyncset.done $0x0  }
0x71: {  	s0 =	sadd.s32 $0x280, s8;
	[sflag:s11] =	ssyncadd.s32 $0xFFFFEC00  }
0x72: {  	[tilespmem:s12], [sflag:$0x5] =	stream.linear.gather [hbm4b:s0+s1], $0x1400, $0x38;
	[tilespmem:$0x1E800] =	vst v63  }
0x73: {  	_ =	swait.ge [sflag:s11], $0x1400  }
0x74: {  	[sflag:s11] =	ssyncset.done $0x0  }
0x75: {  	[sflag:s11] =	ssyncadd.s32 $0xFFFFEC00  }
0x76: {  	[tilespmem:s14], [sflag:$0x1] =	stream.indirect.gather [hbm4b:s4+s13], $0x80, s1, s13, $0xb8;
	[tilespmem:$0x1E800] =	vst v63  }
0x77: {  	_ = 	snop  }
0x78: {  	[tilespmem:s16], [sflag:$0x1] =	stream.indirect.gather [hbm4b:s4+s15], $0x80, s13, s15, $0xb8;
	[tilespmem:$0x1E800] =	vst v63  }
0x79: {  	_ = 	snop  }
0x7a: {  	[tilespmem:s18], [sflag:$0x2] =	stream.indirect.gather [hbm4b:s4+s13], $0x80, s17, s13, $0xb8;
	[tilespmem:$0x1E800] =	vst v63  }
0x7b: {  	_ = 	snop  }
0x7c: {  	[tilespmem:s20], [sflag:$0x2] =	stream.indirect.gather [hbm4b:s4+s15], $0x80, s19, s15, $0xb8;
	[tilespmem:$0x1E800] =	vst v63  }
0x7d: {  	_ =	swait.ge [sflag:s21], $0x2000  }
0x7e: {  	[sflag:s21] =	ssyncset.done $0x0  }
0x7f: {  	[sflag:s21] =	ssyncadd.s32 $0xFFFFE000  }
0x80: {  	_ =	swait.ge [sflag:s21], $0x1E80  }
0x81: {  	[sflag:s21] =	ssyncset.done $0x0  }
0x82: {  	s1 =	simm.s32 $0x1400;
	[sflag:s21] =	ssyncadd.s32 $0xFFFFE180  }
0x83: {  	[spmem:s2] =	stream.indirect.scatter.add.f32 [tilespmem:s14], [sflag:$0x3], $0x80, s1, s22, $0xb8;
	[tilespmem:$0x1E800] =	vst v63  }
0x84: {  	_ =	swait.ge [sflag:s23], $0x3E80  }
0x85: {  	[sflag:s23] =	ssyncset.done $0x0  }
0x86: {  	s1 =	simm.s32 $0x100;
	[sflag:s23] =	ssyncadd.s32 $0xFFFFC180  }
0x87: {  	[tilespmem:s14], [sflag:$0x1] =	stream.indirect.gather [hbm4b:s4+s13], $0x80, s1, s13, $0xb8;
	[tilespmem:$0x1E800] =	vst v63  }
0x88: {  	s1 =	simm.s32 $0x140  }
0x89: {  	[tilespmem:s16], [sflag:$0x1] =	stream.indirect.gather [hbm4b:s4+s15], $0x80, s1, s15, $0xb8;
	[tilespmem:$0x1E800] =	vst v63  }
0x8a: {  	_ =	swait.ge [sflag:s25], $0x2000  }
0x8b: {  	[sflag:s25] =	ssyncset.done $0x0  }
0x8c: {  	[sflag:s25] =	ssyncadd.s32 $0xFFFFE000  }
0x8d: {  	_ =	swait.ge [sflag:s25], $0x1E80  }
0x8e: {  	[sflag:s25] =	ssyncset.done $0x0  }
0x8f: {  	s1 =	simm.s32 $0x1480;
	[sflag:s25] =	ssyncadd.s32 $0xFFFFE180  }
0x90: {  	[spmem:s2] =	stream.indirect.scatter.add.f32 [tilespmem:s18], [sflag:$0x4], $0x80, s1, s22, $0xb8;
	[tilespmem:$0x1E800] =	vst v63  }
0x91: {  	_ =	swait.ge [sflag:s26], $0x3E80  }
0x92: {  	[sflag:s26] =	ssyncset.done $0x0  }
0x93: {  	s1 =	simm.s32 $0x180;
	[sflag:s26] =	ssyncadd.s32 $0xFFFFC180  }
0x94: {  	[tilespmem:s18], [sflag:$0x2] =	stream.indirect.gather [hbm4b:s4+s13], $0x80, s1, s13, $0xb8;
	[tilespmem:$0x1E800] =	vst v63  }
0x95: {  	s31 =	simm.s32 $0x400;
	s1 =	simm.s32 $0x1C0  }
.LBB2_4:
0x96: {  	[tilespmem:s20], [sflag:$0x2] =	stream.indirect.gather [hbm4b:s4+s15], $0x80, s1, s15, $0xb8;
	[tilespmem:$0x1E800] =	vst v63  }
0x97: {  	s0 =	smov.u32 s31  }
0x98: {  	p0 =	sne.s32 s31, $0x4800;
	s31 =	sadd.s32 $0x400, s31;
	_ =	swait.ge [sflag:s21], $0x2000  }
0x99: {  	[sflag:s21] =	ssyncset.done $0x0  }
0x9a: {  	[sflag:s21] =	ssyncadd.s32 $0xFFFFE000  }
0x9b: {  	_ =	swait.ge [sflag:s21], $0x1E80  }
0x9c: {  	s0 =	sshra.s32 s0, $0x2;
	[sflag:s21] =	ssyncset.done $0x0  }
0x9d: {  	s1 =	sadd.s32 $0x1400, s0;
	[sflag:s21] =	ssyncadd.s32 $0xFFFFE180  }
0x9e: {  	[spmem:s2] =	stream.indirect.scatter.add.f32 [tilespmem:s14], [sflag:$0x3], $0x80, s1, s22, $0xb8;
	[tilespmem:$0x1E800] =	vst v63  }
0x9f: {  	_ =	swait.ge [sflag:s23], $0x3E80  }
0xa0: {  	[sflag:s23] =	ssyncset.done $0x0  }
0xa1: {  	s1 =	sadd.s32 $0x100, s0;
	[sflag:s23] =	ssyncadd.s32 $0xFFFFC180  }
0xa2: {  	[tilespmem:s14], [sflag:$0x1] =	stream.indirect.gather [hbm4b:s4+s13], $0x80, s1, s13, $0xb8;
	[tilespmem:$0x1E800] =	vst v63  }
0xa3: {  	s1 =	sadd.s32 $0x140, s0  }
0xa4: {  	[tilespmem:s16], [sflag:$0x1] =	stream.indirect.gather [hbm4b:s4+s15], $0x80, s1, s15, $0xb8;
	[tilespmem:$0x1E800] =	vst v63  }
0xa5: {  	_ =	swait.ge [sflag:s25], $0x2000  }
0xa6: {  	[sflag:s25] =	ssyncset.done $0x0  }
0xa7: {  	[sflag:s25] =	ssyncadd.s32 $0xFFFFE000  }
0xa8: {  	_ =	swait.ge [sflag:s25], $0x1E80  }
0xa9: {  	[sflag:s25] =	ssyncset.done $0x0  }
0xaa: {  	s1 =	sadd.s32 $0x1480, s0;
	[sflag:s25] =	ssyncadd.s32 $0xFFFFE180  }
0xab: {  	[spmem:s2] =	stream.indirect.scatter.add.f32 [tilespmem:s18], [sflag:$0x4], $0x80, s1, s22, $0xb8;
	[tilespmem:$0x1E800] =	vst v63  }
.Ltmp1:
0xac: {  	_ =	swait.ge [sflag:s26], $0x3E80;
	(pc) =	sbr.rel @p0 .LBB2_4-.Ltmp1, $4  }
0xad: {  	[sflag:s26] =	ssyncset.done $0x0  }
0xae: {  	s1 =	sadd.s32 $0x180, s0;
	[sflag:s26] =	ssyncadd.s32 $0xFFFFC180  }
0xaf: {  	[tilespmem:s18], [sflag:$0x2] =	stream.indirect.gather [hbm4b:s4+s13], $0x80, s1, s13, $0xb8;
	[tilespmem:$0x1E800] =	vst v63  }
0xb0: {  	s1 =	sadd.s32 $0x1C0, s0  }
0xb1: {  	[tilespmem:s20], [sflag:$0x2] =	stream.indirect.gather [hbm4b:s4+s15], $0x80, s1, s15, $0xb8;
	[tilespmem:$0x1E800] =	vst v63  }
0xb2: {  	_ =	swait.ge [sflag:s21], $0x2000  }
0xb3: {  	[sflag:s21] =	ssyncset.done $0x0  }
0xb4: {  	[sflag:s21] =	ssyncadd.s32 $0xFFFFE000  }
0xb5: {  	_ =	swait.ge [sflag:s21], $0x1E80  }
0xb6: {  	[sflag:s21] =	ssyncset.done $0x0  }
0xb7: {  	[sflag:s21] =	ssyncadd.s32 $0xFFFFE180  }
0xb8: {  	[spmem:s2] =	stream.indirect.scatter.add.f32 [tilespmem:s14], [sflag:$0x3], $0x80, s28, s22, $0xb8;
	[tilespmem:$0x1E800] =	vst v63  }
0xb9: {  	_ =	swait.ge [sflag:s23], $0x3E80  }
0xba: {  	[sflag:s23] =	ssyncset.done $0x0  }
0xbb: {  	[sflag:s23] =	ssyncadd.s32 $0xFFFFC180  }
0xbc: {  	_ =	swait.ge [sflag:s25], $0x2000  }
0xbd: {  	[sflag:s25] =	ssyncset.done $0x0  }
0xbe: {  	[sflag:s25] =	ssyncadd.s32 $0xFFFFE000  }
0xbf: {  	_ =	swait.ge [sflag:s25], $0x1E80  }
0xc0: {  	[sflag:s25] =	ssyncset.done $0x0  }
0xc1: {  	[sflag:s25] =	ssyncadd.s32 $0xFFFFE180  }
0xc2: {  	[spmem:s2] =	stream.indirect.scatter.add.f32 [tilespmem:s18], [sflag:$0x4], $0x80, s29, s22, $0xb8;
	[tilespmem:$0x1E800] =	vst v63  }
0xc3: {  	_ =	swait.ge [sflag:s26], $0x3E80  }
0xc4: {  	s30 =	sadd.s32 $0x1, s30;
	[sflag:s26] =	ssyncset.done $0x0  }
0xc5: {  	p0 =	sne.s32 s30, s9;
	[sflag:s26] =	ssyncadd.s32 $0xFFFFC180  }
.Ltmp2:
0xc6: {  	[bflag:$0x0] =	sbarrier.arrive $0xFFFF;
	(pc) =	sbr.rel @p0 .LBB2_1-.Ltmp2, $4  }
0xc7: {  	[hbm:s24], [sflag:s6] =	dma.local [spmem:s10], $0x2800  }
0xc8: {  	_ =	swait.ge [sflag:s11], $0x2800  }
0xc9: {  	[sflag:s11] =	ssyncset.done $0x0  }
0xca: {  	[sflag:s11] =	ssyncadd.s32 $0xFFFFD800  }
0xcb: {  	_ =	sfence.sel $0x180000  }
0xcc: {  	[bflag:$0x0] =	sbarrier.arrive $0xFFFF  }
0xcd: {  	_ =	strace $0x9000004D  }
0xce: {  	s0 =	stileid.u32;
	[bflag:$0x2] =	sbarrier.arrive $0xFFFF  }
0xcf: {  	p0 =	sne.s32 s0, $0x0;
	s0 =	rddreg [dreg:$0x2]  }
0xd0: {  	s0 =	sadd.s32 @!p0 $0x100000, s0  }
0xd1: {  	[sflag:s0] =	ssyncadd.tile.s32 @!p0 $0x1;
	_ =	shalt  }
.Lfunc_end2:
_tile_overlayer_lowered:
.L_overlay_start_2:
0xd2: {  	(tag) =	ssettag $0x2  }
0xd3: {  	s0 =	rddreg [dreg:$0x0];
	s2 =	stileid.u32  }
0xd4: {  	s1 =	rddreg [dreg:$0x1];
	p0 =	sne.s32 s2, $0x0  }
0xd5: {  	s3 =	rddreg [dreg:$0x2];
	[bflag:$0x3] =	sbarrier.arrive $0xFFFF;
	s2 =	simm.s32 @!p0 $0x1C05  }
0xd6: {  	[timem:s3], [sflag:s2] =	dma.local @!p0 [hbm:s0], s1  }
0xd7: {  	s0 =	simm.s32 @!p0 $0x5  }
0xd8: {  	_ =	swait.ge @!p0 [sflag:s0], s1  }
0xd9: {  	s1 =	ssub.s32 @!p0 $0x0, s1;
	[sflag:s0] =	ssyncset.done @!p0 $0x0  }
0xda: {  	[sflag:s0] =	ssyncadd.s32 @!p0 s1  }
0xdb: {  	[bflag:$0x3] =	sbarrier.arrive $0xFFFF  }
0xdc: {  	_ =	shalt  }

// kernel: kernel.18.cloned.1.call-start
scs
__scs_entry_jumppad:
0x0: {  	(pc) =	sbr.rel $0x88, $3  }
0x1: {  	(tag) =	ssettag $0x0;
	lr =	simm.s32 $0x1  }
0x2: {  	[smem:$0x3F99] =	sst lr;
	_ =	strace $0xD0000000  }
0x3: {  	_ = 	snop  }
0x4: {  	_ = 	snop  }
0x5: {  	_ = 	snop  }
0x6: {  	_ = 	snop  }
0x7: {  	_ = 	snop  }
__scs_overlays_trampoline_lowered:
0x8: {  	[smem:$0x3FA8] =	sst s0  }
0x9: {  	[smem:$0x3FA9] =	sst s1  }
0xa: {  	[smem:$0x3FAA] =	sst s2  }
0xb: {  	[smem:$0x3FAB] =	sst s3  }
0xc: {  	[smem:$0x3FAC] =	sst s4  }
0xd: {  	[smem:$0x3FAD] =	sst s5  }
0xe: {  	[smem:$0x3FAE] =	sst s6  }
0xf: {  	[smem:$0x3FAF] =	sst s7  }
0x10: {  	[smem:$0x3FB0] =	sst s8  }
0x11: {  	[smem:$0x3FB1] =	sst s9;
	s0 =	simm.s32 @!p0 $0x0  }
0x12: {  	s1 =	sld [smem:$0x3F97];
	s0 =	simm.s32 @p0 $0x1  }
0x13: {  	[smem:$0x3FB2] =	sst s0;
	s0 =	simm.s32 @!p1 $0x0  }
0x14: {  	s2 =	sld [smem:$0x3F96];
	s0 =	simm.s32 @p1 $0x1  }
0x15: {  	[smem:$0x3FB3] =	sst s0;
	s0 =	simm.s32 @!p2 $0x0  }
0x16: {  	s3 =	sld [smem:$0x3FDB];
	s0 =	simm.s32 @p2 $0x1  }
0x17: {  	s4 =	simm.s32 $0x1BF5;
	[smem:$0x3FB5] =	sst s0  }
0x18: {  	s0 =	sld [smem:$0x3F98];
	_ =	swait.ge [sflag:s4], $0x0  }
0x19: {  	s7 =	sld [smem:$0x3F99]  }
0x1a: {  	s8 =	sadd.s32 $0xFFFFE003, lr  }
0x1b: {  	s9 =	sadd.s32 $0xFFFFFEF7, lr;
	s5 =	simm.s32 $0xFFFFFFFF;
	p2 =	slt.u32 s8, $0xFFFFF086  }
0x1c: {  	p1 =	slt.u32 s9, $0xF7A;
	s5 =	simm.s32 @!p2 $0x0  }
0x1d: {  	s5 =	simm.s32 @p1 $0x1;
	p0 =	seq.s32 s7, s2  }
0x1e: {  	s7 =	smul.u32 @!p0 $0xF7A, s2;
	p2 =	seq.s32 @!p0 s5, $0x0  }
0x1f: {  	s9 =	smul.u32 $0xF7A, s1;
	s8 =	simm.s32 @!p0 $0x1BF5;
	p2 =	por !p2, p0  }
0x20: {  	[sflag:s8] =	ssyncset.s32 @!p0 $0xFFFFF086;
	s6 =	sadd.s32 @!p0 s3, s7;
	s7 =	simm.s32 @!p0 $0x108  }
0x21: {  	s3 =	sadd.s32 s3, s9;
	s6 =	sadd.s32 @!p0 $0x88, s6;
	s7 =	simm.s32 @p2 $0x1082  }
0x22: {  	[simem:s7], [sflag:s8] =	dma.local @!p0 [hbm:s6], $0xF7A  }
0x23: {  	s9 =	sor.u32 $0xD0000000, s2;
	s6 =	simm.s32 $0x108;
	_ =	swait.ge @!p0 [sflag:s8], $0x0  }
0x24: {  	s3 =	sadd.s32 $0x88, s3;
	s6 =	simm.s32 @!p1 $0x1082;
	[sflag:s4] =	ssyncset.s32 $0xFFFFF086  }
0x25: {  	[simem:s6], [sflag:s4] =	dma.local [hbm:s3], $0xF7A  }
0x26: {  	[smem:$0x3F99] =	sst s1;
	(tag) =	ssettag s2;
	_ =	strace s9  }
0x27: {  	s1 =	sld [smem:$0x3FA9]  }
0x28: {  	s2 =	sld [smem:$0x3FAA]  }
0x29: {  	s4 =	sld [smem:$0x3FAC]  }
0x2a: {  	p0 =	seq.s32 s5, $0x0;
	s5 =	sld [smem:$0x3FAD]  }
0x2b: {  	s6 =	sld [smem:$0x3FAE]  }
0x2c: {  	s7 =	sld [smem:$0x3FAF]  }
0x2d: {  	s3 =	simm.s32 $0x108;
	s8 =	sld [smem:$0x3FB0]  }
0x2e: {  	s3 =	simm.s32 @!p0 $0x1082;
	s9 =	sld [smem:$0x3FB1]  }
0x2f: {  	lr =	sadd.s32 s0, s3;
	s0 =	sld [smem:$0x3FA8]  }
0x30: {  	s3 =	sld [smem:$0x3FAB]  }
0x31: {  	[smem:$0x3FB4] =	sst s10  }
0x32: {  	s10 =	sld [smem:$0x3FB2];
	_ =	sdelay $0x3  }
0x33: {  	p0 =	seq.s32 s10, $0x1;
	s10 =	sld [smem:$0x3FB4];
	_ =	sdelay $0x3  }
0x34: {  	[smem:$0x3FB4] =	sst s10  }
0x35: {  	s10 =	sld [smem:$0x3FB3];
	_ =	sdelay $0x3  }
0x36: {  	p1 =	seq.s32 s10, $0x1;
	s10 =	sld [smem:$0x3FB4];
	_ =	sdelay $0x3  }
0x37: {  	[smem:$0x3FB4] =	sst s10  }
0x38: {  	s10 =	sld [smem:$0x3FB5]  }
0x39: {  	_ = 	snop;
	(pc) =	sbr.ind lr, $3  }
0x3a: {  	_ = 	snop  }
0x3b: {  	_ = 	snop  }
0x3c: {  	p2 =	seq.s32 s10, $0x1;
	s10 =	sld [smem:$0x3FB4]  }
0x3d: {  	_ =	shalt  }
0x3e: {  	_ =	shalt  }
0x3f: {  	_ =	shalt  }
0x40: {  	_ =	shalt  }
0x41: {  	_ =	shalt  }
0x42: {  	_ =	shalt  }
0x43: {  	_ =	shalt  }
0x44: {  	_ =	shalt  }
0x45: {  	_ =	shalt  }
0x46: {  	_ =	shalt  }
0x47: {  	_ =	shalt  }
0x48: {  	_ =	shalt  }
0x49: {  	_ =	shalt  }
0x4a: {  	_ =	shalt  }
0x4b: {  	_ =	shalt  }
0x4c: {  	_ =	shalt  }
0x4d: {  	_ =	shalt  }
0x4e: {  	_ =	shalt  }
0x4f: {  	_ =	shalt  }
0x50: {  	_ =	shalt  }
0x51: {  	_ =	shalt  }
0x52: {  	_ =	shalt  }
0x53: {  	_ =	shalt  }
0x54: {  	_ =	shalt  }
0x55: {  	_ =	shalt  }
0x56: {  	_ =	shalt  }
0x57: {  	_ =	shalt  }
0x58: {  	_ =	shalt  }
0x59: {  	_ =	shalt  }
0x5a: {  	_ =	shalt  }
0x5b: {  	_ =	shalt  }
0x5c: {  	_ =	shalt  }
0x5d: {  	_ =	shalt  }
0x5e: {  	_ =	shalt  }
0x5f: {  	_ =	shalt  }
0x60: {  	_ =	shalt  }
0x61: {  	_ =	shalt  }
0x62: {  	_ =	shalt  }
0x63: {  	_ =	shalt  }
0x64: {  	_ =	shalt  }
0x65: {  	_ =	shalt  }
0x66: {  	_ =	shalt  }
0x67: {  	_ =	shalt  }
0x68: {  	_ =	shalt  }
0x69: {  	_ =	shalt  }
0x6a: {  	_ =	shalt  }
0x6b: {  	_ =	shalt  }
0x6c: {  	_ =	shalt  }
0x6d: {  	_ =	shalt  }
0x6e: {  	_ =	shalt  }
0x6f: {  	_ =	shalt  }
0x70: {  	_ =	shalt  }
0x71: {  	_ =	shalt  }
0x72: {  	_ =	shalt  }
0x73: {  	_ =	shalt  }
0x74: {  	_ =	shalt  }
0x75: {  	_ =	shalt  }
0x76: {  	_ =	shalt  }
0x77: {  	_ =	shalt  }
0x78: {  	_ =	shalt  }
0x79: {  	_ =	shalt  }
0x7a: {  	_ =	shalt  }
0x7b: {  	_ =	shalt  }
0x7c: {  	_ =	shalt  }
0x7d: {  	_ =	shalt  }
0x7e: {  	_ =	shalt  }
0x7f: {  	_ =	shalt  }
0x80: {  	_ =	shalt  }
0x81: {  	_ =	shalt  }
0x82: {  	_ =	shalt  }
0x83: {  	_ =	shalt  }
0x84: {  	_ =	shalt  }
0x85: {  	_ =	shalt  }
0x86: {  	_ =	shalt  }
0x87: {  	_ =	shalt  }
.Lfunc_end0:
.L_simem_size_0:
called_computation.3_lowered:
.L_overlay_start_0:
0x88: {  	s2 =	sld [smem:$0x3FD9]  }
0x89: {  	s3 =	sld [smem:$0x3FFE];
	_ =	sdelay $0x1  }
0x8a: {  	s1 =	srdreg.scid  }
0x8b: {  	s0 =	sand.u32 $0x1, s1  }
0x8c: {  	s17 =	sshll.u32 s0, $0xA;
	s2 =	sadd.s32 s3, s2  }
0x8d: {  	s2 =	sadd.s32 s2, s17  }
0x8e: {  	[smem:$0x3FC0] =	sst s2  }
0x8f: {  	_ = 	snop  }
0x90: {  	s2 =	sld [smem:$0x3FD0];
	(tm) =	ssettm $0x1  }
0x91: {  	s18 =	sld [smem:$0x3FFB];
	_ =	sdelay $0x3  }
0x92: {  	_ =	strace s18  }
0x93: {  	s3 =	sld [smem:$0x3FFC];
	_ =	sdelay $0x3  }
0x94: {  	_ =	strace s3  }
0x95: {  	s3 =	sld [smem:$0x3FFD];
	_ =	sdelay $0x3  }
0x96: {  	_ =	strace s3  }
0x97: {  	_ =	strace $0x8FFFFFFF  }
0x98: {  	s19 =	sld [smem:$0x3FDB];
	_ =	sdelay $0x1  }
0x99: {  	s4 =	simm.s32 $_scs_section_size  }
0x9a: {  	s5 =	simm.s32 $_size__tile_overlayer_lowered;
	s6 =	simm.s32 $_tile_overlayer_lowered  }
0x9b: {  	s22 =	simm.s32 $0x1BFF;
	s21 =	sshll.u32 s6, $0x1;
	s3 =	sadd.s32 s4, s19  }
0x9c: {  	s7 =	simm.s32 $0x0;
	s20 =	sshll.u32 s5, $0x1;
	s5 =	sadd.s32 s21, s3  }
0x9d: {  	[timem:s7], [sflag:s22] =	dma.local [hbm:s5], s20  }
0x9e: {  	_ =	swait.ge [sflag:s22], s20  }
0x9f: {  	s4 =	ssub.s32 $0x0, s20;
	[sflag:s22] =	ssyncset.done $0x0  }
0xa0: {  	[sflag:s22] =	ssyncadd.s32 s4;
	_ =	sdelay $0x1  }
0xa1: {  	s23 =	simm.s32 $0x1B8B  }
0xa2: {  	_ =	swait.ge [sflag:s23], $0x1  }
0xa3: {  	[sflag:s23] =	ssyncset.done $0x0  }
0xa4: {  	s25 =	simm.s32 $0x1B8E;
	s24 =	sld [smem:$0x3FFE];
	[sflag:s23] =	ssyncadd.s32 $0xFFFFFFFF  }
0xa5: {  	s26 =	simm.s32 $execute0_lowered;
	[smem:$0x3FD2] =	sst s25  }
0xa6: {  	s5 =	sshll.u32 s26, $0x1;
	_ =	strace $0x8000004F;
	[dreg:$0x1] =	wrdreg $0xFFFFFFFF  }
0xa7: {  	s28 =	simm.s32 $_size_execute0_lowered;
	s3 =	sadd.s32 s3, s5;
	[dreg:$0x0] =	wrdreg $0x0  }
0xa8: {  	s5 =	sshll.u32 s28, $0x1;
	[dreg:$0x2] =	wrdreg s3  }
0xa9: {  	[dreg:$0x3] =	wrdreg s5  }
0xaa: {  	[dreg:$0x4] =	wrdreg $0xC0  }
0xab: {  	_ =	task [dreg:s7], $0x5FFFF  }
0xac: {  	[dreg:$0x1] =	wrdreg $0xFFFFFFFF  }
0xad: {  	[dreg:$0x0] =	wrdreg $0x60  }
0xae: {  	[dreg:$0x2] =	wrdreg s24  }
0xaf: {  	[dreg:$0x3] =	wrdreg s2  }
0xb0: {  	[dreg:$0x4] =	wrdreg $0x4C000  }
0xb1: {  	[dreg:$0x5] =	wrdreg $0x9  }
0xb2: {  	_ =	task.clear_ibuf [dreg:s7], $0x6FFFF;
	_ =	strace $0x9000004F  }
0xb3: {  	s29 =	simm.s32 $0x9;
	_ =	strace $0x80000051  }
0xb4: {  	_ =	swait.ge [sflag:s29], $0x1  }
0xb5: {  	[sflag:s29] =	ssyncadd.s32 $0xFFFFFFFF  }
0xb6: {  	_ =	strace $0x90000051  }
0xb7: {  	_ =	sfence  }
0xb8: {  	s30 =	sld [smem:$0x0];
	_ =	sdelay $0x2  }
0xb9: {  	s31 =	sshll.u32 s1, $0xD;
	s1 =	sshrl.u32 s1, $0x2  }
0xba: {  	s3 =	sand.u32 $0x4000, s31;
	s1 =	sadd.s32 s1, s30  }
0xbb: {  	s0 =	sor.u32 s3, s0;
	s1 =	sshll.u32 s1, $0x11  }
0xbc: {  	s0 =	sor.u32 s1, s0  }
0xbd: {  	s0 =	sadd.s32 $0x8F2B, s0  }
0xbe: {  	[sflag:s0] =	ssyncadd.remote.s32 $0x1  }
0xbf: {  	_ =	sfence.sel $0xFFFF  }
0xc0: {  	[dreg:$0x0] =	wrdreg $0xFFFFFFFF;
	(pc) =	sbr.abs _section_cstart, $3  }
0xc1: {  	[dreg:$0x1] =	wrdreg $0xFFFFFFFF  }
0xc2: {  	_ =	task.clear_ibuf [dreg:s7], $0x2FFFF;
	_ =	strace $0x9FFFFFFF  }
0xc3: {  	(tm) =	ssettm $0x7FFFFFFF  }
tec
execute0_lowered:
.L_overlay_start_1:
0x0: {  	(tag) =	ssettag $0x1  }
0x1: {  	s7 =	rddreg [dreg:$0x0]  }
0x2: {  	s2 =	rddreg [dreg:$0x1]  }
0x3: {  	s5 =	rddreg [dreg:$0x2]  }
0x4: {  	s0 =	rddreg [dreg:$0x3];
	s3 =	simm.s32 $0x0;
	s4 =	srdreg.scid  }
0x5: {  	s1 =	stileid.u32;
	[smem:$0x7FF] =	sst s3;
	s6 =	sand.u32 $0x1, s4  }
0x6: {  	s8 =	sadd.s32 $0x3E00, s7;
	s4 =	sshll.u32 s1, $0x7;
	p0 =	seq.s32 s6, $0x1  }
0x7: {  	_ =	strace $0x80000050;
	s6 =	sadd.s32 @!p0 s8, s4;
	s9 =	simm.s32 @!p0 $0x0  }
0x8: {  	[tilespmem:s9], [sflag:$0x1] =	stream.linear.gather @!p0 [hbm4b:s6+s9], $0x280, $0x38;
	[tilespmem:$0x5000] =	vst v63  }
0x9: {  	s6 =	simm.s32 @!p0 $0x1  }
0xa: {  	s10 =	sadd.s32 $0xF600, s7;
	s31 =	sshll.u32 s1, $0xA;
	_ =	swait.ge @!p0 [sflag:s6], $0x280  }
0xb: {  	s8 =	sadd.s32 s31, s5;
	s11 =	sshll.u32 @!p0 s1, $0x6;
	[sflag:s6] =	ssyncset.done @!p0 $0x0  }
0xc: {  	s11 =	sor.u32 @!p0 $0x1C01, s11;
	s12 =	sshrl.u32 @!p0 s8, $0x3;
	[sflag:s6] =	ssyncadd.s32 @!p0 $0xFFFFFD80  }
0xd: {  	[spmem:s12], [sflag:s11] =	dma.local @!p0 [hbm:s10], $0x80  }
0xe: {  	_ =	swait.ge @!p0 [sflag:s6], $0x80  }
0xf: {  	s10 =	smul.u32 @!p0 $0x2800, s1;
	[sflag:s6] =	ssyncset.done @!p0 $0x0  }
0x10: {  	s11 =	sadd.s32 $0x11E00, s7;
	[sflag:s6] =	ssyncadd.s32 @!p0 $0xFFFFFF80  }
0x11: {  	s12 =	simm.s32 @!p0 $0x400;
	s10 =	sadd.s32 @!p0 s11, s10;
	[bflag:$0x0] =	sbarrier.arrive @!p0 $0xFFFF  }
0x12: {  	[tilespmem:s12], [sflag:$0x1] =	stream.linear.gather @!p0 [hbm4b:s10+s9], $0x4000, $0x38;
	[tilespmem:$0x5000] =	vst v63  }
0x13: {  	_ =	swait.ge @!p0 [sflag:s6], $0x4000  }
0x14: {  	[sflag:s6] =	ssyncset.done @!p0 $0x0  }
0x15: {  	s13 =	simm.s32 @!p0 $0x80;
	s10 =	smul.u32 @!p0 $0x14000, s1;
	[sflag:s6] =	ssyncadd.s32 @!p0 $0xFFFFC000  }
0x16: {  	[spmem:s5] =	stream.indirect.scatter.add.f32 @!p0 [tilespmem:s12], [sflag:$0x1], $0x80, s9, s13, $0xb8;
	[tilespmem:$0x5000] =	vst v63  }
0x17: {  	s10 =	sshrl.u32 @!p0 s10, $0x3;
	_ =	swait.ge @!p0 [sflag:s6], $0x4000  }
0x18: {  	s10 =	sadd.s32 @!p0 s11, s10;
	[sflag:s6] =	ssyncset.done @!p0 $0x0  }
0x19: {  	s11 =	sadd.s32 @!p0 $0x800, s10;
	[sflag:s6] =	ssyncadd.s32 @!p0 $0xFFFFC000  }
0x1a: {  	[tilespmem:s12], [sflag:$0x1] =	stream.linear.gather @!p0 [hbm4b:s11+s9], $0x4000, $0x38;
	[tilespmem:$0x5000] =	vst v63  }
0x1b: {  	_ =	swait.ge @!p0 [sflag:s6], $0x4000  }
0x1c: {  	[sflag:s6] =	ssyncset.done @!p0 $0x0  }
0x1d: {  	[sflag:s6] =	ssyncadd.s32 @!p0 $0xFFFFC000  }
0x1e: {  	[spmem:s5] =	stream.indirect.scatter.add.f32 @!p0 [tilespmem:s12], [sflag:$0x1], $0x80, s13, s13, $0xb8;
	[tilespmem:$0x5000] =	vst v63  }
0x1f: {  	_ =	swait.ge @!p0 [sflag:s6], $0x4000  }
0x20: {  	[sflag:s6] =	ssyncset.done @!p0 $0x0  }
0x21: {  	s11 =	sadd.s32 @!p0 $0x1000, s10;
	[sflag:s6] =	ssyncadd.s32 @!p0 $0xFFFFC000  }
0x22: {  	[tilespmem:s12], [sflag:$0x1] =	stream.linear.gather @!p0 [hbm4b:s11+s9], $0x4000, $0x38;
	[tilespmem:$0x5000] =	vst v63  }
0x23: {  	_ =	swait.ge @!p0 [sflag:s6], $0x4000  }
0x24: {  	[sflag:s6] =	ssyncset.done @!p0 $0x0  }
0x25: {  	s11 =	simm.s32 @!p0 $0x100;
	[sflag:s6] =	ssyncadd.s32 @!p0 $0xFFFFC000  }
0x26: {  	[spmem:s5] =	stream.indirect.scatter.add.f32 @!p0 [tilespmem:s12], [sflag:$0x1], $0x80, s11, s13, $0xb8;
	[tilespmem:$0x5000] =	vst v63  }
0x27: {  	_ =	swait.ge @!p0 [sflag:s6], $0x4000  }
0x28: {  	[sflag:s6] =	ssyncset.done @!p0 $0x0  }
0x29: {  	s11 =	sadd.s32 @!p0 $0x1800, s10;
	[sflag:s6] =	ssyncadd.s32 @!p0 $0xFFFFC000  }
0x2a: {  	[tilespmem:s12], [sflag:$0x1] =	stream.linear.gather @!p0 [hbm4b:s11+s9], $0x4000, $0x38;
	[tilespmem:$0x5000] =	vst v63  }
0x2b: {  	_ =	swait.ge @!p0 [sflag:s6], $0x4000  }
0x2c: {  	[sflag:s6] =	ssyncset.done @!p0 $0x0  }
0x2d: {  	s11 =	simm.s32 @!p0 $0x180;
	[sflag:s6] =	ssyncadd.s32 @!p0 $0xFFFFC000  }
0x2e: {  	[spmem:s5] =	stream.indirect.scatter.add.f32 @!p0 [tilespmem:s12], [sflag:$0x1], $0x80, s11, s13, $0xb8;
	[tilespmem:$0x5000] =	vst v63  }
0x2f: {  	_ =	swait.ge @!p0 [sflag:s6], $0x4000  }
0x30: {  	[sflag:s6] =	ssyncset.done @!p0 $0x0  }
0x31: {  	s10 =	sadd.s32 @!p0 $0x2000, s10;
	[sflag:s6] =	ssyncadd.s32 @!p0 $0xFFFFC000  }
0x32: {  	[tilespmem:s12], [sflag:$0x1] =	stream.linear.gather @!p0 [hbm4b:s10+s9], $0x4000, $0x38;
	[tilespmem:$0x5000] =	vst v63  }
0x33: {  	_ =	swait.ge @!p0 [sflag:s6], $0x4000  }
0x34: {  	p1 =	sgt.u32 @!p0 s1, $0x7;
	[sflag:s6] =	ssyncset.done @!p0 $0x0  }
0x35: {  	p1 =	por p0, p1;
	s9 =	simm.s32 @!p0 $0x200;
	[sflag:s6] =	ssyncadd.s32 @!p0 $0xFFFFC000  }
0x36: {  	[spmem:s5] =	stream.indirect.scatter.add.f32 @!p0 [tilespmem:s12], [sflag:$0x1], $0x80, s9, s13, $0xb8;
	[tilespmem:$0x5000] =	vst v63  }
.Ltmp0:
0x37: {  	_ =	swait.ge @!p0 [sflag:s6], $0x4000;
	(pc) =	sbr.rel @p1 .LBB2_2-.Ltmp0, $3  }
0x38: {  	[sflag:s6] =	ssyncset.done @!p0 $0x0  }
0x39: {  	[sflag:s6] =	ssyncadd.s32 @!p0 $0xFFFFC000  }
0x3a: {  	[bflag:$0x0] =	sbarrier.arrive @!p0 $0xFFFF;
	_ =	sdelay $0x1  }
0x3b: {  	s6 =	simm.s32 $0x4400;
	s5 =	simm.s32 $0x1  }
0x3c: {  	[tilespmem:s6], [sflag:$0x1] =	stream.linear.gather [spmem:s8], $0x400, $0x38;
	[tilespmem:$0x5000] =	vst v63  }
0x3d: {  	_ =	swait.ge [sflag:s5], $0x400  }
0x3e: {  	s7 =	sadd.s32 s4, s7;
	[sflag:s5] =	ssyncset.done $0x0  }
0x3f: {  	s31 =	simm.s32 $0x4800;
	s7 =	sadd.s32 $0x89E00, s7;
	[sflag:s5] =	ssyncadd.s32 $0xFFFFFC00  }
0x40: {  	[tilespmem:s31], [sflag:$0x1] =	stream.linear.gather [hbm4b:s7+s3], $0x400, $0x38;
	[tilespmem:$0x5000] =	vst v63  }
0x41: {  	_ =	swait.ge [sflag:s5], $0x400  }
0x42: {  	[sflag:s5] =	ssyncset.done $0x0  }
0x43: {  	[sflag:s5] =	ssyncadd.s32 $0xFFFFFC00  }
0x44: {  	v0 =	vld [tilespmem:$0x4800];
	_ =	sdelay $0x3  }
0x45: {  	v1 =	vld [tilespmem:$0x4400]  }
0x46: {  	v2 =	vld [tilespmem:$0x4410];
	v0 =	vmax.f32 v0, $1.000000000e+00  }
0x47: {  	v41 =	vld [tilespmem:$0x4420];
	(erf) = vrcp.f32 v0  }
0x48: {  	v3 =	vld [tilespmem:$0x4430]  }
0x49: {  	v4 =	vld [tilespmem:$0x4880]  }
0x4a: {  	v5 =	vld [tilespmem:$0x4440]  }
0x4b: {  	v6 =	vld [tilespmem:$0x4450]  }
0x4c: {  	v7 =	vld [tilespmem:$0x4460]  }
0x4d: {  	v8 =	vld [tilespmem:$0x4470]  }
0x4e: {  	v9 =	vld [tilespmem:$0x4480];
	v4 =	vmax.f32 v4, $1.000000000e+00  }
0x4f: {  	v42 =	vld [tilespmem:$0x4490];
	(erf) = vrcp.f32 v4  }
0x50: {  	v11 =	vld [tilespmem:$0x44A0];
	v10 =	vpop (erf)  }
0x51: {  	v12 =	vld [tilespmem:$0x4900];
	v1 =	vmul.f32 v10, v1  }
0x52: {  	v13 =	vld [tilespmem:$0x44B0];
	v2 =	vmul.f32 v2, v10  }
0x53: {  	v43 =	vld [tilespmem:$0x44C0];
	v0 =	vmul.f32 v41, v10;
	[tilespmem:$0x4400] =	vst v1  }
0x54: {  	v45 =	vld [tilespmem:$0x44D0];
	v44 =	vmul.f32 v3, v10;
	[tilespmem:$0x4410] =	vst v2  }
0x55: {  	v47 =	vld [tilespmem:$0x44E0];
	v46 =	vmul.f32 v5, v10;
	[tilespmem:$0x4420] =	vst v0  }
0x56: {  	v49 =	vld [tilespmem:$0x44F0];
	v12 =	vmax.f32 v12, $1.000000000e+00;
	v48 =	vmul.f32 v6, v10;
	[tilespmem:$0x4430] =	vst v44  }
0x57: {  	v51 =	vld [tilespmem:$0x4500];
	(erf) = vrcp.f32 v12;
	v50 =	vmul.f32 v7, v10;
	[tilespmem:$0x4440] =	vst v46  }
0x58: {  	v54 =	vld [tilespmem:$0x4510];
	v52 =	vmul.f32 v8, v10;
	v53 =	vpop (erf);
	[tilespmem:$0x4450] =	vst v48  }
0x59: {  	v56 =	vld [tilespmem:$0x4980];
	v55 =	vmul.f32 v53, v9;
	[tilespmem:$0x4460] =	vst v50  }
0x5a: {  	v58 =	vld [tilespmem:$0x4520];
	v57 =	vmul.f32 v42, v53;
	[tilespmem:$0x4470] =	vst v52  }
0x5b: {  	v60 =	vld [tilespmem:$0x4530];
	v59 =	vmul.f32 v11, v53;
	[tilespmem:$0x4480] =	vst v55  }
0x5c: {  	v62 =	vld [tilespmem:$0x4540];
	v61 =	vmul.f32 v13, v53;
	[tilespmem:$0x4490] =	vst v57  }
0x5d: {  	v15 =	vld [tilespmem:$0x4560];
	v63 =	vmul.f32 v43, v53;
	[tilespmem:$0x44A0] =	vst v59  }
0x5e: {  	v17 =	vld [tilespmem:$0x4570];
	v14 =	vmul.f32 v45, v53;
	v9 =	vmax.f32 v56, $1.000000000e+00;
	[tilespmem:$0x44B0] =	vst v61  }
0x5f: {  	v20 =	vld [tilespmem:$0x4580];
	v16 =	vmul.f32 v47, v53;
	(erf) = vrcp.f32 v9;
	[tilespmem:$0x44C0] =	vst v63  }
0x60: {  	v22 =	vld [tilespmem:$0x4A00];
	v18 =	vmul.f32 v49, v53;
	[tilespmem:$0x44D0] =	vst v14;
	v19 =	vpop (erf)  }
0x61: {  	v13 =	vld [tilespmem:$0x4550];
	[tilespmem:$0x44E0] =	vst v16;
	v21 =	vmul.f32 v19, v51  }
0x62: {  	v24 =	vld [tilespmem:$0x4590];
	[tilespmem:$0x44F0] =	vst v18;
	v23 =	vmul.f32 v54, v19  }
0x63: {  	v26 =	vld [tilespmem:$0x45A0];
	v25 =	vmul.f32 v58, v19;
	[tilespmem:$0x4500] =	vst v21  }
0x64: {  	v28 =	vld [tilespmem:$0x45B0];
	v27 =	vmul.f32 v60, v19;
	[tilespmem:$0x4510] =	vst v23  }
0x65: {  	v30 =	vld [tilespmem:$0x45C0];
	v29 =	vmul.f32 v62, v19;
	[tilespmem:$0x4520] =	vst v25  }
0x66: {  	v31 =	vld [tilespmem:$0x45D0];
	v7 =	vmax.f32 v22, $1.000000000e+00;
	v1 =	vmul.f32 v13, v19;
	[tilespmem:$0x4530] =	vst v27  }
0x67: {  	v33 =	vld [tilespmem:$0x45E0];
	(erf) = vrcp.f32 v7;
	v32 =	vmul.f32 v15, v19;
	[tilespmem:$0x4540] =	vst v29  }
0x68: {  	v36 =	vld [tilespmem:$0x45F0];
	v34 =	vmul.f32 v17, v19;
	[tilespmem:$0x4550] =	vst v1;
	v35 =	vpop (erf)  }
0x69: {  	v38 =	vld [tilespmem:$0x4A80];
	[tilespmem:$0x4560] =	vst v32;
	v37 =	vmul.f32 v35, v20  }
0x6a: {  	v40 =	vld [tilespmem:$0x4600];
	[tilespmem:$0x4570] =	vst v34;
	v39 =	vmul.f32 v24, v35  }
0x6b: {  	v42 =	vld [tilespmem:$0x4610];
	v41 =	vmul.f32 v26, v35;
	[tilespmem:$0x4580] =	vst v37  }
0x6c: {  	v53 =	vld [tilespmem:$0x4660];
	v43 =	vmul.f32 v28, v35;
	[tilespmem:$0x4590] =	vst v39  }
0x6d: {  	v44 =	vld [tilespmem:$0x4620];
	v45 =	vmul.f32 v30, v35;
	[tilespmem:$0x45A0] =	vst v41  }
0x6e: {  	v46 =	vld [tilespmem:$0x4630];
	v7 =	vmax.f32 v38, $1.000000000e+00;
	v47 =	vmul.f32 v31, v35;
	[tilespmem:$0x45B0] =	vst v43  }
0x6f: {  	v48 =	vld [tilespmem:$0x4640];
	(erf) = vrcp.f32 v7;
	v49 =	vmul.f32 v33, v35;
	[tilespmem:$0x45C0] =	vst v45  }
0x70: {  	v50 =	vld [tilespmem:$0x4650];
	v51 =	vmul.f32 v36, v35;
	[tilespmem:$0x45D0] =	vst v47;
	v52 =	vpop (erf)  }
0x71: {  	v55 =	vld [tilespmem:$0x4B00];
	[tilespmem:$0x45E0] =	vst v49;
	v54 =	vmul.f32 v52, v40  }
0x72: {  	v57 =	vld [tilespmem:$0x4670];
	[tilespmem:$0x45F0] =	vst v51;
	v56 =	vmul.f32 v42, v52  }
0x73: {  	v59 =	vld [tilespmem:$0x4680];
	v58 =	vmul.f32 v44, v52;
	[tilespmem:$0x4600] =	vst v54  }
0x74: {  	v61 =	vld [tilespmem:$0x4690];
	v60 =	vmul.f32 v46, v52;
	[tilespmem:$0x4610] =	vst v56  }
0x75: {  	v63 =	vld [tilespmem:$0x46A0];
	v62 =	vmul.f32 v48, v52;
	[tilespmem:$0x4620] =	vst v58  }
0x76: {  	v18 =	vld [tilespmem:$0x46D0];
	v7 =	vmax.f32 v55, $1.000000000e+00;
	v12 =	vmul.f32 v50, v52;
	[tilespmem:$0x4630] =	vst v60  }
0x77: {  	v13 =	vld [tilespmem:$0x46B0];
	(erf) = vrcp.f32 v7;
	v14 =	vmul.f32 v53, v52;
	[tilespmem:$0x4640] =	vst v62  }
0x78: {  	v15 =	vld [tilespmem:$0x46C0];
	v16 =	vmul.f32 v57, v52;
	[tilespmem:$0x4650] =	vst v12;
	v17 =	vpop (erf)  }
0x79: {  	v20 =	vld [tilespmem:$0x4B80];
	[tilespmem:$0x4660] =	vst v14;
	v19 =	vmul.f32 v17, v59  }
0x7a: {  	v22 =	vld [tilespmem:$0x46E0];
	[tilespmem:$0x4670] =	vst v16;
	v21 =	vmul.f32 v61, v17  }
0x7b: {  	v24 =	vld [tilespmem:$0x46F0];
	v23 =	vmul.f32 v63, v17;
	[tilespmem:$0x4680] =	vst v19  }
0x7c: {  	v26 =	vld [tilespmem:$0x4700];
	v25 =	vmul.f32 v13, v17;
	[tilespmem:$0x4690] =	vst v21  }
0x7d: {  	v28 =	vld [tilespmem:$0x4710];
	v27 =	vmul.f32 v15, v17;
	[tilespmem:$0x46A0] =	vst v23  }
0x7e: {  	v30 =	vld [tilespmem:$0x4720];
	v7 =	vmax.f32 v20, $1.000000000e+00;
	v29 =	vmul.f32 v18, v17;
	[tilespmem:$0x46B0] =	vst v25  }
0x7f: {  	v32 =	vld [tilespmem:$0x4730];
	(erf) = vrcp.f32 v7;
	v31 =	vmul.f32 v22, v17;
	[tilespmem:$0x46C0] =	vst v27  }
0x80: {  	v35 =	vld [tilespmem:$0x4740];
	v34 =	vmul.f32 v24, v17;
	[tilespmem:$0x46D0] =	vst v29;
	v33 =	vpop (erf)  }
0x81: {  	v37 =	vld [tilespmem:$0x4750];
	[tilespmem:$0x46E0] =	vst v31;
	v36 =	vmul.f32 v33, v26  }
0x82: {  	v39 =	vld [tilespmem:$0x4760];
	[tilespmem:$0x46F0] =	vst v34;
	v38 =	vmul.f32 v28, v33  }
0x83: {  	v41 =	vld [tilespmem:$0x4770];
	v40 =	vmul.f32 v30, v33;
	[tilespmem:$0x4700] =	vst v36  }
0x84: {  	v43 =	vld [tilespmem:$0x4780];
	v42 =	vmul.f32 v32, v33;
	[tilespmem:$0x4710] =	vst v38  }
0x85: {  	v45 =	vld [tilespmem:$0x4790];
	v44 =	vmul.f32 v35, v33;
	[tilespmem:$0x4720] =	vst v40  }
0x86: {  	v47 =	vld [tilespmem:$0x47A0];
	v46 =	vmul.f32 v37, v33;
	[tilespmem:$0x4730] =	vst v42  }
0x87: {  	v49 =	vld [tilespmem:$0x47B0];
	v48 =	vmul.f32 v39, v33;
	[tilespmem:$0x4740] =	vst v44  }
0x88: {  	v52 =	vld [tilespmem:$0x47C0];
	v50 =	vmul.f32 v41, v33;
	[tilespmem:$0x4750] =	vst v46;
	v51 =	vpop (erf)  }
0x89: {  	v54 =	vld [tilespmem:$0x47D0];
	[tilespmem:$0x4760] =	vst v48;
	v53 =	vmul.f32 v51, v43  }
0x8a: {  	v56 =	vld [tilespmem:$0x47E0];
	[tilespmem:$0x4770] =	vst v50;
	v55 =	vmul.f32 v45, v51  }
0x8b: {  	v58 =	vld [tilespmem:$0x47F0];
	v57 =	vmul.f32 v47, v51;
	[tilespmem:$0x4780] =	vst v53  }
0x8c: {  	v59 =	vmul.f32 v49, v51;
	[tilespmem:$0x4790] =	vst v55  }
0x8d: {  	v60 =	vmul.f32 v52, v51;
	[tilespmem:$0x47A0] =	vst v57  }
0x8e: {  	v61 =	vmul.f32 v54, v51;
	[tilespmem:$0x47B0] =	vst v59  }
0x8f: {  	v62 =	vmul.f32 v56, v51;
	[tilespmem:$0x47C0] =	vst v60  }
0x90: {  	v63 =	vmul.f32 v58, v51;
	[tilespmem:$0x47D0] =	vst v61  }
0x91: {  	[tilespmem:$0x47E0] =	vst v62  }
0x92: {  	s2 =	sadd.s32 s2, s4;
	[tilespmem:$0x47F0] =	vst v63  }
0x93: {  	[hbm4b:s2+s3] =	stream.linear.scatter [tilespmem:s6], [sflag:$0x1], $0x400, $0x38;
	[tilespmem:$0x5000] =	vst v63  }
0x94: {  	_ =	swait.ge [sflag:s5], $0x400  }
0x95: {  	[sflag:s5] =	ssyncset.done $0x0  }
0x96: {  	[sflag:s5] =	ssyncadd.s32 $0xFFFFFC00  }
.LBB2_2:
0x97: {  	_ =	sfence.sel $0x180000  }
0x98: {  	[bflag:$0x0] =	sbarrier.arrive $0xFFFF  }
0x99: {  	p0 =	sne.s32 s1, $0x0;
	_ =	strace $0x90000050  }
0x9a: {  	s0 =	sadd.s32 @!p0 $0x100000, s0;
	[bflag:$0x2] =	sbarrier.arrive $0xFFFF  }
0x9b: {  	[sflag:s0] =	ssyncadd.tile.s32 @!p0 $0x1;
	_ =	shalt  }
.Lfunc_end2:
_tile_overlayer_lowered:
.L_overlay_start_2:
0x9c: {  	(tag) =	ssettag $0x2  }
0x9d: {  	s0 =	rddreg [dreg:$0x0];
	s2 =	stileid.u32  }
0x9e: {  	s1 =	rddreg [dreg:$0x1];
	p0 =	sne.s32 s2, $0x0  }
0x9f: {  	s3 =	rddreg [dreg:$0x2];
	[bflag:$0x3] =	sbarrier.arrive $0xFFFF;
	s2 =	simm.s32 @!p0 $0x1C01  }
0xa0: {  	[timem:s3], [sflag:s2] =	dma.local @!p0 [hbm:s0], s1  }
0xa1: {  	s0 =	simm.s32 @!p0 $0x1  }
0xa2: {  	_ =	swait.ge @!p0 [sflag:s0], s1  }
0xa3: {  	s1 =	ssub.s32 @!p0 $0x0, s1;
	[sflag:s0] =	ssyncset.done @!p0 $0x0  }
0xa4: {  	[sflag:s0] =	ssyncadd.s32 @!p0 s1  }
0xa5: {  	[bflag:$0x3] =	sbarrier.arrive $0xFFFF  }
0xa6: {  	_ =	shalt  }

// kernel: kernel.9.cloned.1.call-start
scs
__scs_entry_jumppad:
0x0: {  	(pc) =	sbr.rel $0x88, $3  }
0x1: {  	(tag) =	ssettag $0x0;
	lr =	simm.s32 $0x1  }
0x2: {  	[smem:$0x3F99] =	sst lr;
	_ =	strace $0xD0000000  }
0x3: {  	_ = 	snop  }
0x4: {  	_ = 	snop  }
0x5: {  	_ = 	snop  }
0x6: {  	_ = 	snop  }
0x7: {  	_ = 	snop  }
__scs_overlays_trampoline_lowered:
0x8: {  	[smem:$0x3FA8] =	sst s0  }
0x9: {  	[smem:$0x3FA9] =	sst s1  }
0xa: {  	[smem:$0x3FAA] =	sst s2  }
0xb: {  	[smem:$0x3FAB] =	sst s3  }
0xc: {  	[smem:$0x3FAC] =	sst s4  }
0xd: {  	[smem:$0x3FAD] =	sst s5  }
0xe: {  	[smem:$0x3FAE] =	sst s6  }
0xf: {  	[smem:$0x3FAF] =	sst s7  }
0x10: {  	[smem:$0x3FB0] =	sst s8  }
0x11: {  	[smem:$0x3FB1] =	sst s9;
	s0 =	simm.s32 @!p0 $0x0  }
0x12: {  	s1 =	sld [smem:$0x3F97];
	s0 =	simm.s32 @p0 $0x1  }
0x13: {  	[smem:$0x3FB2] =	sst s0;
	s0 =	simm.s32 @!p1 $0x0  }
0x14: {  	s2 =	sld [smem:$0x3F96];
	s0 =	simm.s32 @p1 $0x1  }
0x15: {  	[smem:$0x3FB3] =	sst s0;
	s0 =	simm.s32 @!p2 $0x0  }
0x16: {  	s3 =	sld [smem:$0x3FDB];
	s0 =	simm.s32 @p2 $0x1  }
0x17: {  	s4 =	simm.s32 $0x1BF5;
	[smem:$0x3FB5] =	sst s0  }
0x18: {  	s0 =	sld [smem:$0x3F98];
	_ =	swait.ge [sflag:s4], $0x0  }
0x19: {  	s7 =	sld [smem:$0x3F99]  }
0x1a: {  	s8 =	sadd.s32 $0xFFFFE003, lr  }
0x1b: {  	s9 =	sadd.s32 $0xFFFFFEF7, lr;
	s5 =	simm.s32 $0xFFFFFFFF;
	p2 =	slt.u32 s8, $0xFFFFF086  }
0x1c: {  	p1 =	slt.u32 s9, $0xF7A;
	s5 =	simm.s32 @!p2 $0x0  }
0x1d: {  	s5 =	simm.s32 @p1 $0x1;
	p0 =	seq.s32 s7, s2  }
0x1e: {  	s7 =	smul.u32 @!p0 $0xF7A, s2;
	p2 =	seq.s32 @!p0 s5, $0x0  }
0x1f: {  	s9 =	smul.u32 $0xF7A, s1;
	s8 =	simm.s32 @!p0 $0x1BF5;
	p2 =	por !p2, p0  }
0x20: {  	[sflag:s8] =	ssyncset.s32 @!p0 $0xFFFFF086;
	s6 =	sadd.s32 @!p0 s3, s7;
	s7 =	simm.s32 @!p0 $0x108  }
0x21: {  	s3 =	sadd.s32 s3, s9;
	s6 =	sadd.s32 @!p0 $0x88, s6;
	s7 =	simm.s32 @p2 $0x1082  }
0x22: {  	[simem:s7], [sflag:s8] =	dma.local @!p0 [hbm:s6], $0xF7A  }
0x23: {  	s9 =	sor.u32 $0xD0000000, s2;
	s6 =	simm.s32 $0x108;
	_ =	swait.ge @!p0 [sflag:s8], $0x0  }
0x24: {  	s3 =	sadd.s32 $0x88, s3;
	s6 =	simm.s32 @!p1 $0x1082;
	[sflag:s4] =	ssyncset.s32 $0xFFFFF086  }
0x25: {  	[simem:s6], [sflag:s4] =	dma.local [hbm:s3], $0xF7A  }
0x26: {  	[smem:$0x3F99] =	sst s1;
	(tag) =	ssettag s2;
	_ =	strace s9  }
0x27: {  	s1 =	sld [smem:$0x3FA9]  }
0x28: {  	s2 =	sld [smem:$0x3FAA]  }
0x29: {  	s4 =	sld [smem:$0x3FAC]  }
0x2a: {  	p0 =	seq.s32 s5, $0x0;
	s5 =	sld [smem:$0x3FAD]  }
0x2b: {  	s6 =	sld [smem:$0x3FAE]  }
0x2c: {  	s7 =	sld [smem:$0x3FAF]  }
0x2d: {  	s3 =	simm.s32 $0x108;
	s8 =	sld [smem:$0x3FB0]  }
0x2e: {  	s3 =	simm.s32 @!p0 $0x1082;
	s9 =	sld [smem:$0x3FB1]  }
0x2f: {  	lr =	sadd.s32 s0, s3;
	s0 =	sld [smem:$0x3FA8]  }
0x30: {  	s3 =	sld [smem:$0x3FAB]  }
0x31: {  	[smem:$0x3FB4] =	sst s10  }
0x32: {  	s10 =	sld [smem:$0x3FB2];
	_ =	sdelay $0x3  }
0x33: {  	p0 =	seq.s32 s10, $0x1;
	s10 =	sld [smem:$0x3FB4];
	_ =	sdelay $0x3  }
0x34: {  	[smem:$0x3FB4] =	sst s10  }
0x35: {  	s10 =	sld [smem:$0x3FB3];
	_ =	sdelay $0x3  }
0x36: {  	p1 =	seq.s32 s10, $0x1;
	s10 =	sld [smem:$0x3FB4];
	_ =	sdelay $0x3  }
0x37: {  	[smem:$0x3FB4] =	sst s10  }
0x38: {  	s10 =	sld [smem:$0x3FB5]  }
0x39: {  	_ = 	snop;
	(pc) =	sbr.ind lr, $3  }
0x3a: {  	_ = 	snop  }
0x3b: {  	_ = 	snop  }
0x3c: {  	p2 =	seq.s32 s10, $0x1;
	s10 =	sld [smem:$0x3FB4]  }
0x3d: {  	_ =	shalt  }
0x3e: {  	_ =	shalt  }
0x3f: {  	_ =	shalt  }
0x40: {  	_ =	shalt  }
0x41: {  	_ =	shalt  }
0x42: {  	_ =	shalt  }
0x43: {  	_ =	shalt  }
0x44: {  	_ =	shalt  }
0x45: {  	_ =	shalt  }
0x46: {  	_ =	shalt  }
0x47: {  	_ =	shalt  }
0x48: {  	_ =	shalt  }
0x49: {  	_ =	shalt  }
0x4a: {  	_ =	shalt  }
0x4b: {  	_ =	shalt  }
0x4c: {  	_ =	shalt  }
0x4d: {  	_ =	shalt  }
0x4e: {  	_ =	shalt  }
0x4f: {  	_ =	shalt  }
0x50: {  	_ =	shalt  }
0x51: {  	_ =	shalt  }
0x52: {  	_ =	shalt  }
0x53: {  	_ =	shalt  }
0x54: {  	_ =	shalt  }
0x55: {  	_ =	shalt  }
0x56: {  	_ =	shalt  }
0x57: {  	_ =	shalt  }
0x58: {  	_ =	shalt  }
0x59: {  	_ =	shalt  }
0x5a: {  	_ =	shalt  }
0x5b: {  	_ =	shalt  }
0x5c: {  	_ =	shalt  }
0x5d: {  	_ =	shalt  }
0x5e: {  	_ =	shalt  }
0x5f: {  	_ =	shalt  }
0x60: {  	_ =	shalt  }
0x61: {  	_ =	shalt  }
0x62: {  	_ =	shalt  }
0x63: {  	_ =	shalt  }
0x64: {  	_ =	shalt  }
0x65: {  	_ =	shalt  }
0x66: {  	_ =	shalt  }
0x67: {  	_ =	shalt  }
0x68: {  	_ =	shalt  }
0x69: {  	_ =	shalt  }
0x6a: {  	_ =	shalt  }
0x6b: {  	_ =	shalt  }
0x6c: {  	_ =	shalt  }
0x6d: {  	_ =	shalt  }
0x6e: {  	_ =	shalt  }
0x6f: {  	_ =	shalt  }
0x70: {  	_ =	shalt  }
0x71: {  	_ =	shalt  }
0x72: {  	_ =	shalt  }
0x73: {  	_ =	shalt  }
0x74: {  	_ =	shalt  }
0x75: {  	_ =	shalt  }
0x76: {  	_ =	shalt  }
0x77: {  	_ =	shalt  }
0x78: {  	_ =	shalt  }
0x79: {  	_ =	shalt  }
0x7a: {  	_ =	shalt  }
0x7b: {  	_ =	shalt  }
0x7c: {  	_ =	shalt  }
0x7d: {  	_ =	shalt  }
0x7e: {  	_ =	shalt  }
0x7f: {  	_ =	shalt  }
0x80: {  	_ =	shalt  }
0x81: {  	_ =	shalt  }
0x82: {  	_ =	shalt  }
0x83: {  	_ =	shalt  }
0x84: {  	_ =	shalt  }
0x85: {  	_ =	shalt  }
0x86: {  	_ =	shalt  }
0x87: {  	_ =	shalt  }
.Lfunc_end0:
.L_simem_size_0:
called_computation_lowered:
.L_overlay_start_0:
0x88: {  	s2 =	sld [smem:$0x3FD9]  }
0x89: {  	s3 =	sld [smem:$0x3FFE];
	_ =	sdelay $0x1  }
0x8a: {  	s1 =	srdreg.scid  }
0x8b: {  	s0 =	sand.u32 $0x1, s1  }
0x8c: {  	s17 =	sshll.u32 s0, $0xA;
	s2 =	sadd.s32 s3, s2  }
0x8d: {  	s2 =	sadd.s32 s2, s17  }
0x8e: {  	[smem:$0x3FC0] =	sst s2  }
0x8f: {  	_ = 	snop  }
0x90: {  	s2 =	sld [smem:$0x3FC9];
	(tm) =	ssettm $0x1  }
0x91: {  	s18 =	sld [smem:$0x3FFB];
	_ =	sdelay $0x3  }
0x92: {  	_ =	strace s18  }
0x93: {  	s3 =	sld [smem:$0x3FFC];
	_ =	sdelay $0x3  }
0x94: {  	_ =	strace s3  }
0x95: {  	s3 =	sld [smem:$0x3FFD];
	_ =	sdelay $0x3  }
0x96: {  	_ =	strace s3  }
0x97: {  	_ =	strace $0x8FFFFFFF  }
0x98: {  	s19 =	sld [smem:$0x3FDB];
	_ =	sdelay $0x1  }
0x99: {  	s4 =	simm.s32 $_scs_section_size  }
0x9a: {  	s5 =	simm.s32 $_size__tile_overlayer_lowered;
	s6 =	simm.s32 $_tile_overlayer_lowered  }
0x9b: {  	s22 =	simm.s32 $0x1BFF;
	s21 =	sshll.u32 s6, $0x1;
	s3 =	sadd.s32 s4, s19  }
0x9c: {  	s7 =	simm.s32 $0x0;
	s20 =	sshll.u32 s5, $0x1;
	s5 =	sadd.s32 s21, s3  }
0x9d: {  	[timem:s7], [sflag:s22] =	dma.local [hbm:s5], s20  }
0x9e: {  	_ =	swait.ge [sflag:s22], s20  }
0x9f: {  	s4 =	ssub.s32 $0x0, s20;
	[sflag:s22] =	ssyncset.done $0x0  }
0xa0: {  	[sflag:s22] =	ssyncadd.s32 s4;
	_ =	sdelay $0x1  }
0xa1: {  	s23 =	simm.s32 $0x1B8B  }
0xa2: {  	_ =	swait.ge [sflag:s23], $0x1  }
0xa3: {  	[sflag:s23] =	ssyncset.done $0x0  }
0xa4: {  	s25 =	simm.s32 $0x1B8E;
	s24 =	sld [smem:$0x3FFE];
	[sflag:s23] =	ssyncadd.s32 $0xFFFFFFFF  }
0xa5: {  	s26 =	simm.s32 $execute0_lowered;
	[smem:$0x3FD2] =	sst s25  }
0xa6: {  	s5 =	sshll.u32 s26, $0x1;
	_ =	strace $0x80000046;
	[dreg:$0x1] =	wrdreg $0xFFFFFFFF  }
0xa7: {  	s28 =	simm.s32 $_size_execute0_lowered;
	s3 =	sadd.s32 s3, s5;
	[dreg:$0x0] =	wrdreg $0x0  }
0xa8: {  	s5 =	sshll.u32 s28, $0x1;
	[dreg:$0x2] =	wrdreg s3  }
0xa9: {  	[dreg:$0x3] =	wrdreg s5  }
0xaa: {  	[dreg:$0x4] =	wrdreg $0xC0  }
0xab: {  	_ =	task [dreg:s7], $0x5FFFF  }
0xac: {  	[dreg:$0x1] =	wrdreg $0xFFFFFFFF  }
0xad: {  	[dreg:$0x0] =	wrdreg $0x60  }
0xae: {  	[dreg:$0x2] =	wrdreg s2  }
0xaf: {  	[dreg:$0x3] =	wrdreg s24  }
0xb0: {  	[dreg:$0x4] =	wrdreg $0x98000  }
0xb1: {  	[dreg:$0x5] =	wrdreg $0x1D8000  }
0xb2: {  	[dreg:$0x6] =	wrdreg $0x9  }
0xb3: {  	_ =	task.clear_ibuf [dreg:s7], $0x7FFFF;
	_ =	strace $0x90000046  }
0xb4: {  	s29 =	simm.s32 $0x9;
	_ =	strace $0x80000048  }
0xb5: {  	_ =	swait.ge [sflag:s29], $0x1  }
0xb6: {  	[sflag:s29] =	ssyncadd.s32 $0xFFFFFFFF  }
0xb7: {  	_ =	strace $0x90000048  }
0xb8: {  	_ =	sfence  }
0xb9: {  	s30 =	sld [smem:$0x0];
	_ =	sdelay $0x2  }
0xba: {  	s31 =	sshll.u32 s1, $0xD;
	s1 =	sshrl.u32 s1, $0x2  }
0xbb: {  	s3 =	sand.u32 $0x4000, s31;
	s1 =	sadd.s32 s1, s30  }
0xbc: {  	s0 =	sor.u32 s3, s0;
	s1 =	sshll.u32 s1, $0x11  }
0xbd: {  	s0 =	sor.u32 s1, s0  }
0xbe: {  	s0 =	sadd.s32 $0x8F2B, s0  }
0xbf: {  	[sflag:s0] =	ssyncadd.remote.s32 $0x1  }
0xc0: {  	_ =	sfence.sel $0xFFFF  }
0xc1: {  	[dreg:$0x0] =	wrdreg $0xFFFFFFFF;
	(pc) =	sbr.abs _section_cstart, $3  }
0xc2: {  	[dreg:$0x1] =	wrdreg $0xFFFFFFFF  }
0xc3: {  	_ =	task.clear_ibuf [dreg:s7], $0x2FFFF;
	_ =	strace $0x9FFFFFFF  }
0xc4: {  	(tm) =	ssettm $0x7FFFFFFF  }
0xc5: {  	_ =	shalt  }
tec
execute0_lowered:
.L_overlay_start_1:
0x0: {  	(tag) =	ssettag $0x1  }
0x1: {  	s28 =	rddreg [dreg:$0x0]  }
0x2: {  	s0 =	rddreg [dreg:$0x1]  }
0x3: {  	s2 =	srdreg.scid;
	s3 =	rddreg [dreg:$0x2]  }
0x4: {  	s15 =	stileid.u32;
	s13 =	rddreg [dreg:$0x3];
	s5 =	simm.s32 $0x0  }
0x5: {  	s30 =	simm.s32 $0x1;
	s29 =	simm.s32 $0x100;
	s31 =	simm.s32 $0x180  }
0x6: {  	s2 =	sand.u32 $0x1, s2;
	s4 =	sshll.u32 s15, $0x1;
	[smem:$0x7FF] =	sst s5  }
0x7: {  	s20 =	sadd.s32 $0xF600, s0;
	s6 =	sadd.s32 $0xEE00, s0;
	s23 =	sadd.s32 $0x61E00, s0  }
0x8: {  	s8 =	sshll.u32 s15, $0x7;
	s10 =	smul.u32 $0x50000, s15;
	s26 =	sshll.u32 s15, $0x6  }
0x9: {  	s1 =	smul.u32 $0x14000, s15;
	s16 =	sshll.u32 s15, $0xA;
	p1 =	slt.u32 s15, $0x8  }
0xa: {  	s4 =	sor.u32 s2, s4;
	_ =	strace $0x80000047;
	[dreg:$0x6] =	wrdreg s6  }
0xb: {  	s7 =	smul.u32 $0x28000, s2;
	s9 =	ssub.s32 $0x2, s2;
	p0 =	seq.s32 s2, $0x0  }
0xc: {  	p2 =	sne.s32 s2, $0x0;
	[dreg:$0x5] =	wrdreg s20;
	s4 =	smul.u32 $0x500, s4  }
0xd: {  	s24 =	sshrl.u32 s9, $0x1;
	s25 =	sshrl.u32 s10, $0x2;
	s10 =	sshrl.u32 s1, $0x3  }
0xe: {  	s1 =	sadd.s32 s16, s13;
	p1 =	por !p0, !p1;
	s16 =	simm.s32 $0x600  }
0xf: {  	s7 =	sadd.s32 s7, s0;
	s9 =	ssub.s32 s9, s24;
	s11 =	sadd.s32 s25, s3  }
0x10: {  	s10 =	sadd.s32 s23, s10;
	p1 =	por !p1, !p1;
	[dreg:$0x13] =	wrdreg s1  }
0x11: {  	s4 =	sadd.s32 s4, s0;
	s0 =	sadd.s32 s8, s0;
	s19 =	sadd.s32 $0x800, s10  }
0x12: {  	s8 =	sor.u32 $0x1C04, s26;
	s21 =	sadd.s32 $0x1000, s10;
	[dreg:$0xb] =	wrdreg s19  }
0x13: {  	s22 =	sadd.s32 $0x1800, s10;
	s24 =	sadd.s32 $0x11E00, s7;
	[dreg:$0xc] =	wrdreg s21  }
0x14: {  	s25 =	smax.u32 s9, $0x1;
	s11 =	sshrl.u32 s11, $0x3;
	[dreg:$0xd] =	wrdreg s22  }
0x15: {  	s9 =	simm.s32 $0x280;
	s7 =	simm.s32 $0x480;
	[dreg:$0x10] =	wrdreg s25  }
0x16: {  	s12 =	sadd.s32 $0x3E00, s0;
	s14 =	sadd.s32 $0x3600, s0;
	[dreg:$0x11] =	wrdreg s11  }
0x17: {  	s17 =	sadd.s32 $0x4600, s0;
	s13 =	sadd.s32 $0x4E00, s4;
	[dreg:$0x7] =	wrdreg s12  }
0x18: {  	s0 =	sadd.s32 $0x89E00, s0;
	s22 =	simm.s32 $0x4;
	[dreg:$0x8] =	wrdreg s14  }
0x19: {  	s21 =	simm.s32 $0x80;
	s19 =	simm.s32 $0x0;
	[dreg:$0x9] =	wrdreg s17  }
0x1a: {  	s25 =	simm.s32 $0x400;
	s14 =	smul.u32 $0x2800, s15;
	[dreg:$0xf] =	wrdreg s0  }
.Ltmp0:
0x1b: {  	s12 =	simm.s32 $0x380;
	s15 =	simm.s32 $0x580;
	(pc) =	sbr.rel .LBB2_1-.Ltmp0, $4  }
0x1c: {  	s17 =	simm.s32 $0x680;
	s18 =	sadd.s32 s23, s14;
	s23 =	sadd.s32 $0x2000, s10  }
0x1d: {  	s26 =	sadd.s32 s14, s24;
	s10 =	simm.s32 $0x300;
	[dreg:$0xa] =	wrdreg s18  }
0x1e: {  	s14 =	simm.s32 $0x500;
	[dreg:$0xe] =	wrdreg s23;
	s23 =	simm.s32 $0x5400  }
0x1f: {  	[dreg:$0x12] =	wrdreg s26;
	s26 =	simm.s32 $0x7D;
	s18 =	simm.s32 $0x700  }
.LBB2_2:
0x20: {  	s4 =	sshrl.u32 s1, $0x3  }
0x21: {  	[spmem:s4], [sflag:s8] =	dma.local [hbm:s20], $0x80  }
0x22: {  	_ =	swait.ge [sflag:s22], $0x80  }
0x23: {  	[sflag:s22] =	ssyncset.done $0x0  }
0x24: {  	s6 =	simm.s32 $0x9400;
	s24 =	rddreg [dreg:$0x9];
	[sflag:s22] =	ssyncadd.s32 $0xFFFFFF80  }
0x25: {  	[tilespmem:s6], [sflag:$0x4] =	stream.linear.gather [hbm4b:s24+s5], $0x300, $0x38;
	[tilespmem:$0x1DC00] =	vst v63  }
0x26: {  	_ =	swait.ge [sflag:s22], $0x300  }
0x27: {  	[sflag:s22] =	ssyncset.done $0x0  }
0x28: {  	[sflag:s22] =	ssyncadd.s32 $0xFFFFFD00  }
0x29: {  	[bflag:$0x0] =	sbarrier.arrive $0xFFFF  }
0x2a: {  	s0 =	rddreg [dreg:$0x3]  }
0x2b: {  	[spmem:s0] =	stream.indirect.scatter.add.f32 [tilespmem:s23], [sflag:$0x4], $0x80, s6, s26, $0xb8;
	[tilespmem:$0x1DC00] =	vst v63  }
0x2c: {  	_ =	swait.ge [sflag:s22], $0x3E80  }
0x2d: {  	[sflag:s22] =	ssyncset.done $0x0  }
0x2e: {  	s1 =	simm.s32 $0x9480;
	[sflag:s22] =	ssyncadd.s32 $0xFFFFC180  }
0x2f: {  	[spmem:s0] =	stream.indirect.scatter.add.f32 [tilespmem:s23], [sflag:$0x4], $0x80, s1, s26, $0xb8;
	[tilespmem:$0x1DC00] =	vst v63  }
0x30: {  	_ =	swait.ge [sflag:s22], $0x3E80  }
0x31: {  	[sflag:s22] =	ssyncset.done $0x0  }
0x32: {  	s2 =	simm.s32 $0x9500;
	[sflag:s22] =	ssyncadd.s32 $0xFFFFC180  }
0x33: {  	[spmem:s0] =	stream.indirect.scatter.add.f32 [tilespmem:s23], [sflag:$0x4], $0x80, s2, s26, $0xb8;
	[tilespmem:$0x1DC00] =	vst v63  }
0x34: {  	_ =	swait.ge [sflag:s22], $0x3E80  }
0x35: {  	[sflag:s22] =	ssyncset.done $0x0  }
0x36: {  	s11 =	simm.s32 $0x9580;
	[sflag:s22] =	ssyncadd.s32 $0xFFFFC180  }
0x37: {  	[spmem:s0] =	stream.indirect.scatter.add.f32 [tilespmem:s23], [sflag:$0x4], $0x80, s11, s26, $0xb8;
	[tilespmem:$0x1DC00] =	vst v63  }
0x38: {  	_ =	swait.ge [sflag:s22], $0x3E80  }
0x39: {  	[sflag:s22] =	ssyncset.done $0x0  }
0x3a: {  	s20 =	simm.s32 $0x9600;
	[sflag:s22] =	ssyncadd.s32 $0xFFFFC180  }
0x3b: {  	[spmem:s0] =	stream.indirect.scatter.add.f32 [tilespmem:s23], [sflag:$0x4], $0x80, s20, s26, $0xb8;
	[tilespmem:$0x1DC00] =	vst v63  }
0x3c: {  	_ =	swait.ge [sflag:s22], $0x3E80  }
0x3d: {  	[sflag:s22] =	ssyncset.done $0x0  }
0x3e: {  	s24 =	simm.s32 $0x9680;
	[sflag:s22] =	ssyncadd.s32 $0xFFFFC180  }
0x3f: {  	[spmem:s0] =	stream.indirect.scatter.add.f32 [tilespmem:s23], [sflag:$0x4], $0x80, s24, s26, $0xb8;
	[tilespmem:$0x1DC00] =	vst v63  }
0x40: {  	_ =	swait.ge [sflag:s22], $0x3E80  }
0x41: {  	[sflag:s22] =	ssyncset.done $0x0  }
0x42: {  	s0 =	smov.u32 s8;
	[sflag:s22] =	ssyncadd.s32 $0xFFFFC180  }
.LBB2_6:
0x43: {  	[tilespmem:s5], [sflag:$0x4] =	stream.linear.gather [hbm4b:s13+s5], $0x800, $0x38;
	[tilespmem:$0x1DC00] =	vst v63  }
0x44: {  	_ =	swait.ge [sflag:s22], $0x800  }
0x45: {  	[sflag:s22] =	ssyncset.done $0x0  }
0x46: {  	[sflag:s22] =	ssyncadd.s32 $0xFFFFF800  }
0x47: {  	[spmem:s3] =	stream.indirect.scatter.add.f32 [tilespmem:s23], [sflag:$0x1], $0x80, s5, s26, $0xb8;
	[tilespmem:$0x1DC00] =	vst v63  }
0x48: {  	_ = 	snop  }
0x49: {  	[spmem:s3] =	stream.indirect.scatter.add.f32 [tilespmem:s23], [sflag:$0x1], $0x80, s21, s26, $0xb8;
	[tilespmem:$0x1DC00] =	vst v63  }
0x4a: {  	_ = 	snop  }
0x4b: {  	[spmem:s3] =	stream.indirect.scatter.add.f32 [tilespmem:s23], [sflag:$0x1], $0x80, s29, s26, $0xb8;
	[tilespmem:$0x1DC00] =	vst v63  }
0x4c: {  	_ = 	snop  }
0x4d: {  	[spmem:s3] =	stream.indirect.scatter.add.f32 [tilespmem:s23], [sflag:$0x1], $0x80, s31, s26, $0xb8;
	[tilespmem:$0x1DC00] =	vst v63  }
0x4e: {  	_ =	swait.ge [sflag:s30], $0x3E80  }
0x4f: {  	[sflag:s30] =	ssyncset.done $0x0  }
0x50: {  	[sflag:s30] =	ssyncadd.s32 $0xFFFFC180  }
0x51: {  	_ =	swait.ge [sflag:s30], $0x3E80  }
0x52: {  	[sflag:s30] =	ssyncset.done $0x0  }
0x53: {  	[sflag:s30] =	ssyncadd.s32 $0xFFFFC180  }
0x54: {  	_ =	swait.ge [sflag:s30], $0x3E80  }
0x55: {  	[sflag:s30] =	ssyncset.done $0x0  }
0x56: {  	[sflag:s30] =	ssyncadd.s32 $0xFFFFC180  }
0x57: {  	_ =	swait.ge [sflag:s30], $0x3E80  }
0x58: {  	[sflag:s30] =	ssyncset.done $0x0  }
0x59: {  	s2 =	simm.s32 $0x200;
	[sflag:s30] =	ssyncadd.s32 $0xFFFFC180  }
0x5a: {  	[spmem:s3] =	stream.indirect.scatter.add.f32 [tilespmem:s23], [sflag:$0x1], $0x80, s2, s26, $0xb8;
	[tilespmem:$0x1DC00] =	vst v63  }
0x5b: {  	_ = 	snop  }
0x5c: {  	[spmem:s3] =	stream.indirect.scatter.add.f32 [tilespmem:s23], [sflag:$0x1], $0x80, s9, s26, $0xb8;
	[tilespmem:$0x1DC00] =	vst v63  }
0x5d: {  	_ = 	snop  }
0x5e: {  	[spmem:s3] =	stream.indirect.scatter.add.f32 [tilespmem:s23], [sflag:$0x1], $0x80, s10, s26, $0xb8;
	[tilespmem:$0x1DC00] =	vst v63  }
0x5f: {  	_ = 	snop  }
0x60: {  	[spmem:s3] =	stream.indirect.scatter.add.f32 [tilespmem:s23], [sflag:$0x1], $0x80, s12, s26, $0xb8;
	[tilespmem:$0x1DC00] =	vst v63  }
0x61: {  	_ =	swait.ge [sflag:s30], $0x3E80  }
0x62: {  	[sflag:s30] =	ssyncset.done $0x0  }
0x63: {  	[sflag:s30] =	ssyncadd.s32 $0xFFFFC180  }
0x64: {  	_ =	swait.ge [sflag:s30], $0x3E80  }
0x65: {  	[sflag:s30] =	ssyncset.done $0x0  }
0x66: {  	[sflag:s30] =	ssyncadd.s32 $0xFFFFC180  }
0x67: {  	_ =	swait.ge [sflag:s30], $0x3E80  }
0x68: {  	[sflag:s30] =	ssyncset.done $0x0  }
0x69: {  	[sflag:s30] =	ssyncadd.s32 $0xFFFFC180  }
0x6a: {  	_ =	swait.ge [sflag:s30], $0x3E80  }
0x6b: {  	[sflag:s30] =	ssyncset.done $0x0  }
0x6c: {  	[sflag:s30] =	ssyncadd.s32 $0xFFFFC180  }
0x6d: {  	[spmem:s3] =	stream.indirect.scatter.add.f32 [tilespmem:s23], [sflag:$0x1], $0x80, s25, s26, $0xb8;
	[tilespmem:$0x1DC00] =	vst v63  }
0x6e: {  	_ = 	snop  }
0x6f: {  	[spmem:s3] =	stream.indirect.scatter.add.f32 [tilespmem:s23], [sflag:$0x1], $0x80, s7, s26, $0xb8;
	[tilespmem:$0x1DC00] =	vst v63  }
0x70: {  	_ = 	snop  }
0x71: {  	[spmem:s3] =	stream.indirect.scatter.add.f32 [tilespmem:s23], [sflag:$0x1], $0x80, s14, s26, $0xb8;
	[tilespmem:$0x1DC00] =	vst v63  }
0x72: {  	_ = 	snop  }
0x73: {  	[spmem:s3] =	stream.indirect.scatter.add.f32 [tilespmem:s23], [sflag:$0x1], $0x80, s15, s26, $0xb8;
	[tilespmem:$0x1DC00] =	vst v63  }
0x74: {  	_ =	swait.ge [sflag:s30], $0x3E80  }
0x75: {  	[sflag:s30] =	ssyncset.done $0x0  }
0x76: {  	[sflag:s30] =	ssyncadd.s32 $0xFFFFC180  }
0x77: {  	_ =	swait.ge [sflag:s30], $0x3E80  }
0x78: {  	[sflag:s30] =	ssyncset.done $0x0  }
0x79: {  	[sflag:s30] =	ssyncadd.s32 $0xFFFFC180  }
0x7a: {  	_ =	swait.ge [sflag:s30], $0x3E80  }
0x7b: {  	[sflag:s30] =	ssyncset.done $0x0  }
0x7c: {  	[sflag:s30] =	ssyncadd.s32 $0xFFFFC180  }
0x7d: {  	_ =	swait.ge [sflag:s30], $0x3E80  }
0x7e: {  	[sflag:s30] =	ssyncset.done $0x0  }
0x7f: {  	[sflag:s30] =	ssyncadd.s32 $0xFFFFC180  }
0x80: {  	[spmem:s3] =	stream.indirect.scatter.add.f32 [tilespmem:s23], [sflag:$0x1], $0x80, s16, s26, $0xb8;
	[tilespmem:$0x1DC00] =	vst v63  }
0x81: {  	_ = 	snop  }
0x82: {  	[spmem:s3] =	stream.indirect.scatter.add.f32 [tilespmem:s23], [sflag:$0x1], $0x80, s17, s26, $0xb8;
	[tilespmem:$0x1DC00] =	vst v63  }
0x83: {  	_ = 	snop  }
0x84: {  	[spmem:s3] =	stream.indirect.scatter.add.f32 [tilespmem:s23], [sflag:$0x1], $0x80, s18, s26, $0xb8;
	[tilespmem:$0x1DC00] =	vst v63  }
0x85: {  	s1 =	simm.s32 $0x780  }
0x86: {  	[spmem:s3] =	stream.indirect.scatter.add.f32 [tilespmem:s23], [sflag:$0x1], $0x80, s1, s26, $0xb8;
	[tilespmem:$0x1DC00] =	vst v63  }
0x87: {  	_ =	swait.ge [sflag:s30], $0x3E80  }
0x88: {  	[sflag:s30] =	ssyncset.done $0x0  }
0x89: {  	[sflag:s30] =	ssyncadd.s32 $0xFFFFC180  }
0x8a: {  	_ =	swait.ge [sflag:s30], $0x3E80  }
0x8b: {  	[sflag:s30] =	ssyncset.done $0x0  }
0x8c: {  	[sflag:s30] =	ssyncadd.s32 $0xFFFFC180  }
0x8d: {  	_ =	swait.ge [sflag:s30], $0x3E80  }
0x8e: {  	[sflag:s30] =	ssyncset.done $0x0  }
0x8f: {  	[sflag:s30] =	ssyncadd.s32 $0xFFFFC180  }
0x90: {  	_ =	swait.ge [sflag:s30], $0x3E80  }
0x91: {  	[sflag:s30] =	ssyncset.done $0x0  }
0x92: {  	s20 =	simm.s32 @!p0 $0x2;
	[sflag:s30] =	ssyncadd.s32 $0xFFFFC180  }
0x93: {  	_ =	swait.ge @!p0 [sflag:s20], $0x4000  }
0x94: {  	s24 =	simm.s32 @!p0 $0x0;
	[sflag:s20] =	ssyncset.done @!p0 $0x0  }
0x95: {  	s6 =	simm.s32 @!p0 $0x1400;
	s4 =	rddreg [dreg:$0xa];
	[sflag:s20] =	ssyncadd.s32 @!p0 $0xFFFFC000  }
0x96: {  	[hbm4b:s4+s24] =	stream.linear.scatter @!p0 [tilespmem:s6], [sflag:$0x3], $0x4000, $0x38;
	[tilespmem:$0x1DC00] =	vst v63  }
0x97: {  	s4 =	simm.s32 @!p0 $0x3  }
0x98: {  	_ =	swait.ge @!p0 [sflag:s4], $0x4000  }
0x99: {  	[sflag:s4] =	ssyncset.done @!p0 $0x0  }
0x9a: {  	s11 =	simm.s32 @!p0 $0x80;
	s21 =	simm.s32 @!p0 $0x1080;
	[sflag:s4] =	ssyncadd.s32 @!p0 $0xFFFFC000  }
0x9b: {  	[tilespmem:s6], [sflag:$0x2] =	stream.indirect.gather @!p0 [hbm4b:s28+s11], $0x80, s21, s11, $0xb8;
	[tilespmem:$0x1DC00] =	vst v63  }
0x9c: {  	s21 =	sadd.s32 $0x100, s13  }
0x9d: {  	[tilespmem:s5], [sflag:$0x4] =	stream.linear.gather [hbm4b:s21+s5], $0x800, $0x38;
	[tilespmem:$0x1DC00] =	vst v63  }
0x9e: {  	_ =	swait.ge [sflag:s22], $0x800  }
0x9f: {  	[sflag:s22] =	ssyncset.done $0x0  }
0xa0: {  	[sflag:s22] =	ssyncadd.s32 $0xFFFFF800  }
0xa1: {  	[spmem:s3] =	stream.indirect.scatter.add.f32 [tilespmem:s23], [sflag:$0x1], $0x80, s5, s26, $0xb8;
	[tilespmem:$0x1DC00] =	vst v63  }
0xa2: {  	s8 =	simm.s32 $0x80  }
0xa3: {  	[spmem:s3] =	stream.indirect.scatter.add.f32 [tilespmem:s23], [sflag:$0x1], $0x80, s8, s26, $0xb8;
	[tilespmem:$0x1DC00] =	vst v63  }
0xa4: {  	_ = 	snop  }
0xa5: {  	[spmem:s3] =	stream.indirect.scatter.add.f32 [tilespmem:s23], [sflag:$0x1], $0x80, s29, s26, $0xb8;
	[tilespmem:$0x1DC00] =	vst v63  }
0xa6: {  	_ = 	snop  }
0xa7: {  	[spmem:s3] =	stream.indirect.scatter.add.f32 [tilespmem:s23], [sflag:$0x1], $0x80, s31, s26, $0xb8;
	[tilespmem:$0x1DC00] =	vst v63  }
0xa8: {  	_ =	swait.ge [sflag:s30], $0x3E80  }
0xa9: {  	[sflag:s30] =	ssyncset.done $0x0  }
0xaa: {  	[sflag:s30] =	ssyncadd.s32 $0xFFFFC180  }
0xab: {  	_ =	swait.ge [sflag:s30], $0x3E80  }
0xac: {  	[sflag:s30] =	ssyncset.done $0x0  }
0xad: {  	[sflag:s30] =	ssyncadd.s32 $0xFFFFC180  }
0xae: {  	_ =	swait.ge [sflag:s30], $0x3E80  }
0xaf: {  	[sflag:s30] =	ssyncset.done $0x0  }
0xb0: {  	[sflag:s30] =	ssyncadd.s32 $0xFFFFC180  }
0xb1: {  	_ =	swait.ge [sflag:s30], $0x3E80  }
0xb2: {  	[sflag:s30] =	ssyncset.done $0x0  }
0xb3: {  	[sflag:s30] =	ssyncadd.s32 $0xFFFFC180  }
0xb4: {  	[spmem:s3] =	stream.indirect.scatter.add.f32 [tilespmem:s23], [sflag:$0x1], $0x80, s2, s26, $0xb8;
	[tilespmem:$0x1DC00] =	vst v63  }
0xb5: {  	_ = 	snop  }
0xb6: {  	[spmem:s3] =	stream.indirect.scatter.add.f32 [tilespmem:s23], [sflag:$0x1], $0x80, s9, s26, $0xb8;
	[tilespmem:$0x1DC00] =	vst v63  }
0xb7: {  	_ = 	snop  }
0xb8: {  	[spmem:s3] =	stream.indirect.scatter.add.f32 [tilespmem:s23], [sflag:$0x1], $0x80, s10, s26, $0xb8;
	[tilespmem:$0x1DC00] =	vst v63  }
0xb9: {  	_ = 	snop  }
0xba: {  	[spmem:s3] =	stream.indirect.scatter.add.f32 [tilespmem:s23], [sflag:$0x1], $0x80, s12, s26, $0xb8;
	[tilespmem:$0x1DC00] =	vst v63  }
0xbb: {  	_ =	swait.ge [sflag:s30], $0x3E80  }
0xbc: {  	[sflag:s30] =	ssyncset.done $0x0  }
0xbd: {  	[sflag:s30] =	ssyncadd.s32 $0xFFFFC180  }
0xbe: {  	_ =	swait.ge [sflag:s30], $0x3E80  }
0xbf: {  	[sflag:s30] =	ssyncset.done $0x0  }
0xc0: {  	[sflag:s30] =	ssyncadd.s32 $0xFFFFC180  }
0xc1: {  	_ =	swait.ge [sflag:s30], $0x3E80  }
0xc2: {  	[sflag:s30] =	ssyncset.done $0x0  }
0xc3: {  	[sflag:s30] =	ssyncadd.s32 $0xFFFFC180  }
0xc4: {  	_ =	swait.ge [sflag:s30], $0x3E80  }
0xc5: {  	[sflag:s30] =	ssyncset.done $0x0  }
0xc6: {  	[sflag:s30] =	ssyncadd.s32 $0xFFFFC180  }
0xc7: {  	[spmem:s3] =	stream.indirect.scatter.add.f32 [tilespmem:s23], [sflag:$0x1], $0x80, s25, s26, $0xb8;
	[tilespmem:$0x1DC00] =	vst v63  }
0xc8: {  	_ = 	snop  }
0xc9: {  	[spmem:s3] =	stream.indirect.scatter.add.f32 [tilespmem:s23], [sflag:$0x1], $0x80, s7, s26, $0xb8;
	[tilespmem:$0x1DC00] =	vst v63  }
0xca: {  	_ = 	snop  }
0xcb: {  	[spmem:s3] =	stream.indirect.scatter.add.f32 [tilespmem:s23], [sflag:$0x1], $0x80, s14, s26, $0xb8;
	[tilespmem:$0x1DC00] =	vst v63  }
0xcc: {  	_ = 	snop  }
0xcd: {  	[spmem:s3] =	stream.indirect.scatter.add.f32 [tilespmem:s23], [sflag:$0x1], $0x80, s15, s26, $0xb8;
	[tilespmem:$0x1DC00] =	vst v63  }
0xce: {  	_ =	swait.ge [sflag:s30], $0x3E80  }
0xcf: {  	[sflag:s30] =	ssyncset.done $0x0  }
0xd0: {  	[sflag:s30] =	ssyncadd.s32 $0xFFFFC180  }
0xd1: {  	_ =	swait.ge [sflag:s30], $0x3E80  }
0xd2: {  	[sflag:s30] =	ssyncset.done $0x0  }
0xd3: {  	[sflag:s30] =	ssyncadd.s32 $0xFFFFC180  }
0xd4: {  	_ =	swait.ge [sflag:s30], $0x3E80  }
0xd5: {  	[sflag:s30] =	ssyncset.done $0x0  }
0xd6: {  	[sflag:s30] =	ssyncadd.s32 $0xFFFFC180  }
0xd7: {  	_ =	swait.ge [sflag:s30], $0x3E80  }
0xd8: {  	[sflag:s30] =	ssyncset.done $0x0  }
0xd9: {  	[sflag:s30] =	ssyncadd.s32 $0xFFFFC180  }
0xda: {  	[spmem:s3] =	stream.indirect.scatter.add.f32 [tilespmem:s23], [sflag:$0x1], $0x80, s16, s26, $0xb8;
	[tilespmem:$0x1DC00] =	vst v63  }
0xdb: {  	_ = 	snop  }
0xdc: {  	[spmem:s3] =	stream.indirect.scatter.add.f32 [tilespmem:s23], [sflag:$0x1], $0x80, s17, s26, $0xb8;
	[tilespmem:$0x1DC00] =	vst v63  }
0xdd: {  	_ = 	snop  }
0xde: {  	[spmem:s3] =	stream.indirect.scatter.add.f32 [tilespmem:s23], [sflag:$0x1], $0x80, s18, s26, $0xb8;
	[tilespmem:$0x1DC00] =	vst v63  }
0xdf: {  	_ = 	snop  }
0xe0: {  	[spmem:s3] =	stream.indirect.scatter.add.f32 [tilespmem:s23], [sflag:$0x1], $0x80, s1, s26, $0xb8;
	[tilespmem:$0x1DC00] =	vst v63  }
0xe1: {  	_ =	swait.ge [sflag:s30], $0x3E80  }
0xe2: {  	[sflag:s30] =	ssyncset.done $0x0  }
0xe3: {  	[sflag:s30] =	ssyncadd.s32 $0xFFFFC180  }
0xe4: {  	_ =	swait.ge [sflag:s30], $0x3E80  }
0xe5: {  	[sflag:s30] =	ssyncset.done $0x0  }
0xe6: {  	[sflag:s30] =	ssyncadd.s32 $0xFFFFC180  }
0xe7: {  	_ =	swait.ge [sflag:s30], $0x3E80  }
0xe8: {  	[sflag:s30] =	ssyncset.done $0x0  }
0xe9: {  	[sflag:s30] =	ssyncadd.s32 $0xFFFFC180  }
0xea: {  	_ =	swait.ge [sflag:s30], $0x3E80  }
0xeb: {  	[sflag:s30] =	ssyncset.done $0x0  }
0xec: {  	[sflag:s30] =	ssyncadd.s32 $0xFFFFC180  }
0xed: {  	_ =	swait.ge @!p0 [sflag:s20], $0x4000  }
0xee: {  	[sflag:s20] =	ssyncset.done @!p0 $0x0  }
0xef: {  	s21 =	rddreg [dreg:$0xb];
	[sflag:s20] =	ssyncadd.s32 @!p0 $0xFFFFC000  }
0xf0: {  	[hbm4b:s21+s24] =	stream.linear.scatter @!p0 [tilespmem:s6], [sflag:$0x3], $0x4000, $0x38;
	[tilespmem:$0x1DC00] =	vst v63  }
0xf1: {  	_ =	swait.ge @!p0 [sflag:s4], $0x4000  }
0xf2: {  	[sflag:s4] =	ssyncset.done @!p0 $0x0  }
0xf3: {  	s21 =	simm.s32 @!p0 $0x1100;
	[sflag:s4] =	ssyncadd.s32 @!p0 $0xFFFFC000  }
0xf4: {  	[tilespmem:s6], [sflag:$0x2] =	stream.indirect.gather @!p0 [hbm4b:s28+s11], $0x80, s21, s11, $0xb8;
	[tilespmem:$0x1DC00] =	vst v63  }
0xf5: {  	s21 =	sadd.s32 $0x200, s13  }
0xf6: {  	[tilespmem:s5], [sflag:$0x4] =	stream.linear.gather [hbm4b:s21+s5], $0x800, $0x38;
	[tilespmem:$0x1DC00] =	vst v63  }
0xf7: {  	_ =	swait.ge [sflag:s22], $0x800  }
0xf8: {  	[sflag:s22] =	ssyncset.done $0x0  }
0xf9: {  	[sflag:s22] =	ssyncadd.s32 $0xFFFFF800  }
0xfa: {  	[spmem:s3] =	stream.indirect.scatter.add.f32 [tilespmem:s23], [sflag:$0x1], $0x80, s5, s26, $0xb8;
	[tilespmem:$0x1DC00] =	vst v63  }
0xfb: {  	_ = 	snop  }
0xfc: {  	[spmem:s3] =	stream.indirect.scatter.add.f32 [tilespmem:s23], [sflag:$0x1], $0x80, s8, s26, $0xb8;
	[tilespmem:$0x1DC00] =	vst v63  }
0xfd: {  	_ = 	snop  }
0xfe: {  	[spmem:s3] =	stream.indirect.scatter.add.f32 [tilespmem:s23], [sflag:$0x1], $0x80, s29, s26, $0xb8;
	[tilespmem:$0x1DC00] =	vst v63  }
0xff: {  	_ = 	snop  }
0x100: {  	[spmem:s3] =	stream.indirect.scatter.add.f32 [tilespmem:s23], [sflag:$0x1], $0x80, s31, s26, $0xb8;
	[tilespmem:$0x1DC00] =	vst v63  }
0x101: {  	_ =	swait.ge [sflag:s30], $0x3E80  }
0x102: {  	[sflag:s30] =	ssyncset.done $0x0  }
0x103: {  	[sflag:s30] =	ssyncadd.s32 $0xFFFFC180  }
0x104: {  	_ =	swait.ge [sflag:s30], $0x3E80  }
0x105: {  	[sflag:s30] =	ssyncset.done $0x0  }
0x106: {  	[sflag:s30] =	ssyncadd.s32 $0xFFFFC180  }
0x107: {  	_ =	swait.ge [sflag:s30], $0x3E80  }
0x108: {  	[sflag:s30] =	ssyncset.done $0x0  }
0x109: {  	[sflag:s30] =	ssyncadd.s32 $0xFFFFC180  }
0x10a: {  	_ =	swait.ge [sflag:s30], $0x3E80  }
0x10b: {  	[sflag:s30] =	ssyncset.done $0x0  }
0x10c: {  	[sflag:s30] =	ssyncadd.s32 $0xFFFFC180  }
0x10d: {  	[spmem:s3] =	stream.indirect.scatter.add.f32 [tilespmem:s23], [sflag:$0x1], $0x80, s2, s26, $0xb8;
	[tilespmem:$0x1DC00] =	vst v63  }
0x10e: {  	_ = 	snop  }
0x10f: {  	[spmem:s3] =	stream.indirect.scatter.add.f32 [tilespmem:s23], [sflag:$0x1], $0x80, s9, s26, $0xb8;
	[tilespmem:$0x1DC00] =	vst v63  }
0x110: {  	_ = 	snop  }
0x111: {  	[spmem:s3] =	stream.indirect.scatter.add.f32 [tilespmem:s23], [sflag:$0x1], $0x80, s10, s26, $0xb8;
	[tilespmem:$0x1DC00] =	vst v63  }
0x112: {  	_ = 	snop  }
0x113: {  	[spmem:s3] =	stream.indirect.scatter.add.f32 [tilespmem:s23], [sflag:$0x1], $0x80, s12, s26, $0xb8;
	[tilespmem:$0x1DC00] =	vst v63  }
0x114: {  	_ =	swait.ge [sflag:s30], $0x3E80  }
0x115: {  	[sflag:s30] =	ssyncset.done $0x0  }
0x116: {  	[sflag:s30] =	ssyncadd.s32 $0xFFFFC180  }
0x117: {  	_ =	swait.ge [sflag:s30], $0x3E80  }
0x118: {  	[sflag:s30] =	ssyncset.done $0x0  }
0x119: {  	[sflag:s30] =	ssyncadd.s32 $0xFFFFC180  }
0x11a: {  	_ =	swait.ge [sflag:s30], $0x3E80  }
0x11b: {  	[sflag:s30] =	ssyncset.done $0x0  }
0x11c: {  	[sflag:s30] =	ssyncadd.s32 $0xFFFFC180  }
0x11d: {  	_ =	swait.ge [sflag:s30], $0x3E80  }
0x11e: {  	[sflag:s30] =	ssyncset.done $0x0  }
0x11f: {  	[sflag:s30] =	ssyncadd.s32 $0xFFFFC180  }
0x120: {  	[spmem:s3] =	stream.indirect.scatter.add.f32 [tilespmem:s23], [sflag:$0x1], $0x80, s25, s26, $0xb8;
	[tilespmem:$0x1DC00] =	vst v63  }
0x121: {  	_ = 	snop  }
0x122: {  	[spmem:s3] =	stream.indirect.scatter.add.f32 [tilespmem:s23], [sflag:$0x1], $0x80, s7, s26, $0xb8;
	[tilespmem:$0x1DC00] =	vst v63  }
0x123: {  	_ = 	snop  }
0x124: {  	[spmem:s3] =	stream.indirect.scatter.add.f32 [tilespmem:s23], [sflag:$0x1], $0x80, s14, s26, $0xb8;
	[tilespmem:$0x1DC00] =	vst v63  }
0x125: {  	_ = 	snop  }
0x126: {  	[spmem:s3] =	stream.indirect.scatter.add.f32 [tilespmem:s23], [sflag:$0x1], $0x80, s15, s26, $0xb8;
	[tilespmem:$0x1DC00] =	vst v63  }
0x127: {  	_ =	swait.ge [sflag:s30], $0x3E80  }
0x128: {  	[sflag:s30] =	ssyncset.done $0x0  }
0x129: {  	[sflag:s30] =	ssyncadd.s32 $0xFFFFC180  }
0x12a: {  	_ =	swait.ge [sflag:s30], $0x3E80  }
0x12b: {  	[sflag:s30] =	ssyncset.done $0x0  }
0x12c: {  	[sflag:s30] =	ssyncadd.s32 $0xFFFFC180  }
0x12d: {  	_ =	swait.ge [sflag:s30], $0x3E80  }
0x12e: {  	[sflag:s30] =	ssyncset.done $0x0  }
0x12f: {  	[sflag:s30] =	ssyncadd.s32 $0xFFFFC180  }
0x130: {  	_ =	swait.ge [sflag:s30], $0x3E80  }
0x131: {  	[sflag:s30] =	ssyncset.done $0x0  }
0x132: {  	[sflag:s30] =	ssyncadd.s32 $0xFFFFC180  }
0x133: {  	[spmem:s3] =	stream.indirect.scatter.add.f32 [tilespmem:s23], [sflag:$0x1], $0x80, s16, s26, $0xb8;
	[tilespmem:$0x1DC00] =	vst v63  }
0x134: {  	_ = 	snop  }
0x135: {  	[spmem:s3] =	stream.indirect.scatter.add.f32 [tilespmem:s23], [sflag:$0x1], $0x80, s17, s26, $0xb8;
	[tilespmem:$0x1DC00] =	vst v63  }
0x136: {  	_ = 	snop  }
0x137: {  	[spmem:s3] =	stream.indirect.scatter.add.f32 [tilespmem:s23], [sflag:$0x1], $0x80, s18, s26, $0xb8;
	[tilespmem:$0x1DC00] =	vst v63  }
0x138: {  	_ = 	snop  }
0x139: {  	[spmem:s3] =	stream.indirect.scatter.add.f32 [tilespmem:s23], [sflag:$0x1], $0x80, s1, s26, $0xb8;
	[tilespmem:$0x1DC00] =	vst v63  }
0x13a: {  	_ =	swait.ge [sflag:s30], $0x3E80  }
0x13b: {  	[sflag:s30] =	ssyncset.done $0x0  }
0x13c: {  	[sflag:s30] =	ssyncadd.s32 $0xFFFFC180  }
0x13d: {  	_ =	swait.ge [sflag:s30], $0x3E80  }
0x13e: {  	[sflag:s30] =	ssyncset.done $0x0  }
0x13f: {  	[sflag:s30] =	ssyncadd.s32 $0xFFFFC180  }
0x140: {  	_ =	swait.ge [sflag:s30], $0x3E80  }
0x141: {  	[sflag:s30] =	ssyncset.done $0x0  }
0x142: {  	[sflag:s30] =	ssyncadd.s32 $0xFFFFC180  }
0x143: {  	_ =	swait.ge [sflag:s30], $0x3E80  }
0x144: {  	[sflag:s30] =	ssyncset.done $0x0  }
0x145: {  	[sflag:s30] =	ssyncadd.s32 $0xFFFFC180  }
0x146: {  	_ =	swait.ge @!p0 [sflag:s20], $0x4000  }
0x147: {  	[sflag:s20] =	ssyncset.done @!p0 $0x0  }
0x148: {  	s21 =	rddreg [dreg:$0xc];
	[sflag:s20] =	ssyncadd.s32 @!p0 $0xFFFFC000  }
0x149: {  	[hbm4b:s21+s24] =	stream.linear.scatter @!p0 [tilespmem:s6], [sflag:$0x3], $0x4000, $0x38;
	[tilespmem:$0x1DC00] =	vst v63  }
0x14a: {  	_ =	swait.ge @!p0 [sflag:s4], $0x4000  }
0x14b: {  	[sflag:s4] =	ssyncset.done @!p0 $0x0  }
0x14c: {  	s21 =	simm.s32 @!p0 $0x1180;
	[sflag:s4] =	ssyncadd.s32 @!p0 $0xFFFFC000  }
0x14d: {  	[tilespmem:s6], [sflag:$0x2] =	stream.indirect.gather @!p0 [hbm4b:s28+s11], $0x80, s21, s11, $0xb8;
	[tilespmem:$0x1DC00] =	vst v63  }
0x14e: {  	s21 =	sadd.s32 $0x300, s13  }
0x14f: {  	[tilespmem:s5], [sflag:$0x4] =	stream.linear.gather [hbm4b:s21+s5], $0x800, $0x38;
	[tilespmem:$0x1DC00] =	vst v63  }
0x150: {  	_ =	swait.ge [sflag:s22], $0x800  }
0x151: {  	[sflag:s22] =	ssyncset.done $0x0  }
0x152: {  	[sflag:s22] =	ssyncadd.s32 $0xFFFFF800  }
0x153: {  	[spmem:s3] =	stream.indirect.scatter.add.f32 [tilespmem:s23], [sflag:$0x1], $0x80, s5, s26, $0xb8;
	[tilespmem:$0x1DC00] =	vst v63  }
0x154: {  	_ = 	snop  }
0x155: {  	[spmem:s3] =	stream.indirect.scatter.add.f32 [tilespmem:s23], [sflag:$0x1], $0x80, s8, s26, $0xb8;
	[tilespmem:$0x1DC00] =	vst v63  }
0x156: {  	_ = 	snop  }
0x157: {  	[spmem:s3] =	stream.indirect.scatter.add.f32 [tilespmem:s23], [sflag:$0x1], $0x80, s29, s26, $0xb8;
	[tilespmem:$0x1DC00] =	vst v63  }
0x158: {  	_ = 	snop  }
0x159: {  	[spmem:s3] =	stream.indirect.scatter.add.f32 [tilespmem:s23], [sflag:$0x1], $0x80, s31, s26, $0xb8;
	[tilespmem:$0x1DC00] =	vst v63  }
0x15a: {  	_ =	swait.ge [sflag:s30], $0x3E80  }
0x15b: {  	[sflag:s30] =	ssyncset.done $0x0  }
0x15c: {  	[sflag:s30] =	ssyncadd.s32 $0xFFFFC180  }
0x15d: {  	_ =	swait.ge [sflag:s30], $0x3E80  }
0x15e: {  	[sflag:s30] =	ssyncset.done $0x0  }
0x15f: {  	[sflag:s30] =	ssyncadd.s32 $0xFFFFC180  }
0x160: {  	_ =	swait.ge [sflag:s30], $0x3E80  }
0x161: {  	[sflag:s30] =	ssyncset.done $0x0  }
0x162: {  	[sflag:s30] =	ssyncadd.s32 $0xFFFFC180  }
0x163: {  	_ =	swait.ge [sflag:s30], $0x3E80  }
0x164: {  	[sflag:s30] =	ssyncset.done $0x0  }
0x165: {  	[sflag:s30] =	ssyncadd.s32 $0xFFFFC180  }
0x166: {  	[spmem:s3] =	stream.indirect.scatter.add.f32 [tilespmem:s23], [sflag:$0x1], $0x80, s2, s26, $0xb8;
	[tilespmem:$0x1DC00] =	vst v63  }
0x167: {  	_ = 	snop  }
0x168: {  	[spmem:s3] =	stream.indirect.scatter.add.f32 [tilespmem:s23], [sflag:$0x1], $0x80, s9, s26, $0xb8;
	[tilespmem:$0x1DC00] =	vst v63  }
0x169: {  	_ = 	snop  }
0x16a: {  	[spmem:s3] =	stream.indirect.scatter.add.f32 [tilespmem:s23], [sflag:$0x1], $0x80, s10, s26, $0xb8;
	[tilespmem:$0x1DC00] =	vst v63  }
0x16b: {  	_ = 	snop  }
0x16c: {  	[spmem:s3] =	stream.indirect.scatter.add.f32 [tilespmem:s23], [sflag:$0x1], $0x80, s12, s26, $0xb8;
	[tilespmem:$0x1DC00] =	vst v63  }
0x16d: {  	_ =	swait.ge [sflag:s30], $0x3E80  }
0x16e: {  	[sflag:s30] =	ssyncset.done $0x0  }
0x16f: {  	[sflag:s30] =	ssyncadd.s32 $0xFFFFC180  }
0x170: {  	_ =	swait.ge [sflag:s30], $0x3E80  }
0x171: {  	[sflag:s30] =	ssyncset.done $0x0  }
0x172: {  	[sflag:s30] =	ssyncadd.s32 $0xFFFFC180  }
0x173: {  	_ =	swait.ge [sflag:s30], $0x3E80  }
0x174: {  	[sflag:s30] =	ssyncset.done $0x0  }
0x175: {  	[sflag:s30] =	ssyncadd.s32 $0xFFFFC180  }
0x176: {  	_ =	swait.ge [sflag:s30], $0x3E80  }
0x177: {  	[sflag:s30] =	ssyncset.done $0x0  }
0x178: {  	[sflag:s30] =	ssyncadd.s32 $0xFFFFC180  }
0x179: {  	[spmem:s3] =	stream.indirect.scatter.add.f32 [tilespmem:s23], [sflag:$0x1], $0x80, s25, s26, $0xb8;
	[tilespmem:$0x1DC00] =	vst v63  }
0x17a: {  	_ = 	snop  }
0x17b: {  	[spmem:s3] =	stream.indirect.scatter.add.f32 [tilespmem:s23], [sflag:$0x1], $0x80, s7, s26, $0xb8;
	[tilespmem:$0x1DC00] =	vst v63  }
0x17c: {  	_ = 	snop  }
0x17d: {  	[spmem:s3] =	stream.indirect.scatter.add.f32 [tilespmem:s23], [sflag:$0x1], $0x80, s14, s26, $0xb8;
	[tilespmem:$0x1DC00] =	vst v63  }
0x17e: {  	_ = 	snop  }
0x17f: {  	[spmem:s3] =	stream.indirect.scatter.add.f32 [tilespmem:s23], [sflag:$0x1], $0x80, s15, s26, $0xb8;
	[tilespmem:$0x1DC00] =	vst v63  }
0x180: {  	_ =	swait.ge [sflag:s30], $0x3E80  }
0x181: {  	[sflag:s30] =	ssyncset.done $0x0  }
0x182: {  	[sflag:s30] =	ssyncadd.s32 $0xFFFFC180  }
0x183: {  	_ =	swait.ge [sflag:s30], $0x3E80  }
0x184: {  	[sflag:s30] =	ssyncset.done $0x0  }
0x185: {  	[sflag:s30] =	ssyncadd.s32 $0xFFFFC180  }
0x186: {  	_ =	swait.ge [sflag:s30], $0x3E80  }
0x187: {  	[sflag:s30] =	ssyncset.done $0x0  }
0x188: {  	[sflag:s30] =	ssyncadd.s32 $0xFFFFC180  }
0x189: {  	_ =	swait.ge [sflag:s30], $0x3E80  }
0x18a: {  	[sflag:s30] =	ssyncset.done $0x0  }
0x18b: {  	[sflag:s30] =	ssyncadd.s32 $0xFFFFC180  }
0x18c: {  	[spmem:s3] =	stream.indirect.scatter.add.f32 [tilespmem:s23], [sflag:$0x1], $0x80, s16, s26, $0xb8;
	[tilespmem:$0x1DC00] =	vst v63  }
0x18d: {  	_ = 	snop  }
0x18e: {  	[spmem:s3] =	stream.indirect.scatter.add.f32 [tilespmem:s23], [sflag:$0x1], $0x80, s17, s26, $0xb8;
	[tilespmem:$0x1DC00] =	vst v63  }
0x18f: {  	_ = 	snop  }
0x190: {  	[spmem:s3] =	stream.indirect.scatter.add.f32 [tilespmem:s23], [sflag:$0x1], $0x80, s18, s26, $0xb8;
	[tilespmem:$0x1DC00] =	vst v63  }
0x191: {  	_ = 	snop  }
0x192: {  	[spmem:s3] =	stream.indirect.scatter.add.f32 [tilespmem:s23], [sflag:$0x1], $0x80, s1, s26, $0xb8;
	[tilespmem:$0x1DC00] =	vst v63  }
0x193: {  	_ =	swait.ge [sflag:s30], $0x3E80  }
0x194: {  	[sflag:s30] =	ssyncset.done $0x0  }
0x195: {  	[sflag:s30] =	ssyncadd.s32 $0xFFFFC180  }
0x196: {  	_ =	swait.ge [sflag:s30], $0x3E80  }
0x197: {  	[sflag:s30] =	ssyncset.done $0x0  }
0x198: {  	[sflag:s30] =	ssyncadd.s32 $0xFFFFC180  }
0x199: {  	_ =	swait.ge [sflag:s30], $0x3E80  }
0x19a: {  	[sflag:s30] =	ssyncset.done $0x0  }
0x19b: {  	[sflag:s30] =	ssyncadd.s32 $0xFFFFC180  }
0x19c: {  	_ =	swait.ge [sflag:s30], $0x3E80  }
0x19d: {  	[sflag:s30] =	ssyncset.done $0x0  }
0x19e: {  	[sflag:s30] =	ssyncadd.s32 $0xFFFFC180  }
0x19f: {  	_ =	swait.ge @!p0 [sflag:s20], $0x4000  }
0x1a0: {  	[sflag:s20] =	ssyncset.done @!p0 $0x0  }
0x1a1: {  	s21 =	rddreg [dreg:$0xd];
	[sflag:s20] =	ssyncadd.s32 @!p0 $0xFFFFC000  }
0x1a2: {  	[hbm4b:s21+s24] =	stream.linear.scatter @!p0 [tilespmem:s6], [sflag:$0x3], $0x4000, $0x38;
	[tilespmem:$0x1DC00] =	vst v63  }
0x1a3: {  	_ =	swait.ge @!p0 [sflag:s4], $0x4000  }
0x1a4: {  	[sflag:s4] =	ssyncset.done @!p0 $0x0  }
0x1a5: {  	s21 =	simm.s32 @!p0 $0x1200;
	[sflag:s4] =	ssyncadd.s32 @!p0 $0xFFFFC000  }
0x1a6: {  	[tilespmem:s6], [sflag:$0x2] =	stream.indirect.gather @!p0 [hbm4b:s28+s11], $0x80, s21, s11, $0xb8;
	[tilespmem:$0x1DC00] =	vst v63  }
0x1a7: {  	s8 =	sadd.s32 $0x400, s13  }
0x1a8: {  	[tilespmem:s5], [sflag:$0x4] =	stream.linear.gather [hbm4b:s8+s5], $0x800, $0x38;
	[tilespmem:$0x1DC00] =	vst v63  }
0x1a9: {  	_ =	swait.ge [sflag:s22], $0x800  }
0x1aa: {  	[sflag:s22] =	ssyncset.done $0x0  }
0x1ab: {  	[sflag:s22] =	ssyncadd.s32 $0xFFFFF800  }
0x1ac: {  	[spmem:s3] =	stream.indirect.scatter.add.f32 [tilespmem:s23], [sflag:$0x1], $0x80, s5, s26, $0xb8;
	[tilespmem:$0x1DC00] =	vst v63  }
0x1ad: {  	s21 =	simm.s32 $0x80  }
0x1ae: {  	[spmem:s3] =	stream.indirect.scatter.add.f32 [tilespmem:s23], [sflag:$0x1], $0x80, s21, s26, $0xb8;
	[tilespmem:$0x1DC00] =	vst v63  }
0x1af: {  	_ = 	snop  }
0x1b0: {  	[spmem:s3] =	stream.indirect.scatter.add.f32 [tilespmem:s23], [sflag:$0x1], $0x80, s29, s26, $0xb8;
	[tilespmem:$0x1DC00] =	vst v63  }
0x1b1: {  	_ = 	snop  }
0x1b2: {  	[spmem:s3] =	stream.indirect.scatter.add.f32 [tilespmem:s23], [sflag:$0x1], $0x80, s31, s26, $0xb8;
	[tilespmem:$0x1DC00] =	vst v63  }
0x1b3: {  	_ =	swait.ge [sflag:s30], $0x3E80  }
0x1b4: {  	[sflag:s30] =	ssyncset.done $0x0  }
0x1b5: {  	[sflag:s30] =	ssyncadd.s32 $0xFFFFC180  }
0x1b6: {  	_ =	swait.ge [sflag:s30], $0x3E80  }
0x1b7: {  	[sflag:s30] =	ssyncset.done $0x0  }
0x1b8: {  	[sflag:s30] =	ssyncadd.s32 $0xFFFFC180  }
0x1b9: {  	_ =	swait.ge [sflag:s30], $0x3E80  }
0x1ba: {  	[sflag:s30] =	ssyncset.done $0x0  }
0x1bb: {  	[sflag:s30] =	ssyncadd.s32 $0xFFFFC180  }
0x1bc: {  	_ =	swait.ge [sflag:s30], $0x3E80  }
0x1bd: {  	[sflag:s30] =	ssyncset.done $0x0  }
0x1be: {  	[sflag:s30] =	ssyncadd.s32 $0xFFFFC180  }
0x1bf: {  	[spmem:s3] =	stream.indirect.scatter.add.f32 [tilespmem:s23], [sflag:$0x1], $0x80, s2, s26, $0xb8;
	[tilespmem:$0x1DC00] =	vst v63  }
0x1c0: {  	_ = 	snop  }
0x1c1: {  	[spmem:s3] =	stream.indirect.scatter.add.f32 [tilespmem:s23], [sflag:$0x1], $0x80, s9, s26, $0xb8;
	[tilespmem:$0x1DC00] =	vst v63  }
0x1c2: {  	_ = 	snop  }
0x1c3: {  	[spmem:s3] =	stream.indirect.scatter.add.f32 [tilespmem:s23], [sflag:$0x1], $0x80, s10, s26, $0xb8;
	[tilespmem:$0x1DC00] =	vst v63  }
0x1c4: {  	_ = 	snop  }
0x1c5: {  	[spmem:s3] =	stream.indirect.scatter.add.f32 [tilespmem:s23], [sflag:$0x1], $0x80, s12, s26, $0xb8;
	[tilespmem:$0x1DC00] =	vst v63  }
0x1c6: {  	_ =	swait.ge [sflag:s30], $0x3E80  }
0x1c7: {  	[sflag:s30] =	ssyncset.done $0x0  }
0x1c8: {  	[sflag:s30] =	ssyncadd.s32 $0xFFFFC180  }
0x1c9: {  	_ =	swait.ge [sflag:s30], $0x3E80  }
0x1ca: {  	[sflag:s30] =	ssyncset.done $0x0  }
0x1cb: {  	[sflag:s30] =	ssyncadd.s32 $0xFFFFC180  }
0x1cc: {  	_ =	swait.ge [sflag:s30], $0x3E80  }
0x1cd: {  	[sflag:s30] =	ssyncset.done $0x0  }
0x1ce: {  	[sflag:s30] =	ssyncadd.s32 $0xFFFFC180  }
0x1cf: {  	_ =	swait.ge [sflag:s30], $0x3E80  }
0x1d0: {  	[sflag:s30] =	ssyncset.done $0x0  }
0x1d1: {  	[sflag:s30] =	ssyncadd.s32 $0xFFFFC180  }
0x1d2: {  	[spmem:s3] =	stream.indirect.scatter.add.f32 [tilespmem:s23], [sflag:$0x1], $0x80, s25, s26, $0xb8;
	[tilespmem:$0x1DC00] =	vst v63  }
0x1d3: {  	_ = 	snop  }
0x1d4: {  	[spmem:s3] =	stream.indirect.scatter.add.f32 [tilespmem:s23], [sflag:$0x1], $0x80, s7, s26, $0xb8;
	[tilespmem:$0x1DC00] =	vst v63  }
0x1d5: {  	_ = 	snop  }
0x1d6: {  	[spmem:s3] =	stream.indirect.scatter.add.f32 [tilespmem:s23], [sflag:$0x1], $0x80, s14, s26, $0xb8;
	[tilespmem:$0x1DC00] =	vst v63  }
0x1d7: {  	_ = 	snop  }
0x1d8: {  	[spmem:s3] =	stream.indirect.scatter.add.f32 [tilespmem:s23], [sflag:$0x1], $0x80, s15, s26, $0xb8;
	[tilespmem:$0x1DC00] =	vst v63  }
0x1d9: {  	_ =	swait.ge [sflag:s30], $0x3E80  }
0x1da: {  	[sflag:s30] =	ssyncset.done $0x0  }
0x1db: {  	[sflag:s30] =	ssyncadd.s32 $0xFFFFC180  }
0x1dc: {  	_ =	swait.ge [sflag:s30], $0x3E80  }
0x1dd: {  	[sflag:s30] =	ssyncset.done $0x0  }
0x1de: {  	[sflag:s30] =	ssyncadd.s32 $0xFFFFC180  }
0x1df: {  	_ =	swait.ge [sflag:s30], $0x3E80  }
0x1e0: {  	[sflag:s30] =	ssyncset.done $0x0  }
0x1e1: {  	[sflag:s30] =	ssyncadd.s32 $0xFFFFC180  }
0x1e2: {  	_ =	swait.ge [sflag:s30], $0x3E80  }
0x1e3: {  	[sflag:s30] =	ssyncset.done $0x0  }
0x1e4: {  	[sflag:s30] =	ssyncadd.s32 $0xFFFFC180  }
0x1e5: {  	[spmem:s3] =	stream.indirect.scatter.add.f32 [tilespmem:s23], [sflag:$0x1], $0x80, s16, s26, $0xb8;
	[tilespmem:$0x1DC00] =	vst v63  }
0x1e6: {  	_ = 	snop  }
0x1e7: {  	[spmem:s3] =	stream.indirect.scatter.add.f32 [tilespmem:s23], [sflag:$0x1], $0x80, s17, s26, $0xb8;
	[tilespmem:$0x1DC00] =	vst v63  }
0x1e8: {  	_ = 	snop  }
0x1e9: {  	[spmem:s3] =	stream.indirect.scatter.add.f32 [tilespmem:s23], [sflag:$0x1], $0x80, s18, s26, $0xb8;
	[tilespmem:$0x1DC00] =	vst v63  }
0x1ea: {  	_ = 	snop  }
0x1eb: {  	[spmem:s3] =	stream.indirect.scatter.add.f32 [tilespmem:s23], [sflag:$0x1], $0x80, s1, s26, $0xb8;
	[tilespmem:$0x1DC00] =	vst v63  }
0x1ec: {  	_ =	swait.ge [sflag:s30], $0x3E80  }
0x1ed: {  	[sflag:s30] =	ssyncset.done $0x0  }
0x1ee: {  	[sflag:s30] =	ssyncadd.s32 $0xFFFFC180  }
0x1ef: {  	_ =	swait.ge [sflag:s30], $0x3E80  }
0x1f0: {  	[sflag:s30] =	ssyncset.done $0x0  }
0x1f1: {  	[sflag:s30] =	ssyncadd.s32 $0xFFFFC180  }
0x1f2: {  	_ =	swait.ge [sflag:s30], $0x3E80  }
0x1f3: {  	[sflag:s30] =	ssyncset.done $0x0  }
0x1f4: {  	[sflag:s30] =	ssyncadd.s32 $0xFFFFC180  }
0x1f5: {  	_ =	swait.ge [sflag:s30], $0x3E80  }
0x1f6: {  	[sflag:s30] =	ssyncset.done $0x0  }
0x1f7: {  	[sflag:s30] =	ssyncadd.s32 $0xFFFFC180  }
0x1f8: {  	_ =	swait.ge @!p0 [sflag:s20], $0x4000  }
0x1f9: {  	[sflag:s20] =	ssyncset.done @!p0 $0x0  }
0x1fa: {  	s11 =	rddreg [dreg:$0xe];
	[sflag:s20] =	ssyncadd.s32 @!p0 $0xFFFFC000  }
0x1fb: {  	[hbm4b:s11+s24] =	stream.linear.scatter @!p0 [tilespmem:s6], [sflag:$0x3], $0x4000, $0x38;
	[tilespmem:$0x1DC00] =	vst v63  }
0x1fc: {  	_ =	swait.ge @!p0 [sflag:s4], $0x4000  }
0x1fd: {  	[sflag:s4] =	ssyncset.done @!p0 $0x0  }
0x1fe: {  	[sflag:s4] =	ssyncadd.s32 @!p0 $0xFFFFC000  }
0x1ff: {  	[bflag:$0x0] =	sbarrier.arrive $0xFFFF  }
0x200: {  	s11 =	rddreg [dreg:$0x11]  }
0x201: {  	s20 =	rddreg [dreg:$0x12]  }
0x202: {  	[hbm:s20], [sflag:s0] =	dma.local [spmem:s11], $0x2800  }
0x203: {  	_ =	swait.ge [sflag:s22], $0x2800  }
0x204: {  	[sflag:s22] =	ssyncset.done $0x0;
	s1 =	rddreg [dreg:$0x13]  }
0x205: {  	s6 =	rddreg [dreg:$0xf];
	[sflag:s22] =	ssyncadd.s32 $0xFFFFD800;
	s4 =	sshrl.u32 @p1 s1, $0x3  }
0x206: {  	[hbm:s6], [sflag:s0] =	dma.local @p1 [spmem:s4], $0x80  }
0x207: {  	s4 =	simm.s32 @p1 $0x4  }
0x208: {  	_ =	swait.ge @p1 [sflag:s4], $0x80  }
0x209: {  	s19 =	sadd.s32 $0x1, s19;
	s24 =	rddreg [dreg:$0x10]  }
0x20a: {  	p3 =	sne.s32 s19, s24  }
.Ltmp1:
0x20b: {  	_ = 	snop;
	(pc) =	sbr.rel @!p3 .LBB2_7-.Ltmp1, $3  }
0x20c: {  	_ =	sdelay $0x1  }
0x20d: {  	[sflag:s4] =	ssyncset.done @p1 $0x0  }
0x20e: {  	s8 =	smov.u32 s0;
	s20 =	rddreg [dreg:$0x5];
	[sflag:s4] =	ssyncadd.s32 @p1 $0xFFFFFF80  }
.LBB2_1:
0x20f: {  	[spmem:s11], [sflag:s8] =	dma.local [hbm:s20], $0x2800  }
0x210: {  	_ =	swait.ge [sflag:s22], $0x2800  }
0x211: {  	[sflag:s22] =	ssyncset.done $0x0  }
.Ltmp2:
0x212: {  	s4 =	rddreg [dreg:$0x6];
	[sflag:s22] =	ssyncadd.s32 $0xFFFFD800;
	(pc) =	sbr.rel @!p2 .LBB2_2-.Ltmp2, $4  }
0x213: {  	[tilespmem:s23], [sflag:$0x4] =	stream.linear.gather [hbm4b:s4+s5], $0x3E80, $0x38;
	[tilespmem:$0x1DC00] =	vst v63  }
0x214: {  	_ =	swait.ge [sflag:s22], $0x3E80  }
0x215: {  	[sflag:s22] =	ssyncset.done $0x0  }
0x216: {  	[sflag:s22] =	ssyncadd.s32 $0xFFFFC180  }
0x217: {  	s4 =	simm.s32 $0x0;
	s6 =	rddreg [dreg:$0x7];
	s0 =	simm.s32 $0x800  }
0x218: {  	[tilespmem:s0], [sflag:$0x4] =	stream.linear.gather [hbm4b:s6+s4], $0x280, $0x38;
	[tilespmem:$0x1DC00] =	vst v63  }
0x219: {  	_ =	swait.ge [sflag:s22], $0x280  }
0x21a: {  	[sflag:s22] =	ssyncset.done $0x0  }
0x21b: {  	s24 =	simm.s32 $0xC00;
	s20 =	rddreg [dreg:$0x8];
	[sflag:s22] =	ssyncadd.s32 $0xFFFFFD80  }
0x21c: {  	[tilespmem:s24], [sflag:$0x4] =	stream.linear.gather [hbm4b:s20+s4], $0x280, $0x38;
	[tilespmem:$0x1DC00] =	vst v63  }
0x21d: {  	_ =	swait.ge [sflag:s22], $0x280  }
0x21e: {  	[sflag:s22] =	ssyncset.done $0x0  }
0x21f: {  	s4 =	simm.s32 $0x0;
	[sflag:s22] =	ssyncadd.s32 $0xFFFFFD80  }
0x220: {  	v0 =	vld [tilespmem:s4+$0x800]  }
0x221: {  	v1 =	vld [tilespmem:s4+$0xC00];
	_ =	sdelay $0x1  }
0x222: {  	s6 =	simm.s32 $0x40  }
.LBB2_4:
0x223: {  	p3 =	sne.s32 s6, $0x9C0  }
.Ltmp3:
0x224: {  	s11 =	sshra.s32 s6, $0x2;
	s6 =	sadd.s32 $0x40, s6;
	v2 =	vshll.u32 v0, $0x8;
	(pc) =	sbr.rel @p3 .LBB2_4-.Ltmp3, $4  }
0x225: {  	v0 =	vld [tilespmem:s11+$0x800];
	v2 =	vadd.s32 v1, v2  }
0x226: {  	v1 =	vld [tilespmem:s11+$0xC00];
	vm0 =	vlt.s32 v2, $0x3FFF  }
0x227: {  	v2 =	vnsel vm0, $0x3FFF, v2  }
0x228: {  	[tilespmem:s4+$0x1000] =	vst v2;
	s4 =	smov.u32 s11  }
0x229: {  	_ = 	snop  }
0x22a: {  	v0 =	vshll.u32 v0, $0x8  }
0x22b: {  	v0 =	vadd.s32 v1, v0  }
0x22c: {  	vm0 =	vlt.s32 v0, $0x3FFF  }
.Ltmp4:
0x22d: {  	v0 =	vnsel vm0, $0x3FFF, v0;
	(pc) =	sbr.rel .LBB2_6-.Ltmp4, $4  }
0x22e: {  	[tilespmem:s4+$0x1000] =	vst v0  }
0x22f: {  	s0 =	simm.s32 $0x1000;
	s2 =	simm.s32 $0x1400;
	[bflag:$0x0] =	sbarrier.arrive $0xFFFF  }
0x230: {  	[tilespmem:s2], [sflag:$0x2] =	stream.indirect.gather [hbm4b:s28+s21], $0x80, s0, s21, $0xb8;
	[tilespmem:$0x1DC00] =	vst v63  }
0x231: {  	s0 =	smov.u32 s8  }
.LBB2_7:
0x232: {  	_ =	sfence.sel $0x180000  }
0x233: {  	[bflag:$0x0] =	sbarrier.arrive $0xFFFF  }
0x234: {  	_ =	strace $0x90000047  }
0x235: {  	s0 =	stileid.u32;
	[bflag:$0x2] =	sbarrier.arrive $0xFFFF  }
0x236: {  	p0 =	sne.s32 s0, $0x0;
	s0 =	rddreg [dreg:$0x4]  }
0x237: {  	s0 =	sadd.s32 @!p0 $0x100000, s0  }
0x238: {  	[sflag:s0] =	ssyncadd.tile.s32 @!p0 $0x1;
	_ =	shalt  }
.Lfunc_end2:
_tile_overlayer_lowered:
.L_overlay_start_2:
0x239: {  	(tag) =	ssettag $0x2  }
0x23a: {  	s0 =	rddreg [dreg:$0x0];
	s2 =	stileid.u32  }
0x23b: {  	s1 =	rddreg [dreg:$0x1];
	p0 =	sne.s32 s2, $0x0  }
0x23c: {  	s3 =	rddreg [dreg:$0x2];
	[bflag:$0x3] =	sbarrier.arrive $0xFFFF;
	s2 =	simm.s32 @!p0 $0x1C04  }
0x23d: {  	[timem:s3], [sflag:s2] =	dma.local @!p0 [hbm:s0], s1  }
0x23e: {  	s0 =	simm.s32 @!p0 $0x4  }
0x23f: {  	_ =	swait.ge @!p0 [sflag:s0], s1  }
0x240: {  	s1 =	ssub.s32 @!p0 $0x0, s1;
	[sflag:s0] =	ssyncset.done @!p0 $0x0  }
0x241: {  	[sflag:s0] =	ssyncadd.s32 @!p0 s1  }
0x242: {  	[bflag:$0x3] =	sbarrier.arrive $0xFFFF  }
0x243: {  	_ =	shalt  }

</sc_bundles>
